<compile_context>
chip_gen: v7x
topology: tpu7x:2x2x1
jax: 0.10.2.dev20260603
libtpu: 0.0.44.dev20260713+nightly
codegen_flags: <defaults>
</compile_context>

<pallas_src>
import functools

import jax
import jax.numpy as jnp
from jax import lax
from jax.experimental import pallas as pl
from jax.experimental.pallas import tpu as pltpu
from jax.experimental.pallas import tpu_sc as plsc

_NBUF = 4
_RC = 128


def _embed_concat(X_num, idx_flat, tab_flat, *, B, F, V, D, NN):
    OUT_W = F * D + NN
    info = plsc.get_sparse_core_info()
    NC, NS = info.num_cores, info.num_subcores
    NW = NC * NS
    BW = B // NW
    NCHK = BW // _RC
    T = F * NCHK

    mesh = plsc.VectorSubcoreMesh(core_axis_name="c", subcore_axis_name="s")

    @functools.partial(
        pl.kernel,
        out_type=jax.ShapeDtypeStruct((B, OUT_W), jnp.float32),
        mesh=mesh,
        compiler_params=pltpu.CompilerParams(use_tc_tiling_on_sc=False),
        scratch_types=[
            pltpu.VMEM((F * BW,), jnp.int32),
            [pltpu.VMEM((_RC, D), jnp.float32)] * _NBUF,
            pltpu.VMEM((BW, NN), jnp.float32),
            [pltpu.SemaphoreType.DMA] * _NBUF,
            [pltpu.SemaphoreType.DMA] * _NBUF,
            pltpu.SemaphoreType.DMA,
            pltpu.SemaphoreType.DMA,
        ],
    )
    def run(idx_hbm, xnum_hbm, tab_hbm, out_hbm,
            idxv, gbufs, xnum_v, gsems, wsems, isem, nsem):
        wid = lax.axis_index("s") * NC + lax.axis_index("c")
        wbase = pl.multiple_of(wid * BW, BW)

        def gather(t):
            f, c = t // NCHK, t % NCHK
            b = t % _NBUF
            return pltpu.async_copy(
                tab_hbm.at[idxv.at[pl.ds(f * BW + c * _RC, _RC)]],
                gbufs[b],
                gsems[b],
            )

        def write(t):
            f, c = t // NCHK, t % NCHK
            b = t % _NBUF
            return pltpu.async_copy(
                gbufs[b],
                out_hbm.at[pl.ds(wbase + c * _RC, _RC), pl.ds(f * D, D)],
                wsems[b],
            )

        icps = [
            pltpu.async_copy(
                idx_hbm.at[pl.ds(f * B + wbase, BW)],
                idxv.at[pl.ds(f * BW, BW)],
                isem,
            )
            for f in range(F)
        ]
        ncp = pltpu.async_copy(xnum_hbm.at[pl.ds(wbase, BW)], xnum_v, nsem)
        for cp in icps:
            cp.wait()

        g, w = {}, {}
        for t in range(_NBUF - 1):
            g[t] = gather(t)
        ncp.wait()
        nw = pltpu.async_copy(
            xnum_v, out_hbm.at[pl.ds(wbase, BW), pl.ds(F * D, NN)], nsem
        )
        for t in range(T):
            nt = t + _NBUF - 1
            if nt < T:
                if nt >= _NBUF:
                    w[nt - _NBUF].wait()
                g[nt] = gather(nt)
            g[t].wait()
            w[t] = write(t)
        for t in range(max(0, T - _NBUF), T):
            w[t].wait()
        nw.wait()

    return run(idx_flat, X_num, tab_flat)


def kernel(X_num, X_cat, tables):
    B, NN = X_num.shape
    _, F = X_cat.shape
    _, V, D = tables.shape
    idx_flat = (X_cat.astype(jnp.int32).T
                + (jnp.arange(F, dtype=jnp.int32) * V)[:, None]).reshape(F * B)
    tab_flat = tables.reshape(F * V, D)
    return _embed_concat(X_num, idx_flat, tab_flat, B=B, F=F, V=V, D=D, NN=NN)

# --- scband reference (transcript-rebuilt; emitter-appended) ---
"""Pipeline reference for scband-torch-embeddings-87376814670010 (READ-ONLY COPY).

The authoritative reference and input builder live on the scoring server;
editing this copy changes nothing except your own understanding.
"""

import jax, jax.numpy as jnp
import numpy as np

B = 16384
F = 26
V = 100000
D = 32
N_NUM = 13

def setup_inputs(seed: int = 0) -> dict:
    key = jax.random.key(seed)
    k1, k2, k3 = jax.random.split(key, 3)
    X_num = jax.random.normal(k1, (B, N_NUM), dtype=jnp.float32)
    X_cat = jax.random.randint(k2, (B, F), 0, V, dtype=jnp.int64)
    # One embedding table per categorical field (nn.ModuleList of nn.Embedding),
    # materialized as a stacked array [F, V, D]. nn.Embedding default init ~ N(0,1).
    tables = jax.random.normal(k3, (F, V, D), dtype=jnp.float32)
    return {"X_num": X_num, "X_cat": X_cat, "tables": tables}

def reference(X_num, X_cat, tables):
    # Faithful to: torch.cat([emb(t) for emb, t in zip(self.embeddings_, X_cat.unbind(1))] + [X_num], 1)
    # Per-field gather: tables[f][X_cat[:, f]] for each field f, then concat, then append X_num.
    field_idx = jnp.arange(tables.shape[0])[None, :]  # [1, F]
    embs = tables[field_idx, X_cat]                   # [B, F, D] gather
    cat_part = embs.reshape(X_cat.shape[0], -1)       # same ordering as per-field concat
    return jnp.concatenate([cat_part, X_num], axis=1)

if __name__ == "__main__":
    import jax
    _d = setup_inputs()
    print(jax.jit(kernel)(*tuple(_d.values())))

</pallas_src>

<mosaic_0001>
#map = affine_map<(d0, d1) -> (0)>
#map1 = affine_map<(d0, d1) -> (0, 0)>
module attributes {stable_mosaic.version = 14 : i64} {
  func.func @run(%arg0: i32, %arg1: i32, %arg2: memref<425984xi32, #tpu.memory_space<hbm>>, %arg3: memref<16384x13xf32, #tpu.memory_space<hbm>>, %arg4: memref<2600000x32xf32, #tpu.memory_space<hbm>>, %arg5: memref<16384x845xf32, #tpu.memory_space<hbm>>, %arg6: memref<13312xi32, #tpu.memory_space<vmem>>, %arg7: memref<128x32xf32, #tpu.memory_space<vmem>>, %arg8: memref<128x32xf32, #tpu.memory_space<vmem>>, %arg9: memref<128x32xf32, #tpu.memory_space<vmem>>, %arg10: memref<128x32xf32, #tpu.memory_space<vmem>>, %arg11: memref<512x13xf32, #tpu.memory_space<vmem>>, %arg12: memref<!tpu.dma_semaphore, #tpu.memory_space<semaphore_mem>>, %arg13: memref<!tpu.dma_semaphore, #tpu.memory_space<semaphore_mem>>, %arg14: memref<!tpu.dma_semaphore, #tpu.memory_space<semaphore_mem>>, %arg15: memref<!tpu.dma_semaphore, #tpu.memory_space<semaphore_mem>>, %arg16: memref<!tpu.dma_semaphore, #tpu.memory_space<semaphore_mem>>, %arg17: memref<!tpu.dma_semaphore, #tpu.memory_space<semaphore_mem>>, %arg18: memref<!tpu.dma_semaphore, #tpu.memory_space<semaphore_mem>>, %arg19: memref<!tpu.dma_semaphore, #tpu.memory_space<semaphore_mem>>, %arg20: memref<!tpu.dma_semaphore, #tpu.memory_space<semaphore_mem>>, %arg21: memref<!tpu.dma_semaphore, #tpu.memory_space<semaphore_mem>>) attributes {dimension_semantics = [#tpu.dimension_semantics<core_parallel>, #tpu.dimension_semantics<subcore_parallel>], iteration_bounds = array<i64: 2, 16>, scalar_prefetch = 0 : i64, scratch_operands = 16 : i64, tpu.core_type = #tpu.core_type<sc_vector_subcore>, window_params = [{transform_indices = #map}, {transform_indices = #map1}, {transform_indices = #map1}, {transform_indices = #map1}]} {
    %mul3A = arith.constant 2 : i32
    %mul3A_0 = arith.muli %arg1, %mul3A : i32
    %add3A = arith.addi %mul3A_0, %arg0 : i32
    %mul3A_1 = arith.constant 512 : i32
    %mul3A_2 = arith.muli %add3A, %mul3A_1 : i32
    %multiple_of3A = tpu.assume_multiple %mul3A_2, 512 : i32
    %add3A_3 = arith.constant 0 : i32
    %add3A_4 = arith.addi %add3A_3, %multiple_of3A : i32
    %dma_start3A = arith.constant 0 : i32
    %dma_start3A_5 = tpu.memref_slice %arg6[%dma_start3A] : memref<13312xi32, #tpu.memory_space<vmem>> -> memref<512xi32, #tpu.memory_space<vmem>>
    %dma_start3A_6 = tpu.memref_slice %arg2[%add3A_4] : memref<425984xi32, #tpu.memory_space<hbm>> -> memref<512xi32, #tpu.memory_space<hbm>>
    %dma_start3A_7 = arith.constant 0 : i32
    %dma_start3A_8 = tpu.memref_slice %arg6[%dma_start3A_7] : memref<13312xi32, #tpu.memory_space<vmem>> -> memref<512xi32, #tpu.memory_space<vmem>>
    %dma_start3A_9 = tpu.memref_slice %arg2[%add3A_4] : memref<425984xi32, #tpu.memory_space<hbm>> -> memref<512xi32, #tpu.memory_space<hbm>>
    tpu.enqueue_dma source(%dma_start3A_9 : memref<512xi32, #tpu.memory_space<hbm>>) target(%dma_start3A_8 : memref<512xi32, #tpu.memory_space<vmem>>) target_semaphore(%arg20 : memref<!tpu.dma_semaphore, #tpu.memory_space<semaphore_mem>>)
    %add3A_10 = arith.constant 16384 : i32
    %add3A_11 = arith.addi %add3A_10, %multiple_of3A : i32
    %dma_start3A_12 = arith.constant 512 : i32
    %dma_start3A_13 = tpu.memref_slice %arg6[%dma_start3A_12] : memref<13312xi32, #tpu.memory_space<vmem>> -> memref<512xi32, #tpu.memory_space<vmem>>
    %dma_start3A_14 = tpu.memref_slice %arg2[%add3A_11] : memref<425984xi32, #tpu.memory_space<hbm>> -> memref<512xi32, #tpu.memory_space<hbm>>
    %dma_start3A_15 = arith.constant 512 : i32
    %dma_start3A_16 = tpu.memref_slice %arg6[%dma_start3A_15] : memref<13312xi32, #tpu.memory_space<vmem>> -> memref<512xi32, #tpu.memory_space<vmem>>
    %dma_start3A_17 = tpu.memref_slice %arg2[%add3A_11] : memref<425984xi32, #tpu.memory_space<hbm>> -> memref<512xi32, #tpu.memory_space<hbm>>
    tpu.enqueue_dma source(%dma_start3A_17 : memref<512xi32, #tpu.memory_space<hbm>>) target(%dma_start3A_16 : memref<512xi32, #tpu.memory_space<vmem>>) target_semaphore(%arg20 : memref<!tpu.dma_semaphore, #tpu.memory_space<semaphore_mem>>)
    %add3A_18 = arith.constant 32768 : i32
    %add3A_19 = arith.addi %add3A_18, %multiple_of3A : i32
    %dma_start3A_20 = arith.constant 1024 : i32
    %dma_start3A_21 = tpu.memref_slice %arg6[%dma_start3A_20] : memref<13312xi32, #tpu.memory_space<vmem>> -> memref<512xi32, #tpu.memory_space<vmem>>
    %dma_start3A_22 = tpu.memref_slice %arg2[%add3A_19] : memref<425984xi32, #tpu.memory_space<hbm>> -> memref<512xi32, #tpu.memory_space<hbm>>
    %dma_start3A_23 = arith.constant 1024 : i32
    %dma_start3A_24 = tpu.memref_slice %arg6[%dma_start3A_23] : memref<13312xi32, #tpu.memory_space<vmem>> -> memref<512xi32, #tpu.memory_space<vmem>>
    %dma_start3A_25 = tpu.memref_slice %arg2[%add3A_19] : memref<425984xi32, #tpu.memory_space<hbm>> -> memref<512xi32, #tpu.memory_space<hbm>>
    tpu.enqueue_dma source(%dma_start3A_25 : memref<512xi32, #tpu.memory_space<hbm>>) target(%dma_start3A_24 : memref<512xi32, #tpu.memory_space<vmem>>) target_semaphore(%arg20 : memref<!tpu.dma_semaphore, #tpu.memory_space<semaphore_mem>>)
    %add3A_26 = arith.constant 49152 : i32
    %add3A_27 = arith.addi %add3A_26, %multiple_of3A : i32
    %dma_start3A_28 = arith.constant 1536 : i32
    %dma_start3A_29 = tpu.memref_slice %arg6[%dma_start3A_28] : memref<13312xi32, #tpu.memory_space<vmem>> -> memref<512xi32, #tpu.memory_space<vmem>>
    %dma_start3A_30 = tpu.memref_slice %arg2[%add3A_27] : memref<425984xi32, #tpu.memory_space<hbm>> -> memref<512xi32, #tpu.memory_space<hbm>>
    %dma_start3A_31 = arith.constant 1536 : i32
    %dma_start3A_32 = tpu.memref_slice %arg6[%dma_start3A_31] : memref<13312xi32, #tpu.memory_space<vmem>> -> memref<512xi32, #tpu.memory_space<vmem>>
    %dma_start3A_33 = tpu.memref_slice %arg2[%add3A_27] : memref<425984xi32, #tpu.memory_space<hbm>> -> memref<512xi32, #tpu.memory_space<hbm>>
    tpu.enqueue_dma source(%dma_start3A_33 : memref<512xi32, #tpu.memory_space<hbm>>) target(%dma_start3A_32 : memref<512xi32, #tpu.memory_space<vmem>>) target_semaphore(%arg20 : memref<!tpu.dma_semaphore, #tpu.memory_space<semaphore_mem>>)
    %add3A_34 = arith.constant 65536 : i32
    %add3A_35 = arith.addi %add3A_34, %multiple_of3A : i32
    %dma_start3A_36 = arith.constant 2048 : i32
    %dma_start3A_37 = tpu.memref_slice %arg6[%dma_start3A_36] : memref<13312xi32, #tpu.memory_space<vmem>> -> memref<512xi32, #tpu.memory_space<vmem>>
    %dma_start3A_38 = tpu.memref_slice %arg2[%add3A_35] : memref<425984xi32, #tpu.memory_space<hbm>> -> memref<512xi32, #tpu.memory_space<hbm>>
    %dma_start3A_39 = arith.constant 2048 : i32
    %dma_start3A_40 = tpu.memref_slice %arg6[%dma_start3A_39] : memref<13312xi32, #tpu.memory_space<vmem>> -> memref<512xi32, #tpu.memory_space<vmem>>
    %dma_start3A_41 = tpu.memref_slice %arg2[%add3A_35] : memref<425984xi32, #tpu.memory_space<hbm>> -> memref<512xi32, #tpu.memory_space<hbm>>
    tpu.enqueue_dma source(%dma_start3A_41 : memref<512xi32, #tpu.memory_space<hbm>>) target(%dma_start3A_40 : memref<512xi32, #tpu.memory_space<vmem>>) target_semaphore(%arg20 : memref<!tpu.dma_semaphore, #tpu.memory_space<semaphore_mem>>)
    %add3A_42 = arith.constant 81920 : i32
    %add3A_43 = arith.addi %add3A_42, %multiple_of3A : i32
    %dma_start3A_44 = arith.constant 2560 : i32
    %dma_start3A_45 = tpu.memref_slice %arg6[%dma_start3A_44] : memref<13312xi32, #tpu.memory_space<vmem>> -> memref<512xi32, #tpu.memory_space<vmem>>
    %dma_start3A_46 = tpu.memref_slice %arg2[%add3A_43] : memref<425984xi32, #tpu.memory_space<hbm>> -> memref<512xi32, #tpu.memory_space<hbm>>
    %dma_start3A_47 = arith.constant 2560 : i32
    %dma_start3A_48 = tpu.memref_slice %arg6[%dma_start3A_47] : memref<13312xi32, #tpu.memory_space<vmem>> -> memref<512xi32, #tpu.memory_space<vmem>>
    %dma_start3A_49 = tpu.memref_slice %arg2[%add3A_43] : memref<425984xi32, #tpu.memory_space<hbm>> -> memref<512xi32, #tpu.memory_space<hbm>>
    tpu.enqueue_dma source(%dma_start3A_49 : memref<512xi32, #tpu.memory_space<hbm>>) target(%dma_start3A_48 : memref<512xi32, #tpu.memory_space<vmem>>) target_semaphore(%arg20 : memref<!tpu.dma_semaphore, #tpu.memory_space<semaphore_mem>>)
    %add3A_50 = arith.constant 98304 : i32
    %add3A_51 = arith.addi %add3A_50, %multiple_of3A : i32
    %dma_start3A_52 = arith.constant 3072 : i32
    %dma_start3A_53 = tpu.memref_slice %arg6[%dma_start3A_52] : memref<13312xi32, #tpu.memory_space<vmem>> -> memref<512xi32, #tpu.memory_space<vmem>>
    %dma_start3A_54 = tpu.memref_slice %arg2[%add3A_51] : memref<425984xi32, #tpu.memory_space<hbm>> -> memref<512xi32, #tpu.memory_space<hbm>>
    %dma_start3A_55 = arith.constant 3072 : i32
    %dma_start3A_56 = tpu.memref_slice %arg6[%dma_start3A_55] : memref<13312xi32, #tpu.memory_space<vmem>> -> memref<512xi32, #tpu.memory_space<vmem>>
    %dma_start3A_57 = tpu.memref_slice %arg2[%add3A_51] : memref<425984xi32, #tpu.memory_space<hbm>> -> memref<512xi32, #tpu.memory_space<hbm>>
    tpu.enqueue_dma source(%dma_start3A_57 : memref<512xi32, #tpu.memory_space<hbm>>) target(%dma_start3A_56 : memref<512xi32, #tpu.memory_space<vmem>>) target_semaphore(%arg20 : memref<!tpu.dma_semaphore, #tpu.memory_space<semaphore_mem>>)
    %add3A_58 = arith.constant 114688 : i32
    %add3A_59 = arith.addi %add3A_58, %multiple_of3A : i32
    %dma_start3A_60 = arith.constant 3584 : i32
    %dma_start3A_61 = tpu.memref_slice %arg6[%dma_start3A_60] : memref<13312xi32, #tpu.memory_space<vmem>> -> memref<512xi32, #tpu.memory_space<vmem>>
    %dma_start3A_62 = tpu.memref_slice %arg2[%add3A_59] : memref<425984xi32, #tpu.memory_space<hbm>> -> memref<512xi32, #tpu.memory_space<hbm>>
    %dma_start3A_63 = arith.constant 3584 : i32
    %dma_start3A_64 = tpu.memref_slice %arg6[%dma_start3A_63] : memref<13312xi32, #tpu.memory_space<vmem>> -> memref<512xi32, #tpu.memory_space<vmem>>
    %dma_start3A_65 = tpu.memref_slice %arg2[%add3A_59] : memref<425984xi32, #tpu.memory_space<hbm>> -> memref<512xi32, #tpu.memory_space<hbm>>
    tpu.enqueue_dma source(%dma_start3A_65 : memref<512xi32, #tpu.memory_space<hbm>>) target(%dma_start3A_64 : memref<512xi32, #tpu.memory_space<vmem>>) target_semaphore(%arg20 : memref<!tpu.dma_semaphore, #tpu.memory_space<semaphore_mem>>)
    %add3A_66 = arith.constant 131072 : i32
    %add3A_67 = arith.addi %add3A_66, %multiple_of3A : i32
    %dma_start3A_68 = arith.constant 4096 : i32
    %dma_start3A_69 = tpu.memref_slice %arg6[%dma_start3A_68] : memref<13312xi32, #tpu.memory_space<vmem>> -> memref<512xi32, #tpu.memory_space<vmem>>
    %dma_start3A_70 = tpu.memref_slice %arg2[%add3A_67] : memref<425984xi32, #tpu.memory_space<hbm>> -> memref<512xi32, #tpu.memory_space<hbm>>
    %dma_start3A_71 = arith.constant 4096 : i32
    %dma_start3A_72 = tpu.memref_slice %arg6[%dma_start3A_71] : memref<13312xi32, #tpu.memory_space<vmem>> -> memref<512xi32, #tpu.memory_space<vmem>>
    %dma_start3A_73 = tpu.memref_slice %arg2[%add3A_67] : memref<425984xi32, #tpu.memory_space<hbm>> -> memref<512xi32, #tpu.memory_space<hbm>>
    tpu.enqueue_dma source(%dma_start3A_73 : memref<512xi32, #tpu.memory_space<hbm>>) target(%dma_start3A_72 : memref<512xi32, #tpu.memory_space<vmem>>) target_semaphore(%arg20 : memref<!tpu.dma_semaphore, #tpu.memory_space<semaphore_mem>>)
    %add3A_74 = arith.constant 147456 : i32
    %add3A_75 = arith.addi %add3A_74, %multiple_of3A : i32
    %dma_start3A_76 = arith.constant 4608 : i32
    %dma_start3A_77 = tpu.memref_slice %arg6[%dma_start3A_76] : memref<13312xi32, #tpu.memory_space<vmem>> -> memref<512xi32, #tpu.memory_space<vmem>>
    %dma_start3A_78 = tpu.memref_slice %arg2[%add3A_75] : memref<425984xi32, #tpu.memory_space<hbm>> -> memref<512xi32, #tpu.memory_space<hbm>>
    %dma_start3A_79 = arith.constant 4608 : i32
    %dma_start3A_80 = tpu.memref_slice %arg6[%dma_start3A_79] : memref<13312xi32, #tpu.memory_space<vmem>> -> memref<512xi32, #tpu.memory_space<vmem>>
    %dma_start3A_81 = tpu.memref_slice %arg2[%add3A_75] : memref<425984xi32, #tpu.memory_space<hbm>> -> memref<512xi32, #tpu.memory_space<hbm>>
    tpu.enqueue_dma source(%dma_start3A_81 : memref<512xi32, #tpu.memory_space<hbm>>) target(%dma_start3A_80 : memref<512xi32, #tpu.memory_space<vmem>>) target_semaphore(%arg20 : memref<!tpu.dma_semaphore, #tpu.memory_space<semaphore_mem>>)
    %add3A_82 = arith.constant 163840 : i32
    %add3A_83 = arith.addi %add3A_82, %multiple_of3A : i32
    %dma_start3A_84 = arith.constant 5120 : i32
    %dma_start3A_85 = tpu.memref_slice %arg6[%dma_start3A_84] : memref<13312xi32, #tpu.memory_space<vmem>> -> memref<512xi32, #tpu.memory_space<vmem>>
    %dma_start3A_86 = tpu.memref_slice %arg2[%add3A_83] : memref<425984xi32, #tpu.memory_space<hbm>> -> memref<512xi32, #tpu.memory_space<hbm>>
    %dma_start3A_87 = arith.constant 5120 : i32
    %dma_start3A_88 = tpu.memref_slice %arg6[%dma_start3A_87] : memref<13312xi32, #tpu.memory_space<vmem>> -> memref<512xi32, #tpu.memory_space<vmem>>
    %dma_start3A_89 = tpu.memref_slice %arg2[%add3A_83] : memref<425984xi32, #tpu.memory_space<hbm>> -> memref<512xi32, #tpu.memory_space<hbm>>
    tpu.enqueue_dma source(%dma_start3A_89 : memref<512xi32, #tpu.memory_space<hbm>>) target(%dma_start3A_88 : memref<512xi32, #tpu.memory_space<vmem>>) target_semaphore(%arg20 : memref<!tpu.dma_semaphore, #tpu.memory_space<semaphore_mem>>)
    %add3A_90 = arith.constant 180224 : i32
    %add3A_91 = arith.addi %add3A_90, %multiple_of3A : i32
    %dma_start3A_92 = arith.constant 5632 : i32
    %dma_start3A_93 = tpu.memref_slice %arg6[%dma_start3A_92] : memref<13312xi32, #tpu.memory_space<vmem>> -> memref<512xi32, #tpu.memory_space<vmem>>
    %dma_start3A_94 = tpu.memref_slice %arg2[%add3A_91] : memref<425984xi32, #tpu.memory_space<hbm>> -> memref<512xi32, #tpu.memory_space<hbm>>
    %dma_start3A_95 = arith.constant 5632 : i32
    %dma_start3A_96 = tpu.memref_slice %arg6[%dma_start3A_95] : memref<13312xi32, #tpu.memory_space<vmem>> -> memref<512xi32, #tpu.memory_space<vmem>>
    %dma_start3A_97 = tpu.memref_slice %arg2[%add3A_91] : memref<425984xi32, #tpu.memory_space<hbm>> -> memref<512xi32, #tpu.memory_space<hbm>>
    tpu.enqueue_dma source(%dma_start3A_97 : memref<512xi32, #tpu.memory_space<hbm>>) target(%dma_start3A_96 : memref<512xi32, #tpu.memory_space<vmem>>) target_semaphore(%arg20 : memref<!tpu.dma_semaphore, #tpu.memory_space<semaphore_mem>>)
    %add3A_98 = arith.constant 196608 : i32
    %add3A_99 = arith.addi %add3A_98, %multiple_of3A : i32
    %dma_start3A_100 = arith.constant 6144 : i32
    %dma_start3A_101 = tpu.memref_slice %arg6[%dma_start3A_100] : memref<13312xi32, #tpu.memory_space<vmem>> -> memref<512xi32, #tpu.memory_space<vmem>>
    %dma_start3A_102 = tpu.memref_slice %arg2[%add3A_99] : memref<425984xi32, #tpu.memory_space<hbm>> -> memref<512xi32, #tpu.memory_space<hbm>>
    %dma_start3A_103 = arith.constant 6144 : i32
    %dma_start3A_104 = tpu.memref_slice %arg6[%dma_start3A_103] : memref<13312xi32, #tpu.memory_space<vmem>> -> memref<512xi32, #tpu.memory_space<vmem>>
    %dma_start3A_105 = tpu.memref_slice %arg2[%add3A_99] : memref<425984xi32, #tpu.memory_space<hbm>> -> memref<512xi32, #tpu.memory_space<hbm>>
    tpu.enqueue_dma source(%dma_start3A_105 : memref<512xi32, #tpu.memory_space<hbm>>) target(%dma_start3A_104 : memref<512xi32, #tpu.memory_space<vmem>>) target_semaphore(%arg20 : memref<!tpu.dma_semaphore, #tpu.memory_space<semaphore_mem>>)
    %add3A_106 = arith.constant 212992 : i32
    %add3A_107 = arith.addi %add3A_106, %multiple_of3A : i32
    %dma_start3A_108 = arith.constant 6656 : i32
    %dma_start3A_109 = tpu.memref_slice %arg6[%dma_start3A_108] : memref<13312xi32, #tpu.memory_space<vmem>> -> memref<512xi32, #tpu.memory_space<vmem>>
    %dma_start3A_110 = tpu.memref_slice %arg2[%add3A_107] : memref<425984xi32, #tpu.memory_space<hbm>> -> memref<512xi32, #tpu.memory_space<hbm>>
    %dma_start3A_111 = arith.constant 6656 : i32
    %dma_start3A_112 = tpu.memref_slice %arg6[%dma_start3A_111] : memref<13312xi32, #tpu.memory_space<vmem>> -> memref<512xi32, #tpu.memory_space<vmem>>
    %dma_start3A_113 = tpu.memref_slice %arg2[%add3A_107] : memref<425984xi32, #tpu.memory_space<hbm>> -> memref<512xi32, #tpu.memory_space<hbm>>
    tpu.enqueue_dma source(%dma_start3A_113 : memref<512xi32, #tpu.memory_space<hbm>>) target(%dma_start3A_112 : memref<512xi32, #tpu.memory_space<vmem>>) target_semaphore(%arg20 : memref<!tpu.dma_semaphore, #tpu.memory_space<semaphore_mem>>)
    %add3A_114 = arith.constant 229376 : i32
    %add3A_115 = arith.addi %add3A_114, %multiple_of3A : i32
    %dma_start3A_116 = arith.constant 7168 : i32
    %dma_start3A_117 = tpu.memref_slice %arg6[%dma_start3A_116] : memref<13312xi32, #tpu.memory_space<vmem>> -> memref<512xi32, #tpu.memory_space<vmem>>
    %dma_start3A_118 = tpu.memref_slice %arg2[%add3A_115] : memref<425984xi32, #tpu.memory_space<hbm>> -> memref<512xi32, #tpu.memory_space<hbm>>
    %dma_start3A_119 = arith.constant 7168 : i32
    %dma_start3A_120 = tpu.memref_slice %arg6[%dma_start3A_119] : memref<13312xi32, #tpu.memory_space<vmem>> -> memref<512xi32, #tpu.memory_space<vmem>>
    %dma_start3A_121 = tpu.memref_slice %arg2[%add3A_115] : memref<425984xi32, #tpu.memory_space<hbm>> -> memref<512xi32, #tpu.memory_space<hbm>>
    tpu.enqueue_dma source(%dma_start3A_121 : memref<512xi32, #tpu.memory_space<hbm>>) target(%dma_start3A_120 : memref<512xi32, #tpu.memory_space<vmem>>) target_semaphore(%arg20 : memref<!tpu.dma_semaphore, #tpu.memory_space<semaphore_mem>>)
    %add3A_122 = arith.constant 245760 : i32
    %add3A_123 = arith.addi %add3A_122, %multiple_of3A : i32
    %dma_start3A_124 = arith.constant 7680 : i32
    %dma_start3A_125 = tpu.memref_slice %arg6[%dma_start3A_124] : memref<13312xi32, #tpu.memory_space<vmem>> -> memref<512xi32, #tpu.memory_space<vmem>>
    %dma_start3A_126 = tpu.memref_slice %arg2[%add3A_123] : memref<425984xi32, #tpu.memory_space<hbm>> -> memref<512xi32, #tpu.memory_space<hbm>>
    %dma_start3A_127 = arith.constant 7680 : i32
    %dma_start3A_128 = tpu.memref_slice %arg6[%dma_start3A_127] : memref<13312xi32, #tpu.memory_space<vmem>> -> memref<512xi32, #tpu.memory_space<vmem>>
    %dma_start3A_129 = tpu.memref_slice %arg2[%add3A_123] : memref<425984xi32, #tpu.memory_space<hbm>> -> memref<512xi32, #tpu.memory_space<hbm>>
    tpu.enqueue_dma source(%dma_start3A_129 : memref<512xi32, #tpu.memory_space<hbm>>) target(%dma_start3A_128 : memref<512xi32, #tpu.memory_space<vmem>>) target_semaphore(%arg20 : memref<!tpu.dma_semaphore, #tpu.memory_space<semaphore_mem>>)
    %add3A_130 = arith.constant 262144 : i32
    %add3A_131 = arith.addi %add3A_130, %multiple_of3A : i32
    %dma_start3A_132 = arith.constant 8192 : i32
    %dma_start3A_133 = tpu.memref_slice %arg6[%dma_start3A_132] : memref<13312xi32, #tpu.memory_space<vmem>> -> memref<512xi32, #tpu.memory_space<vmem>>
    %dma_start3A_134 = tpu.memref_slice %arg2[%add3A_131] : memref<425984xi32, #tpu.memory_space<hbm>> -> memref<512xi32, #tpu.memory_space<hbm>>
    %dma_start3A_135 = arith.constant 8192 : i32
    %dma_start3A_136 = tpu.memref_slice %arg6[%dma_start3A_135] : memref<13312xi32, #tpu.memory_space<vmem>> -> memref<512xi32, #tpu.memory_space<vmem>>
    %dma_start3A_137 = tpu.memref_slice %arg2[%add3A_131] : memref<425984xi32, #tpu.memory_space<hbm>> -> memref<512xi32, #tpu.memory_space<hbm>>
    tpu.enqueue_dma source(%dma_start3A_137 : memref<512xi32, #tpu.memory_space<hbm>>) target(%dma_start3A_136 : memref<512xi32, #tpu.memory_space<vmem>>) target_semaphore(%arg20 : memref<!tpu.dma_semaphore, #tpu.memory_space<semaphore_mem>>)
    %add3A_138 = arith.constant 278528 : i32
    %add3A_139 = arith.addi %add3A_138, %multiple_of3A : i32
    %dma_start3A_140 = arith.constant 8704 : i32
    %dma_start3A_141 = tpu.memref_slice %arg6[%dma_start3A_140] : memref<13312xi32, #tpu.memory_space<vmem>> -> memref<512xi32, #tpu.memory_space<vmem>>
    %dma_start3A_142 = tpu.memref_slice %arg2[%add3A_139] : memref<425984xi32, #tpu.memory_space<hbm>> -> memref<512xi32, #tpu.memory_space<hbm>>
    %dma_start3A_143 = arith.constant 8704 : i32
    %dma_start3A_144 = tpu.memref_slice %arg6[%dma_start3A_143] : memref<13312xi32, #tpu.memory_space<vmem>> -> memref<512xi32, #tpu.memory_space<vmem>>
    %dma_start3A_145 = tpu.memref_slice %arg2[%add3A_139] : memref<425984xi32, #tpu.memory_space<hbm>> -> memref<512xi32, #tpu.memory_space<hbm>>
    tpu.enqueue_dma source(%dma_start3A_145 : memref<512xi32, #tpu.memory_space<hbm>>) target(%dma_start3A_144 : memref<512xi32, #tpu.memory_space<vmem>>) target_semaphore(%arg20 : memref<!tpu.dma_semaphore, #tpu.memory_space<semaphore_mem>>)
    %add3A_146 = arith.constant 294912 : i32
    %add3A_147 = arith.addi %add3A_146, %multiple_of3A : i32
    %dma_start3A_148 = arith.constant 9216 : i32
    %dma_start3A_149 = tpu.memref_slice %arg6[%dma_start3A_148] : memref<13312xi32, #tpu.memory_space<vmem>> -> memref<512xi32, #tpu.memory_space<vmem>>
    %dma_start3A_150 = tpu.memref_slice %arg2[%add3A_147] : memref<425984xi32, #tpu.memory_space<hbm>> -> memref<512xi32, #tpu.memory_space<hbm>>
    %dma_start3A_151 = arith.constant 9216 : i32
    %dma_start3A_152 = tpu.memref_slice %arg6[%dma_start3A_151] : memref<13312xi32, #tpu.memory_space<vmem>> -> memref<512xi32, #tpu.memory_space<vmem>>
    %dma_start3A_153 = tpu.memref_slice %arg2[%add3A_147] : memref<425984xi32, #tpu.memory_space<hbm>> -> memref<512xi32, #tpu.memory_space<hbm>>
    tpu.enqueue_dma source(%dma_start3A_153 : memref<512xi32, #tpu.memory_space<hbm>>) target(%dma_start3A_152 : memref<512xi32, #tpu.memory_space<vmem>>) target_semaphore(%arg20 : memref<!tpu.dma_semaphore, #tpu.memory_space<semaphore_mem>>)
    %add3A_154 = arith.constant 311296 : i32
    %add3A_155 = arith.addi %add3A_154, %multiple_of3A : i32
    %dma_start3A_156 = arith.constant 9728 : i32
    %dma_start3A_157 = tpu.memref_slice %arg6[%dma_start3A_156] : memref<13312xi32, #tpu.memory_space<vmem>> -> memref<512xi32, #tpu.memory_space<vmem>>
    %dma_start3A_158 = tpu.memref_slice %arg2[%add3A_155] : memref<425984xi32, #tpu.memory_space<hbm>> -> memref<512xi32, #tpu.memory_space<hbm>>
    %dma_start3A_159 = arith.constant 9728 : i32
    %dma_start3A_160 = tpu.memref_slice %arg6[%dma_start3A_159] : memref<13312xi32, #tpu.memory_space<vmem>> -> memref<512xi32, #tpu.memory_space<vmem>>
    %dma_start3A_161 = tpu.memref_slice %arg2[%add3A_155] : memref<425984xi32, #tpu.memory_space<hbm>> -> memref<512xi32, #tpu.memory_space<hbm>>
    tpu.enqueue_dma source(%dma_start3A_161 : memref<512xi32, #tpu.memory_space<hbm>>) target(%dma_start3A_160 : memref<512xi32, #tpu.memory_space<vmem>>) target_semaphore(%arg20 : memref<!tpu.dma_semaphore, #tpu.memory_space<semaphore_mem>>)
    %add3A_162 = arith.constant 327680 : i32
    %add3A_163 = arith.addi %add3A_162, %multiple_of3A : i32
    %dma_start3A_164 = arith.constant 10240 : i32
    %dma_start3A_165 = tpu.memref_slice %arg6[%dma_start3A_164] : memref<13312xi32, #tpu.memory_space<vmem>> -> memref<512xi32, #tpu.memory_space<vmem>>
    %dma_start3A_166 = tpu.memref_slice %arg2[%add3A_163] : memref<425984xi32, #tpu.memory_space<hbm>> -> memref<512xi32, #tpu.memory_space<hbm>>
    %dma_start3A_167 = arith.constant 10240 : i32
    %dma_start3A_168 = tpu.memref_slice %arg6[%dma_start3A_167] : memref<13312xi32, #tpu.memory_space<vmem>> -> memref<512xi32, #tpu.memory_space<vmem>>
    %dma_start3A_169 = tpu.memref_slice %arg2[%add3A_163] : memref<425984xi32, #tpu.memory_space<hbm>> -> memref<512xi32, #tpu.memory_space<hbm>>
    tpu.enqueue_dma source(%dma_start3A_169 : memref<512xi32, #tpu.memory_space<hbm>>) target(%dma_start3A_168 : memref<512xi32, #tpu.memory_space<vmem>>) target_semaphore(%arg20 : memref<!tpu.dma_semaphore, #tpu.memory_space<semaphore_mem>>)
    %add3A_170 = arith.constant 344064 : i32
    %add3A_171 = arith.addi %add3A_170, %multiple_of3A : i32
    %dma_start3A_172 = arith.constant 10752 : i32
    %dma_start3A_173 = tpu.memref_slice %arg6[%dma_start3A_172] : memref<13312xi32, #tpu.memory_space<vmem>> -> memref<512xi32, #tpu.memory_space<vmem>>
    %dma_start3A_174 = tpu.memref_slice %arg2[%add3A_171] : memref<425984xi32, #tpu.memory_space<hbm>> -> memref<512xi32, #tpu.memory_space<hbm>>
    %dma_start3A_175 = arith.constant 10752 : i32
    %dma_start3A_176 = tpu.memref_slice %arg6[%dma_start3A_175] : memref<13312xi32, #tpu.memory_space<vmem>> -> memref<512xi32, #tpu.memory_space<vmem>>
    %dma_start3A_177 = tpu.memref_slice %arg2[%add3A_171] : memref<425984xi32, #tpu.memory_space<hbm>> -> memref<512xi32, #tpu.memory_space<hbm>>
    tpu.enqueue_dma source(%dma_start3A_177 : memref<512xi32, #tpu.memory_space<hbm>>) target(%dma_start3A_176 : memref<512xi32, #tpu.memory_space<vmem>>) target_semaphore(%arg20 : memref<!tpu.dma_semaphore, #tpu.memory_space<semaphore_mem>>)
    %add3A_178 = arith.constant 360448 : i32
    %add3A_179 = arith.addi %add3A_178, %multiple_of3A : i32
    %dma_start3A_180 = arith.constant 11264 : i32
    %dma_start3A_181 = tpu.memref_slice %arg6[%dma_start3A_180] : memref<13312xi32, #tpu.memory_space<vmem>> -> memref<512xi32, #tpu.memory_space<vmem>>
    %dma_start3A_182 = tpu.memref_slice %arg2[%add3A_179] : memref<425984xi32, #tpu.memory_space<hbm>> -> memref<512xi32, #tpu.memory_space<hbm>>
    %dma_start3A_183 = arith.constant 11264 : i32
    %dma_start3A_184 = tpu.memref_slice %arg6[%dma_start3A_183] : memref<13312xi32, #tpu.memory_space<vmem>> -> memref<512xi32, #tpu.memory_space<vmem>>
    %dma_start3A_185 = tpu.memref_slice %arg2[%add3A_179] : memref<425984xi32, #tpu.memory_space<hbm>> -> memref<512xi32, #tpu.memory_space<hbm>>
    tpu.enqueue_dma source(%dma_start3A_185 : memref<512xi32, #tpu.memory_space<hbm>>) target(%dma_start3A_184 : memref<512xi32, #tpu.memory_space<vmem>>) target_semaphore(%arg20 : memref<!tpu.dma_semaphore, #tpu.memory_space<semaphore_mem>>)
    %add3A_186 = arith.constant 376832 : i32
    %add3A_187 = arith.addi %add3A_186, %multiple_of3A : i32
    %dma_start3A_188 = arith.constant 11776 : i32
    %dma_start3A_189 = tpu.memref_slice %arg6[%dma_start3A_188] : memref<13312xi32, #tpu.memory_space<vmem>> -> memref<512xi32, #tpu.memory_space<vmem>>
    %dma_start3A_190 = tpu.memref_slice %arg2[%add3A_187] : memref<425984xi32, #tpu.memory_space<hbm>> -> memref<512xi32, #tpu.memory_space<hbm>>
    %dma_start3A_191 = arith.constant 11776 : i32
    %dma_start3A_192 = tpu.memref_slice %arg6[%dma_start3A_191] : memref<13312xi32, #tpu.memory_space<vmem>> -> memref<512xi32, #tpu.memory_space<vmem>>
    %dma_start3A_193 = tpu.memref_slice %arg2[%add3A_187] : memref<425984xi32, #tpu.memory_space<hbm>> -> memref<512xi32, #tpu.memory_space<hbm>>
    tpu.enqueue_dma source(%dma_start3A_193 : memref<512xi32, #tpu.memory_space<hbm>>) target(%dma_start3A_192 : memref<512xi32, #tpu.memory_space<vmem>>) target_semaphore(%arg20 : memref<!tpu.dma_semaphore, #tpu.memory_space<semaphore_mem>>)
    %add3A_194 = arith.constant 393216 : i32
    %add3A_195 = arith.addi %add3A_194, %multiple_of3A : i32
    %dma_start3A_196 = arith.constant 12288 : i32
    %dma_start3A_197 = tpu.memref_slice %arg6[%dma_start3A_196] : memref<13312xi32, #tpu.memory_space<vmem>> -> memref<512xi32, #tpu.memory_space<vmem>>
    %dma_start3A_198 = tpu.memref_slice %arg2[%add3A_195] : memref<425984xi32, #tpu.memory_space<hbm>> -> memref<512xi32, #tpu.memory_space<hbm>>
    %dma_start3A_199 = arith.constant 12288 : i32
    %dma_start3A_200 = tpu.memref_slice %arg6[%dma_start3A_199] : memref<13312xi32, #tpu.memory_space<vmem>> -> memref<512xi32, #tpu.memory_space<vmem>>
    %dma_start3A_201 = tpu.memref_slice %arg2[%add3A_195] : memref<425984xi32, #tpu.memory_space<hbm>> -> memref<512xi32, #tpu.memory_space<hbm>>
    tpu.enqueue_dma source(%dma_start3A_201 : memref<512xi32, #tpu.memory_space<hbm>>) target(%dma_start3A_200 : memref<512xi32, #tpu.memory_space<vmem>>) target_semaphore(%arg20 : memref<!tpu.dma_semaphore, #tpu.memory_space<semaphore_mem>>)
    %add3A_202 = arith.constant 409600 : i32
    %add3A_203 = arith.addi %add3A_202, %multiple_of3A : i32
    %dma_start3A_204 = arith.constant 12800 : i32
    %dma_start3A_205 = tpu.memref_slice %arg6[%dma_start3A_204] : memref<13312xi32, #tpu.memory_space<vmem>> -> memref<512xi32, #tpu.memory_space<vmem>>
    %dma_start3A_206 = tpu.memref_slice %arg2[%add3A_203] : memref<425984xi32, #tpu.memory_space<hbm>> -> memref<512xi32, #tpu.memory_space<hbm>>
    %dma_start3A_207 = arith.constant 12800 : i32
    %dma_start3A_208 = tpu.memref_slice %arg6[%dma_start3A_207] : memref<13312xi32, #tpu.memory_space<vmem>> -> memref<512xi32, #tpu.memory_space<vmem>>
    %dma_start3A_209 = tpu.memref_slice %arg2[%add3A_203] : memref<425984xi32, #tpu.memory_space<hbm>> -> memref<512xi32, #tpu.memory_space<hbm>>
    tpu.enqueue_dma source(%dma_start3A_209 : memref<512xi32, #tpu.memory_space<hbm>>) target(%dma_start3A_208 : memref<512xi32, #tpu.memory_space<vmem>>) target_semaphore(%arg20 : memref<!tpu.dma_semaphore, #tpu.memory_space<semaphore_mem>>)
    %dma_start3A_210 = arith.constant 0 : i32
    %dma_start3A_211 = tpu.memref_slice %arg3[%multiple_of3A, %dma_start3A_210] : memref<16384x13xf32, #tpu.memory_space<hbm>> -> memref<512x13xf32, #tpu.memory_space<hbm>>
    %dma_start3A_212 = arith.constant 0 : i32
    %dma_start3A_213 = tpu.memref_slice %arg3[%multiple_of3A, %dma_start3A_212] : memref<16384x13xf32, #tpu.memory_space<hbm>> -> memref<512x13xf32, #tpu.memory_space<hbm>>
    tpu.enqueue_dma source(%dma_start3A_213 : memref<512x13xf32, #tpu.memory_space<hbm>>) target(%arg11 : memref<512x13xf32, #tpu.memory_space<vmem>>) target_semaphore(%arg21 : memref<!tpu.dma_semaphore, #tpu.memory_space<semaphore_mem>>)
    %dma_wait3A = arith.constant 0 : i32
    %dma_wait3A_214 = tpu.memref_slice %arg6[%dma_wait3A] : memref<13312xi32, #tpu.memory_space<vmem>> -> memref<512xi32, #tpu.memory_space<vmem>>
    %dma_wait3A_215 = tpu.memref_slice %arg2[%add3A_4] : memref<425984xi32, #tpu.memory_space<hbm>> -> memref<512xi32, #tpu.memory_space<hbm>>
    %dma_wait3A_216 = arith.constant 0 : i32
    %dma_wait3A_217 = tpu.memref_slice %arg6[%dma_wait3A_216] : memref<13312xi32, #tpu.memory_space<vmem>> -> memref<512xi32, #tpu.memory_space<vmem>>
    %dma_wait3A_218 = tpu.memref_slice %arg2[%add3A_4] : memref<425984xi32, #tpu.memory_space<hbm>> -> memref<512xi32, #tpu.memory_space<hbm>>
    tpu.wait_dma2 semaphore(%arg20 : memref<!tpu.dma_semaphore, #tpu.memory_space<semaphore_mem>>) src(%dma_wait3A_218 : memref<512xi32, #tpu.memory_space<hbm>>) dst(%dma_wait3A_217 : memref<512xi32, #tpu.memory_space<vmem>>)
    %dma_wait3A_219 = arith.constant 512 : i32
    %dma_wait3A_220 = tpu.memref_slice %arg6[%dma_wait3A_219] : memref<13312xi32, #tpu.memory_space<vmem>> -> memref<512xi32, #tpu.memory_space<vmem>>
    %dma_wait3A_221 = tpu.memref_slice %arg2[%add3A_11] : memref<425984xi32, #tpu.memory_space<hbm>> -> memref<512xi32, #tpu.memory_space<hbm>>
    %dma_wait3A_222 = arith.constant 512 : i32
    %dma_wait3A_223 = tpu.memref_slice %arg6[%dma_wait3A_222] : memref<13312xi32, #tpu.memory_space<vmem>> -> memref<512xi32, #tpu.memory_space<vmem>>
    %dma_wait3A_224 = tpu.memref_slice %arg2[%add3A_11] : memref<425984xi32, #tpu.memory_space<hbm>> -> memref<512xi32, #tpu.memory_space<hbm>>
    tpu.wait_dma2 semaphore(%arg20 : memref<!tpu.dma_semaphore, #tpu.memory_space<semaphore_mem>>) src(%dma_wait3A_224 : memref<512xi32, #tpu.memory_space<hbm>>) dst(%dma_wait3A_223 : memref<512xi32, #tpu.memory_space<vmem>>)
    %dma_wait3A_225 = arith.constant 1024 : i32
    %dma_wait3A_226 = tpu.memref_slice %arg6[%dma_wait3A_225] : memref<13312xi32, #tpu.memory_space<vmem>> -> memref<512xi32, #tpu.memory_space<vmem>>
    %dma_wait3A_227 = tpu.memref_slice %arg2[%add3A_19] : memref<425984xi32, #tpu.memory_space<hbm>> -> memref<512xi32, #tpu.memory_space<hbm>>
    %dma_wait3A_228 = arith.constant 1024 : i32
    %dma_wait3A_229 = tpu.memref_slice %arg6[%dma_wait3A_228] : memref<13312xi32, #tpu.memory_space<vmem>> -> memref<512xi32, #tpu.memory_space<vmem>>
    %dma_wait3A_230 = tpu.memref_slice %arg2[%add3A_19] : memref<425984xi32, #tpu.memory_space<hbm>> -> memref<512xi32, #tpu.memory_space<hbm>>
    tpu.wait_dma2 semaphore(%arg20 : memref<!tpu.dma_semaphore, #tpu.memory_space<semaphore_mem>>) src(%dma_wait3A_230 : memref<512xi32, #tpu.memory_space<hbm>>) dst(%dma_wait3A_229 : memref<512xi32, #tpu.memory_space<vmem>>)
    %dma_wait3A_231 = arith.constant 1536 : i32
    %dma_wait3A_232 = tpu.memref_slice %arg6[%dma_wait3A_231] : memref<13312xi32, #tpu.memory_space<vmem>> -> memref<512xi32, #tpu.memory_space<vmem>>
    %dma_wait3A_233 = tpu.memref_slice %arg2[%add3A_27] : memref<425984xi32, #tpu.memory_space<hbm>> -> memref<512xi32, #tpu.memory_space<hbm>>
    %dma_wait3A_234 = arith.constant 1536 : i32
    %dma_wait3A_235 = tpu.memref_slice %arg6[%dma_wait3A_234] : memref<13312xi32, #tpu.memory_space<vmem>> -> memref<512xi32, #tpu.memory_space<vmem>>
    %dma_wait3A_236 = tpu.memref_slice %arg2[%add3A_27] : memref<425984xi32, #tpu.memory_space<hbm>> -> memref<512xi32, #tpu.memory_space<hbm>>
    tpu.wait_dma2 semaphore(%arg20 : memref<!tpu.dma_semaphore, #tpu.memory_space<semaphore_mem>>) src(%dma_wait3A_236 : memref<512xi32, #tpu.memory_space<hbm>>) dst(%dma_wait3A_235 : memref<512xi32, #tpu.memory_space<vmem>>)
    %dma_wait3A_237 = arith.constant 2048 : i32
    %dma_wait3A_238 = tpu.memref_slice %arg6[%dma_wait3A_237] : memref<13312xi32, #tpu.memory_space<vmem>> -> memref<512xi32, #tpu.memory_space<vmem>>
    %dma_wait3A_239 = tpu.memref_slice %arg2[%add3A_35] : memref<425984xi32, #tpu.memory_space<hbm>> -> memref<512xi32, #tpu.memory_space<hbm>>
    %dma_wait3A_240 = arith.constant 2048 : i32
    %dma_wait3A_241 = tpu.memref_slice %arg6[%dma_wait3A_240] : memref<13312xi32, #tpu.memory_space<vmem>> -> memref<512xi32, #tpu.memory_space<vmem>>
    %dma_wait3A_242 = tpu.memref_slice %arg2[%add3A_35] : memref<425984xi32, #tpu.memory_space<hbm>> -> memref<512xi32, #tpu.memory_space<hbm>>
    tpu.wait_dma2 semaphore(%arg20 : memref<!tpu.dma_semaphore, #tpu.memory_space<semaphore_mem>>) src(%dma_wait3A_242 : memref<512xi32, #tpu.memory_space<hbm>>) dst(%dma_wait3A_241 : memref<512xi32, #tpu.memory_space<vmem>>)
    %dma_wait3A_243 = arith.constant 2560 : i32
    %dma_wait3A_244 = tpu.memref_slice %arg6[%dma_wait3A_243] : memref<13312xi32, #tpu.memory_space<vmem>> -> memref<512xi32, #tpu.memory_space<vmem>>
    %dma_wait3A_245 = tpu.memref_slice %arg2[%add3A_43] : memref<425984xi32, #tpu.memory_space<hbm>> -> memref<512xi32, #tpu.memory_space<hbm>>
    %dma_wait3A_246 = arith.constant 2560 : i32
    %dma_wait3A_247 = tpu.memref_slice %arg6[%dma_wait3A_246] : memref<13312xi32, #tpu.memory_space<vmem>> -> memref<512xi32, #tpu.memory_space<vmem>>
    %dma_wait3A_248 = tpu.memref_slice %arg2[%add3A_43] : memref<425984xi32, #tpu.memory_space<hbm>> -> memref<512xi32, #tpu.memory_space<hbm>>
    tpu.wait_dma2 semaphore(%arg20 : memref<!tpu.dma_semaphore, #tpu.memory_space<semaphore_mem>>) src(%dma_wait3A_248 : memref<512xi32, #tpu.memory_space<hbm>>) dst(%dma_wait3A_247 : memref<512xi32, #tpu.memory_space<vmem>>)
    %dma_wait3A_249 = arith.constant 3072 : i32
    %dma_wait3A_250 = tpu.memref_slice %arg6[%dma_wait3A_249] : memref<13312xi32, #tpu.memory_space<vmem>> -> memref<512xi32, #tpu.memory_space<vmem>>
    %dma_wait3A_251 = tpu.memref_slice %arg2[%add3A_51] : memref<425984xi32, #tpu.memory_space<hbm>> -> memref<512xi32, #tpu.memory_space<hbm>>
    %dma_wait3A_252 = arith.constant 3072 : i32
    %dma_wait3A_253 = tpu.memref_slice %arg6[%dma_wait3A_252] : memref<13312xi32, #tpu.memory_space<vmem>> -> memref<512xi32, #tpu.memory_space<vmem>>
    %dma_wait3A_254 = tpu.memref_slice %arg2[%add3A_51] : memref<425984xi32, #tpu.memory_space<hbm>> -> memref<512xi32, #tpu.memory_space<hbm>>
    tpu.wait_dma2 semaphore(%arg20 : memref<!tpu.dma_semaphore, #tpu.memory_space<semaphore_mem>>) src(%dma_wait3A_254 : memref<512xi32, #tpu.memory_space<hbm>>) dst(%dma_wait3A_253 : memref<512xi32, #tpu.memory_space<vmem>>)
    %dma_wait3A_255 = arith.constant 3584 : i32
    %dma_wait3A_256 = tpu.memref_slice %arg6[%dma_wait3A_255] : memref<13312xi32, #tpu.memory_space<vmem>> -> memref<512xi32, #tpu.memory_space<vmem>>
    %dma_wait3A_257 = tpu.memref_slice %arg2[%add3A_59] : memref<425984xi32, #tpu.memory_space<hbm>> -> memref<512xi32, #tpu.memory_space<hbm>>
    %dma_wait3A_258 = arith.constant 3584 : i32
    %dma_wait3A_259 = tpu.memref_slice %arg6[%dma_wait3A_258] : memref<13312xi32, #tpu.memory_space<vmem>> -> memref<512xi32, #tpu.memory_space<vmem>>
    %dma_wait3A_260 = tpu.memref_slice %arg2[%add3A_59] : memref<425984xi32, #tpu.memory_space<hbm>> -> memref<512xi32, #tpu.memory_space<hbm>>
    tpu.wait_dma2 semaphore(%arg20 : memref<!tpu.dma_semaphore, #tpu.memory_space<semaphore_mem>>) src(%dma_wait3A_260 : memref<512xi32, #tpu.memory_space<hbm>>) dst(%dma_wait3A_259 : memref<512xi32, #tpu.memory_space<vmem>>)
    %dma_wait3A_261 = arith.constant 4096 : i32
    %dma_wait3A_262 = tpu.memref_slice %arg6[%dma_wait3A_261] : memref<13312xi32, #tpu.memory_space<vmem>> -> memref<512xi32, #tpu.memory_space<vmem>>
    %dma_wait3A_263 = tpu.memref_slice %arg2[%add3A_67] : memref<425984xi32, #tpu.memory_space<hbm>> -> memref<512xi32, #tpu.memory_space<hbm>>
    %dma_wait3A_264 = arith.constant 4096 : i32
    %dma_wait3A_265 = tpu.memref_slice %arg6[%dma_wait3A_264] : memref<13312xi32, #tpu.memory_space<vmem>> -> memref<512xi32, #tpu.memory_space<vmem>>
    %dma_wait3A_266 = tpu.memref_slice %arg2[%add3A_67] : memref<425984xi32, #tpu.memory_space<hbm>> -> memref<512xi32, #tpu.memory_space<hbm>>
    tpu.wait_dma2 semaphore(%arg20 : memref<!tpu.dma_semaphore, #tpu.memory_space<semaphore_mem>>) src(%dma_wait3A_266 : memref<512xi32, #tpu.memory_space<hbm>>) dst(%dma_wait3A_265 : memref<512xi32, #tpu.memory_space<vmem>>)
    %dma_wait3A_267 = arith.constant 4608 : i32
    %dma_wait3A_268 = tpu.memref_slice %arg6[%dma_wait3A_267] : memref<13312xi32, #tpu.memory_space<vmem>> -> memref<512xi32, #tpu.memory_space<vmem>>
    %dma_wait3A_269 = tpu.memref_slice %arg2[%add3A_75] : memref<425984xi32, #tpu.memory_space<hbm>> -> memref<512xi32, #tpu.memory_space<hbm>>
    %dma_wait3A_270 = arith.constant 4608 : i32
    %dma_wait3A_271 = tpu.memref_slice %arg6[%dma_wait3A_270] : memref<13312xi32, #tpu.memory_space<vmem>> -> memref<512xi32, #tpu.memory_space<vmem>>
    %dma_wait3A_272 = tpu.memref_slice %arg2[%add3A_75] : memref<425984xi32, #tpu.memory_space<hbm>> -> memref<512xi32, #tpu.memory_space<hbm>>
    tpu.wait_dma2 semaphore(%arg20 : memref<!tpu.dma_semaphore, #tpu.memory_space<semaphore_mem>>) src(%dma_wait3A_272 : memref<512xi32, #tpu.memory_space<hbm>>) dst(%dma_wait3A_271 : memref<512xi32, #tpu.memory_space<vmem>>)
    %dma_wait3A_273 = arith.constant 5120 : i32
    %dma_wait3A_274 = tpu.memref_slice %arg6[%dma_wait3A_273] : memref<13312xi32, #tpu.memory_space<vmem>> -> memref<512xi32, #tpu.memory_space<vmem>>
    %dma_wait3A_275 = tpu.memref_slice %arg2[%add3A_83] : memref<425984xi32, #tpu.memory_space<hbm>> -> memref<512xi32, #tpu.memory_space<hbm>>
    %dma_wait3A_276 = arith.constant 5120 : i32
    %dma_wait3A_277 = tpu.memref_slice %arg6[%dma_wait3A_276] : memref<13312xi32, #tpu.memory_space<vmem>> -> memref<512xi32, #tpu.memory_space<vmem>>
    %dma_wait3A_278 = tpu.memref_slice %arg2[%add3A_83] : memref<425984xi32, #tpu.memory_space<hbm>> -> memref<512xi32, #tpu.memory_space<hbm>>
    tpu.wait_dma2 semaphore(%arg20 : memref<!tpu.dma_semaphore, #tpu.memory_space<semaphore_mem>>) src(%dma_wait3A_278 : memref<512xi32, #tpu.memory_space<hbm>>) dst(%dma_wait3A_277 : memref<512xi32, #tpu.memory_space<vmem>>)
    %dma_wait3A_279 = arith.constant 5632 : i32
    %dma_wait3A_280 = tpu.memref_slice %arg6[%dma_wait3A_279] : memref<13312xi32, #tpu.memory_space<vmem>> -> memref<512xi32, #tpu.memory_space<vmem>>
    %dma_wait3A_281 = tpu.memref_slice %arg2[%add3A_91] : memref<425984xi32, #tpu.memory_space<hbm>> -> memref<512xi32, #tpu.memory_space<hbm>>
    %dma_wait3A_282 = arith.constant 5632 : i32
    %dma_wait3A_283 = tpu.memref_slice %arg6[%dma_wait3A_282] : memref<13312xi32, #tpu.memory_space<vmem>> -> memref<512xi32, #tpu.memory_space<vmem>>
    %dma_wait3A_284 = tpu.memref_slice %arg2[%add3A_91] : memref<425984xi32, #tpu.memory_space<hbm>> -> memref<512xi32, #tpu.memory_space<hbm>>
    tpu.wait_dma2 semaphore(%arg20 : memref<!tpu.dma_semaphore, #tpu.memory_space<semaphore_mem>>) src(%dma_wait3A_284 : memref<512xi32, #tpu.memory_space<hbm>>) dst(%dma_wait3A_283 : memref<512xi32, #tpu.memory_space<vmem>>)
    %dma_wait3A_285 = arith.constant 6144 : i32
    %dma_wait3A_286 = tpu.memref_slice %arg6[%dma_wait3A_285] : memref<13312xi32, #tpu.memory_space<vmem>> -> memref<512xi32, #tpu.memory_space<vmem>>
    %dma_wait3A_287 = tpu.memref_slice %arg2[%add3A_99] : memref<425984xi32, #tpu.memory_space<hbm>> -> memref<512xi32, #tpu.memory_space<hbm>>
    %dma_wait3A_288 = arith.constant 6144 : i32
    %dma_wait3A_289 = tpu.memref_slice %arg6[%dma_wait3A_288] : memref<13312xi32, #tpu.memory_space<vmem>> -> memref<512xi32, #tpu.memory_space<vmem>>
    %dma_wait3A_290 = tpu.memref_slice %arg2[%add3A_99] : memref<425984xi32, #tpu.memory_space<hbm>> -> memref<512xi32, #tpu.memory_space<hbm>>
    tpu.wait_dma2 semaphore(%arg20 : memref<!tpu.dma_semaphore, #tpu.memory_space<semaphore_mem>>) src(%dma_wait3A_290 : memref<512xi32, #tpu.memory_space<hbm>>) dst(%dma_wait3A_289 : memref<512xi32, #tpu.memory_space<vmem>>)
    %dma_wait3A_291 = arith.constant 6656 : i32
    %dma_wait3A_292 = tpu.memref_slice %arg6[%dma_wait3A_291] : memref<13312xi32, #tpu.memory_space<vmem>> -> memref<512xi32, #tpu.memory_space<vmem>>
    %dma_wait3A_293 = tpu.memref_slice %arg2[%add3A_107] : memref<425984xi32, #tpu.memory_space<hbm>> -> memref<512xi32, #tpu.memory_space<hbm>>
    %dma_wait3A_294 = arith.constant 6656 : i32
    %dma_wait3A_295 = tpu.memref_slice %arg6[%dma_wait3A_294] : memref<13312xi32, #tpu.memory_space<vmem>> -> memref<512xi32, #tpu.memory_space<vmem>>
    %dma_wait3A_296 = tpu.memref_slice %arg2[%add3A_107] : memref<425984xi32, #tpu.memory_space<hbm>> -> memref<512xi32, #tpu.memory_space<hbm>>
    tpu.wait_dma2 semaphore(%arg20 : memref<!tpu.dma_semaphore, #tpu.memory_space<semaphore_mem>>) src(%dma_wait3A_296 : memref<512xi32, #tpu.memory_space<hbm>>) dst(%dma_wait3A_295 : memref<512xi32, #tpu.memory_space<vmem>>)
    %dma_wait3A_297 = arith.constant 7168 : i32
    %dma_wait3A_298 = tpu.memref_slice %arg6[%dma_wait3A_297] : memref<13312xi32, #tpu.memory_space<vmem>> -> memref<512xi32, #tpu.memory_space<vmem>>
    %dma_wait3A_299 = tpu.memref_slice %arg2[%add3A_115] : memref<425984xi32, #tpu.memory_space<hbm>> -> memref<512xi32, #tpu.memory_space<hbm>>
    %dma_wait3A_300 = arith.constant 7168 : i32
    %dma_wait3A_301 = tpu.memref_slice %arg6[%dma_wait3A_300] : memref<13312xi32, #tpu.memory_space<vmem>> -> memref<512xi32, #tpu.memory_space<vmem>>
    %dma_wait3A_302 = tpu.memref_slice %arg2[%add3A_115] : memref<425984xi32, #tpu.memory_space<hbm>> -> memref<512xi32, #tpu.memory_space<hbm>>
    tpu.wait_dma2 semaphore(%arg20 : memref<!tpu.dma_semaphore, #tpu.memory_space<semaphore_mem>>) src(%dma_wait3A_302 : memref<512xi32, #tpu.memory_space<hbm>>) dst(%dma_wait3A_301 : memref<512xi32, #tpu.memory_space<vmem>>)
    %dma_wait3A_303 = arith.constant 7680 : i32
    %dma_wait3A_304 = tpu.memref_slice %arg6[%dma_wait3A_303] : memref<13312xi32, #tpu.memory_space<vmem>> -> memref<512xi32, #tpu.memory_space<vmem>>
    %dma_wait3A_305 = tpu.memref_slice %arg2[%add3A_123] : memref<425984xi32, #tpu.memory_space<hbm>> -> memref<512xi32, #tpu.memory_space<hbm>>
    %dma_wait3A_306 = arith.constant 7680 : i32
    %dma_wait3A_307 = tpu.memref_slice %arg6[%dma_wait3A_306] : memref<13312xi32, #tpu.memory_space<vmem>> -> memref<512xi32, #tpu.memory_space<vmem>>
    %dma_wait3A_308 = tpu.memref_slice %arg2[%add3A_123] : memref<425984xi32, #tpu.memory_space<hbm>> -> memref<512xi32, #tpu.memory_space<hbm>>
    tpu.wait_dma2 semaphore(%arg20 : memref<!tpu.dma_semaphore, #tpu.memory_space<semaphore_mem>>) src(%dma_wait3A_308 : memref<512xi32, #tpu.memory_space<hbm>>) dst(%dma_wait3A_307 : memref<512xi32, #tpu.memory_space<vmem>>)
    %dma_wait3A_309 = arith.constant 8192 : i32
    %dma_wait3A_310 = tpu.memref_slice %arg6[%dma_wait3A_309] : memref<13312xi32, #tpu.memory_space<vmem>> -> memref<512xi32, #tpu.memory_space<vmem>>
    %dma_wait3A_311 = tpu.memref_slice %arg2[%add3A_131] : memref<425984xi32, #tpu.memory_space<hbm>> -> memref<512xi32, #tpu.memory_space<hbm>>
    %dma_wait3A_312 = arith.constant 8192 : i32
    %dma_wait3A_313 = tpu.memref_slice %arg6[%dma_wait3A_312] : memref<13312xi32, #tpu.memory_space<vmem>> -> memref<512xi32, #tpu.memory_space<vmem>>
    %dma_wait3A_314 = tpu.memref_slice %arg2[%add3A_131] : memref<425984xi32, #tpu.memory_space<hbm>> -> memref<512xi32, #tpu.memory_space<hbm>>
    tpu.wait_dma2 semaphore(%arg20 : memref<!tpu.dma_semaphore, #tpu.memory_space<semaphore_mem>>) src(%dma_wait3A_314 : memref<512xi32, #tpu.memory_space<hbm>>) dst(%dma_wait3A_313 : memref<512xi32, #tpu.memory_space<vmem>>)
    %dma_wait3A_315 = arith.constant 8704 : i32
    %dma_wait3A_316 = tpu.memref_slice %arg6[%dma_wait3A_315] : memref<13312xi32, #tpu.memory_space<vmem>> -> memref<512xi32, #tpu.memory_space<vmem>>
    %dma_wait3A_317 = tpu.memref_slice %arg2[%add3A_139] : memref<425984xi32, #tpu.memory_space<hbm>> -> memref<512xi32, #tpu.memory_space<hbm>>
    %dma_wait3A_318 = arith.constant 8704 : i32
    %dma_wait3A_319 = tpu.memref_slice %arg6[%dma_wait3A_318] : memref<13312xi32, #tpu.memory_space<vmem>> -> memref<512xi32, #tpu.memory_space<vmem>>
    %dma_wait3A_320 = tpu.memref_slice %arg2[%add3A_139] : memref<425984xi32, #tpu.memory_space<hbm>> -> memref<512xi32, #tpu.memory_space<hbm>>
    tpu.wait_dma2 semaphore(%arg20 : memref<!tpu.dma_semaphore, #tpu.memory_space<semaphore_mem>>) src(%dma_wait3A_320 : memref<512xi32, #tpu.memory_space<hbm>>) dst(%dma_wait3A_319 : memref<512xi32, #tpu.memory_space<vmem>>)
    %dma_wait3A_321 = arith.constant 9216 : i32
    %dma_wait3A_322 = tpu.memref_slice %arg6[%dma_wait3A_321] : memref<13312xi32, #tpu.memory_space<vmem>> -> memref<512xi32, #tpu.memory_space<vmem>>
    %dma_wait3A_323 = tpu.memref_slice %arg2[%add3A_147] : memref<425984xi32, #tpu.memory_space<hbm>> -> memref<512xi32, #tpu.memory_space<hbm>>
    %dma_wait3A_324 = arith.constant 9216 : i32
    %dma_wait3A_325 = tpu.memref_slice %arg6[%dma_wait3A_324] : memref<13312xi32, #tpu.memory_space<vmem>> -> memref<512xi32, #tpu.memory_space<vmem>>
    %dma_wait3A_326 = tpu.memref_slice %arg2[%add3A_147] : memref<425984xi32, #tpu.memory_space<hbm>> -> memref<512xi32, #tpu.memory_space<hbm>>
    tpu.wait_dma2 semaphore(%arg20 : memref<!tpu.dma_semaphore, #tpu.memory_space<semaphore_mem>>) src(%dma_wait3A_326 : memref<512xi32, #tpu.memory_space<hbm>>) dst(%dma_wait3A_325 : memref<512xi32, #tpu.memory_space<vmem>>)
    %dma_wait3A_327 = arith.constant 9728 : i32
    %dma_wait3A_328 = tpu.memref_slice %arg6[%dma_wait3A_327] : memref<13312xi32, #tpu.memory_space<vmem>> -> memref<512xi32, #tpu.memory_space<vmem>>
    %dma_wait3A_329 = tpu.memref_slice %arg2[%add3A_155] : memref<425984xi32, #tpu.memory_space<hbm>> -> memref<512xi32, #tpu.memory_space<hbm>>
    %dma_wait3A_330 = arith.constant 9728 : i32
    %dma_wait3A_331 = tpu.memref_slice %arg6[%dma_wait3A_330] : memref<13312xi32, #tpu.memory_space<vmem>> -> memref<512xi32, #tpu.memory_space<vmem>>
    %dma_wait3A_332 = tpu.memref_slice %arg2[%add3A_155] : memref<425984xi32, #tpu.memory_space<hbm>> -> memref<512xi32, #tpu.memory_space<hbm>>
    tpu.wait_dma2 semaphore(%arg20 : memref<!tpu.dma_semaphore, #tpu.memory_space<semaphore_mem>>) src(%dma_wait3A_332 : memref<512xi32, #tpu.memory_space<hbm>>) dst(%dma_wait3A_331 : memref<512xi32, #tpu.memory_space<vmem>>)
    %dma_wait3A_333 = arith.constant 10240 : i32
    %dma_wait3A_334 = tpu.memref_slice %arg6[%dma_wait3A_333] : memref<13312xi32, #tpu.memory_space<vmem>> -> memref<512xi32, #tpu.memory_space<vmem>>
    %dma_wait3A_335 = tpu.memref_slice %arg2[%add3A_163] : memref<425984xi32, #tpu.memory_space<hbm>> -> memref<512xi32, #tpu.memory_space<hbm>>
    %dma_wait3A_336 = arith.constant 10240 : i32
    %dma_wait3A_337 = tpu.memref_slice %arg6[%dma_wait3A_336] : memref<13312xi32, #tpu.memory_space<vmem>> -> memref<512xi32, #tpu.memory_space<vmem>>
    %dma_wait3A_338 = tpu.memref_slice %arg2[%add3A_163] : memref<425984xi32, #tpu.memory_space<hbm>> -> memref<512xi32, #tpu.memory_space<hbm>>
    tpu.wait_dma2 semaphore(%arg20 : memref<!tpu.dma_semaphore, #tpu.memory_space<semaphore_mem>>) src(%dma_wait3A_338 : memref<512xi32, #tpu.memory_space<hbm>>) dst(%dma_wait3A_337 : memref<512xi32, #tpu.memory_space<vmem>>)
    %dma_wait3A_339 = arith.constant 10752 : i32
    %dma_wait3A_340 = tpu.memref_slice %arg6[%dma_wait3A_339] : memref<13312xi32, #tpu.memory_space<vmem>> -> memref<512xi32, #tpu.memory_space<vmem>>
    %dma_wait3A_341 = tpu.memref_slice %arg2[%add3A_171] : memref<425984xi32, #tpu.memory_space<hbm>> -> memref<512xi32, #tpu.memory_space<hbm>>
    %dma_wait3A_342 = arith.constant 10752 : i32
    %dma_wait3A_343 = tpu.memref_slice %arg6[%dma_wait3A_342] : memref<13312xi32, #tpu.memory_space<vmem>> -> memref<512xi32, #tpu.memory_space<vmem>>
    %dma_wait3A_344 = tpu.memref_slice %arg2[%add3A_171] : memref<425984xi32, #tpu.memory_space<hbm>> -> memref<512xi32, #tpu.memory_space<hbm>>
    tpu.wait_dma2 semaphore(%arg20 : memref<!tpu.dma_semaphore, #tpu.memory_space<semaphore_mem>>) src(%dma_wait3A_344 : memref<512xi32, #tpu.memory_space<hbm>>) dst(%dma_wait3A_343 : memref<512xi32, #tpu.memory_space<vmem>>)
    %dma_wait3A_345 = arith.constant 11264 : i32
    %dma_wait3A_346 = tpu.memref_slice %arg6[%dma_wait3A_345] : memref<13312xi32, #tpu.memory_space<vmem>> -> memref<512xi32, #tpu.memory_space<vmem>>
    %dma_wait3A_347 = tpu.memref_slice %arg2[%add3A_179] : memref<425984xi32, #tpu.memory_space<hbm>> -> memref<512xi32, #tpu.memory_space<hbm>>
    %dma_wait3A_348 = arith.constant 11264 : i32
    %dma_wait3A_349 = tpu.memref_slice %arg6[%dma_wait3A_348] : memref<13312xi32, #tpu.memory_space<vmem>> -> memref<512xi32, #tpu.memory_space<vmem>>
    %dma_wait3A_350 = tpu.memref_slice %arg2[%add3A_179] : memref<425984xi32, #tpu.memory_space<hbm>> -> memref<512xi32, #tpu.memory_space<hbm>>
    tpu.wait_dma2 semaphore(%arg20 : memref<!tpu.dma_semaphore, #tpu.memory_space<semaphore_mem>>) src(%dma_wait3A_350 : memref<512xi32, #tpu.memory_space<hbm>>) dst(%dma_wait3A_349 : memref<512xi32, #tpu.memory_space<vmem>>)
    %dma_wait3A_351 = arith.constant 11776 : i32
    %dma_wait3A_352 = tpu.memref_slice %arg6[%dma_wait3A_351] : memref<13312xi32, #tpu.memory_space<vmem>> -> memref<512xi32, #tpu.memory_space<vmem>>
    %dma_wait3A_353 = tpu.memref_slice %arg2[%add3A_187] : memref<425984xi32, #tpu.memory_space<hbm>> -> memref<512xi32, #tpu.memory_space<hbm>>
    %dma_wait3A_354 = arith.constant 11776 : i32
    %dma_wait3A_355 = tpu.memref_slice %arg6[%dma_wait3A_354] : memref<13312xi32, #tpu.memory_space<vmem>> -> memref<512xi32, #tpu.memory_space<vmem>>
    %dma_wait3A_356 = tpu.memref_slice %arg2[%add3A_187] : memref<425984xi32, #tpu.memory_space<hbm>> -> memref<512xi32, #tpu.memory_space<hbm>>
    tpu.wait_dma2 semaphore(%arg20 : memref<!tpu.dma_semaphore, #tpu.memory_space<semaphore_mem>>) src(%dma_wait3A_356 : memref<512xi32, #tpu.memory_space<hbm>>) dst(%dma_wait3A_355 : memref<512xi32, #tpu.memory_space<vmem>>)
    %dma_wait3A_357 = arith.constant 12288 : i32
    %dma_wait3A_358 = tpu.memref_slice %arg6[%dma_wait3A_357] : memref<13312xi32, #tpu.memory_space<vmem>> -> memref<512xi32, #tpu.memory_space<vmem>>
    %dma_wait3A_359 = tpu.memref_slice %arg2[%add3A_195] : memref<425984xi32, #tpu.memory_space<hbm>> -> memref<512xi32, #tpu.memory_space<hbm>>
    %dma_wait3A_360 = arith.constant 12288 : i32
    %dma_wait3A_361 = tpu.memref_slice %arg6[%dma_wait3A_360] : memref<13312xi32, #tpu.memory_space<vmem>> -> memref<512xi32, #tpu.memory_space<vmem>>
    %dma_wait3A_362 = tpu.memref_slice %arg2[%add3A_195] : memref<425984xi32, #tpu.memory_space<hbm>> -> memref<512xi32, #tpu.memory_space<hbm>>
    tpu.wait_dma2 semaphore(%arg20 : memref<!tpu.dma_semaphore, #tpu.memory_space<semaphore_mem>>) src(%dma_wait3A_362 : memref<512xi32, #tpu.memory_space<hbm>>) dst(%dma_wait3A_361 : memref<512xi32, #tpu.memory_space<vmem>>)
    %dma_wait3A_363 = arith.constant 12800 : i32
    %dma_wait3A_364 = tpu.memref_slice %arg6[%dma_wait3A_363] : memref<13312xi32, #tpu.memory_space<vmem>> -> memref<512xi32, #tpu.memory_space<vmem>>
    %dma_wait3A_365 = tpu.memref_slice %arg2[%add3A_203] : memref<425984xi32, #tpu.memory_space<hbm>> -> memref<512xi32, #tpu.memory_space<hbm>>
    %dma_wait3A_366 = arith.constant 12800 : i32
    %dma_wait3A_367 = tpu.memref_slice %arg6[%dma_wait3A_366] : memref<13312xi32, #tpu.memory_space<vmem>> -> memref<512xi32, #tpu.memory_space<vmem>>
    %dma_wait3A_368 = tpu.memref_slice %arg2[%add3A_203] : memref<425984xi32, #tpu.memory_space<hbm>> -> memref<512xi32, #tpu.memory_space<hbm>>
    tpu.wait_dma2 semaphore(%arg20 : memref<!tpu.dma_semaphore, #tpu.memory_space<semaphore_mem>>) src(%dma_wait3A_368 : memref<512xi32, #tpu.memory_space<hbm>>) dst(%dma_wait3A_367 : memref<512xi32, #tpu.memory_space<vmem>>)
    %dma_start3A_369 = arith.constant 0 : i32
    %dma_start3A_370 = tpu.memref_slice %arg6[%dma_start3A_369] : memref<13312xi32, #tpu.memory_space<vmem>> -> memref<128xi32, #tpu.memory_space<vmem>>
    %dma_start3A_371 = arith.constant 0 : i32
    %dma_start3A_372 = arith.constant 0 : i32
    %dma_start3A_373 = tpu.memref_slice %arg4[%dma_start3A_371, %dma_start3A_372] : memref<2600000x32xf32, #tpu.memory_space<hbm>> -> memref<2600000x32xf32, #tpu.memory_space<hbm>>
    tpu.enqueue_indirect_dma source(%dma_start3A_373 : memref<2600000x32xf32, #tpu.memory_space<hbm>>) target(%arg7 : memref<128x32xf32, #tpu.memory_space<vmem>>) offsets(%dma_start3A_370 : memref<128xi32, #tpu.memory_space<vmem>>) semaphore(%arg12 : memref<!tpu.dma_semaphore, #tpu.memory_space<semaphore_mem>>)
    %dma_start3A_374 = arith.constant 128 : i32
    %dma_start3A_375 = tpu.memref_slice %arg6[%dma_start3A_374] : memref<13312xi32, #tpu.memory_space<vmem>> -> memref<128xi32, #tpu.memory_space<vmem>>
    %dma_start3A_376 = arith.constant 0 : i32
    %dma_start3A_377 = arith.constant 0 : i32
    %dma_start3A_378 = tpu.memref_slice %arg4[%dma_start3A_376, %dma_start3A_377] : memref<2600000x32xf32, #tpu.memory_space<hbm>> -> memref<2600000x32xf32, #tpu.memory_space<hbm>>
    tpu.enqueue_indirect_dma source(%dma_start3A_378 : memref<2600000x32xf32, #tpu.memory_space<hbm>>) target(%arg8 : memref<128x32xf32, #tpu.memory_space<vmem>>) offsets(%dma_start3A_375 : memref<128xi32, #tpu.memory_space<vmem>>) semaphore(%arg13 : memref<!tpu.dma_semaphore, #tpu.memory_space<semaphore_mem>>)
    %dma_start3A_379 = arith.constant 256 : i32
    %dma_start3A_380 = tpu.memref_slice %arg6[%dma_start3A_379] : memref<13312xi32, #tpu.memory_space<vmem>> -> memref<128xi32, #tpu.memory_space<vmem>>
    %dma_start3A_381 = arith.constant 0 : i32
    %dma_start3A_382 = arith.constant 0 : i32
    %dma_start3A_383 = tpu.memref_slice %arg4[%dma_start3A_381, %dma_start3A_382] : memref<2600000x32xf32, #tpu.memory_space<hbm>> -> memref<2600000x32xf32, #tpu.memory_space<hbm>>
    tpu.enqueue_indirect_dma source(%dma_start3A_383 : memref<2600000x32xf32, #tpu.memory_space<hbm>>) target(%arg9 : memref<128x32xf32, #tpu.memory_space<vmem>>) offsets(%dma_start3A_380 : memref<128xi32, #tpu.memory_space<vmem>>) semaphore(%arg14 : memref<!tpu.dma_semaphore, #tpu.memory_space<semaphore_mem>>)
    %dma_wait3A_384 = arith.constant 0 : i32
    %dma_wait3A_385 = tpu.memref_slice %arg3[%multiple_of3A, %dma_wait3A_384] : memref<16384x13xf32, #tpu.memory_space<hbm>> -> memref<512x13xf32, #tpu.memory_space<hbm>>
    %dma_wait3A_386 = arith.constant 0 : i32
    %dma_wait3A_387 = tpu.memref_slice %arg3[%multiple_of3A, %dma_wait3A_386] : memref<16384x13xf32, #tpu.memory_space<hbm>> -> memref<512x13xf32, #tpu.memory_space<hbm>>
    tpu.wait_dma2 semaphore(%arg21 : memref<!tpu.dma_semaphore, #tpu.memory_space<semaphore_mem>>) src(%dma_wait3A_387 : memref<512x13xf32, #tpu.memory_space<hbm>>) dst(%arg11 : memref<512x13xf32, #tpu.memory_space<vmem>>)
    %dma_start3A_388 = arith.constant 832 : i32
    %dma_start3A_389 = tpu.memref_slice %arg5[%multiple_of3A, %dma_start3A_388] : memref<16384x845xf32, #tpu.memory_space<hbm>> -> memref<512x13xf32, #tpu.memory_space<hbm>>
    %dma_start3A_390 = arith.constant 832 : i32
    %dma_start3A_391 = tpu.memref_slice %arg5[%multiple_of3A, %dma_start3A_390] : memref<16384x845xf32, #tpu.memory_space<hbm>> -> memref<512x13xf32, #tpu.memory_space<hbm>>
    tpu.enqueue_dma source(%arg11 : memref<512x13xf32, #tpu.memory_space<vmem>>) target(%dma_start3A_391 : memref<512x13xf32, #tpu.memory_space<hbm>>) target_semaphore(%arg21 : memref<!tpu.dma_semaphore, #tpu.memory_space<semaphore_mem>>)
    %dma_start3A_392 = arith.constant 384 : i32
    %dma_start3A_393 = tpu.memref_slice %arg6[%dma_start3A_392] : memref<13312xi32, #tpu.memory_space<vmem>> -> memref<128xi32, #tpu.memory_space<vmem>>
    %dma_start3A_394 = arith.constant 0 : i32
    %dma_start3A_395 = arith.constant 0 : i32
    %dma_start3A_396 = tpu.memref_slice %arg4[%dma_start3A_394, %dma_start3A_395] : memref<2600000x32xf32, #tpu.memory_space<hbm>> -> memref<2600000x32xf32, #tpu.memory_space<hbm>>
    tpu.enqueue_indirect_dma source(%dma_start3A_396 : memref<2600000x32xf32, #tpu.memory_space<hbm>>) target(%arg10 : memref<128x32xf32, #tpu.memory_space<vmem>>) offsets(%dma_start3A_393 : memref<128xi32, #tpu.memory_space<vmem>>) semaphore(%arg15 : memref<!tpu.dma_semaphore, #tpu.memory_space<semaphore_mem>>)
    %dma_wait3A_397 = arith.constant 0 : i32
    %dma_wait3A_398 = tpu.memref_slice %arg6[%dma_wait3A_397] : memref<13312xi32, #tpu.memory_space<vmem>> -> memref<128xi32, #tpu.memory_space<vmem>>
    %dma_wait3A_399 = arith.constant 0 : i32
    %dma_wait3A_400 = arith.constant 0 : i32
    %dma_wait3A_401 = tpu.memref_slice %arg4[%dma_wait3A_399, %dma_wait3A_400] : memref<2600000x32xf32, #tpu.memory_space<hbm>> -> memref<2600000x32xf32, #tpu.memory_space<hbm>>
    tpu.wait_indirect_dma semaphore(%arg12 : memref<!tpu.dma_semaphore, #tpu.memory_space<semaphore_mem>>) src(%dma_wait3A_401 : memref<2600000x32xf32, #tpu.memory_space<hbm>>) dst(%arg7 : memref<128x32xf32, #tpu.memory_space<vmem>>)
    %add3A_402 = arith.constant 0 : i32
    %add3A_403 = arith.addi %multiple_of3A, %add3A_402 : i32
    %dma_start3A_404 = arith.constant 0 : i32
    %dma_start3A_405 = tpu.memref_slice %arg5[%add3A_403, %dma_start3A_404] : memref<16384x845xf32, #tpu.memory_space<hbm>> -> memref<128x32xf32, #tpu.memory_space<hbm>>
    %dma_start3A_406 = arith.constant 0 : i32
    %dma_start3A_407 = tpu.memref_slice %arg5[%add3A_403, %dma_start3A_406] : memref<16384x845xf32, #tpu.memory_space<hbm>> -> memref<128x32xf32, #tpu.memory_space<hbm>>
    tpu.enqueue_dma source(%arg7 : memref<128x32xf32, #tpu.memory_space<vmem>>) target(%dma_start3A_407 : memref<128x32xf32, #tpu.memory_space<hbm>>) target_semaphore(%arg16 : memref<!tpu.dma_semaphore, #tpu.memory_space<semaphore_mem>>)
    %dma_wait3A_408 = arith.constant 0 : i32
    %dma_wait3A_409 = tpu.memref_slice %arg5[%add3A_403, %dma_wait3A_408] : memref<16384x845xf32, #tpu.memory_space<hbm>> -> memref<128x32xf32, #tpu.memory_space<hbm>>
    %dma_wait3A_410 = arith.constant 0 : i32
    %dma_wait3A_411 = tpu.memref_slice %arg5[%add3A_403, %dma_wait3A_410] : memref<16384x845xf32, #tpu.memory_space<hbm>> -> memref<128x32xf32, #tpu.memory_space<hbm>>
    tpu.wait_dma2 semaphore(%arg16 : memref<!tpu.dma_semaphore, #tpu.memory_space<semaphore_mem>>) src(%arg7 : memref<128x32xf32, #tpu.memory_space<vmem>>) dst(%dma_wait3A_411 : memref<128x32xf32, #tpu.memory_space<hbm>>)
    %dma_start3A_412 = arith.constant 512 : i32
    %dma_start3A_413 = tpu.memref_slice %arg6[%dma_start3A_412] : memref<13312xi32, #tpu.memory_space<vmem>> -> memref<128xi32, #tpu.memory_space<vmem>>
    %dma_start3A_414 = arith.constant 0 : i32
    %dma_start3A_415 = arith.constant 0 : i32
    %dma_start3A_416 = tpu.memref_slice %arg4[%dma_start3A_414, %dma_start3A_415] : memref<2600000x32xf32, #tpu.memory_space<hbm>> -> memref<2600000x32xf32, #tpu.memory_space<hbm>>
    tpu.enqueue_indirect_dma source(%dma_start3A_416 : memref<2600000x32xf32, #tpu.memory_space<hbm>>) target(%arg7 : memref<128x32xf32, #tpu.memory_space<vmem>>) offsets(%dma_start3A_413 : memref<128xi32, #tpu.memory_space<vmem>>) semaphore(%arg12 : memref<!tpu.dma_semaphore, #tpu.memory_space<semaphore_mem>>)
    %dma_wait3A_417 = arith.constant 128 : i32
    %dma_wait3A_418 = tpu.memref_slice %arg6[%dma_wait3A_417] : memref<13312xi32, #tpu.memory_space<vmem>> -> memref<128xi32, #tpu.memory_space<vmem>>
    %dma_wait3A_419 = arith.constant 0 : i32
    %dma_wait3A_420 = arith.constant 0 : i32
    %dma_wait3A_421 = tpu.memref_slice %arg4[%dma_wait3A_419, %dma_wait3A_420] : memref<2600000x32xf32, #tpu.memory_space<hbm>> -> memref<2600000x32xf32, #tpu.memory_space<hbm>>
    tpu.wait_indirect_dma semaphore(%arg13 : memref<!tpu.dma_semaphore, #tpu.memory_space<semaphore_mem>>) src(%dma_wait3A_421 : memref<2600000x32xf32, #tpu.memory_space<hbm>>) dst(%arg8 : memref<128x32xf32, #tpu.memory_space<vmem>>)
    %add3A_422 = arith.constant 128 : i32
    %add3A_423 = arith.addi %multiple_of3A, %add3A_422 : i32
    %dma_start3A_424 = arith.constant 0 : i32
    %dma_start3A_425 = tpu.memref_slice %arg5[%add3A_423, %dma_start3A_424] : memref<16384x845xf32, #tpu.memory_space<hbm>> -> memref<128x32xf32, #tpu.memory_space<hbm>>
    %dma_start3A_426 = arith.constant 0 : i32
    %dma_start3A_427 = tpu.memref_slice %arg5[%add3A_423, %dma_start3A_426] : memref<16384x845xf32, #tpu.memory_space<hbm>> -> memref<128x32xf32, #tpu.memory_space<hbm>>
    tpu.enqueue_dma source(%arg8 : memref<128x32xf32, #tpu.memory_space<vmem>>) target(%dma_start3A_427 : memref<128x32xf32, #tpu.memory_space<hbm>>) target_semaphore(%arg17 : memref<!tpu.dma_semaphore, #tpu.memory_space<semaphore_mem>>)
    %dma_wait3A_428 = arith.constant 0 : i32
    %dma_wait3A_429 = tpu.memref_slice %arg5[%add3A_423, %dma_wait3A_428] : memref<16384x845xf32, #tpu.memory_space<hbm>> -> memref<128x32xf32, #tpu.memory_space<hbm>>
    %dma_wait3A_430 = arith.constant 0 : i32
    %dma_wait3A_431 = tpu.memref_slice %arg5[%add3A_423, %dma_wait3A_430] : memref<16384x845xf32, #tpu.memory_space<hbm>> -> memref<128x32xf32, #tpu.memory_space<hbm>>
    tpu.wait_dma2 semaphore(%arg17 : memref<!tpu.dma_semaphore, #tpu.memory_space<semaphore_mem>>) src(%arg8 : memref<128x32xf32, #tpu.memory_space<vmem>>) dst(%dma_wait3A_431 : memref<128x32xf32, #tpu.memory_space<hbm>>)
    %dma_start3A_432 = arith.constant 640 : i32
    %dma_start3A_433 = tpu.memref_slice %arg6[%dma_start3A_432] : memref<13312xi32, #tpu.memory_space<vmem>> -> memref<128xi32, #tpu.memory_space<vmem>>
    %dma_start3A_434 = arith.constant 0 : i32
    %dma_start3A_435 = arith.constant 0 : i32
    %dma_start3A_436 = tpu.memref_slice %arg4[%dma_start3A_434, %dma_start3A_435] : memref<2600000x32xf32, #tpu.memory_space<hbm>> -> memref<2600000x32xf32, #tpu.memory_space<hbm>>
    tpu.enqueue_indirect_dma source(%dma_start3A_436 : memref<2600000x32xf32, #tpu.memory_space<hbm>>) target(%arg8 : memref<128x32xf32, #tpu.memory_space<vmem>>) offsets(%dma_start3A_433 : memref<128xi32, #tpu.memory_space<vmem>>) semaphore(%arg13 : memref<!tpu.dma_semaphore, #tpu.memory_space<semaphore_mem>>)
    %dma_wait3A_437 = arith.constant 256 : i32
    %dma_wait3A_438 = tpu.memref_slice %arg6[%dma_wait3A_437] : memref<13312xi32, #tpu.memory_space<vmem>> -> memref<128xi32, #tpu.memory_space<vmem>>
    %dma_wait3A_439 = arith.constant 0 : i32
    %dma_wait3A_440 = arith.constant 0 : i32
    %dma_wait3A_441 = tpu.memref_slice %arg4[%dma_wait3A_439, %dma_wait3A_440] : memref<2600000x32xf32, #tpu.memory_space<hbm>> -> memref<2600000x32xf32, #tpu.memory_space<hbm>>
    tpu.wait_indirect_dma semaphore(%arg14 : memref<!tpu.dma_semaphore, #tpu.memory_space<semaphore_mem>>) src(%dma_wait3A_441 : memref<2600000x32xf32, #tpu.memory_space<hbm>>) dst(%arg9 : memref<128x32xf32, #tpu.memory_space<vmem>>)
    %add3A_442 = arith.constant 256 : i32
    %add3A_443 = arith.addi %multiple_of3A, %add3A_442 : i32
    %dma_start3A_444 = arith.constant 0 : i32
    %dma_start3A_445 = tpu.memref_slice %arg5[%add3A_443, %dma_start3A_444] : memref<16384x845xf32, #tpu.memory_space<hbm>> -> memref<128x32xf32, #tpu.memory_space<hbm>>
    %dma_start3A_446 = arith.constant 0 : i32
    %dma_start3A_447 = tpu.memref_slice %arg5[%add3A_443, %dma_start3A_446] : memref<16384x845xf32, #tpu.memory_space<hbm>> -> memref<128x32xf32, #tpu.memory_space<hbm>>
    tpu.enqueue_dma source(%arg9 : memref<128x32xf32, #tpu.memory_space<vmem>>) target(%dma_start3A_447 : memref<128x32xf32, #tpu.memory_space<hbm>>) target_semaphore(%arg18 : memref<!tpu.dma_semaphore, #tpu.memory_space<semaphore_mem>>)
    %dma_wait3A_448 = arith.constant 0 : i32
    %dma_wait3A_449 = tpu.memref_slice %arg5[%add3A_443, %dma_wait3A_448] : memref<16384x845xf32, #tpu.memory_space<hbm>> -> memref<128x32xf32, #tpu.memory_space<hbm>>
    %dma_wait3A_450 = arith.constant 0 : i32
    %dma_wait3A_451 = tpu.memref_slice %arg5[%add3A_443, %dma_wait3A_450] : memref<16384x845xf32, #tpu.memory_space<hbm>> -> memref<128x32xf32, #tpu.memory_space<hbm>>
    tpu.wait_dma2 semaphore(%arg18 : memref<!tpu.dma_semaphore, #tpu.memory_space<semaphore_mem>>) src(%arg9 : memref<128x32xf32, #tpu.memory_space<vmem>>) dst(%dma_wait3A_451 : memref<128x32xf32, #tpu.memory_space<hbm>>)
    %dma_start3A_452 = arith.constant 768 : i32
    %dma_start3A_453 = tpu.memref_slice %arg6[%dma_start3A_452] : memref<13312xi32, #tpu.memory_space<vmem>> -> memref<128xi32, #tpu.memory_space<vmem>>
    %dma_start3A_454 = arith.constant 0 : i32
    %dma_start3A_455 = arith.constant 0 : i32
    %dma_start3A_456 = tpu.memref_slice %arg4[%dma_start3A_454, %dma_start3A_455] : memref<2600000x32xf32, #tpu.memory_space<hbm>> -> memref<2600000x32xf32, #tpu.memory_space<hbm>>
    tpu.enqueue_indirect_dma source(%dma_start3A_456 : memref<2600000x32xf32, #tpu.memory_space<hbm>>) target(%arg9 : memref<128x32xf32, #tpu.memory_space<vmem>>) offsets(%dma_start3A_453 : memref<128xi32, #tpu.memory_space<vmem>>) semaphore(%arg14 : memref<!tpu.dma_semaphore, #tpu.memory_space<semaphore_mem>>)
    %dma_wait3A_457 = arith.constant 384 : i32
    %dma_wait3A_458 = tpu.memref_slice %arg6[%dma_wait3A_457] : memref<13312xi32, #tpu.memory_space<vmem>> -> memref<128xi32, #tpu.memory_space<vmem>>
    %dma_wait3A_459 = arith.constant 0 : i32
    %dma_wait3A_460 = arith.constant 0 : i32
    %dma_wait3A_461 = tpu.memref_slice %arg4[%dma_wait3A_459, %dma_wait3A_460] : memref<2600000x32xf32, #tpu.memory_space<hbm>> -> memref<2600000x32xf32, #tpu.memory_space<hbm>>
    tpu.wait_indirect_dma semaphore(%arg15 : memref<!tpu.dma_semaphore, #tpu.memory_space<semaphore_mem>>) src(%dma_wait3A_461 : memref<2600000x32xf32, #tpu.memory_space<hbm>>) dst(%arg10 : memref<128x32xf32, #tpu.memory_space<vmem>>)
    %add3A_462 = arith.constant 384 : i32
    %add3A_463 = arith.addi %multiple_of3A, %add3A_462 : i32
    %dma_start3A_464 = arith.constant 0 : i32
    %dma_start3A_465 = tpu.memref_slice %arg5[%add3A_463, %dma_start3A_464] : memref<16384x845xf32, #tpu.memory_space<hbm>> -> memref<128x32xf32, #tpu.memory_space<hbm>>
    %dma_start3A_466 = arith.constant 0 : i32
    %dma_start3A_467 = tpu.memref_slice %arg5[%add3A_463, %dma_start3A_466] : memref<16384x845xf32, #tpu.memory_space<hbm>> -> memref<128x32xf32, #tpu.memory_space<hbm>>
    tpu.enqueue_dma source(%arg10 : memref<128x32xf32, #tpu.memory_space<vmem>>) target(%dma_start3A_467 : memref<128x32xf32, #tpu.memory_space<hbm>>) target_semaphore(%arg19 : memref<!tpu.dma_semaphore, #tpu.memory_space<semaphore_mem>>)
    %dma_wait3A_468 = arith.constant 0 : i32
    %dma_wait3A_469 = tpu.memref_slice %arg5[%add3A_463, %dma_wait3A_468] : memref<16384x845xf32, #tpu.memory_space<hbm>> -> memref<128x32xf32, #tpu.memory_space<hbm>>
    %dma_wait3A_470 = arith.constant 0 : i32
    %dma_wait3A_471 = tpu.memref_slice %arg5[%add3A_463, %dma_wait3A_470] : memref<16384x845xf32, #tpu.memory_space<hbm>> -> memref<128x32xf32, #tpu.memory_space<hbm>>
    tpu.wait_dma2 semaphore(%arg19 : memref<!tpu.dma_semaphore, #tpu.memory_space<semaphore_mem>>) src(%arg10 : memref<128x32xf32, #tpu.memory_space<vmem>>) dst(%dma_wait3A_471 : memref<128x32xf32, #tpu.memory_space<hbm>>)
    %dma_start3A_472 = arith.constant 896 : i32
    %dma_start3A_473 = tpu.memref_slice %arg6[%dma_start3A_472] : memref<13312xi32, #tpu.memory_space<vmem>> -> memref<128xi32, #tpu.memory_space<vmem>>
    %dma_start3A_474 = arith.constant 0 : i32
    %dma_start3A_475 = arith.constant 0 : i32
    %dma_start3A_476 = tpu.memref_slice %arg4[%dma_start3A_474, %dma_start3A_475] : memref<2600000x32xf32, #tpu.memory_space<hbm>> -> memref<2600000x32xf32, #tpu.memory_space<hbm>>
    tpu.enqueue_indirect_dma source(%dma_start3A_476 : memref<2600000x32xf32, #tpu.memory_space<hbm>>) target(%arg10 : memref<128x32xf32, #tpu.memory_space<vmem>>) offsets(%dma_start3A_473 : memref<128xi32, #tpu.memory_space<vmem>>) semaphore(%arg15 : memref<!tpu.dma_semaphore, #tpu.memory_space<semaphore_mem>>)
    %dma_wait3A_477 = arith.constant 512 : i32
    %dma_wait3A_478 = tpu.memref_slice %arg6[%dma_wait3A_477] : memref<13312xi32, #tpu.memory_space<vmem>> -> memref<128xi32, #tpu.memory_space<vmem>>
    %dma_wait3A_479 = arith.constant 0 : i32
    %dma_wait3A_480 = arith.constant 0 : i32
    %dma_wait3A_481 = tpu.memref_slice %arg4[%dma_wait3A_479, %dma_wait3A_480] : memref<2600000x32xf32, #tpu.memory_space<hbm>> -> memref<2600000x32xf32, #tpu.memory_space<hbm>>
    tpu.wait_indirect_dma semaphore(%arg12 : memref<!tpu.dma_semaphore, #tpu.memory_space<semaphore_mem>>) src(%dma_wait3A_481 : memref<2600000x32xf32, #tpu.memory_space<hbm>>) dst(%arg7 : memref<128x32xf32, #tpu.memory_space<vmem>>)
    %add3A_482 = arith.constant 0 : i32
    %add3A_483 = arith.addi %multiple_of3A, %add3A_482 : i32
    %dma_start3A_484 = arith.constant 32 : i32
    %dma_start3A_485 = tpu.memref_slice %arg5[%add3A_483, %dma_start3A_484] : memref<16384x845xf32, #tpu.memory_space<hbm>> -> memref<128x32xf32, #tpu.memory_space<hbm>>
    %dma_start3A_486 = arith.constant 32 : i32
    %dma_start3A_487 = tpu.memref_slice %arg5[%add3A_483, %dma_start3A_486] : memref<16384x845xf32, #tpu.memory_space<hbm>> -> memref<128x32xf32, #tpu.memory_space<hbm>>
    tpu.enqueue_dma source(%arg7 : memref<128x32xf32, #tpu.memory_space<vmem>>) target(%dma_start3A_487 : memref<128x32xf32, #tpu.memory_space<hbm>>) target_semaphore(%arg16 : memref<!tpu.dma_semaphore, #tpu.memory_space<semaphore_mem>>)
    %dma_wait3A_488 = arith.constant 32 : i32
    %dma_wait3A_489 = tpu.memref_slice %arg5[%add3A_483, %dma_wait3A_488] : memref<16384x845xf32, #tpu.memory_space<hbm>> -> memref<128x32xf32, #tpu.memory_space<hbm>>
    %dma_wait3A_490 = arith.constant 32 : i32
    %dma_wait3A_491 = tpu.memref_slice %arg5[%add3A_483, %dma_wait3A_490] : memref<16384x845xf32, #tpu.memory_space<hbm>> -> memref<128x32xf32, #tpu.memory_space<hbm>>
    tpu.wait_dma2 semaphore(%arg16 : memref<!tpu.dma_semaphore, #tpu.memory_space<semaphore_mem>>) src(%arg7 : memref<128x32xf32, #tpu.memory_space<vmem>>) dst(%dma_wait3A_491 : memref<128x32xf32, #tpu.memory_space<hbm>>)
    %dma_start3A_492 = arith.constant 1024 : i32
    %dma_start3A_493 = tpu.memref_slice %arg6[%dma_start3A_492] : memref<13312xi32, #tpu.memory_space<vmem>> -> memref<128xi32, #tpu.memory_space<vmem>>
    %dma_start3A_494 = arith.constant 0 : i32
    %dma_start3A_495 = arith.constant 0 : i32
    %dma_start3A_496 = tpu.memref_slice %arg4[%dma_start3A_494, %dma_start3A_495] : memref<2600000x32xf32, #tpu.memory_space<hbm>> -> memref<2600000x32xf32, #tpu.memory_space<hbm>>
    tpu.enqueue_indirect_dma source(%dma_start3A_496 : memref<2600000x32xf32, #tpu.memory_space<hbm>>) target(%arg7 : memref<128x32xf32, #tpu.memory_space<vmem>>) offsets(%dma_start3A_493 : memref<128xi32, #tpu.memory_space<vmem>>) semaphore(%arg12 : memref<!tpu.dma_semaphore, #tpu.memory_space<semaphore_mem>>)
    %dma_wait3A_497 = arith.constant 640 : i32
    %dma_wait3A_498 = tpu.memref_slice %arg6[%dma_wait3A_497] : memref<13312xi32, #tpu.memory_space<vmem>> -> memref<128xi32, #tpu.memory_space<vmem>>
    %dma_wait3A_499 = arith.constant 0 : i32
    %dma_wait3A_500 = arith.constant 0 : i32
    %dma_wait3A_501 = tpu.memref_slice %arg4[%dma_wait3A_499, %dma_wait3A_500] : memref<2600000x32xf32, #tpu.memory_space<hbm>> -> memref<2600000x32xf32, #tpu.memory_space<hbm>>
    tpu.wait_indirect_dma semaphore(%arg13 : memref<!tpu.dma_semaphore, #tpu.memory_space<semaphore_mem>>) src(%dma_wait3A_501 : memref<2600000x32xf32, #tpu.memory_space<hbm>>) dst(%arg8 : memref<128x32xf32, #tpu.memory_space<vmem>>)
    %add3A_502 = arith.constant 128 : i32
    %add3A_503 = arith.addi %multiple_of3A, %add3A_502 : i32
    %dma_start3A_504 = arith.constant 32 : i32
    %dma_start3A_505 = tpu.memref_slice %arg5[%add3A_503, %dma_start3A_504] : memref<16384x845xf32, #tpu.memory_space<hbm>> -> memref<128x32xf32, #tpu.memory_space<hbm>>
    %dma_start3A_506 = arith.constant 32 : i32
    %dma_start3A_507 = tpu.memref_slice %arg5[%add3A_503, %dma_start3A_506] : memref<16384x845xf32, #tpu.memory_space<hbm>> -> memref<128x32xf32, #tpu.memory_space<hbm>>
    tpu.enqueue_dma source(%arg8 : memref<128x32xf32, #tpu.memory_space<vmem>>) target(%dma_start3A_507 : memref<128x32xf32, #tpu.memory_space<hbm>>) target_semaphore(%arg17 : memref<!tpu.dma_semaphore, #tpu.memory_space<semaphore_mem>>)
    %dma_wait3A_508 = arith.constant 32 : i32
    %dma_wait3A_509 = tpu.memref_slice %arg5[%add3A_503, %dma_wait3A_508] : memref<16384x845xf32, #tpu.memory_space<hbm>> -> memref<128x32xf32, #tpu.memory_space<hbm>>
    %dma_wait3A_510 = arith.constant 32 : i32
    %dma_wait3A_511 = tpu.memref_slice %arg5[%add3A_503, %dma_wait3A_510] : memref<16384x845xf32, #tpu.memory_space<hbm>> -> memref<128x32xf32, #tpu.memory_space<hbm>>
    tpu.wait_dma2 semaphore(%arg17 : memref<!tpu.dma_semaphore, #tpu.memory_space<semaphore_mem>>) src(%arg8 : memref<128x32xf32, #tpu.memory_space<vmem>>) dst(%dma_wait3A_511 : memref<128x32xf32, #tpu.memory_space<hbm>>)
    %dma_start3A_512 = arith.constant 1152 : i32
    %dma_start3A_513 = tpu.memref_slice %arg6[%dma_start3A_512] : memref<13312xi32, #tpu.memory_space<vmem>> -> memref<128xi32, #tpu.memory_space<vmem>>
    %dma_start3A_514 = arith.constant 0 : i32
    %dma_start3A_515 = arith.constant 0 : i32
    %dma_start3A_516 = tpu.memref_slice %arg4[%dma_start3A_514, %dma_start3A_515] : memref<2600000x32xf32, #tpu.memory_space<hbm>> -> memref<2600000x32xf32, #tpu.memory_space<hbm>>
    tpu.enqueue_indirect_dma source(%dma_start3A_516 : memref<2600000x32xf32, #tpu.memory_space<hbm>>) target(%arg8 : memref<128x32xf32, #tpu.memory_space<vmem>>) offsets(%dma_start3A_513 : memref<128xi32, #tpu.memory_space<vmem>>) semaphore(%arg13 : memref<!tpu.dma_semaphore, #tpu.memory_space<semaphore_mem>>)
    %dma_wait3A_517 = arith.constant 768 : i32
    %dma_wait3A_518 = tpu.memref_slice %arg6[%dma_wait3A_517] : memref<13312xi32, #tpu.memory_space<vmem>> -> memref<128xi32, #tpu.memory_space<vmem>>
    %dma_wait3A_519 = arith.constant 0 : i32
    %dma_wait3A_520 = arith.constant 0 : i32
    %dma_wait3A_521 = tpu.memref_slice %arg4[%dma_wait3A_519, %dma_wait3A_520] : memref<2600000x32xf32, #tpu.memory_space<hbm>> -> memref<2600000x32xf32, #tpu.memory_space<hbm>>
    tpu.wait_indirect_dma semaphore(%arg14 : memref<!tpu.dma_semaphore, #tpu.memory_space<semaphore_mem>>) src(%dma_wait3A_521 : memref<2600000x32xf32, #tpu.memory_space<hbm>>) dst(%arg9 : memref<128x32xf32, #tpu.memory_space<vmem>>)
    %add3A_522 = arith.constant 256 : i32
    %add3A_523 = arith.addi %multiple_of3A, %add3A_522 : i32
    %dma_start3A_524 = arith.constant 32 : i32
    %dma_start3A_525 = tpu.memref_slice %arg5[%add3A_523, %dma_start3A_524] : memref<16384x845xf32, #tpu.memory_space<hbm>> -> memref<128x32xf32, #tpu.memory_space<hbm>>
    %dma_start3A_526 = arith.constant 32 : i32
    %dma_start3A_527 = tpu.memref_slice %arg5[%add3A_523, %dma_start3A_526] : memref<16384x845xf32, #tpu.memory_space<hbm>> -> memref<128x32xf32, #tpu.memory_space<hbm>>
    tpu.enqueue_dma source(%arg9 : memref<128x32xf32, #tpu.memory_space<vmem>>) target(%dma_start3A_527 : memref<128x32xf32, #tpu.memory_space<hbm>>) target_semaphore(%arg18 : memref<!tpu.dma_semaphore, #tpu.memory_space<semaphore_mem>>)
    %dma_wait3A_528 = arith.constant 32 : i32
    %dma_wait3A_529 = tpu.memref_slice %arg5[%add3A_523, %dma_wait3A_528] : memref<16384x845xf32, #tpu.memory_space<hbm>> -> memref<128x32xf32, #tpu.memory_space<hbm>>
    %dma_wait3A_530 = arith.constant 32 : i32
    %dma_wait3A_531 = tpu.memref_slice %arg5[%add3A_523, %dma_wait3A_530] : memref<16384x845xf32, #tpu.memory_space<hbm>> -> memref<128x32xf32, #tpu.memory_space<hbm>>
    tpu.wait_dma2 semaphore(%arg18 : memref<!tpu.dma_semaphore, #tpu.memory_space<semaphore_mem>>) src(%arg9 : memref<128x32xf32, #tpu.memory_space<vmem>>) dst(%dma_wait3A_531 : memref<128x32xf32, #tpu.memory_space<hbm>>)
    %dma_start3A_532 = arith.constant 1280 : i32
    %dma_start3A_533 = tpu.memref_slice %arg6[%dma_start3A_532] : memref<13312xi32, #tpu.memory_space<vmem>> -> memref<128xi32, #tpu.memory_space<vmem>>
    %dma_start3A_534 = arith.constant 0 : i32
    %dma_start3A_535 = arith.constant 0 : i32
    %dma_start3A_536 = tpu.memref_slice %arg4[%dma_start3A_534, %dma_start3A_535] : memref<2600000x32xf32, #tpu.memory_space<hbm>> -> memref<2600000x32xf32, #tpu.memory_space<hbm>>
    tpu.enqueue_indirect_dma source(%dma_start3A_536 : memref<2600000x32xf32, #tpu.memory_space<hbm>>) target(%arg9 : memref<128x32xf32, #tpu.memory_space<vmem>>) offsets(%dma_start3A_533 : memref<128xi32, #tpu.memory_space<vmem>>) semaphore(%arg14 : memref<!tpu.dma_semaphore, #tpu.memory_space<semaphore_mem>>)
    %dma_wait3A_537 = arith.constant 896 : i32
    %dma_wait3A_538 = tpu.memref_slice %arg6[%dma_wait3A_537] : memref<13312xi32, #tpu.memory_space<vmem>> -> memref<128xi32, #tpu.memory_space<vmem>>
    %dma_wait3A_539 = arith.constant 0 : i32
    %dma_wait3A_540 = arith.constant 0 : i32
    %dma_wait3A_541 = tpu.memref_slice %arg4[%dma_wait3A_539, %dma_wait3A_540] : memref<2600000x32xf32, #tpu.memory_space<hbm>> -> memref<2600000x32xf32, #tpu.memory_space<hbm>>
    tpu.wait_indirect_dma semaphore(%arg15 : memref<!tpu.dma_semaphore, #tpu.memory_space<semaphore_mem>>) src(%dma_wait3A_541 : memref<2600000x32xf32, #tpu.memory_space<hbm>>) dst(%arg10 : memref<128x32xf32, #tpu.memory_space<vmem>>)
    %add3A_542 = arith.constant 384 : i32
    %add3A_543 = arith.addi %multiple_of3A, %add3A_542 : i32
    %dma_start3A_544 = arith.constant 32 : i32
    %dma_start3A_545 = tpu.memref_slice %arg5[%add3A_543, %dma_start3A_544] : memref<16384x845xf32, #tpu.memory_space<hbm>> -> memref<128x32xf32, #tpu.memory_space<hbm>>
    %dma_start3A_546 = arith.constant 32 : i32
    %dma_start3A_547 = tpu.memref_slice %arg5[%add3A_543, %dma_start3A_546] : memref<16384x845xf32, #tpu.memory_space<hbm>> -> memref<128x32xf32, #tpu.memory_space<hbm>>
    tpu.enqueue_dma source(%arg10 : memref<128x32xf32, #tpu.memory_space<vmem>>) target(%dma_start3A_547 : memref<128x32xf32, #tpu.memory_space<hbm>>) target_semaphore(%arg19 : memref<!tpu.dma_semaphore, #tpu.memory_space<semaphore_mem>>)
    %dma_wait3A_548 = arith.constant 32 : i32
    %dma_wait3A_549 = tpu.memref_slice %arg5[%add3A_543, %dma_wait3A_548] : memref<16384x845xf32, #tpu.memory_space<hbm>> -> memref<128x32xf32, #tpu.memory_space<hbm>>
    %dma_wait3A_550 = arith.constant 32 : i32
    %dma_wait3A_551 = tpu.memref_slice %arg5[%add3A_543, %dma_wait3A_550] : memref<16384x845xf32, #tpu.memory_space<hbm>> -> memref<128x32xf32, #tpu.memory_space<hbm>>
    tpu.wait_dma2 semaphore(%arg19 : memref<!tpu.dma_semaphore, #tpu.memory_space<semaphore_mem>>) src(%arg10 : memref<128x32xf32, #tpu.memory_space<vmem>>) dst(%dma_wait3A_551 : memref<128x32xf32, #tpu.memory_space<hbm>>)
    %dma_start3A_552 = arith.constant 1408 : i32
    %dma_start3A_553 = tpu.memref_slice %arg6[%dma_start3A_552] : memref<13312xi32, #tpu.memory_space<vmem>> -> memref<128xi32, #tpu.memory_space<vmem>>
    %dma_start3A_554 = arith.constant 0 : i32
    %dma_start3A_555 = arith.constant 0 : i32
    %dma_start3A_556 = tpu.memref_slice %arg4[%dma_start3A_554, %dma_start3A_555] : memref<2600000x32xf32, #tpu.memory_space<hbm>> -> memref<2600000x32xf32, #tpu.memory_space<hbm>>
    tpu.enqueue_indirect_dma source(%dma_start3A_556 : memref<2600000x32xf32, #tpu.memory_space<hbm>>) target(%arg10 : memref<128x32xf32, #tpu.memory_space<vmem>>) offsets(%dma_start3A_553 : memref<128xi32, #tpu.memory_space<vmem>>) semaphore(%arg15 : memref<!tpu.dma_semaphore, #tpu.memory_space<semaphore_mem>>)
    %dma_wait3A_557 = arith.constant 1024 : i32
    %dma_wait3A_558 = tpu.memref_slice %arg6[%dma_wait3A_557] : memref<13312xi32, #tpu.memory_space<vmem>> -> memref<128xi32, #tpu.memory_space<vmem>>
    %dma_wait3A_559 = arith.constant 0 : i32
    %dma_wait3A_560 = arith.constant 0 : i32
    %dma_wait3A_561 = tpu.memref_slice %arg4[%dma_wait3A_559, %dma_wait3A_560] : memref<2600000x32xf32, #tpu.memory_space<hbm>> -> memref<2600000x32xf32, #tpu.memory_space<hbm>>
    tpu.wait_indirect_dma semaphore(%arg12 : memref<!tpu.dma_semaphore, #tpu.memory_space<semaphore_mem>>) src(%dma_wait3A_561 : memref<2600000x32xf32, #tpu.memory_space<hbm>>) dst(%arg7 : memref<128x32xf32, #tpu.memory_space<vmem>>)
    %add3A_562 = arith.constant 0 : i32
    %add3A_563 = arith.addi %multiple_of3A, %add3A_562 : i32
    %dma_start3A_564 = arith.constant 64 : i32
    %dma_start3A_565 = tpu.memref_slice %arg5[%add3A_563, %dma_start3A_564] : memref<16384x845xf32, #tpu.memory_space<hbm>> -> memref<128x32xf32, #tpu.memory_space<hbm>>
    %dma_start3A_566 = arith.constant 64 : i32
    %dma_start3A_567 = tpu.memref_slice %arg5[%add3A_563, %dma_start3A_566] : memref<16384x845xf32, #tpu.memory_space<hbm>> -> memref<128x32xf32, #tpu.memory_space<hbm>>
    tpu.enqueue_dma source(%arg7 : memref<128x32xf32, #tpu.memory_space<vmem>>) target(%dma_start3A_567 : memref<128x32xf32, #tpu.memory_space<hbm>>) target_semaphore(%arg16 : memref<!tpu.dma_semaphore, #tpu.memory_space<semaphore_mem>>)
    %dma_wait3A_568 = arith.constant 64 : i32
    %dma_wait3A_569 = tpu.memref_slice %arg5[%add3A_563, %dma_wait3A_568] : memref<16384x845xf32, #tpu.memory_space<hbm>> -> memref<128x32xf32, #tpu.memory_space<hbm>>
    %dma_wait3A_570 = arith.constant 64 : i32
    %dma_wait3A_571 = tpu.memref_slice %arg5[%add3A_563, %dma_wait3A_570] : memref<16384x845xf32, #tpu.memory_space<hbm>> -> memref<128x32xf32, #tpu.memory_space<hbm>>
    tpu.wait_dma2 semaphore(%arg16 : memref<!tpu.dma_semaphore, #tpu.memory_space<semaphore_mem>>) src(%arg7 : memref<128x32xf32, #tpu.memory_space<vmem>>) dst(%dma_wait3A_571 : memref<128x32xf32, #tpu.memory_space<hbm>>)
    %dma_start3A_572 = arith.constant 1536 : i32
    %dma_start3A_573 = tpu.memref_slice %arg6[%dma_start3A_572] : memref<13312xi32, #tpu.memory_space<vmem>> -> memref<128xi32, #tpu.memory_space<vmem>>
    %dma_start3A_574 = arith.constant 0 : i32
    %dma_start3A_575 = arith.constant 0 : i32
    %dma_start3A_576 = tpu.memref_slice %arg4[%dma_start3A_574, %dma_start3A_575] : memref<2600000x32xf32, #tpu.memory_space<hbm>> -> memref<2600000x32xf32, #tpu.memory_space<hbm>>
    tpu.enqueue_indirect_dma source(%dma_start3A_576 : memref<2600000x32xf32, #tpu.memory_space<hbm>>) target(%arg7 : memref<128x32xf32, #tpu.memory_space<vmem>>) offsets(%dma_start3A_573 : memref<128xi32, #tpu.memory_space<vmem>>) semaphore(%arg12 : memref<!tpu.dma_semaphore, #tpu.memory_space<semaphore_mem>>)
    %dma_wait3A_577 = arith.constant 1152 : i32
    %dma_wait3A_578 = tpu.memref_slice %arg6[%dma_wait3A_577] : memref<13312xi32, #tpu.memory_space<vmem>> -> memref<128xi32, #tpu.memory_space<vmem>>
    %dma_wait3A_579 = arith.constant 0 : i32
    %dma_wait3A_580 = arith.constant 0 : i32
    %dma_wait3A_581 = tpu.memref_slice %arg4[%dma_wait3A_579, %dma_wait3A_580] : memref<2600000x32xf32, #tpu.memory_space<hbm>> -> memref<2600000x32xf32, #tpu.memory_space<hbm>>
    tpu.wait_indirect_dma semaphore(%arg13 : memref<!tpu.dma_semaphore, #tpu.memory_space<semaphore_mem>>) src(%dma_wait3A_581 : memref<2600000x32xf32, #tpu.memory_space<hbm>>) dst(%arg8 : memref<128x32xf32, #tpu.memory_space<vmem>>)
    %add3A_582 = arith.constant 128 : i32
    %add3A_583 = arith.addi %multiple_of3A, %add3A_582 : i32
    %dma_start3A_584 = arith.constant 64 : i32
    %dma_start3A_585 = tpu.memref_slice %arg5[%add3A_583, %dma_start3A_584] : memref<16384x845xf32, #tpu.memory_space<hbm>> -> memref<128x32xf32, #tpu.memory_space<hbm>>
    %dma_start3A_586 = arith.constant 64 : i32
    %dma_start3A_587 = tpu.memref_slice %arg5[%add3A_583, %dma_start3A_586] : memref<16384x845xf32, #tpu.memory_space<hbm>> -> memref<128x32xf32, #tpu.memory_space<hbm>>
    tpu.enqueue_dma source(%arg8 : memref<128x32xf32, #tpu.memory_space<vmem>>) target(%dma_start3A_587 : memref<128x32xf32, #tpu.memory_space<hbm>>) target_semaphore(%arg17 : memref<!tpu.dma_semaphore, #tpu.memory_space<semaphore_mem>>)
    %dma_wait3A_588 = arith.constant 64 : i32
    %dma_wait3A_589 = tpu.memref_slice %arg5[%add3A_583, %dma_wait3A_588] : memref<16384x845xf32, #tpu.memory_space<hbm>> -> memref<128x32xf32, #tpu.memory_space<hbm>>
    %dma_wait3A_590 = arith.constant 64 : i32
    %dma_wait3A_591 = tpu.memref_slice %arg5[%add3A_583, %dma_wait3A_590] : memref<16384x845xf32, #tpu.memory_space<hbm>> -> memref<128x32xf32, #tpu.memory_space<hbm>>
    tpu.wait_dma2 semaphore(%arg17 : memref<!tpu.dma_semaphore, #tpu.memory_space<semaphore_mem>>) src(%arg8 : memref<128x32xf32, #tpu.memory_space<vmem>>) dst(%dma_wait3A_591 : memref<128x32xf32, #tpu.memory_space<hbm>>)
    %dma_start3A_592 = arith.constant 1664 : i32
    %dma_start3A_593 = tpu.memref_slice %arg6[%dma_start3A_592] : memref<13312xi32, #tpu.memory_space<vmem>> -> memref<128xi32, #tpu.memory_space<vmem>>
    %dma_start3A_594 = arith.constant 0 : i32
    %dma_start3A_595 = arith.constant 0 : i32
    %dma_start3A_596 = tpu.memref_slice %arg4[%dma_start3A_594, %dma_start3A_595] : memref<2600000x32xf32, #tpu.memory_space<hbm>> -> memref<2600000x32xf32, #tpu.memory_space<hbm>>
    tpu.enqueue_indirect_dma source(%dma_start3A_596 : memref<2600000x32xf32, #tpu.memory_space<hbm>>) target(%arg8 : memref<128x32xf32, #tpu.memory_space<vmem>>) offsets(%dma_start3A_593 : memref<128xi32, #tpu.memory_space<vmem>>) semaphore(%arg13 : memref<!tpu.dma_semaphore, #tpu.memory_space<semaphore_mem>>)
    %dma_wait3A_597 = arith.constant 1280 : i32
    %dma_wait3A_598 = tpu.memref_slice %arg6[%dma_wait3A_597] : memref<13312xi32, #tpu.memory_space<vmem>> -> memref<128xi32, #tpu.memory_space<vmem>>
    %dma_wait3A_599 = arith.constant 0 : i32
    %dma_wait3A_600 = arith.constant 0 : i32
    %dma_wait3A_601 = tpu.memref_slice %arg4[%dma_wait3A_599, %dma_wait3A_600] : memref<2600000x32xf32, #tpu.memory_space<hbm>> -> memref<2600000x32xf32, #tpu.memory_space<hbm>>
    tpu.wait_indirect_dma semaphore(%arg14 : memref<!tpu.dma_semaphore, #tpu.memory_space<semaphore_mem>>) src(%dma_wait3A_601 : memref<2600000x32xf32, #tpu.memory_space<hbm>>) dst(%arg9 : memref<128x32xf32, #tpu.memory_space<vmem>>)
    %add3A_602 = arith.constant 256 : i32
    %add3A_603 = arith.addi %multiple_of3A, %add3A_602 : i32
    %dma_start3A_604 = arith.constant 64 : i32
    %dma_start3A_605 = tpu.memref_slice %arg5[%add3A_603, %dma_start3A_604] : memref<16384x845xf32, #tpu.memory_space<hbm>> -> memref<128x32xf32, #tpu.memory_space<hbm>>
    %dma_start3A_606 = arith.constant 64 : i32
    %dma_start3A_607 = tpu.memref_slice %arg5[%add3A_603, %dma_start3A_606] : memref<16384x845xf32, #tpu.memory_space<hbm>> -> memref<128x32xf32, #tpu.memory_space<hbm>>
    tpu.enqueue_dma source(%arg9 : memref<128x32xf32, #tpu.memory_space<vmem>>) target(%dma_start3A_607 : memref<128x32xf32, #tpu.memory_space<hbm>>) target_semaphore(%arg18 : memref<!tpu.dma_semaphore, #tpu.memory_space<semaphore_mem>>)
    %dma_wait3A_608 = arith.constant 64 : i32
    %dma_wait3A_609 = tpu.memref_slice %arg5[%add3A_603, %dma_wait3A_608] : memref<16384x845xf32, #tpu.memory_space<hbm>> -> memref<128x32xf32, #tpu.memory_space<hbm>>
    %dma_wait3A_610 = arith.constant 64 : i32
    %dma_wait3A_611 = tpu.memref_slice %arg5[%add3A_603, %dma_wait3A_610] : memref<16384x845xf32, #tpu.memory_space<hbm>> -> memref<128x32xf32, #tpu.memory_space<hbm>>
    tpu.wait_dma2 semaphore(%arg18 : memref<!tpu.dma_semaphore, #tpu.memory_space<semaphore_mem>>) src(%arg9 : memref<128x32xf32, #tpu.memory_space<vmem>>) dst(%dma_wait3A_611 : memref<128x32xf32, #tpu.memory_space<hbm>>)
    %dma_start3A_612 = arith.constant 1792 : i32
    %dma_start3A_613 = tpu.memref_slice %arg6[%dma_start3A_612] : memref<13312xi32, #tpu.memory_space<vmem>> -> memref<128xi32, #tpu.memory_space<vmem>>
    %dma_start3A_614 = arith.constant 0 : i32
    %dma_start3A_615 = arith.constant 0 : i32
    %dma_start3A_616 = tpu.memref_slice %arg4[%dma_start3A_614, %dma_start3A_615] : memref<2600000x32xf32, #tpu.memory_space<hbm>> -> memref<2600000x32xf32, #tpu.memory_space<hbm>>
    tpu.enqueue_indirect_dma source(%dma_start3A_616 : memref<2600000x32xf32, #tpu.memory_space<hbm>>) target(%arg9 : memref<128x32xf32, #tpu.memory_space<vmem>>) offsets(%dma_start3A_613 : memref<128xi32, #tpu.memory_space<vmem>>) semaphore(%arg14 : memref<!tpu.dma_semaphore, #tpu.memory_space<semaphore_mem>>)
    %dma_wait3A_617 = arith.constant 1408 : i32
    %dma_wait3A_618 = tpu.memref_slice %arg6[%dma_wait3A_617] : memref<13312xi32, #tpu.memory_space<vmem>> -> memref<128xi32, #tpu.memory_space<vmem>>
    %dma_wait3A_619 = arith.constant 0 : i32
    %dma_wait3A_620 = arith.constant 0 : i32
    %dma_wait3A_621 = tpu.memref_slice %arg4[%dma_wait3A_619, %dma_wait3A_620] : memref<2600000x32xf32, #tpu.memory_space<hbm>> -> memref<2600000x32xf32, #tpu.memory_space<hbm>>
    tpu.wait_indirect_dma semaphore(%arg15 : memref<!tpu.dma_semaphore, #tpu.memory_space<semaphore_mem>>) src(%dma_wait3A_621 : memref<2600000x32xf32, #tpu.memory_space<hbm>>) dst(%arg10 : memref<128x32xf32, #tpu.memory_space<vmem>>)
    %add3A_622 = arith.constant 384 : i32
    %add3A_623 = arith.addi %multiple_of3A, %add3A_622 : i32
    %dma_start3A_624 = arith.constant 64 : i32
    %dma_start3A_625 = tpu.memref_slice %arg5[%add3A_623, %dma_start3A_624] : memref<16384x845xf32, #tpu.memory_space<hbm>> -> memref<128x32xf32, #tpu.memory_space<hbm>>
    %dma_start3A_626 = arith.constant 64 : i32
    %dma_start3A_627 = tpu.memref_slice %arg5[%add3A_623, %dma_start3A_626] : memref<16384x845xf32, #tpu.memory_space<hbm>> -> memref<128x32xf32, #tpu.memory_space<hbm>>
    tpu.enqueue_dma source(%arg10 : memref<128x32xf32, #tpu.memory_space<vmem>>) target(%dma_start3A_627 : memref<128x32xf32, #tpu.memory_space<hbm>>) target_semaphore(%arg19 : memref<!tpu.dma_semaphore, #tpu.memory_space<semaphore_mem>>)
    %dma_wait3A_628 = arith.constant 64 : i32
    %dma_wait3A_629 = tpu.memref_slice %arg5[%add3A_623, %dma_wait3A_628] : memref<16384x845xf32, #tpu.memory_space<hbm>> -> memref<128x32xf32, #tpu.memory_space<hbm>>
    %dma_wait3A_630 = arith.constant 64 : i32
    %dma_wait3A_631 = tpu.memref_slice %arg5[%add3A_623, %dma_wait3A_630] : memref<16384x845xf32, #tpu.memory_space<hbm>> -> memref<128x32xf32, #tpu.memory_space<hbm>>
    tpu.wait_dma2 semaphore(%arg19 : memref<!tpu.dma_semaphore, #tpu.memory_space<semaphore_mem>>) src(%arg10 : memref<128x32xf32, #tpu.memory_space<vmem>>) dst(%dma_wait3A_631 : memref<128x32xf32, #tpu.memory_space<hbm>>)
    %dma_start3A_632 = arith.constant 1920 : i32
    %dma_start3A_633 = tpu.memref_slice %arg6[%dma_start3A_632] : memref<13312xi32, #tpu.memory_space<vmem>> -> memref<128xi32, #tpu.memory_space<vmem>>
    %dma_start3A_634 = arith.constant 0 : i32
    %dma_start3A_635 = arith.constant 0 : i32
    %dma_start3A_636 = tpu.memref_slice %arg4[%dma_start3A_634, %dma_start3A_635] : memref<2600000x32xf32, #tpu.memory_space<hbm>> -> memref<2600000x32xf32, #tpu.memory_space<hbm>>
    tpu.enqueue_indirect_dma source(%dma_start3A_636 : memref<2600000x32xf32, #tpu.memory_space<hbm>>) target(%arg10 : memref<128x32xf32, #tpu.memory_space<vmem>>) offsets(%dma_start3A_633 : memref<128xi32, #tpu.memory_space<vmem>>) semaphore(%arg15 : memref<!tpu.dma_semaphore, #tpu.memory_space<semaphore_mem>>)
    %dma_wait3A_637 = arith.constant 1536 : i32
    %dma_wait3A_638 = tpu.memref_slice %arg6[%dma_wait3A_637] : memref<13312xi32, #tpu.memory_space<vmem>> -> memref<128xi32, #tpu.memory_space<vmem>>
    %dma_wait3A_639 = arith.constant 0 : i32
    %dma_wait3A_640 = arith.constant 0 : i32
    %dma_wait3A_641 = tpu.memref_slice %arg4[%dma_wait3A_639, %dma_wait3A_640] : memref<2600000x32xf32, #tpu.memory_space<hbm>> -> memref<2600000x32xf32, #tpu.memory_space<hbm>>
    tpu.wait_indirect_dma semaphore(%arg12 : memref<!tpu.dma_semaphore, #tpu.memory_space<semaphore_mem>>) src(%dma_wait3A_641 : memref<2600000x32xf32, #tpu.memory_space<hbm>>) dst(%arg7 : memref<128x32xf32, #tpu.memory_space<vmem>>)
    %add3A_642 = arith.constant 0 : i32
    %add3A_643 = arith.addi %multiple_of3A, %add3A_642 : i32
    %dma_start3A_644 = arith.constant 96 : i32
    %dma_start3A_645 = tpu.memref_slice %arg5[%add3A_643, %dma_start3A_644] : memref<16384x845xf32, #tpu.memory_space<hbm>> -> memref<128x32xf32, #tpu.memory_space<hbm>>
    %dma_start3A_646 = arith.constant 96 : i32
    %dma_start3A_647 = tpu.memref_slice %arg5[%add3A_643, %dma_start3A_646] : memref<16384x845xf32, #tpu.memory_space<hbm>> -> memref<128x32xf32, #tpu.memory_space<hbm>>
    tpu.enqueue_dma source(%arg7 : memref<128x32xf32, #tpu.memory_space<vmem>>) target(%dma_start3A_647 : memref<128x32xf32, #tpu.memory_space<hbm>>) target_semaphore(%arg16 : memref<!tpu.dma_semaphore, #tpu.memory_space<semaphore_mem>>)
    %dma_wait3A_648 = arith.constant 96 : i32
    %dma_wait3A_649 = tpu.memref_slice %arg5[%add3A_643, %dma_wait3A_648] : memref<16384x845xf32, #tpu.memory_space<hbm>> -> memref<128x32xf32, #tpu.memory_space<hbm>>
    %dma_wait3A_650 = arith.constant 96 : i32
    %dma_wait3A_651 = tpu.memref_slice %arg5[%add3A_643, %dma_wait3A_650] : memref<16384x845xf32, #tpu.memory_space<hbm>> -> memref<128x32xf32, #tpu.memory_space<hbm>>
    tpu.wait_dma2 semaphore(%arg16 : memref<!tpu.dma_semaphore, #tpu.memory_space<semaphore_mem>>) src(%arg7 : memref<128x32xf32, #tpu.memory_space<vmem>>) dst(%dma_wait3A_651 : memref<128x32xf32, #tpu.memory_space<hbm>>)
    %dma_start3A_652 = arith.constant 2048 : i32
    %dma_start3A_653 = tpu.memref_slice %arg6[%dma_start3A_652] : memref<13312xi32, #tpu.memory_space<vmem>> -> memref<128xi32, #tpu.memory_space<vmem>>
    %dma_start3A_654 = arith.constant 0 : i32
    %dma_start3A_655 = arith.constant 0 : i32
    %dma_start3A_656 = tpu.memref_slice %arg4[%dma_start3A_654, %dma_start3A_655] : memref<2600000x32xf32, #tpu.memory_space<hbm>> -> memref<2600000x32xf32, #tpu.memory_space<hbm>>
    tpu.enqueue_indirect_dma source(%dma_start3A_656 : memref<2600000x32xf32, #tpu.memory_space<hbm>>) target(%arg7 : memref<128x32xf32, #tpu.memory_space<vmem>>) offsets(%dma_start3A_653 : memref<128xi32, #tpu.memory_space<vmem>>) semaphore(%arg12 : memref<!tpu.dma_semaphore, #tpu.memory_space<semaphore_mem>>)
    %dma_wait3A_657 = arith.constant 1664 : i32
    %dma_wait3A_658 = tpu.memref_slice %arg6[%dma_wait3A_657] : memref<13312xi32, #tpu.memory_space<vmem>> -> memref<128xi32, #tpu.memory_space<vmem>>
    %dma_wait3A_659 = arith.constant 0 : i32
    %dma_wait3A_660 = arith.constant 0 : i32
    %dma_wait3A_661 = tpu.memref_slice %arg4[%dma_wait3A_659, %dma_wait3A_660] : memref<2600000x32xf32, #tpu.memory_space<hbm>> -> memref<2600000x32xf32, #tpu.memory_space<hbm>>
    tpu.wait_indirect_dma semaphore(%arg13 : memref<!tpu.dma_semaphore, #tpu.memory_space<semaphore_mem>>) src(%dma_wait3A_661 : memref<2600000x32xf32, #tpu.memory_space<hbm>>) dst(%arg8 : memref<128x32xf32, #tpu.memory_space<vmem>>)
    %add3A_662 = arith.constant 128 : i32
    %add3A_663 = arith.addi %multiple_of3A, %add3A_662 : i32
    %dma_start3A_664 = arith.constant 96 : i32
    %dma_start3A_665 = tpu.memref_slice %arg5[%add3A_663, %dma_start3A_664] : memref<16384x845xf32, #tpu.memory_space<hbm>> -> memref<128x32xf32, #tpu.memory_space<hbm>>
    %dma_start3A_666 = arith.constant 96 : i32
    %dma_start3A_667 = tpu.memref_slice %arg5[%add3A_663, %dma_start3A_666] : memref<16384x845xf32, #tpu.memory_space<hbm>> -> memref<128x32xf32, #tpu.memory_space<hbm>>
    tpu.enqueue_dma source(%arg8 : memref<128x32xf32, #tpu.memory_space<vmem>>) target(%dma_start3A_667 : memref<128x32xf32, #tpu.memory_space<hbm>>) target_semaphore(%arg17 : memref<!tpu.dma_semaphore, #tpu.memory_space<semaphore_mem>>)
    %dma_wait3A_668 = arith.constant 96 : i32
    %dma_wait3A_669 = tpu.memref_slice %arg5[%add3A_663, %dma_wait3A_668] : memref<16384x845xf32, #tpu.memory_space<hbm>> -> memref<128x32xf32, #tpu.memory_space<hbm>>
    %dma_wait3A_670 = arith.constant 96 : i32
    %dma_wait3A_671 = tpu.memref_slice %arg5[%add3A_663, %dma_wait3A_670] : memref<16384x845xf32, #tpu.memory_space<hbm>> -> memref<128x32xf32, #tpu.memory_space<hbm>>
    tpu.wait_dma2 semaphore(%arg17 : memref<!tpu.dma_semaphore, #tpu.memory_space<semaphore_mem>>) src(%arg8 : memref<128x32xf32, #tpu.memory_space<vmem>>) dst(%dma_wait3A_671 : memref<128x32xf32, #tpu.memory_space<hbm>>)
    %dma_start3A_672 = arith.constant 2176 : i32
    %dma_start3A_673 = tpu.memref_slice %arg6[%dma_start3A_672] : memref<13312xi32, #tpu.memory_space<vmem>> -> memref<128xi32, #tpu.memory_space<vmem>>
    %dma_start3A_674 = arith.constant 0 : i32
    %dma_start3A_675 = arith.constant 0 : i32
    %dma_start3A_676 = tpu.memref_slice %arg4[%dma_start3A_674, %dma_start3A_675] : memref<2600000x32xf32, #tpu.memory_space<hbm>> -> memref<2600000x32xf32, #tpu.memory_space<hbm>>
    tpu.enqueue_indirect_dma source(%dma_start3A_676 : memref<2600000x32xf32, #tpu.memory_space<hbm>>) target(%arg8 : memref<128x32xf32, #tpu.memory_space<vmem>>) offsets(%dma_start3A_673 : memref<128xi32, #tpu.memory_space<vmem>>) semaphore(%arg13 : memref<!tpu.dma_semaphore, #tpu.memory_space<semaphore_mem>>)
    %dma_wait3A_677 = arith.constant 1792 : i32
    %dma_wait3A_678 = tpu.memref_slice %arg6[%dma_wait3A_677] : memref<13312xi32, #tpu.memory_space<vmem>> -> memref<128xi32, #tpu.memory_space<vmem>>
    %dma_wait3A_679 = arith.constant 0 : i32
    %dma_wait3A_680 = arith.constant 0 : i32
    %dma_wait3A_681 = tpu.memref_slice %arg4[%dma_wait3A_679, %dma_wait3A_680] : memref<2600000x32xf32, #tpu.memory_space<hbm>> -> memref<2600000x32xf32, #tpu.memory_space<hbm>>
    tpu.wait_indirect_dma semaphore(%arg14 : memref<!tpu.dma_semaphore, #tpu.memory_space<semaphore_mem>>) src(%dma_wait3A_681 : memref<2600000x32xf32, #tpu.memory_space<hbm>>) dst(%arg9 : memref<128x32xf32, #tpu.memory_space<vmem>>)
    %add3A_682 = arith.constant 256 : i32
    %add3A_683 = arith.addi %multiple_of3A, %add3A_682 : i32
    %dma_start3A_684 = arith.constant 96 : i32
    %dma_start3A_685 = tpu.memref_slice %arg5[%add3A_683, %dma_start3A_684] : memref<16384x845xf32, #tpu.memory_space<hbm>> -> memref<128x32xf32, #tpu.memory_space<hbm>>
    %dma_start3A_686 = arith.constant 96 : i32
    %dma_start3A_687 = tpu.memref_slice %arg5[%add3A_683, %dma_start3A_686] : memref<16384x845xf32, #tpu.memory_space<hbm>> -> memref<128x32xf32, #tpu.memory_space<hbm>>
    tpu.enqueue_dma source(%arg9 : memref<128x32xf32, #tpu.memory_space<vmem>>) target(%dma_start3A_687 : memref<128x32xf32, #tpu.memory_space<hbm>>) target_semaphore(%arg18 : memref<!tpu.dma_semaphore, #tpu.memory_space<semaphore_mem>>)
    %dma_wait3A_688 = arith.constant 96 : i32
    %dma_wait3A_689 = tpu.memref_slice %arg5[%add3A_683, %dma_wait3A_688] : memref<16384x845xf32, #tpu.memory_space<hbm>> -> memref<128x32xf32, #tpu.memory_space<hbm>>
    %dma_wait3A_690 = arith.constant 96 : i32
    %dma_wait3A_691 = tpu.memref_slice %arg5[%add3A_683, %dma_wait3A_690] : memref<16384x845xf32, #tpu.memory_space<hbm>> -> memref<128x32xf32, #tpu.memory_space<hbm>>
    tpu.wait_dma2 semaphore(%arg18 : memref<!tpu.dma_semaphore, #tpu.memory_space<semaphore_mem>>) src(%arg9 : memref<128x32xf32, #tpu.memory_space<vmem>>) dst(%dma_wait3A_691 : memref<128x32xf32, #tpu.memory_space<hbm>>)
    %dma_start3A_692 = arith.constant 2304 : i32
    %dma_start3A_693 = tpu.memref_slice %arg6[%dma_start3A_692] : memref<13312xi32, #tpu.memory_space<vmem>> -> memref<128xi32, #tpu.memory_space<vmem>>
    %dma_start3A_694 = arith.constant 0 : i32
    %dma_start3A_695 = arith.constant 0 : i32
    %dma_start3A_696 = tpu.memref_slice %arg4[%dma_start3A_694, %dma_start3A_695] : memref<2600000x32xf32, #tpu.memory_space<hbm>> -> memref<2600000x32xf32, #tpu.memory_space<hbm>>
    tpu.enqueue_indirect_dma source(%dma_start3A_696 : memref<2600000x32xf32, #tpu.memory_space<hbm>>) target(%arg9 : memref<128x32xf32, #tpu.memory_space<vmem>>) offsets(%dma_start3A_693 : memref<128xi32, #tpu.memory_space<vmem>>) semaphore(%arg14 : memref<!tpu.dma_semaphore, #tpu.memory_space<semaphore_mem>>)
    %dma_wait3A_697 = arith.constant 1920 : i32
    %dma_wait3A_698 = tpu.memref_slice %arg6[%dma_wait3A_697] : memref<13312xi32, #tpu.memory_space<vmem>> -> memref<128xi32, #tpu.memory_space<vmem>>
    %dma_wait3A_699 = arith.constant 0 : i32
    %dma_wait3A_700 = arith.constant 0 : i32
    %dma_wait3A_701 = tpu.memref_slice %arg4[%dma_wait3A_699, %dma_wait3A_700] : memref<2600000x32xf32, #tpu.memory_space<hbm>> -> memref<2600000x32xf32, #tpu.memory_space<hbm>>
    tpu.wait_indirect_dma semaphore(%arg15 : memref<!tpu.dma_semaphore, #tpu.memory_space<semaphore_mem>>) src(%dma_wait3A_701 : memref<2600000x32xf32, #tpu.memory_space<hbm>>) dst(%arg10 : memref<128x32xf32, #tpu.memory_space<vmem>>)
    %add3A_702 = arith.constant 384 : i32
    %add3A_703 = arith.addi %multiple_of3A, %add3A_702 : i32
    %dma_start3A_704 = arith.constant 96 : i32
    %dma_start3A_705 = tpu.memref_slice %arg5[%add3A_703, %dma_start3A_704] : memref<16384x845xf32, #tpu.memory_space<hbm>> -> memref<128x32xf32, #tpu.memory_space<hbm>>
    %dma_start3A_706 = arith.constant 96 : i32
    %dma_start3A_707 = tpu.memref_slice %arg5[%add3A_703, %dma_start3A_706] : memref<16384x845xf32, #tpu.memory_space<hbm>> -> memref<128x32xf32, #tpu.memory_space<hbm>>
    tpu.enqueue_dma source(%arg10 : memref<128x32xf32, #tpu.memory_space<vmem>>) target(%dma_start3A_707 : memref<128x32xf32, #tpu.memory_space<hbm>>) target_semaphore(%arg19 : memref<!tpu.dma_semaphore, #tpu.memory_space<semaphore_mem>>)
    %dma_wait3A_708 = arith.constant 96 : i32
    %dma_wait3A_709 = tpu.memref_slice %arg5[%add3A_703, %dma_wait3A_708] : memref<16384x845xf32, #tpu.memory_space<hbm>> -> memref<128x32xf32, #tpu.memory_space<hbm>>
    %dma_wait3A_710 = arith.constant 96 : i32
    %dma_wait3A_711 = tpu.memref_slice %arg5[%add3A_703, %dma_wait3A_710] : memref<16384x845xf32, #tpu.memory_space<hbm>> -> memref<128x32xf32, #tpu.memory_space<hbm>>
    tpu.wait_dma2 semaphore(%arg19 : memref<!tpu.dma_semaphore, #tpu.memory_space<semaphore_mem>>) src(%arg10 : memref<128x32xf32, #tpu.memory_space<vmem>>) dst(%dma_wait3A_711 : memref<128x32xf32, #tpu.memory_space<hbm>>)
    %dma_start3A_712 = arith.constant 2432 : i32
    %dma_start3A_713 = tpu.memref_slice %arg6[%dma_start3A_712] : memref<13312xi32, #tpu.memory_space<vmem>> -> memref<128xi32, #tpu.memory_space<vmem>>
    %dma_start3A_714 = arith.constant 0 : i32
    %dma_start3A_715 = arith.constant 0 : i32
    %dma_start3A_716 = tpu.memref_slice %arg4[%dma_start3A_714, %dma_start3A_715] : memref<2600000x32xf32, #tpu.memory_space<hbm>> -> memref<2600000x32xf32, #tpu.memory_space<hbm>>
    tpu.enqueue_indirect_dma source(%dma_start3A_716 : memref<2600000x32xf32, #tpu.memory_space<hbm>>) target(%arg10 : memref<128x32xf32, #tpu.memory_space<vmem>>) offsets(%dma_start3A_713 : memref<128xi32, #tpu.memory_space<vmem>>) semaphore(%arg15 : memref<!tpu.dma_semaphore, #tpu.memory_space<semaphore_mem>>)
    %dma_wait3A_717 = arith.constant 2048 : i32
    %dma_wait3A_718 = tpu.memref_slice %arg6[%dma_wait3A_717] : memref<13312xi32, #tpu.memory_space<vmem>> -> memref<128xi32, #tpu.memory_space<vmem>>
    %dma_wait3A_719 = arith.constant 0 : i32
    %dma_wait3A_720 = arith.constant 0 : i32
    %dma_wait3A_721 = tpu.memref_slice %arg4[%dma_wait3A_719, %dma_wait3A_720] : memref<2600000x32xf32, #tpu.memory_space<hbm>> -> memref<2600000x32xf32, #tpu.memory_space<hbm>>
    tpu.wait_indirect_dma semaphore(%arg12 : memref<!tpu.dma_semaphore, #tpu.memory_space<semaphore_mem>>) src(%dma_wait3A_721 : memref<2600000x32xf32, #tpu.memory_space<hbm>>) dst(%arg7 : memref<128x32xf32, #tpu.memory_space<vmem>>)
    %add3A_722 = arith.constant 0 : i32
    %add3A_723 = arith.addi %multiple_of3A, %add3A_722 : i32
    %dma_start3A_724 = arith.constant 128 : i32
    %dma_start3A_725 = tpu.memref_slice %arg5[%add3A_723, %dma_start3A_724] : memref<16384x845xf32, #tpu.memory_space<hbm>> -> memref<128x32xf32, #tpu.memory_space<hbm>>
    %dma_start3A_726 = arith.constant 128 : i32
    %dma_start3A_727 = tpu.memref_slice %arg5[%add3A_723, %dma_start3A_726] : memref<16384x845xf32, #tpu.memory_space<hbm>> -> memref<128x32xf32, #tpu.memory_space<hbm>>
    tpu.enqueue_dma source(%arg7 : memref<128x32xf32, #tpu.memory_space<vmem>>) target(%dma_start3A_727 : memref<128x32xf32, #tpu.memory_space<hbm>>) target_semaphore(%arg16 : memref<!tpu.dma_semaphore, #tpu.memory_space<semaphore_mem>>)
    %dma_wait3A_728 = arith.constant 128 : i32
    %dma_wait3A_729 = tpu.memref_slice %arg5[%add3A_723, %dma_wait3A_728] : memref<16384x845xf32, #tpu.memory_space<hbm>> -> memref<128x32xf32, #tpu.memory_space<hbm>>
    %dma_wait3A_730 = arith.constant 128 : i32
    %dma_wait3A_731 = tpu.memref_slice %arg5[%add3A_723, %dma_wait3A_730] : memref<16384x845xf32, #tpu.memory_space<hbm>> -> memref<128x32xf32, #tpu.memory_space<hbm>>
    tpu.wait_dma2 semaphore(%arg16 : memref<!tpu.dma_semaphore, #tpu.memory_space<semaphore_mem>>) src(%arg7 : memref<128x32xf32, #tpu.memory_space<vmem>>) dst(%dma_wait3A_731 : memref<128x32xf32, #tpu.memory_space<hbm>>)
    %dma_start3A_732 = arith.constant 2560 : i32
    %dma_start3A_733 = tpu.memref_slice %arg6[%dma_start3A_732] : memref<13312xi32, #tpu.memory_space<vmem>> -> memref<128xi32, #tpu.memory_space<vmem>>
    %dma_start3A_734 = arith.constant 0 : i32
    %dma_start3A_735 = arith.constant 0 : i32
    %dma_start3A_736 = tpu.memref_slice %arg4[%dma_start3A_734, %dma_start3A_735] : memref<2600000x32xf32, #tpu.memory_space<hbm>> -> memref<2600000x32xf32, #tpu.memory_space<hbm>>
    tpu.enqueue_indirect_dma source(%dma_start3A_736 : memref<2600000x32xf32, #tpu.memory_space<hbm>>) target(%arg7 : memref<128x32xf32, #tpu.memory_space<vmem>>) offsets(%dma_start3A_733 : memref<128xi32, #tpu.memory_space<vmem>>) semaphore(%arg12 : memref<!tpu.dma_semaphore, #tpu.memory_space<semaphore_mem>>)
    %dma_wait3A_737 = arith.constant 2176 : i32
    %dma_wait3A_738 = tpu.memref_slice %arg6[%dma_wait3A_737] : memref<13312xi32, #tpu.memory_space<vmem>> -> memref<128xi32, #tpu.memory_space<vmem>>
    %dma_wait3A_739 = arith.constant 0 : i32
    %dma_wait3A_740 = arith.constant 0 : i32
    %dma_wait3A_741 = tpu.memref_slice %arg4[%dma_wait3A_739, %dma_wait3A_740] : memref<2600000x32xf32, #tpu.memory_space<hbm>> -> memref<2600000x32xf32, #tpu.memory_space<hbm>>
    tpu.wait_indirect_dma semaphore(%arg13 : memref<!tpu.dma_semaphore, #tpu.memory_space<semaphore_mem>>) src(%dma_wait3A_741 : memref<2600000x32xf32, #tpu.memory_space<hbm>>) dst(%arg8 : memref<128x32xf32, #tpu.memory_space<vmem>>)
    %add3A_742 = arith.constant 128 : i32
    %add3A_743 = arith.addi %multiple_of3A, %add3A_742 : i32
    %dma_start3A_744 = arith.constant 128 : i32
    %dma_start3A_745 = tpu.memref_slice %arg5[%add3A_743, %dma_start3A_744] : memref<16384x845xf32, #tpu.memory_space<hbm>> -> memref<128x32xf32, #tpu.memory_space<hbm>>
    %dma_start3A_746 = arith.constant 128 : i32
    %dma_start3A_747 = tpu.memref_slice %arg5[%add3A_743, %dma_start3A_746] : memref<16384x845xf32, #tpu.memory_space<hbm>> -> memref<128x32xf32, #tpu.memory_space<hbm>>
    tpu.enqueue_dma source(%arg8 : memref<128x32xf32, #tpu.memory_space<vmem>>) target(%dma_start3A_747 : memref<128x32xf32, #tpu.memory_space<hbm>>) target_semaphore(%arg17 : memref<!tpu.dma_semaphore, #tpu.memory_space<semaphore_mem>>)
    %dma_wait3A_748 = arith.constant 128 : i32
    %dma_wait3A_749 = tpu.memref_slice %arg5[%add3A_743, %dma_wait3A_748] : memref<16384x845xf32, #tpu.memory_space<hbm>> -> memref<128x32xf32, #tpu.memory_space<hbm>>
    %dma_wait3A_750 = arith.constant 128 : i32
    %dma_wait3A_751 = tpu.memref_slice %arg5[%add3A_743, %dma_wait3A_750] : memref<16384x845xf32, #tpu.memory_space<hbm>> -> memref<128x32xf32, #tpu.memory_space<hbm>>
    tpu.wait_dma2 semaphore(%arg17 : memref<!tpu.dma_semaphore, #tpu.memory_space<semaphore_mem>>) src(%arg8 : memref<128x32xf32, #tpu.memory_space<vmem>>) dst(%dma_wait3A_751 : memref<128x32xf32, #tpu.memory_space<hbm>>)
    %dma_start3A_752 = arith.constant 2688 : i32
    %dma_start3A_753 = tpu.memref_slice %arg6[%dma_start3A_752] : memref<13312xi32, #tpu.memory_space<vmem>> -> memref<128xi32, #tpu.memory_space<vmem>>
    %dma_start3A_754 = arith.constant 0 : i32
    %dma_start3A_755 = arith.constant 0 : i32
    %dma_start3A_756 = tpu.memref_slice %arg4[%dma_start3A_754, %dma_start3A_755] : memref<2600000x32xf32, #tpu.memory_space<hbm>> -> memref<2600000x32xf32, #tpu.memory_space<hbm>>
    tpu.enqueue_indirect_dma source(%dma_start3A_756 : memref<2600000x32xf32, #tpu.memory_space<hbm>>) target(%arg8 : memref<128x32xf32, #tpu.memory_space<vmem>>) offsets(%dma_start3A_753 : memref<128xi32, #tpu.memory_space<vmem>>) semaphore(%arg13 : memref<!tpu.dma_semaphore, #tpu.memory_space<semaphore_mem>>)
    %dma_wait3A_757 = arith.constant 2304 : i32
    %dma_wait3A_758 = tpu.memref_slice %arg6[%dma_wait3A_757] : memref<13312xi32, #tpu.memory_space<vmem>> -> memref<128xi32, #tpu.memory_space<vmem>>
    %dma_wait3A_759 = arith.constant 0 : i32
    %dma_wait3A_760 = arith.constant 0 : i32
    %dma_wait3A_761 = tpu.memref_slice %arg4[%dma_wait3A_759, %dma_wait3A_760] : memref<2600000x32xf32, #tpu.memory_space<hbm>> -> memref<2600000x32xf32, #tpu.memory_space<hbm>>
    tpu.wait_indirect_dma semaphore(%arg14 : memref<!tpu.dma_semaphore, #tpu.memory_space<semaphore_mem>>) src(%dma_wait3A_761 : memref<2600000x32xf32, #tpu.memory_space<hbm>>) dst(%arg9 : memref<128x32xf32, #tpu.memory_space<vmem>>)
    %add3A_762 = arith.constant 256 : i32
    %add3A_763 = arith.addi %multiple_of3A, %add3A_762 : i32
    %dma_start3A_764 = arith.constant 128 : i32
    %dma_start3A_765 = tpu.memref_slice %arg5[%add3A_763, %dma_start3A_764] : memref<16384x845xf32, #tpu.memory_space<hbm>> -> memref<128x32xf32, #tpu.memory_space<hbm>>
    %dma_start3A_766 = arith.constant 128 : i32
    %dma_start3A_767 = tpu.memref_slice %arg5[%add3A_763, %dma_start3A_766] : memref<16384x845xf32, #tpu.memory_space<hbm>> -> memref<128x32xf32, #tpu.memory_space<hbm>>
    tpu.enqueue_dma source(%arg9 : memref<128x32xf32, #tpu.memory_space<vmem>>) target(%dma_start3A_767 : memref<128x32xf32, #tpu.memory_space<hbm>>) target_semaphore(%arg18 : memref<!tpu.dma_semaphore, #tpu.memory_space<semaphore_mem>>)
    %dma_wait3A_768 = arith.constant 128 : i32
    %dma_wait3A_769 = tpu.memref_slice %arg5[%add3A_763, %dma_wait3A_768] : memref<16384x845xf32, #tpu.memory_space<hbm>> -> memref<128x32xf32, #tpu.memory_space<hbm>>
    %dma_wait3A_770 = arith.constant 128 : i32
    %dma_wait3A_771 = tpu.memref_slice %arg5[%add3A_763, %dma_wait3A_770] : memref<16384x845xf32, #tpu.memory_space<hbm>> -> memref<128x32xf32, #tpu.memory_space<hbm>>
    tpu.wait_dma2 semaphore(%arg18 : memref<!tpu.dma_semaphore, #tpu.memory_space<semaphore_mem>>) src(%arg9 : memref<128x32xf32, #tpu.memory_space<vmem>>) dst(%dma_wait3A_771 : memref<128x32xf32, #tpu.memory_space<hbm>>)
    %dma_start3A_772 = arith.constant 2816 : i32
    %dma_start3A_773 = tpu.memref_slice %arg6[%dma_start3A_772] : memref<13312xi32, #tpu.memory_space<vmem>> -> memref<128xi32, #tpu.memory_space<vmem>>
    %dma_start3A_774 = arith.constant 0 : i32
    %dma_start3A_775 = arith.constant 0 : i32
    %dma_start3A_776 = tpu.memref_slice %arg4[%dma_start3A_774, %dma_start3A_775] : memref<2600000x32xf32, #tpu.memory_space<hbm>> -> memref<2600000x32xf32, #tpu.memory_space<hbm>>
    tpu.enqueue_indirect_dma source(%dma_start3A_776 : memref<2600000x32xf32, #tpu.memory_space<hbm>>) target(%arg9 : memref<128x32xf32, #tpu.memory_space<vmem>>) offsets(%dma_start3A_773 : memref<128xi32, #tpu.memory_space<vmem>>) semaphore(%arg14 : memref<!tpu.dma_semaphore, #tpu.memory_space<semaphore_mem>>)
    %dma_wait3A_777 = arith.constant 2432 : i32
    %dma_wait3A_778 = tpu.memref_slice %arg6[%dma_wait3A_777] : memref<13312xi32, #tpu.memory_space<vmem>> -> memref<128xi32, #tpu.memory_space<vmem>>
    %dma_wait3A_779 = arith.constant 0 : i32
    %dma_wait3A_780 = arith.constant 0 : i32
    %dma_wait3A_781 = tpu.memref_slice %arg4[%dma_wait3A_779, %dma_wait3A_780] : memref<2600000x32xf32, #tpu.memory_space<hbm>> -> memref<2600000x32xf32, #tpu.memory_space<hbm>>
    tpu.wait_indirect_dma semaphore(%arg15 : memref<!tpu.dma_semaphore, #tpu.memory_space<semaphore_mem>>) src(%dma_wait3A_781 : memref<2600000x32xf32, #tpu.memory_space<hbm>>) dst(%arg10 : memref<128x32xf32, #tpu.memory_space<vmem>>)
    %add3A_782 = arith.constant 384 : i32
    %add3A_783 = arith.addi %multiple_of3A, %add3A_782 : i32
    %dma_start3A_784 = arith.constant 128 : i32
    %dma_start3A_785 = tpu.memref_slice %arg5[%add3A_783, %dma_start3A_784] : memref<16384x845xf32, #tpu.memory_space<hbm>> -> memref<128x32xf32, #tpu.memory_space<hbm>>
    %dma_start3A_786 = arith.constant 128 : i32
    %dma_start3A_787 = tpu.memref_slice %arg5[%add3A_783, %dma_start3A_786] : memref<16384x845xf32, #tpu.memory_space<hbm>> -> memref<128x32xf32, #tpu.memory_space<hbm>>
    tpu.enqueue_dma source(%arg10 : memref<128x32xf32, #tpu.memory_space<vmem>>) target(%dma_start3A_787 : memref<128x32xf32, #tpu.memory_space<hbm>>) target_semaphore(%arg19 : memref<!tpu.dma_semaphore, #tpu.memory_space<semaphore_mem>>)
    %dma_wait3A_788 = arith.constant 128 : i32
    %dma_wait3A_789 = tpu.memref_slice %arg5[%add3A_783, %dma_wait3A_788] : memref<16384x845xf32, #tpu.memory_space<hbm>> -> memref<128x32xf32, #tpu.memory_space<hbm>>
    %dma_wait3A_790 = arith.constant 128 : i32
    %dma_wait3A_791 = tpu.memref_slice %arg5[%add3A_783, %dma_wait3A_790] : memref<16384x845xf32, #tpu.memory_space<hbm>> -> memref<128x32xf32, #tpu.memory_space<hbm>>
    tpu.wait_dma2 semaphore(%arg19 : memref<!tpu.dma_semaphore, #tpu.memory_space<semaphore_mem>>) src(%arg10 : memref<128x32xf32, #tpu.memory_space<vmem>>) dst(%dma_wait3A_791 : memref<128x32xf32, #tpu.memory_space<hbm>>)
    %dma_start3A_792 = arith.constant 2944 : i32
    %dma_start3A_793 = tpu.memref_slice %arg6[%dma_start3A_792] : memref<13312xi32, #tpu.memory_space<vmem>> -> memref<128xi32, #tpu.memory_space<vmem>>
    %dma_start3A_794 = arith.constant 0 : i32
    %dma_start3A_795 = arith.constant 0 : i32
    %dma_start3A_796 = tpu.memref_slice %arg4[%dma_start3A_794, %dma_start3A_795] : memref<2600000x32xf32, #tpu.memory_space<hbm>> -> memref<2600000x32xf32, #tpu.memory_space<hbm>>
    tpu.enqueue_indirect_dma source(%dma_start3A_796 : memref<2600000x32xf32, #tpu.memory_space<hbm>>) target(%arg10 : memref<128x32xf32, #tpu.memory_space<vmem>>) offsets(%dma_start3A_793 : memref<128xi32, #tpu.memory_space<vmem>>) semaphore(%arg15 : memref<!tpu.dma_semaphore, #tpu.memory_space<semaphore_mem>>)
    %dma_wait3A_797 = arith.constant 2560 : i32
    %dma_wait3A_798 = tpu.memref_slice %arg6[%dma_wait3A_797] : memref<13312xi32, #tpu.memory_space<vmem>> -> memref<128xi32, #tpu.memory_space<vmem>>
    %dma_wait3A_799 = arith.constant 0 : i32
    %dma_wait3A_800 = arith.constant 0 : i32
    %dma_wait3A_801 = tpu.memref_slice %arg4[%dma_wait3A_799, %dma_wait3A_800] : memref<2600000x32xf32, #tpu.memory_space<hbm>> -> memref<2600000x32xf32, #tpu.memory_space<hbm>>
    tpu.wait_indirect_dma semaphore(%arg12 : memref<!tpu.dma_semaphore, #tpu.memory_space<semaphore_mem>>) src(%dma_wait3A_801 : memref<2600000x32xf32, #tpu.memory_space<hbm>>) dst(%arg7 : memref<128x32xf32, #tpu.memory_space<vmem>>)
    %add3A_802 = arith.constant 0 : i32
    %add3A_803 = arith.addi %multiple_of3A, %add3A_802 : i32
    %dma_start3A_804 = arith.constant 160 : i32
    %dma_start3A_805 = tpu.memref_slice %arg5[%add3A_803, %dma_start3A_804] : memref<16384x845xf32, #tpu.memory_space<hbm>> -> memref<128x32xf32, #tpu.memory_space<hbm>>
    %dma_start3A_806 = arith.constant 160 : i32
    %dma_start3A_807 = tpu.memref_slice %arg5[%add3A_803, %dma_start3A_806] : memref<16384x845xf32, #tpu.memory_space<hbm>> -> memref<128x32xf32, #tpu.memory_space<hbm>>
    tpu.enqueue_dma source(%arg7 : memref<128x32xf32, #tpu.memory_space<vmem>>) target(%dma_start3A_807 : memref<128x32xf32, #tpu.memory_space<hbm>>) target_semaphore(%arg16 : memref<!tpu.dma_semaphore, #tpu.memory_space<semaphore_mem>>)
    %dma_wait3A_808 = arith.constant 160 : i32
    %dma_wait3A_809 = tpu.memref_slice %arg5[%add3A_803, %dma_wait3A_808] : memref<16384x845xf32, #tpu.memory_space<hbm>> -> memref<128x32xf32, #tpu.memory_space<hbm>>
    %dma_wait3A_810 = arith.constant 160 : i32
    %dma_wait3A_811 = tpu.memref_slice %arg5[%add3A_803, %dma_wait3A_810] : memref<16384x845xf32, #tpu.memory_space<hbm>> -> memref<128x32xf32, #tpu.memory_space<hbm>>
    tpu.wait_dma2 semaphore(%arg16 : memref<!tpu.dma_semaphore, #tpu.memory_space<semaphore_mem>>) src(%arg7 : memref<128x32xf32, #tpu.memory_space<vmem>>) dst(%dma_wait3A_811 : memref<128x32xf32, #tpu.memory_space<hbm>>)
    %dma_start3A_812 = arith.constant 3072 : i32
    %dma_start3A_813 = tpu.memref_slice %arg6[%dma_start3A_812] : memref<13312xi32, #tpu.memory_space<vmem>> -> memref<128xi32, #tpu.memory_space<vmem>>
    %dma_start3A_814 = arith.constant 0 : i32
    %dma_start3A_815 = arith.constant 0 : i32
    %dma_start3A_816 = tpu.memref_slice %arg4[%dma_start3A_814, %dma_start3A_815] : memref<2600000x32xf32, #tpu.memory_space<hbm>> -> memref<2600000x32xf32, #tpu.memory_space<hbm>>
    tpu.enqueue_indirect_dma source(%dma_start3A_816 : memref<2600000x32xf32, #tpu.memory_space<hbm>>) target(%arg7 : memref<128x32xf32, #tpu.memory_space<vmem>>) offsets(%dma_start3A_813 : memref<128xi32, #tpu.memory_space<vmem>>) semaphore(%arg12 : memref<!tpu.dma_semaphore, #tpu.memory_space<semaphore_mem>>)
    %dma_wait3A_817 = arith.constant 2688 : i32
    %dma_wait3A_818 = tpu.memref_slice %arg6[%dma_wait3A_817] : memref<13312xi32, #tpu.memory_space<vmem>> -> memref<128xi32, #tpu.memory_space<vmem>>
    %dma_wait3A_819 = arith.constant 0 : i32
    %dma_wait3A_820 = arith.constant 0 : i32
    %dma_wait3A_821 = tpu.memref_slice %arg4[%dma_wait3A_819, %dma_wait3A_820] : memref<2600000x32xf32, #tpu.memory_space<hbm>> -> memref<2600000x32xf32, #tpu.memory_space<hbm>>
    tpu.wait_indirect_dma semaphore(%arg13 : memref<!tpu.dma_semaphore, #tpu.memory_space<semaphore_mem>>) src(%dma_wait3A_821 : memref<2600000x32xf32, #tpu.memory_space<hbm>>) dst(%arg8 : memref<128x32xf32, #tpu.memory_space<vmem>>)
    %add3A_822 = arith.constant 128 : i32
    %add3A_823 = arith.addi %multiple_of3A, %add3A_822 : i32
    %dma_start3A_824 = arith.constant 160 : i32
    %dma_start3A_825 = tpu.memref_slice %arg5[%add3A_823, %dma_start3A_824] : memref<16384x845xf32, #tpu.memory_space<hbm>> -> memref<128x32xf32, #tpu.memory_space<hbm>>
    %dma_start3A_826 = arith.constant 160 : i32
    %dma_start3A_827 = tpu.memref_slice %arg5[%add3A_823, %dma_start3A_826] : memref<16384x845xf32, #tpu.memory_space<hbm>> -> memref<128x32xf32, #tpu.memory_space<hbm>>
    tpu.enqueue_dma source(%arg8 : memref<128x32xf32, #tpu.memory_space<vmem>>) target(%dma_start3A_827 : memref<128x32xf32, #tpu.memory_space<hbm>>) target_semaphore(%arg17 : memref<!tpu.dma_semaphore, #tpu.memory_space<semaphore_mem>>)
    %dma_wait3A_828 = arith.constant 160 : i32
    %dma_wait3A_829 = tpu.memref_slice %arg5[%add3A_823, %dma_wait3A_828] : memref<16384x845xf32, #tpu.memory_space<hbm>> -> memref<128x32xf32, #tpu.memory_space<hbm>>
    %dma_wait3A_830 = arith.constant 160 : i32
    %dma_wait3A_831 = tpu.memref_slice %arg5[%add3A_823, %dma_wait3A_830] : memref<16384x845xf32, #tpu.memory_space<hbm>> -> memref<128x32xf32, #tpu.memory_space<hbm>>
    tpu.wait_dma2 semaphore(%arg17 : memref<!tpu.dma_semaphore, #tpu.memory_space<semaphore_mem>>) src(%arg8 : memref<128x32xf32, #tpu.memory_space<vmem>>) dst(%dma_wait3A_831 : memref<128x32xf32, #tpu.memory_space<hbm>>)
    %dma_start3A_832 = arith.constant 3200 : i32
    %dma_start3A_833 = tpu.memref_slice %arg6[%dma_start3A_832] : memref<13312xi32, #tpu.memory_space<vmem>> -> memref<128xi32, #tpu.memory_space<vmem>>
    %dma_start3A_834 = arith.constant 0 : i32
    %dma_start3A_835 = arith.constant 0 : i32
    %dma_start3A_836 = tpu.memref_slice %arg4[%dma_start3A_834, %dma_start3A_835] : memref<2600000x32xf32, #tpu.memory_space<hbm>> -> memref<2600000x32xf32, #tpu.memory_space<hbm>>
    tpu.enqueue_indirect_dma source(%dma_start3A_836 : memref<2600000x32xf32, #tpu.memory_space<hbm>>) target(%arg8 : memref<128x32xf32, #tpu.memory_space<vmem>>) offsets(%dma_start3A_833 : memref<128xi32, #tpu.memory_space<vmem>>) semaphore(%arg13 : memref<!tpu.dma_semaphore, #tpu.memory_space<semaphore_mem>>)
    %dma_wait3A_837 = arith.constant 2816 : i32
    %dma_wait3A_838 = tpu.memref_slice %arg6[%dma_wait3A_837] : memref<13312xi32, #tpu.memory_space<vmem>> -> memref<128xi32, #tpu.memory_space<vmem>>
    %dma_wait3A_839 = arith.constant 0 : i32
    %dma_wait3A_840 = arith.constant 0 : i32
    %dma_wait3A_841 = tpu.memref_slice %arg4[%dma_wait3A_839, %dma_wait3A_840] : memref<2600000x32xf32, #tpu.memory_space<hbm>> -> memref<2600000x32xf32, #tpu.memory_space<hbm>>
    tpu.wait_indirect_dma semaphore(%arg14 : memref<!tpu.dma_semaphore, #tpu.memory_space<semaphore_mem>>) src(%dma_wait3A_841 : memref<2600000x32xf32, #tpu.memory_space<hbm>>) dst(%arg9 : memref<128x32xf32, #tpu.memory_space<vmem>>)
    %add3A_842 = arith.constant 256 : i32
    %add3A_843 = arith.addi %multiple_of3A, %add3A_842 : i32
    %dma_start3A_844 = arith.constant 160 : i32
    %dma_start3A_845 = tpu.memref_slice %arg5[%add3A_843, %dma_start3A_844] : memref<16384x845xf32, #tpu.memory_space<hbm>> -> memref<128x32xf32, #tpu.memory_space<hbm>>
    %dma_start3A_846 = arith.constant 160 : i32
    %dma_start3A_847 = tpu.memref_slice %arg5[%add3A_843, %dma_start3A_846] : memref<16384x845xf32, #tpu.memory_space<hbm>> -> memref<128x32xf32, #tpu.memory_space<hbm>>
    tpu.enqueue_dma source(%arg9 : memref<128x32xf32, #tpu.memory_space<vmem>>) target(%dma_start3A_847 : memref<128x32xf32, #tpu.memory_space<hbm>>) target_semaphore(%arg18 : memref<!tpu.dma_semaphore, #tpu.memory_space<semaphore_mem>>)
    %dma_wait3A_848 = arith.constant 160 : i32
    %dma_wait3A_849 = tpu.memref_slice %arg5[%add3A_843, %dma_wait3A_848] : memref<16384x845xf32, #tpu.memory_space<hbm>> -> memref<128x32xf32, #tpu.memory_space<hbm>>
    %dma_wait3A_850 = arith.constant 160 : i32
    %dma_wait3A_851 = tpu.memref_slice %arg5[%add3A_843, %dma_wait3A_850] : memref<16384x845xf32, #tpu.memory_space<hbm>> -> memref<128x32xf32, #tpu.memory_space<hbm>>
    tpu.wait_dma2 semaphore(%arg18 : memref<!tpu.dma_semaphore, #tpu.memory_space<semaphore_mem>>) src(%arg9 : memref<128x32xf32, #tpu.memory_space<vmem>>) dst(%dma_wait3A_851 : memref<128x32xf32, #tpu.memory_space<hbm>>)
    %dma_start3A_852 = arith.constant 3328 : i32
    %dma_start3A_853 = tpu.memref_slice %arg6[%dma_start3A_852] : memref<13312xi32, #tpu.memory_space<vmem>> -> memref<128xi32, #tpu.memory_space<vmem>>
    %dma_start3A_854 = arith.constant 0 : i32
    %dma_start3A_855 = arith.constant 0 : i32
    %dma_start3A_856 = tpu.memref_slice %arg4[%dma_start3A_854, %dma_start3A_855] : memref<2600000x32xf32, #tpu.memory_space<hbm>> -> memref<2600000x32xf32, #tpu.memory_space<hbm>>
    tpu.enqueue_indirect_dma source(%dma_start3A_856 : memref<2600000x32xf32, #tpu.memory_space<hbm>>) target(%arg9 : memref<128x32xf32, #tpu.memory_space<vmem>>) offsets(%dma_start3A_853 : memref<128xi32, #tpu.memory_space<vmem>>) semaphore(%arg14 : memref<!tpu.dma_semaphore, #tpu.memory_space<semaphore_mem>>)
    %dma_wait3A_857 = arith.constant 2944 : i32
    %dma_wait3A_858 = tpu.memref_slice %arg6[%dma_wait3A_857] : memref<13312xi32, #tpu.memory_space<vmem>> -> memref<128xi32, #tpu.memory_space<vmem>>
    %dma_wait3A_859 = arith.constant 0 : i32
    %dma_wait3A_860 = arith.constant 0 : i32
    %dma_wait3A_861 = tpu.memref_slice %arg4[%dma_wait3A_859, %dma_wait3A_860] : memref<2600000x32xf32, #tpu.memory_space<hbm>> -> memref<2600000x32xf32, #tpu.memory_space<hbm>>
    tpu.wait_indirect_dma semaphore(%arg15 : memref<!tpu.dma_semaphore, #tpu.memory_space<semaphore_mem>>) src(%dma_wait3A_861 : memref<2600000x32xf32, #tpu.memory_space<hbm>>) dst(%arg10 : memref<128x32xf32, #tpu.memory_space<vmem>>)
    %add3A_862 = arith.constant 384 : i32
    %add3A_863 = arith.addi %multiple_of3A, %add3A_862 : i32
    %dma_start3A_864 = arith.constant 160 : i32
    %dma_start3A_865 = tpu.memref_slice %arg5[%add3A_863, %dma_start3A_864] : memref<16384x845xf32, #tpu.memory_space<hbm>> -> memref<128x32xf32, #tpu.memory_space<hbm>>
    %dma_start3A_866 = arith.constant 160 : i32
    %dma_start3A_867 = tpu.memref_slice %arg5[%add3A_863, %dma_start3A_866] : memref<16384x845xf32, #tpu.memory_space<hbm>> -> memref<128x32xf32, #tpu.memory_space<hbm>>
    tpu.enqueue_dma source(%arg10 : memref<128x32xf32, #tpu.memory_space<vmem>>) target(%dma_start3A_867 : memref<128x32xf32, #tpu.memory_space<hbm>>) target_semaphore(%arg19 : memref<!tpu.dma_semaphore, #tpu.memory_space<semaphore_mem>>)
    %dma_wait3A_868 = arith.constant 160 : i32
    %dma_wait3A_869 = tpu.memref_slice %arg5[%add3A_863, %dma_wait3A_868] : memref<16384x845xf32, #tpu.memory_space<hbm>> -> memref<128x32xf32, #tpu.memory_space<hbm>>
    %dma_wait3A_870 = arith.constant 160 : i32
    %dma_wait3A_871 = tpu.memref_slice %arg5[%add3A_863, %dma_wait3A_870] : memref<16384x845xf32, #tpu.memory_space<hbm>> -> memref<128x32xf32, #tpu.memory_space<hbm>>
    tpu.wait_dma2 semaphore(%arg19 : memref<!tpu.dma_semaphore, #tpu.memory_space<semaphore_mem>>) src(%arg10 : memref<128x32xf32, #tpu.memory_space<vmem>>) dst(%dma_wait3A_871 : memref<128x32xf32, #tpu.memory_space<hbm>>)
    %dma_start3A_872 = arith.constant 3456 : i32
    %dma_start3A_873 = tpu.memref_slice %arg6[%dma_start3A_872] : memref<13312xi32, #tpu.memory_space<vmem>> -> memref<128xi32, #tpu.memory_space<vmem>>
    %dma_start3A_874 = arith.constant 0 : i32
    %dma_start3A_875 = arith.constant 0 : i32
    %dma_start3A_876 = tpu.memref_slice %arg4[%dma_start3A_874, %dma_start3A_875] : memref<2600000x32xf32, #tpu.memory_space<hbm>> -> memref<2600000x32xf32, #tpu.memory_space<hbm>>
    tpu.enqueue_indirect_dma source(%dma_start3A_876 : memref<2600000x32xf32, #tpu.memory_space<hbm>>) target(%arg10 : memref<128x32xf32, #tpu.memory_space<vmem>>) offsets(%dma_start3A_873 : memref<128xi32, #tpu.memory_space<vmem>>) semaphore(%arg15 : memref<!tpu.dma_semaphore, #tpu.memory_space<semaphore_mem>>)
    %dma_wait3A_877 = arith.constant 3072 : i32
    %dma_wait3A_878 = tpu.memref_slice %arg6[%dma_wait3A_877] : memref<13312xi32, #tpu.memory_space<vmem>> -> memref<128xi32, #tpu.memory_space<vmem>>
    %dma_wait3A_879 = arith.constant 0 : i32
    %dma_wait3A_880 = arith.constant 0 : i32
    %dma_wait3A_881 = tpu.memref_slice %arg4[%dma_wait3A_879, %dma_wait3A_880] : memref<2600000x32xf32, #tpu.memory_space<hbm>> -> memref<2600000x32xf32, #tpu.memory_space<hbm>>
    tpu.wait_indirect_dma semaphore(%arg12 : memref<!tpu.dma_semaphore, #tpu.memory_space<semaphore_mem>>) src(%dma_wait3A_881 : memref<2600000x32xf32, #tpu.memory_space<hbm>>) dst(%arg7 : memref<128x32xf32, #tpu.memory_space<vmem>>)
    %add3A_882 = arith.constant 0 : i32
    %add3A_883 = arith.addi %multiple_of3A, %add3A_882 : i32
    %dma_start3A_884 = arith.constant 192 : i32
    %dma_start3A_885 = tpu.memref_slice %arg5[%add3A_883, %dma_start3A_884] : memref<16384x845xf32, #tpu.memory_space<hbm>> -> memref<128x32xf32, #tpu.memory_space<hbm>>
    %dma_start3A_886 = arith.constant 192 : i32
    %dma_start3A_887 = tpu.memref_slice %arg5[%add3A_883, %dma_start3A_886] : memref<16384x845xf32, #tpu.memory_space<hbm>> -> memref<128x32xf32, #tpu.memory_space<hbm>>
    tpu.enqueue_dma source(%arg7 : memref<128x32xf32, #tpu.memory_space<vmem>>) target(%dma_start3A_887 : memref<128x32xf32, #tpu.memory_space<hbm>>) target_semaphore(%arg16 : memref<!tpu.dma_semaphore, #tpu.memory_space<semaphore_mem>>)
    %dma_wait3A_888 = arith.constant 192 : i32
    %dma_wait3A_889 = tpu.memref_slice %arg5[%add3A_883, %dma_wait3A_888] : memref<16384x845xf32, #tpu.memory_space<hbm>> -> memref<128x32xf32, #tpu.memory_space<hbm>>
    %dma_wait3A_890 = arith.constant 192 : i32
    %dma_wait3A_891 = tpu.memref_slice %arg5[%add3A_883, %dma_wait3A_890] : memref<16384x845xf32, #tpu.memory_space<hbm>> -> memref<128x32xf32, #tpu.memory_space<hbm>>
    tpu.wait_dma2 semaphore(%arg16 : memref<!tpu.dma_semaphore, #tpu.memory_space<semaphore_mem>>) src(%arg7 : memref<128x32xf32, #tpu.memory_space<vmem>>) dst(%dma_wait3A_891 : memref<128x32xf32, #tpu.memory_space<hbm>>)
    %dma_start3A_892 = arith.constant 3584 : i32
    %dma_start3A_893 = tpu.memref_slice %arg6[%dma_start3A_892] : memref<13312xi32, #tpu.memory_space<vmem>> -> memref<128xi32, #tpu.memory_space<vmem>>
    %dma_start3A_894 = arith.constant 0 : i32
    %dma_start3A_895 = arith.constant 0 : i32
    %dma_start3A_896 = tpu.memref_slice %arg4[%dma_start3A_894, %dma_start3A_895] : memref<2600000x32xf32, #tpu.memory_space<hbm>> -> memref<2600000x32xf32, #tpu.memory_space<hbm>>
    tpu.enqueue_indirect_dma source(%dma_start3A_896 : memref<2600000x32xf32, #tpu.memory_space<hbm>>) target(%arg7 : memref<128x32xf32, #tpu.memory_space<vmem>>) offsets(%dma_start3A_893 : memref<128xi32, #tpu.memory_space<vmem>>) semaphore(%arg12 : memref<!tpu.dma_semaphore, #tpu.memory_space<semaphore_mem>>)
    %dma_wait3A_897 = arith.constant 3200 : i32
    %dma_wait3A_898 = tpu.memref_slice %arg6[%dma_wait3A_897] : memref<13312xi32, #tpu.memory_space<vmem>> -> memref<128xi32, #tpu.memory_space<vmem>>
    %dma_wait3A_899 = arith.constant 0 : i32
    %dma_wait3A_900 = arith.constant 0 : i32
    %dma_wait3A_901 = tpu.memref_slice %arg4[%dma_wait3A_899, %dma_wait3A_900] : memref<2600000x32xf32, #tpu.memory_space<hbm>> -> memref<2600000x32xf32, #tpu.memory_space<hbm>>
    tpu.wait_indirect_dma semaphore(%arg13 : memref<!tpu.dma_semaphore, #tpu.memory_space<semaphore_mem>>) src(%dma_wait3A_901 : memref<2600000x32xf32, #tpu.memory_space<hbm>>) dst(%arg8 : memref<128x32xf32, #tpu.memory_space<vmem>>)
    %add3A_902 = arith.constant 128 : i32
    %add3A_903 = arith.addi %multiple_of3A, %add3A_902 : i32
    %dma_start3A_904 = arith.constant 192 : i32
    %dma_start3A_905 = tpu.memref_slice %arg5[%add3A_903, %dma_start3A_904] : memref<16384x845xf32, #tpu.memory_space<hbm>> -> memref<128x32xf32, #tpu.memory_space<hbm>>
    %dma_start3A_906 = arith.constant 192 : i32
    %dma_start3A_907 = tpu.memref_slice %arg5[%add3A_903, %dma_start3A_906] : memref<16384x845xf32, #tpu.memory_space<hbm>> -> memref<128x32xf32, #tpu.memory_space<hbm>>
    tpu.enqueue_dma source(%arg8 : memref<128x32xf32, #tpu.memory_space<vmem>>) target(%dma_start3A_907 : memref<128x32xf32, #tpu.memory_space<hbm>>) target_semaphore(%arg17 : memref<!tpu.dma_semaphore, #tpu.memory_space<semaphore_mem>>)
    %dma_wait3A_908 = arith.constant 192 : i32
    %dma_wait3A_909 = tpu.memref_slice %arg5[%add3A_903, %dma_wait3A_908] : memref<16384x845xf32, #tpu.memory_space<hbm>> -> memref<128x32xf32, #tpu.memory_space<hbm>>
    %dma_wait3A_910 = arith.constant 192 : i32
    %dma_wait3A_911 = tpu.memref_slice %arg5[%add3A_903, %dma_wait3A_910] : memref<16384x845xf32, #tpu.memory_space<hbm>> -> memref<128x32xf32, #tpu.memory_space<hbm>>
    tpu.wait_dma2 semaphore(%arg17 : memref<!tpu.dma_semaphore, #tpu.memory_space<semaphore_mem>>) src(%arg8 : memref<128x32xf32, #tpu.memory_space<vmem>>) dst(%dma_wait3A_911 : memref<128x32xf32, #tpu.memory_space<hbm>>)
    %dma_start3A_912 = arith.constant 3712 : i32
    %dma_start3A_913 = tpu.memref_slice %arg6[%dma_start3A_912] : memref<13312xi32, #tpu.memory_space<vmem>> -> memref<128xi32, #tpu.memory_space<vmem>>
    %dma_start3A_914 = arith.constant 0 : i32
    %dma_start3A_915 = arith.constant 0 : i32
    %dma_start3A_916 = tpu.memref_slice %arg4[%dma_start3A_914, %dma_start3A_915] : memref<2600000x32xf32, #tpu.memory_space<hbm>> -> memref<2600000x32xf32, #tpu.memory_space<hbm>>
    tpu.enqueue_indirect_dma source(%dma_start3A_916 : memref<2600000x32xf32, #tpu.memory_space<hbm>>) target(%arg8 : memref<128x32xf32, #tpu.memory_space<vmem>>) offsets(%dma_start3A_913 : memref<128xi32, #tpu.memory_space<vmem>>) semaphore(%arg13 : memref<!tpu.dma_semaphore, #tpu.memory_space<semaphore_mem>>)
    %dma_wait3A_917 = arith.constant 3328 : i32
    %dma_wait3A_918 = tpu.memref_slice %arg6[%dma_wait3A_917] : memref<13312xi32, #tpu.memory_space<vmem>> -> memref<128xi32, #tpu.memory_space<vmem>>
    %dma_wait3A_919 = arith.constant 0 : i32
    %dma_wait3A_920 = arith.constant 0 : i32
    %dma_wait3A_921 = tpu.memref_slice %arg4[%dma_wait3A_919, %dma_wait3A_920] : memref<2600000x32xf32, #tpu.memory_space<hbm>> -> memref<2600000x32xf32, #tpu.memory_space<hbm>>
    tpu.wait_indirect_dma semaphore(%arg14 : memref<!tpu.dma_semaphore, #tpu.memory_space<semaphore_mem>>) src(%dma_wait3A_921 : memref<2600000x32xf32, #tpu.memory_space<hbm>>) dst(%arg9 : memref<128x32xf32, #tpu.memory_space<vmem>>)
    %add3A_922 = arith.constant 256 : i32
    %add3A_923 = arith.addi %multiple_of3A, %add3A_922 : i32
    %dma_start3A_924 = arith.constant 192 : i32
    %dma_start3A_925 = tpu.memref_slice %arg5[%add3A_923, %dma_start3A_924] : memref<16384x845xf32, #tpu.memory_space<hbm>> -> memref<128x32xf32, #tpu.memory_space<hbm>>
    %dma_start3A_926 = arith.constant 192 : i32
    %dma_start3A_927 = tpu.memref_slice %arg5[%add3A_923, %dma_start3A_926] : memref<16384x845xf32, #tpu.memory_space<hbm>> -> memref<128x32xf32, #tpu.memory_space<hbm>>
    tpu.enqueue_dma source(%arg9 : memref<128x32xf32, #tpu.memory_space<vmem>>) target(%dma_start3A_927 : memref<128x32xf32, #tpu.memory_space<hbm>>) target_semaphore(%arg18 : memref<!tpu.dma_semaphore, #tpu.memory_space<semaphore_mem>>)
    %dma_wait3A_928 = arith.constant 192 : i32
    %dma_wait3A_929 = tpu.memref_slice %arg5[%add3A_923, %dma_wait3A_928] : memref<16384x845xf32, #tpu.memory_space<hbm>> -> memref<128x32xf32, #tpu.memory_space<hbm>>
    %dma_wait3A_930 = arith.constant 192 : i32
    %dma_wait3A_931 = tpu.memref_slice %arg5[%add3A_923, %dma_wait3A_930] : memref<16384x845xf32, #tpu.memory_space<hbm>> -> memref<128x32xf32, #tpu.memory_space<hbm>>
    tpu.wait_dma2 semaphore(%arg18 : memref<!tpu.dma_semaphore, #tpu.memory_space<semaphore_mem>>) src(%arg9 : memref<128x32xf32, #tpu.memory_space<vmem>>) dst(%dma_wait3A_931 : memref<128x32xf32, #tpu.memory_space<hbm>>)
    %dma_start3A_932 = arith.constant 3840 : i32
    %dma_start3A_933 = tpu.memref_slice %arg6[%dma_start3A_932] : memref<13312xi32, #tpu.memory_space<vmem>> -> memref<128xi32, #tpu.memory_space<vmem>>
    %dma_start3A_934 = arith.constant 0 : i32
    %dma_start3A_935 = arith.constant 0 : i32
    %dma_start3A_936 = tpu.memref_slice %arg4[%dma_start3A_934, %dma_start3A_935] : memref<2600000x32xf32, #tpu.memory_space<hbm>> -> memref<2600000x32xf32, #tpu.memory_space<hbm>>
    tpu.enqueue_indirect_dma source(%dma_start3A_936 : memref<2600000x32xf32, #tpu.memory_space<hbm>>) target(%arg9 : memref<128x32xf32, #tpu.memory_space<vmem>>) offsets(%dma_start3A_933 : memref<128xi32, #tpu.memory_space<vmem>>) semaphore(%arg14 : memref<!tpu.dma_semaphore, #tpu.memory_space<semaphore_mem>>)
    %dma_wait3A_937 = arith.constant 3456 : i32
    %dma_wait3A_938 = tpu.memref_slice %arg6[%dma_wait3A_937] : memref<13312xi32, #tpu.memory_space<vmem>> -> memref<128xi32, #tpu.memory_space<vmem>>
    %dma_wait3A_939 = arith.constant 0 : i32
    %dma_wait3A_940 = arith.constant 0 : i32
    %dma_wait3A_941 = tpu.memref_slice %arg4[%dma_wait3A_939, %dma_wait3A_940] : memref<2600000x32xf32, #tpu.memory_space<hbm>> -> memref<2600000x32xf32, #tpu.memory_space<hbm>>
    tpu.wait_indirect_dma semaphore(%arg15 : memref<!tpu.dma_semaphore, #tpu.memory_space<semaphore_mem>>) src(%dma_wait3A_941 : memref<2600000x32xf32, #tpu.memory_space<hbm>>) dst(%arg10 : memref<128x32xf32, #tpu.memory_space<vmem>>)
    %add3A_942 = arith.constant 384 : i32
    %add3A_943 = arith.addi %multiple_of3A, %add3A_942 : i32
    %dma_start3A_944 = arith.constant 192 : i32
    %dma_start3A_945 = tpu.memref_slice %arg5[%add3A_943, %dma_start3A_944] : memref<16384x845xf32, #tpu.memory_space<hbm>> -> memref<128x32xf32, #tpu.memory_space<hbm>>
    %dma_start3A_946 = arith.constant 192 : i32
    %dma_start3A_947 = tpu.memref_slice %arg5[%add3A_943, %dma_start3A_946] : memref<16384x845xf32, #tpu.memory_space<hbm>> -> memref<128x32xf32, #tpu.memory_space<hbm>>
    tpu.enqueue_dma source(%arg10 : memref<128x32xf32, #tpu.memory_space<vmem>>) target(%dma_start3A_947 : memref<128x32xf32, #tpu.memory_space<hbm>>) target_semaphore(%arg19 : memref<!tpu.dma_semaphore, #tpu.memory_space<semaphore_mem>>)
    %dma_wait3A_948 = arith.constant 192 : i32
    %dma_wait3A_949 = tpu.memref_slice %arg5[%add3A_943, %dma_wait3A_948] : memref<16384x845xf32, #tpu.memory_space<hbm>> -> memref<128x32xf32, #tpu.memory_space<hbm>>
    %dma_wait3A_950 = arith.constant 192 : i32
    %dma_wait3A_951 = tpu.memref_slice %arg5[%add3A_943, %dma_wait3A_950] : memref<16384x845xf32, #tpu.memory_space<hbm>> -> memref<128x32xf32, #tpu.memory_space<hbm>>
    tpu.wait_dma2 semaphore(%arg19 : memref<!tpu.dma_semaphore, #tpu.memory_space<semaphore_mem>>) src(%arg10 : memref<128x32xf32, #tpu.memory_space<vmem>>) dst(%dma_wait3A_951 : memref<128x32xf32, #tpu.memory_space<hbm>>)
    %dma_start3A_952 = arith.constant 3968 : i32
    %dma_start3A_953 = tpu.memref_slice %arg6[%dma_start3A_952] : memref<13312xi32, #tpu.memory_space<vmem>> -> memref<128xi32, #tpu.memory_space<vmem>>
    %dma_start3A_954 = arith.constant 0 : i32
    %dma_start3A_955 = arith.constant 0 : i32
    %dma_start3A_956 = tpu.memref_slice %arg4[%dma_start3A_954, %dma_start3A_955] : memref<2600000x32xf32, #tpu.memory_space<hbm>> -> memref<2600000x32xf32, #tpu.memory_space<hbm>>
    tpu.enqueue_indirect_dma source(%dma_start3A_956 : memref<2600000x32xf32, #tpu.memory_space<hbm>>) target(%arg10 : memref<128x32xf32, #tpu.memory_space<vmem>>) offsets(%dma_start3A_953 : memref<128xi32, #tpu.memory_space<vmem>>) semaphore(%arg15 : memref<!tpu.dma_semaphore, #tpu.memory_space<semaphore_mem>>)
    %dma_wait3A_957 = arith.constant 3584 : i32
    %dma_wait3A_958 = tpu.memref_slice %arg6[%dma_wait3A_957] : memref<13312xi32, #tpu.memory_space<vmem>> -> memref<128xi32, #tpu.memory_space<vmem>>
    %dma_wait3A_959 = arith.constant 0 : i32
    %dma_wait3A_960 = arith.constant 0 : i32
    %dma_wait3A_961 = tpu.memref_slice %arg4[%dma_wait3A_959, %dma_wait3A_960] : memref<2600000x32xf32, #tpu.memory_space<hbm>> -> memref<2600000x32xf32, #tpu.memory_space<hbm>>
    tpu.wait_indirect_dma semaphore(%arg12 : memref<!tpu.dma_semaphore, #tpu.memory_space<semaphore_mem>>) src(%dma_wait3A_961 : memref<2600000x32xf32, #tpu.memory_space<hbm>>) dst(%arg7 : memref<128x32xf32, #tpu.memory_space<vmem>>)
    %add3A_962 = arith.constant 0 : i32
    %add3A_963 = arith.addi %multiple_of3A, %add3A_962 : i32
    %dma_start3A_964 = arith.constant 224 : i32
    %dma_start3A_965 = tpu.memref_slice %arg5[%add3A_963, %dma_start3A_964] : memref<16384x845xf32, #tpu.memory_space<hbm>> -> memref<128x32xf32, #tpu.memory_space<hbm>>
    %dma_start3A_966 = arith.constant 224 : i32
    %dma_start3A_967 = tpu.memref_slice %arg5[%add3A_963, %dma_start3A_966] : memref<16384x845xf32, #tpu.memory_space<hbm>> -> memref<128x32xf32, #tpu.memory_space<hbm>>
    tpu.enqueue_dma source(%arg7 : memref<128x32xf32, #tpu.memory_space<vmem>>) target(%dma_start3A_967 : memref<128x32xf32, #tpu.memory_space<hbm>>) target_semaphore(%arg16 : memref<!tpu.dma_semaphore, #tpu.memory_space<semaphore_mem>>)
    %dma_wait3A_968 = arith.constant 224 : i32
    %dma_wait3A_969 = tpu.memref_slice %arg5[%add3A_963, %dma_wait3A_968] : memref<16384x845xf32, #tpu.memory_space<hbm>> -> memref<128x32xf32, #tpu.memory_space<hbm>>
    %dma_wait3A_970 = arith.constant 224 : i32
    %dma_wait3A_971 = tpu.memref_slice %arg5[%add3A_963, %dma_wait3A_970] : memref<16384x845xf32, #tpu.memory_space<hbm>> -> memref<128x32xf32, #tpu.memory_space<hbm>>
    tpu.wait_dma2 semaphore(%arg16 : memref<!tpu.dma_semaphore, #tpu.memory_space<semaphore_mem>>) src(%arg7 : memref<128x32xf32, #tpu.memory_space<vmem>>) dst(%dma_wait3A_971 : memref<128x32xf32, #tpu.memory_space<hbm>>)
    %dma_start3A_972 = arith.constant 4096 : i32
    %dma_start3A_973 = tpu.memref_slice %arg6[%dma_start3A_972] : memref<13312xi32, #tpu.memory_space<vmem>> -> memref<128xi32, #tpu.memory_space<vmem>>
    %dma_start3A_974 = arith.constant 0 : i32
    %dma_start3A_975 = arith.constant 0 : i32
    %dma_start3A_976 = tpu.memref_slice %arg4[%dma_start3A_974, %dma_start3A_975] : memref<2600000x32xf32, #tpu.memory_space<hbm>> -> memref<2600000x32xf32, #tpu.memory_space<hbm>>
    tpu.enqueue_indirect_dma source(%dma_start3A_976 : memref<2600000x32xf32, #tpu.memory_space<hbm>>) target(%arg7 : memref<128x32xf32, #tpu.memory_space<vmem>>) offsets(%dma_start3A_973 : memref<128xi32, #tpu.memory_space<vmem>>) semaphore(%arg12 : memref<!tpu.dma_semaphore, #tpu.memory_space<semaphore_mem>>)
    %dma_wait3A_977 = arith.constant 3712 : i32
    %dma_wait3A_978 = tpu.memref_slice %arg6[%dma_wait3A_977] : memref<13312xi32, #tpu.memory_space<vmem>> -> memref<128xi32, #tpu.memory_space<vmem>>
    %dma_wait3A_979 = arith.constant 0 : i32
    %dma_wait3A_980 = arith.constant 0 : i32
    %dma_wait3A_981 = tpu.memref_slice %arg4[%dma_wait3A_979, %dma_wait3A_980] : memref<2600000x32xf32, #tpu.memory_space<hbm>> -> memref<2600000x32xf32, #tpu.memory_space<hbm>>
    tpu.wait_indirect_dma semaphore(%arg13 : memref<!tpu.dma_semaphore, #tpu.memory_space<semaphore_mem>>) src(%dma_wait3A_981 : memref<2600000x32xf32, #tpu.memory_space<hbm>>) dst(%arg8 : memref<128x32xf32, #tpu.memory_space<vmem>>)
    %add3A_982 = arith.constant 128 : i32
    %add3A_983 = arith.addi %multiple_of3A, %add3A_982 : i32
    %dma_start3A_984 = arith.constant 224 : i32
    %dma_start3A_985 = tpu.memref_slice %arg5[%add3A_983, %dma_start3A_984] : memref<16384x845xf32, #tpu.memory_space<hbm>> -> memref<128x32xf32, #tpu.memory_space<hbm>>
    %dma_start3A_986 = arith.constant 224 : i32
    %dma_start3A_987 = tpu.memref_slice %arg5[%add3A_983, %dma_start3A_986] : memref<16384x845xf32, #tpu.memory_space<hbm>> -> memref<128x32xf32, #tpu.memory_space<hbm>>
    tpu.enqueue_dma source(%arg8 : memref<128x32xf32, #tpu.memory_space<vmem>>) target(%dma_start3A_987 : memref<128x32xf32, #tpu.memory_space<hbm>>) target_semaphore(%arg17 : memref<!tpu.dma_semaphore, #tpu.memory_space<semaphore_mem>>)
    %dma_wait3A_988 = arith.constant 224 : i32
    %dma_wait3A_989 = tpu.memref_slice %arg5[%add3A_983, %dma_wait3A_988] : memref<16384x845xf32, #tpu.memory_space<hbm>> -> memref<128x32xf32, #tpu.memory_space<hbm>>
    %dma_wait3A_990 = arith.constant 224 : i32
    %dma_wait3A_991 = tpu.memref_slice %arg5[%add3A_983, %dma_wait3A_990] : memref<16384x845xf32, #tpu.memory_space<hbm>> -> memref<128x32xf32, #tpu.memory_space<hbm>>
    tpu.wait_dma2 semaphore(%arg17 : memref<!tpu.dma_semaphore, #tpu.memory_space<semaphore_mem>>) src(%arg8 : memref<128x32xf32, #tpu.memory_space<vmem>>) dst(%dma_wait3A_991 : memref<128x32xf32, #tpu.memory_space<hbm>>)
    %dma_start3A_992 = arith.constant 4224 : i32
    %dma_start3A_993 = tpu.memref_slice %arg6[%dma_start3A_992] : memref<13312xi32, #tpu.memory_space<vmem>> -> memref<128xi32, #tpu.memory_space<vmem>>
    %dma_start3A_994 = arith.constant 0 : i32
    %dma_start3A_995 = arith.constant 0 : i32
    %dma_start3A_996 = tpu.memref_slice %arg4[%dma_start3A_994, %dma_start3A_995] : memref<2600000x32xf32, #tpu.memory_space<hbm>> -> memref<2600000x32xf32, #tpu.memory_space<hbm>>
    tpu.enqueue_indirect_dma source(%dma_start3A_996 : memref<2600000x32xf32, #tpu.memory_space<hbm>>) target(%arg8 : memref<128x32xf32, #tpu.memory_space<vmem>>) offsets(%dma_start3A_993 : memref<128xi32, #tpu.memory_space<vmem>>) semaphore(%arg13 : memref<!tpu.dma_semaphore, #tpu.memory_space<semaphore_mem>>)
    %dma_wait3A_997 = arith.constant 3840 : i32
    %dma_wait3A_998 = tpu.memref_slice %arg6[%dma_wait3A_997] : memref<13312xi32, #tpu.memory_space<vmem>> -> memref<128xi32, #tpu.memory_space<vmem>>
    %dma_wait3A_999 = arith.constant 0 : i32
    %dma_wait3A_1000 = arith.constant 0 : i32
    %dma_wait3A_1001 = tpu.memref_slice %arg4[%dma_wait3A_999, %dma_wait3A_1000] : memref<2600000x32xf32, #tpu.memory_space<hbm>> -> memref<2600000x32xf32, #tpu.memory_space<hbm>>
    tpu.wait_indirect_dma semaphore(%arg14 : memref<!tpu.dma_semaphore, #tpu.memory_space<semaphore_mem>>) src(%dma_wait3A_1001 : memref<2600000x32xf32, #tpu.memory_space<hbm>>) dst(%arg9 : memref<128x32xf32, #tpu.memory_space<vmem>>)
    %add3A_1002 = arith.constant 256 : i32
    %add3A_1003 = arith.addi %multiple_of3A, %add3A_1002 : i32
    %dma_start3A_1004 = arith.constant 224 : i32
    %dma_start3A_1005 = tpu.memref_slice %arg5[%add3A_1003, %dma_start3A_1004] : memref<16384x845xf32, #tpu.memory_space<hbm>> -> memref<128x32xf32, #tpu.memory_space<hbm>>
    %dma_start3A_1006 = arith.constant 224 : i32
    %dma_start3A_1007 = tpu.memref_slice %arg5[%add3A_1003, %dma_start3A_1006] : memref<16384x845xf32, #tpu.memory_space<hbm>> -> memref<128x32xf32, #tpu.memory_space<hbm>>
    tpu.enqueue_dma source(%arg9 : memref<128x32xf32, #tpu.memory_space<vmem>>) target(%dma_start3A_1007 : memref<128x32xf32, #tpu.memory_space<hbm>>) target_semaphore(%arg18 : memref<!tpu.dma_semaphore, #tpu.memory_space<semaphore_mem>>)
    %dma_wait3A_1008 = arith.constant 224 : i32
    %dma_wait3A_1009 = tpu.memref_slice %arg5[%add3A_1003, %dma_wait3A_1008] : memref<16384x845xf32, #tpu.memory_space<hbm>> -> memref<128x32xf32, #tpu.memory_space<hbm>>
    %dma_wait3A_1010 = arith.constant 224 : i32
    %dma_wait3A_1011 = tpu.memref_slice %arg5[%add3A_1003, %dma_wait3A_1010] : memref<16384x845xf32, #tpu.memory_space<hbm>> -> memref<128x32xf32, #tpu.memory_space<hbm>>
    tpu.wait_dma2 semaphore(%arg18 : memref<!tpu.dma_semaphore, #tpu.memory_space<semaphore_mem>>) src(%arg9 : memref<128x32xf32, #tpu.memory_space<vmem>>) dst(%dma_wait3A_1011 : memref<128x32xf32, #tpu.memory_space<hbm>>)
    %dma_start3A_1012 = arith.constant 4352 : i32
    %dma_start3A_1013 = tpu.memref_slice %arg6[%dma_start3A_1012] : memref<13312xi32, #tpu.memory_space<vmem>> -> memref<128xi32, #tpu.memory_space<vmem>>
    %dma_start3A_1014 = arith.constant 0 : i32
    %dma_start3A_1015 = arith.constant 0 : i32
    %dma_start3A_1016 = tpu.memref_slice %arg4[%dma_start3A_1014, %dma_start3A_1015] : memref<2600000x32xf32, #tpu.memory_space<hbm>> -> memref<2600000x32xf32, #tpu.memory_space<hbm>>
    tpu.enqueue_indirect_dma source(%dma_start3A_1016 : memref<2600000x32xf32, #tpu.memory_space<hbm>>) target(%arg9 : memref<128x32xf32, #tpu.memory_space<vmem>>) offsets(%dma_start3A_1013 : memref<128xi32, #tpu.memory_space<vmem>>) semaphore(%arg14 : memref<!tpu.dma_semaphore, #tpu.memory_space<semaphore_mem>>)
    %dma_wait3A_1017 = arith.constant 3968 : i32
    %dma_wait3A_1018 = tpu.memref_slice %arg6[%dma_wait3A_1017] : memref<13312xi32, #tpu.memory_space<vmem>> -> memref<128xi32, #tpu.memory_space<vmem>>
    %dma_wait3A_1019 = arith.constant 0 : i32
    %dma_wait3A_1020 = arith.constant 0 : i32
    %dma_wait3A_1021 = tpu.memref_slice %arg4[%dma_wait3A_1019, %dma_wait3A_1020] : memref<2600000x32xf32, #tpu.memory_space<hbm>> -> memref<2600000x32xf32, #tpu.memory_space<hbm>>
    tpu.wait_indirect_dma semaphore(%arg15 : memref<!tpu.dma_semaphore, #tpu.memory_space<semaphore_mem>>) src(%dma_wait3A_1021 : memref<2600000x32xf32, #tpu.memory_space<hbm>>) dst(%arg10 : memref<128x32xf32, #tpu.memory_space<vmem>>)
    %add3A_1022 = arith.constant 384 : i32
    %add3A_1023 = arith.addi %multiple_of3A, %add3A_1022 : i32
    %dma_start3A_1024 = arith.constant 224 : i32
    %dma_start3A_1025 = tpu.memref_slice %arg5[%add3A_1023, %dma_start3A_1024] : memref<16384x845xf32, #tpu.memory_space<hbm>> -> memref<128x32xf32, #tpu.memory_space<hbm>>
    %dma_start3A_1026 = arith.constant 224 : i32
    %dma_start3A_1027 = tpu.memref_slice %arg5[%add3A_1023, %dma_start3A_1026] : memref<16384x845xf32, #tpu.memory_space<hbm>> -> memref<128x32xf32, #tpu.memory_space<hbm>>
    tpu.enqueue_dma source(%arg10 : memref<128x32xf32, #tpu.memory_space<vmem>>) target(%dma_start3A_1027 : memref<128x32xf32, #tpu.memory_space<hbm>>) target_semaphore(%arg19 : memref<!tpu.dma_semaphore, #tpu.memory_space<semaphore_mem>>)
    %dma_wait3A_1028 = arith.constant 224 : i32
    %dma_wait3A_1029 = tpu.memref_slice %arg5[%add3A_1023, %dma_wait3A_1028] : memref<16384x845xf32, #tpu.memory_space<hbm>> -> memref<128x32xf32, #tpu.memory_space<hbm>>
    %dma_wait3A_1030 = arith.constant 224 : i32
    %dma_wait3A_1031 = tpu.memref_slice %arg5[%add3A_1023, %dma_wait3A_1030] : memref<16384x845xf32, #tpu.memory_space<hbm>> -> memref<128x32xf32, #tpu.memory_space<hbm>>
    tpu.wait_dma2 semaphore(%arg19 : memref<!tpu.dma_semaphore, #tpu.memory_space<semaphore_mem>>) src(%arg10 : memref<128x32xf32, #tpu.memory_space<vmem>>) dst(%dma_wait3A_1031 : memref<128x32xf32, #tpu.memory_space<hbm>>)
    %dma_start3A_1032 = arith.constant 4480 : i32
    %dma_start3A_1033 = tpu.memref_slice %arg6[%dma_start3A_1032] : memref<13312xi32, #tpu.memory_space<vmem>> -> memref<128xi32, #tpu.memory_space<vmem>>
    %dma_start3A_1034 = arith.constant 0 : i32
    %dma_start3A_1035 = arith.constant 0 : i32
    %dma_start3A_1036 = tpu.memref_slice %arg4[%dma_start3A_1034, %dma_start3A_1035] : memref<2600000x32xf32, #tpu.memory_space<hbm>> -> memref<2600000x32xf32, #tpu.memory_space<hbm>>
    tpu.enqueue_indirect_dma source(%dma_start3A_1036 : memref<2600000x32xf32, #tpu.memory_space<hbm>>) target(%arg10 : memref<128x32xf32, #tpu.memory_space<vmem>>) offsets(%dma_start3A_1033 : memref<128xi32, #tpu.memory_space<vmem>>) semaphore(%arg15 : memref<!tpu.dma_semaphore, #tpu.memory_space<semaphore_mem>>)
    %dma_wait3A_1037 = arith.constant 4096 : i32
    %dma_wait3A_1038 = tpu.memref_slice %arg6[%dma_wait3A_1037] : memref<13312xi32, #tpu.memory_space<vmem>> -> memref<128xi32, #tpu.memory_space<vmem>>
    %dma_wait3A_1039 = arith.constant 0 : i32
    %dma_wait3A_1040 = arith.constant 0 : i32
    %dma_wait3A_1041 = tpu.memref_slice %arg4[%dma_wait3A_1039, %dma_wait3A_1040] : memref<2600000x32xf32, #tpu.memory_space<hbm>> -> memref<2600000x32xf32, #tpu.memory_space<hbm>>
    tpu.wait_indirect_dma semaphore(%arg12 : memref<!tpu.dma_semaphore, #tpu.memory_space<semaphore_mem>>) src(%dma_wait3A_1041 : memref<2600000x32xf32, #tpu.memory_space<hbm>>) dst(%arg7 : memref<128x32xf32, #tpu.memory_space<vmem>>)
    %add3A_1042 = arith.constant 0 : i32
    %add3A_1043 = arith.addi %multiple_of3A, %add3A_1042 : i32
    %dma_start3A_1044 = arith.constant 256 : i32
    %dma_start3A_1045 = tpu.memref_slice %arg5[%add3A_1043, %dma_start3A_1044] : memref<16384x845xf32, #tpu.memory_space<hbm>> -> memref<128x32xf32, #tpu.memory_space<hbm>>
    %dma_start3A_1046 = arith.constant 256 : i32
    %dma_start3A_1047 = tpu.memref_slice %arg5[%add3A_1043, %dma_start3A_1046] : memref<16384x845xf32, #tpu.memory_space<hbm>> -> memref<128x32xf32, #tpu.memory_space<hbm>>
    tpu.enqueue_dma source(%arg7 : memref<128x32xf32, #tpu.memory_space<vmem>>) target(%dma_start3A_1047 : memref<128x32xf32, #tpu.memory_space<hbm>>) target_semaphore(%arg16 : memref<!tpu.dma_semaphore, #tpu.memory_space<semaphore_mem>>)
    %dma_wait3A_1048 = arith.constant 256 : i32
    %dma_wait3A_1049 = tpu.memref_slice %arg5[%add3A_1043, %dma_wait3A_1048] : memref<16384x845xf32, #tpu.memory_space<hbm>> -> memref<128x32xf32, #tpu.memory_space<hbm>>
    %dma_wait3A_1050 = arith.constant 256 : i32
    %dma_wait3A_1051 = tpu.memref_slice %arg5[%add3A_1043, %dma_wait3A_1050] : memref<16384x845xf32, #tpu.memory_space<hbm>> -> memref<128x32xf32, #tpu.memory_space<hbm>>
    tpu.wait_dma2 semaphore(%arg16 : memref<!tpu.dma_semaphore, #tpu.memory_space<semaphore_mem>>) src(%arg7 : memref<128x32xf32, #tpu.memory_space<vmem>>) dst(%dma_wait3A_1051 : memref<128x32xf32, #tpu.memory_space<hbm>>)
    %dma_start3A_1052 = arith.constant 4608 : i32
    %dma_start3A_1053 = tpu.memref_slice %arg6[%dma_start3A_1052] : memref<13312xi32, #tpu.memory_space<vmem>> -> memref<128xi32, #tpu.memory_space<vmem>>
    %dma_start3A_1054 = arith.constant 0 : i32
    %dma_start3A_1055 = arith.constant 0 : i32
    %dma_start3A_1056 = tpu.memref_slice %arg4[%dma_start3A_1054, %dma_start3A_1055] : memref<2600000x32xf32, #tpu.memory_space<hbm>> -> memref<2600000x32xf32, #tpu.memory_space<hbm>>
    tpu.enqueue_indirect_dma source(%dma_start3A_1056 : memref<2600000x32xf32, #tpu.memory_space<hbm>>) target(%arg7 : memref<128x32xf32, #tpu.memory_space<vmem>>) offsets(%dma_start3A_1053 : memref<128xi32, #tpu.memory_space<vmem>>) semaphore(%arg12 : memref<!tpu.dma_semaphore, #tpu.memory_space<semaphore_mem>>)
    %dma_wait3A_1057 = arith.constant 4224 : i32
    %dma_wait3A_1058 = tpu.memref_slice %arg6[%dma_wait3A_1057] : memref<13312xi32, #tpu.memory_space<vmem>> -> memref<128xi32, #tpu.memory_space<vmem>>
    %dma_wait3A_1059 = arith.constant 0 : i32
    %dma_wait3A_1060 = arith.constant 0 : i32
    %dma_wait3A_1061 = tpu.memref_slice %arg4[%dma_wait3A_1059, %dma_wait3A_1060] : memref<2600000x32xf32, #tpu.memory_space<hbm>> -> memref<2600000x32xf32, #tpu.memory_space<hbm>>
    tpu.wait_indirect_dma semaphore(%arg13 : memref<!tpu.dma_semaphore, #tpu.memory_space<semaphore_mem>>) src(%dma_wait3A_1061 : memref<2600000x32xf32, #tpu.memory_space<hbm>>) dst(%arg8 : memref<128x32xf32, #tpu.memory_space<vmem>>)
    %add3A_1062 = arith.constant 128 : i32
    %add3A_1063 = arith.addi %multiple_of3A, %add3A_1062 : i32
    %dma_start3A_1064 = arith.constant 256 : i32
    %dma_start3A_1065 = tpu.memref_slice %arg5[%add3A_1063, %dma_start3A_1064] : memref<16384x845xf32, #tpu.memory_space<hbm>> -> memref<128x32xf32, #tpu.memory_space<hbm>>
    %dma_start3A_1066 = arith.constant 256 : i32
    %dma_start3A_1067 = tpu.memref_slice %arg5[%add3A_1063, %dma_start3A_1066] : memref<16384x845xf32, #tpu.memory_space<hbm>> -> memref<128x32xf32, #tpu.memory_space<hbm>>
    tpu.enqueue_dma source(%arg8 : memref<128x32xf32, #tpu.memory_space<vmem>>) target(%dma_start3A_1067 : memref<128x32xf32, #tpu.memory_space<hbm>>) target_semaphore(%arg17 : memref<!tpu.dma_semaphore, #tpu.memory_space<semaphore_mem>>)
    %dma_wait3A_1068 = arith.constant 256 : i32
    %dma_wait3A_1069 = tpu.memref_slice %arg5[%add3A_1063, %dma_wait3A_1068] : memref<16384x845xf32, #tpu.memory_space<hbm>> -> memref<128x32xf32, #tpu.memory_space<hbm>>
    %dma_wait3A_1070 = arith.constant 256 : i32
    %dma_wait3A_1071 = tpu.memref_slice %arg5[%add3A_1063, %dma_wait3A_1070] : memref<16384x845xf32, #tpu.memory_space<hbm>> -> memref<128x32xf32, #tpu.memory_space<hbm>>
    tpu.wait_dma2 semaphore(%arg17 : memref<!tpu.dma_semaphore, #tpu.memory_space<semaphore_mem>>) src(%arg8 : memref<128x32xf32, #tpu.memory_space<vmem>>) dst(%dma_wait3A_1071 : memref<128x32xf32, #tpu.memory_space<hbm>>)
    %dma_start3A_1072 = arith.constant 4736 : i32
    %dma_start3A_1073 = tpu.memref_slice %arg6[%dma_start3A_1072] : memref<13312xi32, #tpu.memory_space<vmem>> -> memref<128xi32, #tpu.memory_space<vmem>>
    %dma_start3A_1074 = arith.constant 0 : i32
    %dma_start3A_1075 = arith.constant 0 : i32
    %dma_start3A_1076 = tpu.memref_slice %arg4[%dma_start3A_1074, %dma_start3A_1075] : memref<2600000x32xf32, #tpu.memory_space<hbm>> -> memref<2600000x32xf32, #tpu.memory_space<hbm>>
    tpu.enqueue_indirect_dma source(%dma_start3A_1076 : memref<2600000x32xf32, #tpu.memory_space<hbm>>) target(%arg8 : memref<128x32xf32, #tpu.memory_space<vmem>>) offsets(%dma_start3A_1073 : memref<128xi32, #tpu.memory_space<vmem>>) semaphore(%arg13 : memref<!tpu.dma_semaphore, #tpu.memory_space<semaphore_mem>>)
    %dma_wait3A_1077 = arith.constant 4352 : i32
    %dma_wait3A_1078 = tpu.memref_slice %arg6[%dma_wait3A_1077] : memref<13312xi32, #tpu.memory_space<vmem>> -> memref<128xi32, #tpu.memory_space<vmem>>
    %dma_wait3A_1079 = arith.constant 0 : i32
    %dma_wait3A_1080 = arith.constant 0 : i32
    %dma_wait3A_1081 = tpu.memref_slice %arg4[%dma_wait3A_1079, %dma_wait3A_1080] : memref<2600000x32xf32, #tpu.memory_space<hbm>> -> memref<2600000x32xf32, #tpu.memory_space<hbm>>
    tpu.wait_indirect_dma semaphore(%arg14 : memref<!tpu.dma_semaphore, #tpu.memory_space<semaphore_mem>>) src(%dma_wait3A_1081 : memref<2600000x32xf32, #tpu.memory_space<hbm>>) dst(%arg9 : memref<128x32xf32, #tpu.memory_space<vmem>>)
    %add3A_1082 = arith.constant 256 : i32
    %add3A_1083 = arith.addi %multiple_of3A, %add3A_1082 : i32
    %dma_start3A_1084 = arith.constant 256 : i32
    %dma_start3A_1085 = tpu.memref_slice %arg5[%add3A_1083, %dma_start3A_1084] : memref<16384x845xf32, #tpu.memory_space<hbm>> -> memref<128x32xf32, #tpu.memory_space<hbm>>
    %dma_start3A_1086 = arith.constant 256 : i32
    %dma_start3A_1087 = tpu.memref_slice %arg5[%add3A_1083, %dma_start3A_1086] : memref<16384x845xf32, #tpu.memory_space<hbm>> -> memref<128x32xf32, #tpu.memory_space<hbm>>
    tpu.enqueue_dma source(%arg9 : memref<128x32xf32, #tpu.memory_space<vmem>>) target(%dma_start3A_1087 : memref<128x32xf32, #tpu.memory_space<hbm>>) target_semaphore(%arg18 : memref<!tpu.dma_semaphore, #tpu.memory_space<semaphore_mem>>)
    %dma_wait3A_1088 = arith.constant 256 : i32
    %dma_wait3A_1089 = tpu.memref_slice %arg5[%add3A_1083, %dma_wait3A_1088] : memref<16384x845xf32, #tpu.memory_space<hbm>> -> memref<128x32xf32, #tpu.memory_space<hbm>>
    %dma_wait3A_1090 = arith.constant 256 : i32
    %dma_wait3A_1091 = tpu.memref_slice %arg5[%add3A_1083, %dma_wait3A_1090] : memref<16384x845xf32, #tpu.memory_space<hbm>> -> memref<128x32xf32, #tpu.memory_space<hbm>>
    tpu.wait_dma2 semaphore(%arg18 : memref<!tpu.dma_semaphore, #tpu.memory_space<semaphore_mem>>) src(%arg9 : memref<128x32xf32, #tpu.memory_space<vmem>>) dst(%dma_wait3A_1091 : memref<128x32xf32, #tpu.memory_space<hbm>>)
    %dma_start3A_1092 = arith.constant 4864 : i32
    %dma_start3A_1093 = tpu.memref_slice %arg6[%dma_start3A_1092] : memref<13312xi32, #tpu.memory_space<vmem>> -> memref<128xi32, #tpu.memory_space<vmem>>
    %dma_start3A_1094 = arith.constant 0 : i32
    %dma_start3A_1095 = arith.constant 0 : i32
    %dma_start3A_1096 = tpu.memref_slice %arg4[%dma_start3A_1094, %dma_start3A_1095] : memref<2600000x32xf32, #tpu.memory_space<hbm>> -> memref<2600000x32xf32, #tpu.memory_space<hbm>>
    tpu.enqueue_indirect_dma source(%dma_start3A_1096 : memref<2600000x32xf32, #tpu.memory_space<hbm>>) target(%arg9 : memref<128x32xf32, #tpu.memory_space<vmem>>) offsets(%dma_start3A_1093 : memref<128xi32, #tpu.memory_space<vmem>>) semaphore(%arg14 : memref<!tpu.dma_semaphore, #tpu.memory_space<semaphore_mem>>)
    %dma_wait3A_1097 = arith.constant 4480 : i32
    %dma_wait3A_1098 = tpu.memref_slice %arg6[%dma_wait3A_1097] : memref<13312xi32, #tpu.memory_space<vmem>> -> memref<128xi32, #tpu.memory_space<vmem>>
    %dma_wait3A_1099 = arith.constant 0 : i32
    %dma_wait3A_1100 = arith.constant 0 : i32
    %dma_wait3A_1101 = tpu.memref_slice %arg4[%dma_wait3A_1099, %dma_wait3A_1100] : memref<2600000x32xf32, #tpu.memory_space<hbm>> -> memref<2600000x32xf32, #tpu.memory_space<hbm>>
    tpu.wait_indirect_dma semaphore(%arg15 : memref<!tpu.dma_semaphore, #tpu.memory_space<semaphore_mem>>) src(%dma_wait3A_1101 : memref<2600000x32xf32, #tpu.memory_space<hbm>>) dst(%arg10 : memref<128x32xf32, #tpu.memory_space<vmem>>)
    %add3A_1102 = arith.constant 384 : i32
    %add3A_1103 = arith.addi %multiple_of3A, %add3A_1102 : i32
    %dma_start3A_1104 = arith.constant 256 : i32
    %dma_start3A_1105 = tpu.memref_slice %arg5[%add3A_1103, %dma_start3A_1104] : memref<16384x845xf32, #tpu.memory_space<hbm>> -> memref<128x32xf32, #tpu.memory_space<hbm>>
    %dma_start3A_1106 = arith.constant 256 : i32
    %dma_start3A_1107 = tpu.memref_slice %arg5[%add3A_1103, %dma_start3A_1106] : memref<16384x845xf32, #tpu.memory_space<hbm>> -> memref<128x32xf32, #tpu.memory_space<hbm>>
    tpu.enqueue_dma source(%arg10 : memref<128x32xf32, #tpu.memory_space<vmem>>) target(%dma_start3A_1107 : memref<128x32xf32, #tpu.memory_space<hbm>>) target_semaphore(%arg19 : memref<!tpu.dma_semaphore, #tpu.memory_space<semaphore_mem>>)
    %dma_wait3A_1108 = arith.constant 256 : i32
    %dma_wait3A_1109 = tpu.memref_slice %arg5[%add3A_1103, %dma_wait3A_1108] : memref<16384x845xf32, #tpu.memory_space<hbm>> -> memref<128x32xf32, #tpu.memory_space<hbm>>
    %dma_wait3A_1110 = arith.constant 256 : i32
    %dma_wait3A_1111 = tpu.memref_slice %arg5[%add3A_1103, %dma_wait3A_1110] : memref<16384x845xf32, #tpu.memory_space<hbm>> -> memref<128x32xf32, #tpu.memory_space<hbm>>
    tpu.wait_dma2 semaphore(%arg19 : memref<!tpu.dma_semaphore, #tpu.memory_space<semaphore_mem>>) src(%arg10 : memref<128x32xf32, #tpu.memory_space<vmem>>) dst(%dma_wait3A_1111 : memref<128x32xf32, #tpu.memory_space<hbm>>)
    %dma_start3A_1112 = arith.constant 4992 : i32
    %dma_start3A_1113 = tpu.memref_slice %arg6[%dma_start3A_1112] : memref<13312xi32, #tpu.memory_space<vmem>> -> memref<128xi32, #tpu.memory_space<vmem>>
    %dma_start3A_1114 = arith.constant 0 : i32
    %dma_start3A_1115 = arith.constant 0 : i32
    %dma_start3A_1116 = tpu.memref_slice %arg4[%dma_start3A_1114, %dma_start3A_1115] : memref<2600000x32xf32, #tpu.memory_space<hbm>> -> memref<2600000x32xf32, #tpu.memory_space<hbm>>
    tpu.enqueue_indirect_dma source(%dma_start3A_1116 : memref<2600000x32xf32, #tpu.memory_space<hbm>>) target(%arg10 : memref<128x32xf32, #tpu.memory_space<vmem>>) offsets(%dma_start3A_1113 : memref<128xi32, #tpu.memory_space<vmem>>) semaphore(%arg15 : memref<!tpu.dma_semaphore, #tpu.memory_space<semaphore_mem>>)
    %dma_wait3A_1117 = arith.constant 4608 : i32
    %dma_wait3A_1118 = tpu.memref_slice %arg6[%dma_wait3A_1117] : memref<13312xi32, #tpu.memory_space<vmem>> -> memref<128xi32, #tpu.memory_space<vmem>>
    %dma_wait3A_1119 = arith.constant 0 : i32
    %dma_wait3A_1120 = arith.constant 0 : i32
    %dma_wait3A_1121 = tpu.memref_slice %arg4[%dma_wait3A_1119, %dma_wait3A_1120] : memref<2600000x32xf32, #tpu.memory_space<hbm>> -> memref<2600000x32xf32, #tpu.memory_space<hbm>>
    tpu.wait_indirect_dma semaphore(%arg12 : memref<!tpu.dma_semaphore, #tpu.memory_space<semaphore_mem>>) src(%dma_wait3A_1121 : memref<2600000x32xf32, #tpu.memory_space<hbm>>) dst(%arg7 : memref<128x32xf32, #tpu.memory_space<vmem>>)
    %add3A_1122 = arith.constant 0 : i32
    %add3A_1123 = arith.addi %multiple_of3A, %add3A_1122 : i32
    %dma_start3A_1124 = arith.constant 288 : i32
    %dma_start3A_1125 = tpu.memref_slice %arg5[%add3A_1123, %dma_start3A_1124] : memref<16384x845xf32, #tpu.memory_space<hbm>> -> memref<128x32xf32, #tpu.memory_space<hbm>>
    %dma_start3A_1126 = arith.constant 288 : i32
    %dma_start3A_1127 = tpu.memref_slice %arg5[%add3A_1123, %dma_start3A_1126] : memref<16384x845xf32, #tpu.memory_space<hbm>> -> memref<128x32xf32, #tpu.memory_space<hbm>>
    tpu.enqueue_dma source(%arg7 : memref<128x32xf32, #tpu.memory_space<vmem>>) target(%dma_start3A_1127 : memref<128x32xf32, #tpu.memory_space<hbm>>) target_semaphore(%arg16 : memref<!tpu.dma_semaphore, #tpu.memory_space<semaphore_mem>>)
    %dma_wait3A_1128 = arith.constant 288 : i32
    %dma_wait3A_1129 = tpu.memref_slice %arg5[%add3A_1123, %dma_wait3A_1128] : memref<16384x845xf32, #tpu.memory_space<hbm>> -> memref<128x32xf32, #tpu.memory_space<hbm>>
    %dma_wait3A_1130 = arith.constant 288 : i32
    %dma_wait3A_1131 = tpu.memref_slice %arg5[%add3A_1123, %dma_wait3A_1130] : memref<16384x845xf32, #tpu.memory_space<hbm>> -> memref<128x32xf32, #tpu.memory_space<hbm>>
    tpu.wait_dma2 semaphore(%arg16 : memref<!tpu.dma_semaphore, #tpu.memory_space<semaphore_mem>>) src(%arg7 : memref<128x32xf32, #tpu.memory_space<vmem>>) dst(%dma_wait3A_1131 : memref<128x32xf32, #tpu.memory_space<hbm>>)
    %dma_start3A_1132 = arith.constant 5120 : i32
    %dma_start3A_1133 = tpu.memref_slice %arg6[%dma_start3A_1132] : memref<13312xi32, #tpu.memory_space<vmem>> -> memref<128xi32, #tpu.memory_space<vmem>>
    %dma_start3A_1134 = arith.constant 0 : i32
    %dma_start3A_1135 = arith.constant 0 : i32
    %dma_start3A_1136 = tpu.memref_slice %arg4[%dma_start3A_1134, %dma_start3A_1135] : memref<2600000x32xf32, #tpu.memory_space<hbm>> -> memref<2600000x32xf32, #tpu.memory_space<hbm>>
    tpu.enqueue_indirect_dma source(%dma_start3A_1136 : memref<2600000x32xf32, #tpu.memory_space<hbm>>) target(%arg7 : memref<128x32xf32, #tpu.memory_space<vmem>>) offsets(%dma_start3A_1133 : memref<128xi32, #tpu.memory_space<vmem>>) semaphore(%arg12 : memref<!tpu.dma_semaphore, #tpu.memory_space<semaphore_mem>>)
    %dma_wait3A_1137 = arith.constant 4736 : i32
    %dma_wait3A_1138 = tpu.memref_slice %arg6[%dma_wait3A_1137] : memref<13312xi32, #tpu.memory_space<vmem>> -> memref<128xi32, #tpu.memory_space<vmem>>
    %dma_wait3A_1139 = arith.constant 0 : i32
    %dma_wait3A_1140 = arith.constant 0 : i32
    %dma_wait3A_1141 = tpu.memref_slice %arg4[%dma_wait3A_1139, %dma_wait3A_1140] : memref<2600000x32xf32, #tpu.memory_space<hbm>> -> memref<2600000x32xf32, #tpu.memory_space<hbm>>
    tpu.wait_indirect_dma semaphore(%arg13 : memref<!tpu.dma_semaphore, #tpu.memory_space<semaphore_mem>>) src(%dma_wait3A_1141 : memref<2600000x32xf32, #tpu.memory_space<hbm>>) dst(%arg8 : memref<128x32xf32, #tpu.memory_space<vmem>>)
    %add3A_1142 = arith.constant 128 : i32
    %add3A_1143 = arith.addi %multiple_of3A, %add3A_1142 : i32
    %dma_start3A_1144 = arith.constant 288 : i32
    %dma_start3A_1145 = tpu.memref_slice %arg5[%add3A_1143, %dma_start3A_1144] : memref<16384x845xf32, #tpu.memory_space<hbm>> -> memref<128x32xf32, #tpu.memory_space<hbm>>
    %dma_start3A_1146 = arith.constant 288 : i32
    %dma_start3A_1147 = tpu.memref_slice %arg5[%add3A_1143, %dma_start3A_1146] : memref<16384x845xf32, #tpu.memory_space<hbm>> -> memref<128x32xf32, #tpu.memory_space<hbm>>
    tpu.enqueue_dma source(%arg8 : memref<128x32xf32, #tpu.memory_space<vmem>>) target(%dma_start3A_1147 : memref<128x32xf32, #tpu.memory_space<hbm>>) target_semaphore(%arg17 : memref<!tpu.dma_semaphore, #tpu.memory_space<semaphore_mem>>)
    %dma_wait3A_1148 = arith.constant 288 : i32
    %dma_wait3A_1149 = tpu.memref_slice %arg5[%add3A_1143, %dma_wait3A_1148] : memref<16384x845xf32, #tpu.memory_space<hbm>> -> memref<128x32xf32, #tpu.memory_space<hbm>>
    %dma_wait3A_1150 = arith.constant 288 : i32
    %dma_wait3A_1151 = tpu.memref_slice %arg5[%add3A_1143, %dma_wait3A_1150] : memref<16384x845xf32, #tpu.memory_space<hbm>> -> memref<128x32xf32, #tpu.memory_space<hbm>>
    tpu.wait_dma2 semaphore(%arg17 : memref<!tpu.dma_semaphore, #tpu.memory_space<semaphore_mem>>) src(%arg8 : memref<128x32xf32, #tpu.memory_space<vmem>>) dst(%dma_wait3A_1151 : memref<128x32xf32, #tpu.memory_space<hbm>>)
    %dma_start3A_1152 = arith.constant 5248 : i32
    %dma_start3A_1153 = tpu.memref_slice %arg6[%dma_start3A_1152] : memref<13312xi32, #tpu.memory_space<vmem>> -> memref<128xi32, #tpu.memory_space<vmem>>
    %dma_start3A_1154 = arith.constant 0 : i32
    %dma_start3A_1155 = arith.constant 0 : i32
    %dma_start3A_1156 = tpu.memref_slice %arg4[%dma_start3A_1154, %dma_start3A_1155] : memref<2600000x32xf32, #tpu.memory_space<hbm>> -> memref<2600000x32xf32, #tpu.memory_space<hbm>>
    tpu.enqueue_indirect_dma source(%dma_start3A_1156 : memref<2600000x32xf32, #tpu.memory_space<hbm>>) target(%arg8 : memref<128x32xf32, #tpu.memory_space<vmem>>) offsets(%dma_start3A_1153 : memref<128xi32, #tpu.memory_space<vmem>>) semaphore(%arg13 : memref<!tpu.dma_semaphore, #tpu.memory_space<semaphore_mem>>)
    %dma_wait3A_1157 = arith.constant 4864 : i32
    %dma_wait3A_1158 = tpu.memref_slice %arg6[%dma_wait3A_1157] : memref<13312xi32, #tpu.memory_space<vmem>> -> memref<128xi32, #tpu.memory_space<vmem>>
    %dma_wait3A_1159 = arith.constant 0 : i32
    %dma_wait3A_1160 = arith.constant 0 : i32
    %dma_wait3A_1161 = tpu.memref_slice %arg4[%dma_wait3A_1159, %dma_wait3A_1160] : memref<2600000x32xf32, #tpu.memory_space<hbm>> -> memref<2600000x32xf32, #tpu.memory_space<hbm>>
    tpu.wait_indirect_dma semaphore(%arg14 : memref<!tpu.dma_semaphore, #tpu.memory_space<semaphore_mem>>) src(%dma_wait3A_1161 : memref<2600000x32xf32, #tpu.memory_space<hbm>>) dst(%arg9 : memref<128x32xf32, #tpu.memory_space<vmem>>)
    %add3A_1162 = arith.constant 256 : i32
    %add3A_1163 = arith.addi %multiple_of3A, %add3A_1162 : i32
    %dma_start3A_1164 = arith.constant 288 : i32
    %dma_start3A_1165 = tpu.memref_slice %arg5[%add3A_1163, %dma_start3A_1164] : memref<16384x845xf32, #tpu.memory_space<hbm>> -> memref<128x32xf32, #tpu.memory_space<hbm>>
    %dma_start3A_1166 = arith.constant 288 : i32
    %dma_start3A_1167 = tpu.memref_slice %arg5[%add3A_1163, %dma_start3A_1166] : memref<16384x845xf32, #tpu.memory_space<hbm>> -> memref<128x32xf32, #tpu.memory_space<hbm>>
    tpu.enqueue_dma source(%arg9 : memref<128x32xf32, #tpu.memory_space<vmem>>) target(%dma_start3A_1167 : memref<128x32xf32, #tpu.memory_space<hbm>>) target_semaphore(%arg18 : memref<!tpu.dma_semaphore, #tpu.memory_space<semaphore_mem>>)
    %dma_wait3A_1168 = arith.constant 288 : i32
    %dma_wait3A_1169 = tpu.memref_slice %arg5[%add3A_1163, %dma_wait3A_1168] : memref<16384x845xf32, #tpu.memory_space<hbm>> -> memref<128x32xf32, #tpu.memory_space<hbm>>
    %dma_wait3A_1170 = arith.constant 288 : i32
    %dma_wait3A_1171 = tpu.memref_slice %arg5[%add3A_1163, %dma_wait3A_1170] : memref<16384x845xf32, #tpu.memory_space<hbm>> -> memref<128x32xf32, #tpu.memory_space<hbm>>
    tpu.wait_dma2 semaphore(%arg18 : memref<!tpu.dma_semaphore, #tpu.memory_space<semaphore_mem>>) src(%arg9 : memref<128x32xf32, #tpu.memory_space<vmem>>) dst(%dma_wait3A_1171 : memref<128x32xf32, #tpu.memory_space<hbm>>)
    %dma_start3A_1172 = arith.constant 5376 : i32
    %dma_start3A_1173 = tpu.memref_slice %arg6[%dma_start3A_1172] : memref<13312xi32, #tpu.memory_space<vmem>> -> memref<128xi32, #tpu.memory_space<vmem>>
    %dma_start3A_1174 = arith.constant 0 : i32
    %dma_start3A_1175 = arith.constant 0 : i32
    %dma_start3A_1176 = tpu.memref_slice %arg4[%dma_start3A_1174, %dma_start3A_1175] : memref<2600000x32xf32, #tpu.memory_space<hbm>> -> memref<2600000x32xf32, #tpu.memory_space<hbm>>
    tpu.enqueue_indirect_dma source(%dma_start3A_1176 : memref<2600000x32xf32, #tpu.memory_space<hbm>>) target(%arg9 : memref<128x32xf32, #tpu.memory_space<vmem>>) offsets(%dma_start3A_1173 : memref<128xi32, #tpu.memory_space<vmem>>) semaphore(%arg14 : memref<!tpu.dma_semaphore, #tpu.memory_space<semaphore_mem>>)
    %dma_wait3A_1177 = arith.constant 4992 : i32
    %dma_wait3A_1178 = tpu.memref_slice %arg6[%dma_wait3A_1177] : memref<13312xi32, #tpu.memory_space<vmem>> -> memref<128xi32, #tpu.memory_space<vmem>>
    %dma_wait3A_1179 = arith.constant 0 : i32
    %dma_wait3A_1180 = arith.constant 0 : i32
    %dma_wait3A_1181 = tpu.memref_slice %arg4[%dma_wait3A_1179, %dma_wait3A_1180] : memref<2600000x32xf32, #tpu.memory_space<hbm>> -> memref<2600000x32xf32, #tpu.memory_space<hbm>>
    tpu.wait_indirect_dma semaphore(%arg15 : memref<!tpu.dma_semaphore, #tpu.memory_space<semaphore_mem>>) src(%dma_wait3A_1181 : memref<2600000x32xf32, #tpu.memory_space<hbm>>) dst(%arg10 : memref<128x32xf32, #tpu.memory_space<vmem>>)
    %add3A_1182 = arith.constant 384 : i32
    %add3A_1183 = arith.addi %multiple_of3A, %add3A_1182 : i32
    %dma_start3A_1184 = arith.constant 288 : i32
    %dma_start3A_1185 = tpu.memref_slice %arg5[%add3A_1183, %dma_start3A_1184] : memref<16384x845xf32, #tpu.memory_space<hbm>> -> memref<128x32xf32, #tpu.memory_space<hbm>>
    %dma_start3A_1186 = arith.constant 288 : i32
    %dma_start3A_1187 = tpu.memref_slice %arg5[%add3A_1183, %dma_start3A_1186] : memref<16384x845xf32, #tpu.memory_space<hbm>> -> memref<128x32xf32, #tpu.memory_space<hbm>>
    tpu.enqueue_dma source(%arg10 : memref<128x32xf32, #tpu.memory_space<vmem>>) target(%dma_start3A_1187 : memref<128x32xf32, #tpu.memory_space<hbm>>) target_semaphore(%arg19 : memref<!tpu.dma_semaphore, #tpu.memory_space<semaphore_mem>>)
    %dma_wait3A_1188 = arith.constant 288 : i32
    %dma_wait3A_1189 = tpu.memref_slice %arg5[%add3A_1183, %dma_wait3A_1188] : memref<16384x845xf32, #tpu.memory_space<hbm>> -> memref<128x32xf32, #tpu.memory_space<hbm>>
    %dma_wait3A_1190 = arith.constant 288 : i32
    %dma_wait3A_1191 = tpu.memref_slice %arg5[%add3A_1183, %dma_wait3A_1190] : memref<16384x845xf32, #tpu.memory_space<hbm>> -> memref<128x32xf32, #tpu.memory_space<hbm>>
    tpu.wait_dma2 semaphore(%arg19 : memref<!tpu.dma_semaphore, #tpu.memory_space<semaphore_mem>>) src(%arg10 : memref<128x32xf32, #tpu.memory_space<vmem>>) dst(%dma_wait3A_1191 : memref<128x32xf32, #tpu.memory_space<hbm>>)
    %dma_start3A_1192 = arith.constant 5504 : i32
    %dma_start3A_1193 = tpu.memref_slice %arg6[%dma_start3A_1192] : memref<13312xi32, #tpu.memory_space<vmem>> -> memref<128xi32, #tpu.memory_space<vmem>>
    %dma_start3A_1194 = arith.constant 0 : i32
    %dma_start3A_1195 = arith.constant 0 : i32
    %dma_start3A_1196 = tpu.memref_slice %arg4[%dma_start3A_1194, %dma_start3A_1195] : memref<2600000x32xf32, #tpu.memory_space<hbm>> -> memref<2600000x32xf32, #tpu.memory_space<hbm>>
    tpu.enqueue_indirect_dma source(%dma_start3A_1196 : memref<2600000x32xf32, #tpu.memory_space<hbm>>) target(%arg10 : memref<128x32xf32, #tpu.memory_space<vmem>>) offsets(%dma_start3A_1193 : memref<128xi32, #tpu.memory_space<vmem>>) semaphore(%arg15 : memref<!tpu.dma_semaphore, #tpu.memory_space<semaphore_mem>>)
    %dma_wait3A_1197 = arith.constant 5120 : i32
    %dma_wait3A_1198 = tpu.memref_slice %arg6[%dma_wait3A_1197] : memref<13312xi32, #tpu.memory_space<vmem>> -> memref<128xi32, #tpu.memory_space<vmem>>
    %dma_wait3A_1199 = arith.constant 0 : i32
    %dma_wait3A_1200 = arith.constant 0 : i32
    %dma_wait3A_1201 = tpu.memref_slice %arg4[%dma_wait3A_1199, %dma_wait3A_1200] : memref<2600000x32xf32, #tpu.memory_space<hbm>> -> memref<2600000x32xf32, #tpu.memory_space<hbm>>
    tpu.wait_indirect_dma semaphore(%arg12 : memref<!tpu.dma_semaphore, #tpu.memory_space<semaphore_mem>>) src(%dma_wait3A_1201 : memref<2600000x32xf32, #tpu.memory_space<hbm>>) dst(%arg7 : memref<128x32xf32, #tpu.memory_space<vmem>>)
    %add3A_1202 = arith.constant 0 : i32
    %add3A_1203 = arith.addi %multiple_of3A, %add3A_1202 : i32
    %dma_start3A_1204 = arith.constant 320 : i32
    %dma_start3A_1205 = tpu.memref_slice %arg5[%add3A_1203, %dma_start3A_1204] : memref<16384x845xf32, #tpu.memory_space<hbm>> -> memref<128x32xf32, #tpu.memory_space<hbm>>
    %dma_start3A_1206 = arith.constant 320 : i32
    %dma_start3A_1207 = tpu.memref_slice %arg5[%add3A_1203, %dma_start3A_1206] : memref<16384x845xf32, #tpu.memory_space<hbm>> -> memref<128x32xf32, #tpu.memory_space<hbm>>
    tpu.enqueue_dma source(%arg7 : memref<128x32xf32, #tpu.memory_space<vmem>>) target(%dma_start3A_1207 : memref<128x32xf32, #tpu.memory_space<hbm>>) target_semaphore(%arg16 : memref<!tpu.dma_semaphore, #tpu.memory_space<semaphore_mem>>)
    %dma_wait3A_1208 = arith.constant 320 : i32
    %dma_wait3A_1209 = tpu.memref_slice %arg5[%add3A_1203, %dma_wait3A_1208] : memref<16384x845xf32, #tpu.memory_space<hbm>> -> memref<128x32xf32, #tpu.memory_space<hbm>>
    %dma_wait3A_1210 = arith.constant 320 : i32
    %dma_wait3A_1211 = tpu.memref_slice %arg5[%add3A_1203, %dma_wait3A_1210] : memref<16384x845xf32, #tpu.memory_space<hbm>> -> memref<128x32xf32, #tpu.memory_space<hbm>>
    tpu.wait_dma2 semaphore(%arg16 : memref<!tpu.dma_semaphore, #tpu.memory_space<semaphore_mem>>) src(%arg7 : memref<128x32xf32, #tpu.memory_space<vmem>>) dst(%dma_wait3A_1211 : memref<128x32xf32, #tpu.memory_space<hbm>>)
    %dma_start3A_1212 = arith.constant 5632 : i32
    %dma_start3A_1213 = tpu.memref_slice %arg6[%dma_start3A_1212] : memref<13312xi32, #tpu.memory_space<vmem>> -> memref<128xi32, #tpu.memory_space<vmem>>
    %dma_start3A_1214 = arith.constant 0 : i32
    %dma_start3A_1215 = arith.constant 0 : i32
    %dma_start3A_1216 = tpu.memref_slice %arg4[%dma_start3A_1214, %dma_start3A_1215] : memref<2600000x32xf32, #tpu.memory_space<hbm>> -> memref<2600000x32xf32, #tpu.memory_space<hbm>>
    tpu.enqueue_indirect_dma source(%dma_start3A_1216 : memref<2600000x32xf32, #tpu.memory_space<hbm>>) target(%arg7 : memref<128x32xf32, #tpu.memory_space<vmem>>) offsets(%dma_start3A_1213 : memref<128xi32, #tpu.memory_space<vmem>>) semaphore(%arg12 : memref<!tpu.dma_semaphore, #tpu.memory_space<semaphore_mem>>)
    %dma_wait3A_1217 = arith.constant 5248 : i32
    %dma_wait3A_1218 = tpu.memref_slice %arg6[%dma_wait3A_1217] : memref<13312xi32, #tpu.memory_space<vmem>> -> memref<128xi32, #tpu.memory_space<vmem>>
    %dma_wait3A_1219 = arith.constant 0 : i32
    %dma_wait3A_1220 = arith.constant 0 : i32
    %dma_wait3A_1221 = tpu.memref_slice %arg4[%dma_wait3A_1219, %dma_wait3A_1220] : memref<2600000x32xf32, #tpu.memory_space<hbm>> -> memref<2600000x32xf32, #tpu.memory_space<hbm>>
    tpu.wait_indirect_dma semaphore(%arg13 : memref<!tpu.dma_semaphore, #tpu.memory_space<semaphore_mem>>) src(%dma_wait3A_1221 : memref<2600000x32xf32, #tpu.memory_space<hbm>>) dst(%arg8 : memref<128x32xf32, #tpu.memory_space<vmem>>)
    %add3A_1222 = arith.constant 128 : i32
    %add3A_1223 = arith.addi %multiple_of3A, %add3A_1222 : i32
    %dma_start3A_1224 = arith.constant 320 : i32
    %dma_start3A_1225 = tpu.memref_slice %arg5[%add3A_1223, %dma_start3A_1224] : memref<16384x845xf32, #tpu.memory_space<hbm>> -> memref<128x32xf32, #tpu.memory_space<hbm>>
    %dma_start3A_1226 = arith.constant 320 : i32
    %dma_start3A_1227 = tpu.memref_slice %arg5[%add3A_1223, %dma_start3A_1226] : memref<16384x845xf32, #tpu.memory_space<hbm>> -> memref<128x32xf32, #tpu.memory_space<hbm>>
    tpu.enqueue_dma source(%arg8 : memref<128x32xf32, #tpu.memory_space<vmem>>) target(%dma_start3A_1227 : memref<128x32xf32, #tpu.memory_space<hbm>>) target_semaphore(%arg17 : memref<!tpu.dma_semaphore, #tpu.memory_space<semaphore_mem>>)
    %dma_wait3A_1228 = arith.constant 320 : i32
    %dma_wait3A_1229 = tpu.memref_slice %arg5[%add3A_1223, %dma_wait3A_1228] : memref<16384x845xf32, #tpu.memory_space<hbm>> -> memref<128x32xf32, #tpu.memory_space<hbm>>
    %dma_wait3A_1230 = arith.constant 320 : i32
    %dma_wait3A_1231 = tpu.memref_slice %arg5[%add3A_1223, %dma_wait3A_1230] : memref<16384x845xf32, #tpu.memory_space<hbm>> -> memref<128x32xf32, #tpu.memory_space<hbm>>
    tpu.wait_dma2 semaphore(%arg17 : memref<!tpu.dma_semaphore, #tpu.memory_space<semaphore_mem>>) src(%arg8 : memref<128x32xf32, #tpu.memory_space<vmem>>) dst(%dma_wait3A_1231 : memref<128x32xf32, #tpu.memory_space<hbm>>)
    %dma_start3A_1232 = arith.constant 5760 : i32
    %dma_start3A_1233 = tpu.memref_slice %arg6[%dma_start3A_1232] : memref<13312xi32, #tpu.memory_space<vmem>> -> memref<128xi32, #tpu.memory_space<vmem>>
    %dma_start3A_1234 = arith.constant 0 : i32
    %dma_start3A_1235 = arith.constant 0 : i32
    %dma_start3A_1236 = tpu.memref_slice %arg4[%dma_start3A_1234, %dma_start3A_1235] : memref<2600000x32xf32, #tpu.memory_space<hbm>> -> memref<2600000x32xf32, #tpu.memory_space<hbm>>
    tpu.enqueue_indirect_dma source(%dma_start3A_1236 : memref<2600000x32xf32, #tpu.memory_space<hbm>>) target(%arg8 : memref<128x32xf32, #tpu.memory_space<vmem>>) offsets(%dma_start3A_1233 : memref<128xi32, #tpu.memory_space<vmem>>) semaphore(%arg13 : memref<!tpu.dma_semaphore, #tpu.memory_space<semaphore_mem>>)
    %dma_wait3A_1237 = arith.constant 5376 : i32
    %dma_wait3A_1238 = tpu.memref_slice %arg6[%dma_wait3A_1237] : memref<13312xi32, #tpu.memory_space<vmem>> -> memref<128xi32, #tpu.memory_space<vmem>>
    %dma_wait3A_1239 = arith.constant 0 : i32
    %dma_wait3A_1240 = arith.constant 0 : i32
    %dma_wait3A_1241 = tpu.memref_slice %arg4[%dma_wait3A_1239, %dma_wait3A_1240] : memref<2600000x32xf32, #tpu.memory_space<hbm>> -> memref<2600000x32xf32, #tpu.memory_space<hbm>>
    tpu.wait_indirect_dma semaphore(%arg14 : memref<!tpu.dma_semaphore, #tpu.memory_space<semaphore_mem>>) src(%dma_wait3A_1241 : memref<2600000x32xf32, #tpu.memory_space<hbm>>) dst(%arg9 : memref<128x32xf32, #tpu.memory_space<vmem>>)
    %add3A_1242 = arith.constant 256 : i32
    %add3A_1243 = arith.addi %multiple_of3A, %add3A_1242 : i32
    %dma_start3A_1244 = arith.constant 320 : i32
    %dma_start3A_1245 = tpu.memref_slice %arg5[%add3A_1243, %dma_start3A_1244] : memref<16384x845xf32, #tpu.memory_space<hbm>> -> memref<128x32xf32, #tpu.memory_space<hbm>>
    %dma_start3A_1246 = arith.constant 320 : i32
    %dma_start3A_1247 = tpu.memref_slice %arg5[%add3A_1243, %dma_start3A_1246] : memref<16384x845xf32, #tpu.memory_space<hbm>> -> memref<128x32xf32, #tpu.memory_space<hbm>>
    tpu.enqueue_dma source(%arg9 : memref<128x32xf32, #tpu.memory_space<vmem>>) target(%dma_start3A_1247 : memref<128x32xf32, #tpu.memory_space<hbm>>) target_semaphore(%arg18 : memref<!tpu.dma_semaphore, #tpu.memory_space<semaphore_mem>>)
    %dma_wait3A_1248 = arith.constant 320 : i32
    %dma_wait3A_1249 = tpu.memref_slice %arg5[%add3A_1243, %dma_wait3A_1248] : memref<16384x845xf32, #tpu.memory_space<hbm>> -> memref<128x32xf32, #tpu.memory_space<hbm>>
    %dma_wait3A_1250 = arith.constant 320 : i32
    %dma_wait3A_1251 = tpu.memref_slice %arg5[%add3A_1243, %dma_wait3A_1250] : memref<16384x845xf32, #tpu.memory_space<hbm>> -> memref<128x32xf32, #tpu.memory_space<hbm>>
    tpu.wait_dma2 semaphore(%arg18 : memref<!tpu.dma_semaphore, #tpu.memory_space<semaphore_mem>>) src(%arg9 : memref<128x32xf32, #tpu.memory_space<vmem>>) dst(%dma_wait3A_1251 : memref<128x32xf32, #tpu.memory_space<hbm>>)
    %dma_start3A_1252 = arith.constant 5888 : i32
    %dma_start3A_1253 = tpu.memref_slice %arg6[%dma_start3A_1252] : memref<13312xi32, #tpu.memory_space<vmem>> -> memref<128xi32, #tpu.memory_space<vmem>>
    %dma_start3A_1254 = arith.constant 0 : i32
    %dma_start3A_1255 = arith.constant 0 : i32
    %dma_start3A_1256 = tpu.memref_slice %arg4[%dma_start3A_1254, %dma_start3A_1255] : memref<2600000x32xf32, #tpu.memory_space<hbm>> -> memref<2600000x32xf32, #tpu.memory_space<hbm>>
    tpu.enqueue_indirect_dma source(%dma_start3A_1256 : memref<2600000x32xf32, #tpu.memory_space<hbm>>) target(%arg9 : memref<128x32xf32, #tpu.memory_space<vmem>>) offsets(%dma_start3A_1253 : memref<128xi32, #tpu.memory_space<vmem>>) semaphore(%arg14 : memref<!tpu.dma_semaphore, #tpu.memory_space<semaphore_mem>>)
    %dma_wait3A_1257 = arith.constant 5504 : i32
    %dma_wait3A_1258 = tpu.memref_slice %arg6[%dma_wait3A_1257] : memref<13312xi32, #tpu.memory_space<vmem>> -> memref<128xi32, #tpu.memory_space<vmem>>
    %dma_wait3A_1259 = arith.constant 0 : i32
    %dma_wait3A_1260 = arith.constant 0 : i32
    %dma_wait3A_1261 = tpu.memref_slice %arg4[%dma_wait3A_1259, %dma_wait3A_1260] : memref<2600000x32xf32, #tpu.memory_space<hbm>> -> memref<2600000x32xf32, #tpu.memory_space<hbm>>
    tpu.wait_indirect_dma semaphore(%arg15 : memref<!tpu.dma_semaphore, #tpu.memory_space<semaphore_mem>>) src(%dma_wait3A_1261 : memref<2600000x32xf32, #tpu.memory_space<hbm>>) dst(%arg10 : memref<128x32xf32, #tpu.memory_space<vmem>>)
    %add3A_1262 = arith.constant 384 : i32
    %add3A_1263 = arith.addi %multiple_of3A, %add3A_1262 : i32
    %dma_start3A_1264 = arith.constant 320 : i32
    %dma_start3A_1265 = tpu.memref_slice %arg5[%add3A_1263, %dma_start3A_1264] : memref<16384x845xf32, #tpu.memory_space<hbm>> -> memref<128x32xf32, #tpu.memory_space<hbm>>
    %dma_start3A_1266 = arith.constant 320 : i32
    %dma_start3A_1267 = tpu.memref_slice %arg5[%add3A_1263, %dma_start3A_1266] : memref<16384x845xf32, #tpu.memory_space<hbm>> -> memref<128x32xf32, #tpu.memory_space<hbm>>
    tpu.enqueue_dma source(%arg10 : memref<128x32xf32, #tpu.memory_space<vmem>>) target(%dma_start3A_1267 : memref<128x32xf32, #tpu.memory_space<hbm>>) target_semaphore(%arg19 : memref<!tpu.dma_semaphore, #tpu.memory_space<semaphore_mem>>)
    %dma_wait3A_1268 = arith.constant 320 : i32
    %dma_wait3A_1269 = tpu.memref_slice %arg5[%add3A_1263, %dma_wait3A_1268] : memref<16384x845xf32, #tpu.memory_space<hbm>> -> memref<128x32xf32, #tpu.memory_space<hbm>>
    %dma_wait3A_1270 = arith.constant 320 : i32
    %dma_wait3A_1271 = tpu.memref_slice %arg5[%add3A_1263, %dma_wait3A_1270] : memref<16384x845xf32, #tpu.memory_space<hbm>> -> memref<128x32xf32, #tpu.memory_space<hbm>>
    tpu.wait_dma2 semaphore(%arg19 : memref<!tpu.dma_semaphore, #tpu.memory_space<semaphore_mem>>) src(%arg10 : memref<128x32xf32, #tpu.memory_space<vmem>>) dst(%dma_wait3A_1271 : memref<128x32xf32, #tpu.memory_space<hbm>>)
    %dma_start3A_1272 = arith.constant 6016 : i32
    %dma_start3A_1273 = tpu.memref_slice %arg6[%dma_start3A_1272] : memref<13312xi32, #tpu.memory_space<vmem>> -> memref<128xi32, #tpu.memory_space<vmem>>
    %dma_start3A_1274 = arith.constant 0 : i32
    %dma_start3A_1275 = arith.constant 0 : i32
    %dma_start3A_1276 = tpu.memref_slice %arg4[%dma_start3A_1274, %dma_start3A_1275] : memref<2600000x32xf32, #tpu.memory_space<hbm>> -> memref<2600000x32xf32, #tpu.memory_space<hbm>>
    tpu.enqueue_indirect_dma source(%dma_start3A_1276 : memref<2600000x32xf32, #tpu.memory_space<hbm>>) target(%arg10 : memref<128x32xf32, #tpu.memory_space<vmem>>) offsets(%dma_start3A_1273 : memref<128xi32, #tpu.memory_space<vmem>>) semaphore(%arg15 : memref<!tpu.dma_semaphore, #tpu.memory_space<semaphore_mem>>)
    %dma_wait3A_1277 = arith.constant 5632 : i32
    %dma_wait3A_1278 = tpu.memref_slice %arg6[%dma_wait3A_1277] : memref<13312xi32, #tpu.memory_space<vmem>> -> memref<128xi32, #tpu.memory_space<vmem>>
    %dma_wait3A_1279 = arith.constant 0 : i32
    %dma_wait3A_1280 = arith.constant 0 : i32
    %dma_wait3A_1281 = tpu.memref_slice %arg4[%dma_wait3A_1279, %dma_wait3A_1280] : memref<2600000x32xf32, #tpu.memory_space<hbm>> -> memref<2600000x32xf32, #tpu.memory_space<hbm>>
    tpu.wait_indirect_dma semaphore(%arg12 : memref<!tpu.dma_semaphore, #tpu.memory_space<semaphore_mem>>) src(%dma_wait3A_1281 : memref<2600000x32xf32, #tpu.memory_space<hbm>>) dst(%arg7 : memref<128x32xf32, #tpu.memory_space<vmem>>)
    %add3A_1282 = arith.constant 0 : i32
    %add3A_1283 = arith.addi %multiple_of3A, %add3A_1282 : i32
    %dma_start3A_1284 = arith.constant 352 : i32
    %dma_start3A_1285 = tpu.memref_slice %arg5[%add3A_1283, %dma_start3A_1284] : memref<16384x845xf32, #tpu.memory_space<hbm>> -> memref<128x32xf32, #tpu.memory_space<hbm>>
    %dma_start3A_1286 = arith.constant 352 : i32
    %dma_start3A_1287 = tpu.memref_slice %arg5[%add3A_1283, %dma_start3A_1286] : memref<16384x845xf32, #tpu.memory_space<hbm>> -> memref<128x32xf32, #tpu.memory_space<hbm>>
    tpu.enqueue_dma source(%arg7 : memref<128x32xf32, #tpu.memory_space<vmem>>) target(%dma_start3A_1287 : memref<128x32xf32, #tpu.memory_space<hbm>>) target_semaphore(%arg16 : memref<!tpu.dma_semaphore, #tpu.memory_space<semaphore_mem>>)
    %dma_wait3A_1288 = arith.constant 352 : i32
    %dma_wait3A_1289 = tpu.memref_slice %arg5[%add3A_1283, %dma_wait3A_1288] : memref<16384x845xf32, #tpu.memory_space<hbm>> -> memref<128x32xf32, #tpu.memory_space<hbm>>
    %dma_wait3A_1290 = arith.constant 352 : i32
    %dma_wait3A_1291 = tpu.memref_slice %arg5[%add3A_1283, %dma_wait3A_1290] : memref<16384x845xf32, #tpu.memory_space<hbm>> -> memref<128x32xf32, #tpu.memory_space<hbm>>
    tpu.wait_dma2 semaphore(%arg16 : memref<!tpu.dma_semaphore, #tpu.memory_space<semaphore_mem>>) src(%arg7 : memref<128x32xf32, #tpu.memory_space<vmem>>) dst(%dma_wait3A_1291 : memref<128x32xf32, #tpu.memory_space<hbm>>)
    %dma_start3A_1292 = arith.constant 6144 : i32
    %dma_start3A_1293 = tpu.memref_slice %arg6[%dma_start3A_1292] : memref<13312xi32, #tpu.memory_space<vmem>> -> memref<128xi32, #tpu.memory_space<vmem>>
    %dma_start3A_1294 = arith.constant 0 : i32
    %dma_start3A_1295 = arith.constant 0 : i32
    %dma_start3A_1296 = tpu.memref_slice %arg4[%dma_start3A_1294, %dma_start3A_1295] : memref<2600000x32xf32, #tpu.memory_space<hbm>> -> memref<2600000x32xf32, #tpu.memory_space<hbm>>
    tpu.enqueue_indirect_dma source(%dma_start3A_1296 : memref<2600000x32xf32, #tpu.memory_space<hbm>>) target(%arg7 : memref<128x32xf32, #tpu.memory_space<vmem>>) offsets(%dma_start3A_1293 : memref<128xi32, #tpu.memory_space<vmem>>) semaphore(%arg12 : memref<!tpu.dma_semaphore, #tpu.memory_space<semaphore_mem>>)
    %dma_wait3A_1297 = arith.constant 5760 : i32
    %dma_wait3A_1298 = tpu.memref_slice %arg6[%dma_wait3A_1297] : memref<13312xi32, #tpu.memory_space<vmem>> -> memref<128xi32, #tpu.memory_space<vmem>>
    %dma_wait3A_1299 = arith.constant 0 : i32
    %dma_wait3A_1300 = arith.constant 0 : i32
    %dma_wait3A_1301 = tpu.memref_slice %arg4[%dma_wait3A_1299, %dma_wait3A_1300] : memref<2600000x32xf32, #tpu.memory_space<hbm>> -> memref<2600000x32xf32, #tpu.memory_space<hbm>>
    tpu.wait_indirect_dma semaphore(%arg13 : memref<!tpu.dma_semaphore, #tpu.memory_space<semaphore_mem>>) src(%dma_wait3A_1301 : memref<2600000x32xf32, #tpu.memory_space<hbm>>) dst(%arg8 : memref<128x32xf32, #tpu.memory_space<vmem>>)
    %add3A_1302 = arith.constant 128 : i32
    %add3A_1303 = arith.addi %multiple_of3A, %add3A_1302 : i32
    %dma_start3A_1304 = arith.constant 352 : i32
    %dma_start3A_1305 = tpu.memref_slice %arg5[%add3A_1303, %dma_start3A_1304] : memref<16384x845xf32, #tpu.memory_space<hbm>> -> memref<128x32xf32, #tpu.memory_space<hbm>>
    %dma_start3A_1306 = arith.constant 352 : i32
    %dma_start3A_1307 = tpu.memref_slice %arg5[%add3A_1303, %dma_start3A_1306] : memref<16384x845xf32, #tpu.memory_space<hbm>> -> memref<128x32xf32, #tpu.memory_space<hbm>>
    tpu.enqueue_dma source(%arg8 : memref<128x32xf32, #tpu.memory_space<vmem>>) target(%dma_start3A_1307 : memref<128x32xf32, #tpu.memory_space<hbm>>) target_semaphore(%arg17 : memref<!tpu.dma_semaphore, #tpu.memory_space<semaphore_mem>>)
    %dma_wait3A_1308 = arith.constant 352 : i32
    %dma_wait3A_1309 = tpu.memref_slice %arg5[%add3A_1303, %dma_wait3A_1308] : memref<16384x845xf32, #tpu.memory_space<hbm>> -> memref<128x32xf32, #tpu.memory_space<hbm>>
    %dma_wait3A_1310 = arith.constant 352 : i32
    %dma_wait3A_1311 = tpu.memref_slice %arg5[%add3A_1303, %dma_wait3A_1310] : memref<16384x845xf32, #tpu.memory_space<hbm>> -> memref<128x32xf32, #tpu.memory_space<hbm>>
    tpu.wait_dma2 semaphore(%arg17 : memref<!tpu.dma_semaphore, #tpu.memory_space<semaphore_mem>>) src(%arg8 : memref<128x32xf32, #tpu.memory_space<vmem>>) dst(%dma_wait3A_1311 : memref<128x32xf32, #tpu.memory_space<hbm>>)
    %dma_start3A_1312 = arith.constant 6272 : i32
    %dma_start3A_1313 = tpu.memref_slice %arg6[%dma_start3A_1312] : memref<13312xi32, #tpu.memory_space<vmem>> -> memref<128xi32, #tpu.memory_space<vmem>>
    %dma_start3A_1314 = arith.constant 0 : i32
    %dma_start3A_1315 = arith.constant 0 : i32
    %dma_start3A_1316 = tpu.memref_slice %arg4[%dma_start3A_1314, %dma_start3A_1315] : memref<2600000x32xf32, #tpu.memory_space<hbm>> -> memref<2600000x32xf32, #tpu.memory_space<hbm>>
    tpu.enqueue_indirect_dma source(%dma_start3A_1316 : memref<2600000x32xf32, #tpu.memory_space<hbm>>) target(%arg8 : memref<128x32xf32, #tpu.memory_space<vmem>>) offsets(%dma_start3A_1313 : memref<128xi32, #tpu.memory_space<vmem>>) semaphore(%arg13 : memref<!tpu.dma_semaphore, #tpu.memory_space<semaphore_mem>>)
    %dma_wait3A_1317 = arith.constant 5888 : i32
    %dma_wait3A_1318 = tpu.memref_slice %arg6[%dma_wait3A_1317] : memref<13312xi32, #tpu.memory_space<vmem>> -> memref<128xi32, #tpu.memory_space<vmem>>
    %dma_wait3A_1319 = arith.constant 0 : i32
    %dma_wait3A_1320 = arith.constant 0 : i32
    %dma_wait3A_1321 = tpu.memref_slice %arg4[%dma_wait3A_1319, %dma_wait3A_1320] : memref<2600000x32xf32, #tpu.memory_space<hbm>> -> memref<2600000x32xf32, #tpu.memory_space<hbm>>
    tpu.wait_indirect_dma semaphore(%arg14 : memref<!tpu.dma_semaphore, #tpu.memory_space<semaphore_mem>>) src(%dma_wait3A_1321 : memref<2600000x32xf32, #tpu.memory_space<hbm>>) dst(%arg9 : memref<128x32xf32, #tpu.memory_space<vmem>>)
    %add3A_1322 = arith.constant 256 : i32
    %add3A_1323 = arith.addi %multiple_of3A, %add3A_1322 : i32
    %dma_start3A_1324 = arith.constant 352 : i32
    %dma_start3A_1325 = tpu.memref_slice %arg5[%add3A_1323, %dma_start3A_1324] : memref<16384x845xf32, #tpu.memory_space<hbm>> -> memref<128x32xf32, #tpu.memory_space<hbm>>
    %dma_start3A_1326 = arith.constant 352 : i32
    %dma_start3A_1327 = tpu.memref_slice %arg5[%add3A_1323, %dma_start3A_1326] : memref<16384x845xf32, #tpu.memory_space<hbm>> -> memref<128x32xf32, #tpu.memory_space<hbm>>
    tpu.enqueue_dma source(%arg9 : memref<128x32xf32, #tpu.memory_space<vmem>>) target(%dma_start3A_1327 : memref<128x32xf32, #tpu.memory_space<hbm>>) target_semaphore(%arg18 : memref<!tpu.dma_semaphore, #tpu.memory_space<semaphore_mem>>)
    %dma_wait3A_1328 = arith.constant 352 : i32
    %dma_wait3A_1329 = tpu.memref_slice %arg5[%add3A_1323, %dma_wait3A_1328] : memref<16384x845xf32, #tpu.memory_space<hbm>> -> memref<128x32xf32, #tpu.memory_space<hbm>>
    %dma_wait3A_1330 = arith.constant 352 : i32
    %dma_wait3A_1331 = tpu.memref_slice %arg5[%add3A_1323, %dma_wait3A_1330] : memref<16384x845xf32, #tpu.memory_space<hbm>> -> memref<128x32xf32, #tpu.memory_space<hbm>>
    tpu.wait_dma2 semaphore(%arg18 : memref<!tpu.dma_semaphore, #tpu.memory_space<semaphore_mem>>) src(%arg9 : memref<128x32xf32, #tpu.memory_space<vmem>>) dst(%dma_wait3A_1331 : memref<128x32xf32, #tpu.memory_space<hbm>>)
    %dma_start3A_1332 = arith.constant 6400 : i32
    %dma_start3A_1333 = tpu.memref_slice %arg6[%dma_start3A_1332] : memref<13312xi32, #tpu.memory_space<vmem>> -> memref<128xi32, #tpu.memory_space<vmem>>
    %dma_start3A_1334 = arith.constant 0 : i32
    %dma_start3A_1335 = arith.constant 0 : i32
    %dma_start3A_1336 = tpu.memref_slice %arg4[%dma_start3A_1334, %dma_start3A_1335] : memref<2600000x32xf32, #tpu.memory_space<hbm>> -> memref<2600000x32xf32, #tpu.memory_space<hbm>>
    tpu.enqueue_indirect_dma source(%dma_start3A_1336 : memref<2600000x32xf32, #tpu.memory_space<hbm>>) target(%arg9 : memref<128x32xf32, #tpu.memory_space<vmem>>) offsets(%dma_start3A_1333 : memref<128xi32, #tpu.memory_space<vmem>>) semaphore(%arg14 : memref<!tpu.dma_semaphore, #tpu.memory_space<semaphore_mem>>)
    %dma_wait3A_1337 = arith.constant 6016 : i32
    %dma_wait3A_1338 = tpu.memref_slice %arg6[%dma_wait3A_1337] : memref<13312xi32, #tpu.memory_space<vmem>> -> memref<128xi32, #tpu.memory_space<vmem>>
    %dma_wait3A_1339 = arith.constant 0 : i32
    %dma_wait3A_1340 = arith.constant 0 : i32
    %dma_wait3A_1341 = tpu.memref_slice %arg4[%dma_wait3A_1339, %dma_wait3A_1340] : memref<2600000x32xf32, #tpu.memory_space<hbm>> -> memref<2600000x32xf32, #tpu.memory_space<hbm>>
    tpu.wait_indirect_dma semaphore(%arg15 : memref<!tpu.dma_semaphore, #tpu.memory_space<semaphore_mem>>) src(%dma_wait3A_1341 : memref<2600000x32xf32, #tpu.memory_space<hbm>>) dst(%arg10 : memref<128x32xf32, #tpu.memory_space<vmem>>)
    %add3A_1342 = arith.constant 384 : i32
    %add3A_1343 = arith.addi %multiple_of3A, %add3A_1342 : i32
    %dma_start3A_1344 = arith.constant 352 : i32
    %dma_start3A_1345 = tpu.memref_slice %arg5[%add3A_1343, %dma_start3A_1344] : memref<16384x845xf32, #tpu.memory_space<hbm>> -> memref<128x32xf32, #tpu.memory_space<hbm>>
    %dma_start3A_1346 = arith.constant 352 : i32
    %dma_start3A_1347 = tpu.memref_slice %arg5[%add3A_1343, %dma_start3A_1346] : memref<16384x845xf32, #tpu.memory_space<hbm>> -> memref<128x32xf32, #tpu.memory_space<hbm>>
    tpu.enqueue_dma source(%arg10 : memref<128x32xf32, #tpu.memory_space<vmem>>) target(%dma_start3A_1347 : memref<128x32xf32, #tpu.memory_space<hbm>>) target_semaphore(%arg19 : memref<!tpu.dma_semaphore, #tpu.memory_space<semaphore_mem>>)
    %dma_wait3A_1348 = arith.constant 352 : i32
    %dma_wait3A_1349 = tpu.memref_slice %arg5[%add3A_1343, %dma_wait3A_1348] : memref<16384x845xf32, #tpu.memory_space<hbm>> -> memref<128x32xf32, #tpu.memory_space<hbm>>
    %dma_wait3A_1350 = arith.constant 352 : i32
    %dma_wait3A_1351 = tpu.memref_slice %arg5[%add3A_1343, %dma_wait3A_1350] : memref<16384x845xf32, #tpu.memory_space<hbm>> -> memref<128x32xf32, #tpu.memory_space<hbm>>
    tpu.wait_dma2 semaphore(%arg19 : memref<!tpu.dma_semaphore, #tpu.memory_space<semaphore_mem>>) src(%arg10 : memref<128x32xf32, #tpu.memory_space<vmem>>) dst(%dma_wait3A_1351 : memref<128x32xf32, #tpu.memory_space<hbm>>)
    %dma_start3A_1352 = arith.constant 6528 : i32
    %dma_start3A_1353 = tpu.memref_slice %arg6[%dma_start3A_1352] : memref<13312xi32, #tpu.memory_space<vmem>> -> memref<128xi32, #tpu.memory_space<vmem>>
    %dma_start3A_1354 = arith.constant 0 : i32
    %dma_start3A_1355 = arith.constant 0 : i32
    %dma_start3A_1356 = tpu.memref_slice %arg4[%dma_start3A_1354, %dma_start3A_1355] : memref<2600000x32xf32, #tpu.memory_space<hbm>> -> memref<2600000x32xf32, #tpu.memory_space<hbm>>
    tpu.enqueue_indirect_dma source(%dma_start3A_1356 : memref<2600000x32xf32, #tpu.memory_space<hbm>>) target(%arg10 : memref<128x32xf32, #tpu.memory_space<vmem>>) offsets(%dma_start3A_1353 : memref<128xi32, #tpu.memory_space<vmem>>) semaphore(%arg15 : memref<!tpu.dma_semaphore, #tpu.memory_space<semaphore_mem>>)
    %dma_wait3A_1357 = arith.constant 6144 : i32
    %dma_wait3A_1358 = tpu.memref_slice %arg6[%dma_wait3A_1357] : memref<13312xi32, #tpu.memory_space<vmem>> -> memref<128xi32, #tpu.memory_space<vmem>>
    %dma_wait3A_1359 = arith.constant 0 : i32
    %dma_wait3A_1360 = arith.constant 0 : i32
    %dma_wait3A_1361 = tpu.memref_slice %arg4[%dma_wait3A_1359, %dma_wait3A_1360] : memref<2600000x32xf32, #tpu.memory_space<hbm>> -> memref<2600000x32xf32, #tpu.memory_space<hbm>>
    tpu.wait_indirect_dma semaphore(%arg12 : memref<!tpu.dma_semaphore, #tpu.memory_space<semaphore_mem>>) src(%dma_wait3A_1361 : memref<2600000x32xf32, #tpu.memory_space<hbm>>) dst(%arg7 : memref<128x32xf32, #tpu.memory_space<vmem>>)
    %add3A_1362 = arith.constant 0 : i32
    %add3A_1363 = arith.addi %multiple_of3A, %add3A_1362 : i32
    %dma_start3A_1364 = arith.constant 384 : i32
    %dma_start3A_1365 = tpu.memref_slice %arg5[%add3A_1363, %dma_start3A_1364] : memref<16384x845xf32, #tpu.memory_space<hbm>> -> memref<128x32xf32, #tpu.memory_space<hbm>>
    %dma_start3A_1366 = arith.constant 384 : i32
    %dma_start3A_1367 = tpu.memref_slice %arg5[%add3A_1363, %dma_start3A_1366] : memref<16384x845xf32, #tpu.memory_space<hbm>> -> memref<128x32xf32, #tpu.memory_space<hbm>>
    tpu.enqueue_dma source(%arg7 : memref<128x32xf32, #tpu.memory_space<vmem>>) target(%dma_start3A_1367 : memref<128x32xf32, #tpu.memory_space<hbm>>) target_semaphore(%arg16 : memref<!tpu.dma_semaphore, #tpu.memory_space<semaphore_mem>>)
    %dma_wait3A_1368 = arith.constant 384 : i32
    %dma_wait3A_1369 = tpu.memref_slice %arg5[%add3A_1363, %dma_wait3A_1368] : memref<16384x845xf32, #tpu.memory_space<hbm>> -> memref<128x32xf32, #tpu.memory_space<hbm>>
    %dma_wait3A_1370 = arith.constant 384 : i32
    %dma_wait3A_1371 = tpu.memref_slice %arg5[%add3A_1363, %dma_wait3A_1370] : memref<16384x845xf32, #tpu.memory_space<hbm>> -> memref<128x32xf32, #tpu.memory_space<hbm>>
    tpu.wait_dma2 semaphore(%arg16 : memref<!tpu.dma_semaphore, #tpu.memory_space<semaphore_mem>>) src(%arg7 : memref<128x32xf32, #tpu.memory_space<vmem>>) dst(%dma_wait3A_1371 : memref<128x32xf32, #tpu.memory_space<hbm>>)
    %dma_start3A_1372 = arith.constant 6656 : i32
    %dma_start3A_1373 = tpu.memref_slice %arg6[%dma_start3A_1372] : memref<13312xi32, #tpu.memory_space<vmem>> -> memref<128xi32, #tpu.memory_space<vmem>>
    %dma_start3A_1374 = arith.constant 0 : i32
    %dma_start3A_1375 = arith.constant 0 : i32
    %dma_start3A_1376 = tpu.memref_slice %arg4[%dma_start3A_1374, %dma_start3A_1375] : memref<2600000x32xf32, #tpu.memory_space<hbm>> -> memref<2600000x32xf32, #tpu.memory_space<hbm>>
    tpu.enqueue_indirect_dma source(%dma_start3A_1376 : memref<2600000x32xf32, #tpu.memory_space<hbm>>) target(%arg7 : memref<128x32xf32, #tpu.memory_space<vmem>>) offsets(%dma_start3A_1373 : memref<128xi32, #tpu.memory_space<vmem>>) semaphore(%arg12 : memref<!tpu.dma_semaphore, #tpu.memory_space<semaphore_mem>>)
    %dma_wait3A_1377 = arith.constant 6272 : i32
    %dma_wait3A_1378 = tpu.memref_slice %arg6[%dma_wait3A_1377] : memref<13312xi32, #tpu.memory_space<vmem>> -> memref<128xi32, #tpu.memory_space<vmem>>
    %dma_wait3A_1379 = arith.constant 0 : i32
    %dma_wait3A_1380 = arith.constant 0 : i32
    %dma_wait3A_1381 = tpu.memref_slice %arg4[%dma_wait3A_1379, %dma_wait3A_1380] : memref<2600000x32xf32, #tpu.memory_space<hbm>> -> memref<2600000x32xf32, #tpu.memory_space<hbm>>
    tpu.wait_indirect_dma semaphore(%arg13 : memref<!tpu.dma_semaphore, #tpu.memory_space<semaphore_mem>>) src(%dma_wait3A_1381 : memref<2600000x32xf32, #tpu.memory_space<hbm>>) dst(%arg8 : memref<128x32xf32, #tpu.memory_space<vmem>>)
    %add3A_1382 = arith.constant 128 : i32
    %add3A_1383 = arith.addi %multiple_of3A, %add3A_1382 : i32
    %dma_start3A_1384 = arith.constant 384 : i32
    %dma_start3A_1385 = tpu.memref_slice %arg5[%add3A_1383, %dma_start3A_1384] : memref<16384x845xf32, #tpu.memory_space<hbm>> -> memref<128x32xf32, #tpu.memory_space<hbm>>
    %dma_start3A_1386 = arith.constant 384 : i32
    %dma_start3A_1387 = tpu.memref_slice %arg5[%add3A_1383, %dma_start3A_1386] : memref<16384x845xf32, #tpu.memory_space<hbm>> -> memref<128x32xf32, #tpu.memory_space<hbm>>
    tpu.enqueue_dma source(%arg8 : memref<128x32xf32, #tpu.memory_space<vmem>>) target(%dma_start3A_1387 : memref<128x32xf32, #tpu.memory_space<hbm>>) target_semaphore(%arg17 : memref<!tpu.dma_semaphore, #tpu.memory_space<semaphore_mem>>)
    %dma_wait3A_1388 = arith.constant 384 : i32
    %dma_wait3A_1389 = tpu.memref_slice %arg5[%add3A_1383, %dma_wait3A_1388] : memref<16384x845xf32, #tpu.memory_space<hbm>> -> memref<128x32xf32, #tpu.memory_space<hbm>>
    %dma_wait3A_1390 = arith.constant 384 : i32
    %dma_wait3A_1391 = tpu.memref_slice %arg5[%add3A_1383, %dma_wait3A_1390] : memref<16384x845xf32, #tpu.memory_space<hbm>> -> memref<128x32xf32, #tpu.memory_space<hbm>>
    tpu.wait_dma2 semaphore(%arg17 : memref<!tpu.dma_semaphore, #tpu.memory_space<semaphore_mem>>) src(%arg8 : memref<128x32xf32, #tpu.memory_space<vmem>>) dst(%dma_wait3A_1391 : memref<128x32xf32, #tpu.memory_space<hbm>>)
    %dma_start3A_1392 = arith.constant 6784 : i32
    %dma_start3A_1393 = tpu.memref_slice %arg6[%dma_start3A_1392] : memref<13312xi32, #tpu.memory_space<vmem>> -> memref<128xi32, #tpu.memory_space<vmem>>
    %dma_start3A_1394 = arith.constant 0 : i32
    %dma_start3A_1395 = arith.constant 0 : i32
    %dma_start3A_1396 = tpu.memref_slice %arg4[%dma_start3A_1394, %dma_start3A_1395] : memref<2600000x32xf32, #tpu.memory_space<hbm>> -> memref<2600000x32xf32, #tpu.memory_space<hbm>>
    tpu.enqueue_indirect_dma source(%dma_start3A_1396 : memref<2600000x32xf32, #tpu.memory_space<hbm>>) target(%arg8 : memref<128x32xf32, #tpu.memory_space<vmem>>) offsets(%dma_start3A_1393 : memref<128xi32, #tpu.memory_space<vmem>>) semaphore(%arg13 : memref<!tpu.dma_semaphore, #tpu.memory_space<semaphore_mem>>)
    %dma_wait3A_1397 = arith.constant 6400 : i32
    %dma_wait3A_1398 = tpu.memref_slice %arg6[%dma_wait3A_1397] : memref<13312xi32, #tpu.memory_space<vmem>> -> memref<128xi32, #tpu.memory_space<vmem>>
    %dma_wait3A_1399 = arith.constant 0 : i32
    %dma_wait3A_1400 = arith.constant 0 : i32
    %dma_wait3A_1401 = tpu.memref_slice %arg4[%dma_wait3A_1399, %dma_wait3A_1400] : memref<2600000x32xf32, #tpu.memory_space<hbm>> -> memref<2600000x32xf32, #tpu.memory_space<hbm>>
    tpu.wait_indirect_dma semaphore(%arg14 : memref<!tpu.dma_semaphore, #tpu.memory_space<semaphore_mem>>) src(%dma_wait3A_1401 : memref<2600000x32xf32, #tpu.memory_space<hbm>>) dst(%arg9 : memref<128x32xf32, #tpu.memory_space<vmem>>)
    %add3A_1402 = arith.constant 256 : i32
    %add3A_1403 = arith.addi %multiple_of3A, %add3A_1402 : i32
    %dma_start3A_1404 = arith.constant 384 : i32
    %dma_start3A_1405 = tpu.memref_slice %arg5[%add3A_1403, %dma_start3A_1404] : memref<16384x845xf32, #tpu.memory_space<hbm>> -> memref<128x32xf32, #tpu.memory_space<hbm>>
    %dma_start3A_1406 = arith.constant 384 : i32
    %dma_start3A_1407 = tpu.memref_slice %arg5[%add3A_1403, %dma_start3A_1406] : memref<16384x845xf32, #tpu.memory_space<hbm>> -> memref<128x32xf32, #tpu.memory_space<hbm>>
    tpu.enqueue_dma source(%arg9 : memref<128x32xf32, #tpu.memory_space<vmem>>) target(%dma_start3A_1407 : memref<128x32xf32, #tpu.memory_space<hbm>>) target_semaphore(%arg18 : memref<!tpu.dma_semaphore, #tpu.memory_space<semaphore_mem>>)
    %dma_wait3A_1408 = arith.constant 384 : i32
    %dma_wait3A_1409 = tpu.memref_slice %arg5[%add3A_1403, %dma_wait3A_1408] : memref<16384x845xf32, #tpu.memory_space<hbm>> -> memref<128x32xf32, #tpu.memory_space<hbm>>
    %dma_wait3A_1410 = arith.constant 384 : i32
    %dma_wait3A_1411 = tpu.memref_slice %arg5[%add3A_1403, %dma_wait3A_1410] : memref<16384x845xf32, #tpu.memory_space<hbm>> -> memref<128x32xf32, #tpu.memory_space<hbm>>
    tpu.wait_dma2 semaphore(%arg18 : memref<!tpu.dma_semaphore, #tpu.memory_space<semaphore_mem>>) src(%arg9 : memref<128x32xf32, #tpu.memory_space<vmem>>) dst(%dma_wait3A_1411 : memref<128x32xf32, #tpu.memory_space<hbm>>)
    %dma_start3A_1412 = arith.constant 6912 : i32
    %dma_start3A_1413 = tpu.memref_slice %arg6[%dma_start3A_1412] : memref<13312xi32, #tpu.memory_space<vmem>> -> memref<128xi32, #tpu.memory_space<vmem>>
    %dma_start3A_1414 = arith.constant 0 : i32
    %dma_start3A_1415 = arith.constant 0 : i32
    %dma_start3A_1416 = tpu.memref_slice %arg4[%dma_start3A_1414, %dma_start3A_1415] : memref<2600000x32xf32, #tpu.memory_space<hbm>> -> memref<2600000x32xf32, #tpu.memory_space<hbm>>
    tpu.enqueue_indirect_dma source(%dma_start3A_1416 : memref<2600000x32xf32, #tpu.memory_space<hbm>>) target(%arg9 : memref<128x32xf32, #tpu.memory_space<vmem>>) offsets(%dma_start3A_1413 : memref<128xi32, #tpu.memory_space<vmem>>) semaphore(%arg14 : memref<!tpu.dma_semaphore, #tpu.memory_space<semaphore_mem>>)
    %dma_wait3A_1417 = arith.constant 6528 : i32
    %dma_wait3A_1418 = tpu.memref_slice %arg6[%dma_wait3A_1417] : memref<13312xi32, #tpu.memory_space<vmem>> -> memref<128xi32, #tpu.memory_space<vmem>>
    %dma_wait3A_1419 = arith.constant 0 : i32
    %dma_wait3A_1420 = arith.constant 0 : i32
    %dma_wait3A_1421 = tpu.memref_slice %arg4[%dma_wait3A_1419, %dma_wait3A_1420] : memref<2600000x32xf32, #tpu.memory_space<hbm>> -> memref<2600000x32xf32, #tpu.memory_space<hbm>>
    tpu.wait_indirect_dma semaphore(%arg15 : memref<!tpu.dma_semaphore, #tpu.memory_space<semaphore_mem>>) src(%dma_wait3A_1421 : memref<2600000x32xf32, #tpu.memory_space<hbm>>) dst(%arg10 : memref<128x32xf32, #tpu.memory_space<vmem>>)
    %add3A_1422 = arith.constant 384 : i32
    %add3A_1423 = arith.addi %multiple_of3A, %add3A_1422 : i32
    %dma_start3A_1424 = arith.constant 384 : i32
    %dma_start3A_1425 = tpu.memref_slice %arg5[%add3A_1423, %dma_start3A_1424] : memref<16384x845xf32, #tpu.memory_space<hbm>> -> memref<128x32xf32, #tpu.memory_space<hbm>>
    %dma_start3A_1426 = arith.constant 384 : i32
    %dma_start3A_1427 = tpu.memref_slice %arg5[%add3A_1423, %dma_start3A_1426] : memref<16384x845xf32, #tpu.memory_space<hbm>> -> memref<128x32xf32, #tpu.memory_space<hbm>>
    tpu.enqueue_dma source(%arg10 : memref<128x32xf32, #tpu.memory_space<vmem>>) target(%dma_start3A_1427 : memref<128x32xf32, #tpu.memory_space<hbm>>) target_semaphore(%arg19 : memref<!tpu.dma_semaphore, #tpu.memory_space<semaphore_mem>>)
    %dma_wait3A_1428 = arith.constant 384 : i32
    %dma_wait3A_1429 = tpu.memref_slice %arg5[%add3A_1423, %dma_wait3A_1428] : memref<16384x845xf32, #tpu.memory_space<hbm>> -> memref<128x32xf32, #tpu.memory_space<hbm>>
    %dma_wait3A_1430 = arith.constant 384 : i32
    %dma_wait3A_1431 = tpu.memref_slice %arg5[%add3A_1423, %dma_wait3A_1430] : memref<16384x845xf32, #tpu.memory_space<hbm>> -> memref<128x32xf32, #tpu.memory_space<hbm>>
    tpu.wait_dma2 semaphore(%arg19 : memref<!tpu.dma_semaphore, #tpu.memory_space<semaphore_mem>>) src(%arg10 : memref<128x32xf32, #tpu.memory_space<vmem>>) dst(%dma_wait3A_1431 : memref<128x32xf32, #tpu.memory_space<hbm>>)
    %dma_start3A_1432 = arith.constant 7040 : i32
    %dma_start3A_1433 = tpu.memref_slice %arg6[%dma_start3A_1432] : memref<13312xi32, #tpu.memory_space<vmem>> -> memref<128xi32, #tpu.memory_space<vmem>>
    %dma_start3A_1434 = arith.constant 0 : i32
    %dma_start3A_1435 = arith.constant 0 : i32
    %dma_start3A_1436 = tpu.memref_slice %arg4[%dma_start3A_1434, %dma_start3A_1435] : memref<2600000x32xf32, #tpu.memory_space<hbm>> -> memref<2600000x32xf32, #tpu.memory_space<hbm>>
    tpu.enqueue_indirect_dma source(%dma_start3A_1436 : memref<2600000x32xf32, #tpu.memory_space<hbm>>) target(%arg10 : memref<128x32xf32, #tpu.memory_space<vmem>>) offsets(%dma_start3A_1433 : memref<128xi32, #tpu.memory_space<vmem>>) semaphore(%arg15 : memref<!tpu.dma_semaphore, #tpu.memory_space<semaphore_mem>>)
    %dma_wait3A_1437 = arith.constant 6656 : i32
    %dma_wait3A_1438 = tpu.memref_slice %arg6[%dma_wait3A_1437] : memref<13312xi32, #tpu.memory_space<vmem>> -> memref<128xi32, #tpu.memory_space<vmem>>
    %dma_wait3A_1439 = arith.constant 0 : i32
    %dma_wait3A_1440 = arith.constant 0 : i32
    %dma_wait3A_1441 = tpu.memref_slice %arg4[%dma_wait3A_1439, %dma_wait3A_1440] : memref<2600000x32xf32, #tpu.memory_space<hbm>> -> memref<2600000x32xf32, #tpu.memory_space<hbm>>
    tpu.wait_indirect_dma semaphore(%arg12 : memref<!tpu.dma_semaphore, #tpu.memory_space<semaphore_mem>>) src(%dma_wait3A_1441 : memref<2600000x32xf32, #tpu.memory_space<hbm>>) dst(%arg7 : memref<128x32xf32, #tpu.memory_space<vmem>>)
    %add3A_1442 = arith.constant 0 : i32
    %add3A_1443 = arith.addi %multiple_of3A, %add3A_1442 : i32
    %dma_start3A_1444 = arith.constant 416 : i32
    %dma_start3A_1445 = tpu.memref_slice %arg5[%add3A_1443, %dma_start3A_1444] : memref<16384x845xf32, #tpu.memory_space<hbm>> -> memref<128x32xf32, #tpu.memory_space<hbm>>
    %dma_start3A_1446 = arith.constant 416 : i32
    %dma_start3A_1447 = tpu.memref_slice %arg5[%add3A_1443, %dma_start3A_1446] : memref<16384x845xf32, #tpu.memory_space<hbm>> -> memref<128x32xf32, #tpu.memory_space<hbm>>
    tpu.enqueue_dma source(%arg7 : memref<128x32xf32, #tpu.memory_space<vmem>>) target(%dma_start3A_1447 : memref<128x32xf32, #tpu.memory_space<hbm>>) target_semaphore(%arg16 : memref<!tpu.dma_semaphore, #tpu.memory_space<semaphore_mem>>)
    %dma_wait3A_1448 = arith.constant 416 : i32
    %dma_wait3A_1449 = tpu.memref_slice %arg5[%add3A_1443, %dma_wait3A_1448] : memref<16384x845xf32, #tpu.memory_space<hbm>> -> memref<128x32xf32, #tpu.memory_space<hbm>>
    %dma_wait3A_1450 = arith.constant 416 : i32
    %dma_wait3A_1451 = tpu.memref_slice %arg5[%add3A_1443, %dma_wait3A_1450] : memref<16384x845xf32, #tpu.memory_space<hbm>> -> memref<128x32xf32, #tpu.memory_space<hbm>>
    tpu.wait_dma2 semaphore(%arg16 : memref<!tpu.dma_semaphore, #tpu.memory_space<semaphore_mem>>) src(%arg7 : memref<128x32xf32, #tpu.memory_space<vmem>>) dst(%dma_wait3A_1451 : memref<128x32xf32, #tpu.memory_space<hbm>>)
    %dma_start3A_1452 = arith.constant 7168 : i32
    %dma_start3A_1453 = tpu.memref_slice %arg6[%dma_start3A_1452] : memref<13312xi32, #tpu.memory_space<vmem>> -> memref<128xi32, #tpu.memory_space<vmem>>
    %dma_start3A_1454 = arith.constant 0 : i32
    %dma_start3A_1455 = arith.constant 0 : i32
    %dma_start3A_1456 = tpu.memref_slice %arg4[%dma_start3A_1454, %dma_start3A_1455] : memref<2600000x32xf32, #tpu.memory_space<hbm>> -> memref<2600000x32xf32, #tpu.memory_space<hbm>>
    tpu.enqueue_indirect_dma source(%dma_start3A_1456 : memref<2600000x32xf32, #tpu.memory_space<hbm>>) target(%arg7 : memref<128x32xf32, #tpu.memory_space<vmem>>) offsets(%dma_start3A_1453 : memref<128xi32, #tpu.memory_space<vmem>>) semaphore(%arg12 : memref<!tpu.dma_semaphore, #tpu.memory_space<semaphore_mem>>)
    %dma_wait3A_1457 = arith.constant 6784 : i32
    %dma_wait3A_1458 = tpu.memref_slice %arg6[%dma_wait3A_1457] : memref<13312xi32, #tpu.memory_space<vmem>> -> memref<128xi32, #tpu.memory_space<vmem>>
    %dma_wait3A_1459 = arith.constant 0 : i32
    %dma_wait3A_1460 = arith.constant 0 : i32
    %dma_wait3A_1461 = tpu.memref_slice %arg4[%dma_wait3A_1459, %dma_wait3A_1460] : memref<2600000x32xf32, #tpu.memory_space<hbm>> -> memref<2600000x32xf32, #tpu.memory_space<hbm>>
    tpu.wait_indirect_dma semaphore(%arg13 : memref<!tpu.dma_semaphore, #tpu.memory_space<semaphore_mem>>) src(%dma_wait3A_1461 : memref<2600000x32xf32, #tpu.memory_space<hbm>>) dst(%arg8 : memref<128x32xf32, #tpu.memory_space<vmem>>)
    %add3A_1462 = arith.constant 128 : i32
    %add3A_1463 = arith.addi %multiple_of3A, %add3A_1462 : i32
    %dma_start3A_1464 = arith.constant 416 : i32
    %dma_start3A_1465 = tpu.memref_slice %arg5[%add3A_1463, %dma_start3A_1464] : memref<16384x845xf32, #tpu.memory_space<hbm>> -> memref<128x32xf32, #tpu.memory_space<hbm>>
    %dma_start3A_1466 = arith.constant 416 : i32
    %dma_start3A_1467 = tpu.memref_slice %arg5[%add3A_1463, %dma_start3A_1466] : memref<16384x845xf32, #tpu.memory_space<hbm>> -> memref<128x32xf32, #tpu.memory_space<hbm>>
    tpu.enqueue_dma source(%arg8 : memref<128x32xf32, #tpu.memory_space<vmem>>) target(%dma_start3A_1467 : memref<128x32xf32, #tpu.memory_space<hbm>>) target_semaphore(%arg17 : memref<!tpu.dma_semaphore, #tpu.memory_space<semaphore_mem>>)
    %dma_wait3A_1468 = arith.constant 416 : i32
    %dma_wait3A_1469 = tpu.memref_slice %arg5[%add3A_1463, %dma_wait3A_1468] : memref<16384x845xf32, #tpu.memory_space<hbm>> -> memref<128x32xf32, #tpu.memory_space<hbm>>
    %dma_wait3A_1470 = arith.constant 416 : i32
    %dma_wait3A_1471 = tpu.memref_slice %arg5[%add3A_1463, %dma_wait3A_1470] : memref<16384x845xf32, #tpu.memory_space<hbm>> -> memref<128x32xf32, #tpu.memory_space<hbm>>
    tpu.wait_dma2 semaphore(%arg17 : memref<!tpu.dma_semaphore, #tpu.memory_space<semaphore_mem>>) src(%arg8 : memref<128x32xf32, #tpu.memory_space<vmem>>) dst(%dma_wait3A_1471 : memref<128x32xf32, #tpu.memory_space<hbm>>)
    %dma_start3A_1472 = arith.constant 7296 : i32
    %dma_start3A_1473 = tpu.memref_slice %arg6[%dma_start3A_1472] : memref<13312xi32, #tpu.memory_space<vmem>> -> memref<128xi32, #tpu.memory_space<vmem>>
    %dma_start3A_1474 = arith.constant 0 : i32
    %dma_start3A_1475 = arith.constant 0 : i32
    %dma_start3A_1476 = tpu.memref_slice %arg4[%dma_start3A_1474, %dma_start3A_1475] : memref<2600000x32xf32, #tpu.memory_space<hbm>> -> memref<2600000x32xf32, #tpu.memory_space<hbm>>
    tpu.enqueue_indirect_dma source(%dma_start3A_1476 : memref<2600000x32xf32, #tpu.memory_space<hbm>>) target(%arg8 : memref<128x32xf32, #tpu.memory_space<vmem>>) offsets(%dma_start3A_1473 : memref<128xi32, #tpu.memory_space<vmem>>) semaphore(%arg13 : memref<!tpu.dma_semaphore, #tpu.memory_space<semaphore_mem>>)
    %dma_wait3A_1477 = arith.constant 6912 : i32
    %dma_wait3A_1478 = tpu.memref_slice %arg6[%dma_wait3A_1477] : memref<13312xi32, #tpu.memory_space<vmem>> -> memref<128xi32, #tpu.memory_space<vmem>>
    %dma_wait3A_1479 = arith.constant 0 : i32
    %dma_wait3A_1480 = arith.constant 0 : i32
    %dma_wait3A_1481 = tpu.memref_slice %arg4[%dma_wait3A_1479, %dma_wait3A_1480] : memref<2600000x32xf32, #tpu.memory_space<hbm>> -> memref<2600000x32xf32, #tpu.memory_space<hbm>>
    tpu.wait_indirect_dma semaphore(%arg14 : memref<!tpu.dma_semaphore, #tpu.memory_space<semaphore_mem>>) src(%dma_wait3A_1481 : memref<2600000x32xf32, #tpu.memory_space<hbm>>) dst(%arg9 : memref<128x32xf32, #tpu.memory_space<vmem>>)
    %add3A_1482 = arith.constant 256 : i32
    %add3A_1483 = arith.addi %multiple_of3A, %add3A_1482 : i32
    %dma_start3A_1484 = arith.constant 416 : i32
    %dma_start3A_1485 = tpu.memref_slice %arg5[%add3A_1483, %dma_start3A_1484] : memref<16384x845xf32, #tpu.memory_space<hbm>> -> memref<128x32xf32, #tpu.memory_space<hbm>>
    %dma_start3A_1486 = arith.constant 416 : i32
    %dma_start3A_1487 = tpu.memref_slice %arg5[%add3A_1483, %dma_start3A_1486] : memref<16384x845xf32, #tpu.memory_space<hbm>> -> memref<128x32xf32, #tpu.memory_space<hbm>>
    tpu.enqueue_dma source(%arg9 : memref<128x32xf32, #tpu.memory_space<vmem>>) target(%dma_start3A_1487 : memref<128x32xf32, #tpu.memory_space<hbm>>) target_semaphore(%arg18 : memref<!tpu.dma_semaphore, #tpu.memory_space<semaphore_mem>>)
    %dma_wait3A_1488 = arith.constant 416 : i32
    %dma_wait3A_1489 = tpu.memref_slice %arg5[%add3A_1483, %dma_wait3A_1488] : memref<16384x845xf32, #tpu.memory_space<hbm>> -> memref<128x32xf32, #tpu.memory_space<hbm>>
    %dma_wait3A_1490 = arith.constant 416 : i32
    %dma_wait3A_1491 = tpu.memref_slice %arg5[%add3A_1483, %dma_wait3A_1490] : memref<16384x845xf32, #tpu.memory_space<hbm>> -> memref<128x32xf32, #tpu.memory_space<hbm>>
    tpu.wait_dma2 semaphore(%arg18 : memref<!tpu.dma_semaphore, #tpu.memory_space<semaphore_mem>>) src(%arg9 : memref<128x32xf32, #tpu.memory_space<vmem>>) dst(%dma_wait3A_1491 : memref<128x32xf32, #tpu.memory_space<hbm>>)
    %dma_start3A_1492 = arith.constant 7424 : i32
    %dma_start3A_1493 = tpu.memref_slice %arg6[%dma_start3A_1492] : memref<13312xi32, #tpu.memory_space<vmem>> -> memref<128xi32, #tpu.memory_space<vmem>>
    %dma_start3A_1494 = arith.constant 0 : i32
    %dma_start3A_1495 = arith.constant 0 : i32
    %dma_start3A_1496 = tpu.memref_slice %arg4[%dma_start3A_1494, %dma_start3A_1495] : memref<2600000x32xf32, #tpu.memory_space<hbm>> -> memref<2600000x32xf32, #tpu.memory_space<hbm>>
    tpu.enqueue_indirect_dma source(%dma_start3A_1496 : memref<2600000x32xf32, #tpu.memory_space<hbm>>) target(%arg9 : memref<128x32xf32, #tpu.memory_space<vmem>>) offsets(%dma_start3A_1493 : memref<128xi32, #tpu.memory_space<vmem>>) semaphore(%arg14 : memref<!tpu.dma_semaphore, #tpu.memory_space<semaphore_mem>>)
    %dma_wait3A_1497 = arith.constant 7040 : i32
    %dma_wait3A_1498 = tpu.memref_slice %arg6[%dma_wait3A_1497] : memref<13312xi32, #tpu.memory_space<vmem>> -> memref<128xi32, #tpu.memory_space<vmem>>
    %dma_wait3A_1499 = arith.constant 0 : i32
    %dma_wait3A_1500 = arith.constant 0 : i32
    %dma_wait3A_1501 = tpu.memref_slice %arg4[%dma_wait3A_1499, %dma_wait3A_1500] : memref<2600000x32xf32, #tpu.memory_space<hbm>> -> memref<2600000x32xf32, #tpu.memory_space<hbm>>
    tpu.wait_indirect_dma semaphore(%arg15 : memref<!tpu.dma_semaphore, #tpu.memory_space<semaphore_mem>>) src(%dma_wait3A_1501 : memref<2600000x32xf32, #tpu.memory_space<hbm>>) dst(%arg10 : memref<128x32xf32, #tpu.memory_space<vmem>>)
    %add3A_1502 = arith.constant 384 : i32
    %add3A_1503 = arith.addi %multiple_of3A, %add3A_1502 : i32
    %dma_start3A_1504 = arith.constant 416 : i32
    %dma_start3A_1505 = tpu.memref_slice %arg5[%add3A_1503, %dma_start3A_1504] : memref<16384x845xf32, #tpu.memory_space<hbm>> -> memref<128x32xf32, #tpu.memory_space<hbm>>
    %dma_start3A_1506 = arith.constant 416 : i32
    %dma_start3A_1507 = tpu.memref_slice %arg5[%add3A_1503, %dma_start3A_1506] : memref<16384x845xf32, #tpu.memory_space<hbm>> -> memref<128x32xf32, #tpu.memory_space<hbm>>
    tpu.enqueue_dma source(%arg10 : memref<128x32xf32, #tpu.memory_space<vmem>>) target(%dma_start3A_1507 : memref<128x32xf32, #tpu.memory_space<hbm>>) target_semaphore(%arg19 : memref<!tpu.dma_semaphore, #tpu.memory_space<semaphore_mem>>)
    %dma_wait3A_1508 = arith.constant 416 : i32
    %dma_wait3A_1509 = tpu.memref_slice %arg5[%add3A_1503, %dma_wait3A_1508] : memref<16384x845xf32, #tpu.memory_space<hbm>> -> memref<128x32xf32, #tpu.memory_space<hbm>>
    %dma_wait3A_1510 = arith.constant 416 : i32
    %dma_wait3A_1511 = tpu.memref_slice %arg5[%add3A_1503, %dma_wait3A_1510] : memref<16384x845xf32, #tpu.memory_space<hbm>> -> memref<128x32xf32, #tpu.memory_space<hbm>>
    tpu.wait_dma2 semaphore(%arg19 : memref<!tpu.dma_semaphore, #tpu.memory_space<semaphore_mem>>) src(%arg10 : memref<128x32xf32, #tpu.memory_space<vmem>>) dst(%dma_wait3A_1511 : memref<128x32xf32, #tpu.memory_space<hbm>>)
    %dma_start3A_1512 = arith.constant 7552 : i32
    %dma_start3A_1513 = tpu.memref_slice %arg6[%dma_start3A_1512] : memref<13312xi32, #tpu.memory_space<vmem>> -> memref<128xi32, #tpu.memory_space<vmem>>
    %dma_start3A_1514 = arith.constant 0 : i32
    %dma_start3A_1515 = arith.constant 0 : i32
    %dma_start3A_1516 = tpu.memref_slice %arg4[%dma_start3A_1514, %dma_start3A_1515] : memref<2600000x32xf32, #tpu.memory_space<hbm>> -> memref<2600000x32xf32, #tpu.memory_space<hbm>>
    tpu.enqueue_indirect_dma source(%dma_start3A_1516 : memref<2600000x32xf32, #tpu.memory_space<hbm>>) target(%arg10 : memref<128x32xf32, #tpu.memory_space<vmem>>) offsets(%dma_start3A_1513 : memref<128xi32, #tpu.memory_space<vmem>>) semaphore(%arg15 : memref<!tpu.dma_semaphore, #tpu.memory_space<semaphore_mem>>)
    %dma_wait3A_1517 = arith.constant 7168 : i32
    %dma_wait3A_1518 = tpu.memref_slice %arg6[%dma_wait3A_1517] : memref<13312xi32, #tpu.memory_space<vmem>> -> memref<128xi32, #tpu.memory_space<vmem>>
    %dma_wait3A_1519 = arith.constant 0 : i32
    %dma_wait3A_1520 = arith.constant 0 : i32
    %dma_wait3A_1521 = tpu.memref_slice %arg4[%dma_wait3A_1519, %dma_wait3A_1520] : memref<2600000x32xf32, #tpu.memory_space<hbm>> -> memref<2600000x32xf32, #tpu.memory_space<hbm>>
    tpu.wait_indirect_dma semaphore(%arg12 : memref<!tpu.dma_semaphore, #tpu.memory_space<semaphore_mem>>) src(%dma_wait3A_1521 : memref<2600000x32xf32, #tpu.memory_space<hbm>>) dst(%arg7 : memref<128x32xf32, #tpu.memory_space<vmem>>)
    %add3A_1522 = arith.constant 0 : i32
    %add3A_1523 = arith.addi %multiple_of3A, %add3A_1522 : i32
    %dma_start3A_1524 = arith.constant 448 : i32
    %dma_start3A_1525 = tpu.memref_slice %arg5[%add3A_1523, %dma_start3A_1524] : memref<16384x845xf32, #tpu.memory_space<hbm>> -> memref<128x32xf32, #tpu.memory_space<hbm>>
    %dma_start3A_1526 = arith.constant 448 : i32
    %dma_start3A_1527 = tpu.memref_slice %arg5[%add3A_1523, %dma_start3A_1526] : memref<16384x845xf32, #tpu.memory_space<hbm>> -> memref<128x32xf32, #tpu.memory_space<hbm>>
    tpu.enqueue_dma source(%arg7 : memref<128x32xf32, #tpu.memory_space<vmem>>) target(%dma_start3A_1527 : memref<128x32xf32, #tpu.memory_space<hbm>>) target_semaphore(%arg16 : memref<!tpu.dma_semaphore, #tpu.memory_space<semaphore_mem>>)
    %dma_wait3A_1528 = arith.constant 448 : i32
    %dma_wait3A_1529 = tpu.memref_slice %arg5[%add3A_1523, %dma_wait3A_1528] : memref<16384x845xf32, #tpu.memory_space<hbm>> -> memref<128x32xf32, #tpu.memory_space<hbm>>
    %dma_wait3A_1530 = arith.constant 448 : i32
    %dma_wait3A_1531 = tpu.memref_slice %arg5[%add3A_1523, %dma_wait3A_1530] : memref<16384x845xf32, #tpu.memory_space<hbm>> -> memref<128x32xf32, #tpu.memory_space<hbm>>
    tpu.wait_dma2 semaphore(%arg16 : memref<!tpu.dma_semaphore, #tpu.memory_space<semaphore_mem>>) src(%arg7 : memref<128x32xf32, #tpu.memory_space<vmem>>) dst(%dma_wait3A_1531 : memref<128x32xf32, #tpu.memory_space<hbm>>)
    %dma_start3A_1532 = arith.constant 7680 : i32
    %dma_start3A_1533 = tpu.memref_slice %arg6[%dma_start3A_1532] : memref<13312xi32, #tpu.memory_space<vmem>> -> memref<128xi32, #tpu.memory_space<vmem>>
    %dma_start3A_1534 = arith.constant 0 : i32
    %dma_start3A_1535 = arith.constant 0 : i32
    %dma_start3A_1536 = tpu.memref_slice %arg4[%dma_start3A_1534, %dma_start3A_1535] : memref<2600000x32xf32, #tpu.memory_space<hbm>> -> memref<2600000x32xf32, #tpu.memory_space<hbm>>
    tpu.enqueue_indirect_dma source(%dma_start3A_1536 : memref<2600000x32xf32, #tpu.memory_space<hbm>>) target(%arg7 : memref<128x32xf32, #tpu.memory_space<vmem>>) offsets(%dma_start3A_1533 : memref<128xi32, #tpu.memory_space<vmem>>) semaphore(%arg12 : memref<!tpu.dma_semaphore, #tpu.memory_space<semaphore_mem>>)
    %dma_wait3A_1537 = arith.constant 7296 : i32
    %dma_wait3A_1538 = tpu.memref_slice %arg6[%dma_wait3A_1537] : memref<13312xi32, #tpu.memory_space<vmem>> -> memref<128xi32, #tpu.memory_space<vmem>>
    %dma_wait3A_1539 = arith.constant 0 : i32
    %dma_wait3A_1540 = arith.constant 0 : i32
    %dma_wait3A_1541 = tpu.memref_slice %arg4[%dma_wait3A_1539, %dma_wait3A_1540] : memref<2600000x32xf32, #tpu.memory_space<hbm>> -> memref<2600000x32xf32, #tpu.memory_space<hbm>>
    tpu.wait_indirect_dma semaphore(%arg13 : memref<!tpu.dma_semaphore, #tpu.memory_space<semaphore_mem>>) src(%dma_wait3A_1541 : memref<2600000x32xf32, #tpu.memory_space<hbm>>) dst(%arg8 : memref<128x32xf32, #tpu.memory_space<vmem>>)
    %add3A_1542 = arith.constant 128 : i32
    %add3A_1543 = arith.addi %multiple_of3A, %add3A_1542 : i32
    %dma_start3A_1544 = arith.constant 448 : i32
    %dma_start3A_1545 = tpu.memref_slice %arg5[%add3A_1543, %dma_start3A_1544] : memref<16384x845xf32, #tpu.memory_space<hbm>> -> memref<128x32xf32, #tpu.memory_space<hbm>>
    %dma_start3A_1546 = arith.constant 448 : i32
    %dma_start3A_1547 = tpu.memref_slice %arg5[%add3A_1543, %dma_start3A_1546] : memref<16384x845xf32, #tpu.memory_space<hbm>> -> memref<128x32xf32, #tpu.memory_space<hbm>>
    tpu.enqueue_dma source(%arg8 : memref<128x32xf32, #tpu.memory_space<vmem>>) target(%dma_start3A_1547 : memref<128x32xf32, #tpu.memory_space<hbm>>) target_semaphore(%arg17 : memref<!tpu.dma_semaphore, #tpu.memory_space<semaphore_mem>>)
    %dma_wait3A_1548 = arith.constant 448 : i32
    %dma_wait3A_1549 = tpu.memref_slice %arg5[%add3A_1543, %dma_wait3A_1548] : memref<16384x845xf32, #tpu.memory_space<hbm>> -> memref<128x32xf32, #tpu.memory_space<hbm>>
    %dma_wait3A_1550 = arith.constant 448 : i32
    %dma_wait3A_1551 = tpu.memref_slice %arg5[%add3A_1543, %dma_wait3A_1550] : memref<16384x845xf32, #tpu.memory_space<hbm>> -> memref<128x32xf32, #tpu.memory_space<hbm>>
    tpu.wait_dma2 semaphore(%arg17 : memref<!tpu.dma_semaphore, #tpu.memory_space<semaphore_mem>>) src(%arg8 : memref<128x32xf32, #tpu.memory_space<vmem>>) dst(%dma_wait3A_1551 : memref<128x32xf32, #tpu.memory_space<hbm>>)
    %dma_start3A_1552 = arith.constant 7808 : i32
    %dma_start3A_1553 = tpu.memref_slice %arg6[%dma_start3A_1552] : memref<13312xi32, #tpu.memory_space<vmem>> -> memref<128xi32, #tpu.memory_space<vmem>>
    %dma_start3A_1554 = arith.constant 0 : i32
    %dma_start3A_1555 = arith.constant 0 : i32
    %dma_start3A_1556 = tpu.memref_slice %arg4[%dma_start3A_1554, %dma_start3A_1555] : memref<2600000x32xf32, #tpu.memory_space<hbm>> -> memref<2600000x32xf32, #tpu.memory_space<hbm>>
    tpu.enqueue_indirect_dma source(%dma_start3A_1556 : memref<2600000x32xf32, #tpu.memory_space<hbm>>) target(%arg8 : memref<128x32xf32, #tpu.memory_space<vmem>>) offsets(%dma_start3A_1553 : memref<128xi32, #tpu.memory_space<vmem>>) semaphore(%arg13 : memref<!tpu.dma_semaphore, #tpu.memory_space<semaphore_mem>>)
    %dma_wait3A_1557 = arith.constant 7424 : i32
    %dma_wait3A_1558 = tpu.memref_slice %arg6[%dma_wait3A_1557] : memref<13312xi32, #tpu.memory_space<vmem>> -> memref<128xi32, #tpu.memory_space<vmem>>
    %dma_wait3A_1559 = arith.constant 0 : i32
    %dma_wait3A_1560 = arith.constant 0 : i32
    %dma_wait3A_1561 = tpu.memref_slice %arg4[%dma_wait3A_1559, %dma_wait3A_1560] : memref<2600000x32xf32, #tpu.memory_space<hbm>> -> memref<2600000x32xf32, #tpu.memory_space<hbm>>
    tpu.wait_indirect_dma semaphore(%arg14 : memref<!tpu.dma_semaphore, #tpu.memory_space<semaphore_mem>>) src(%dma_wait3A_1561 : memref<2600000x32xf32, #tpu.memory_space<hbm>>) dst(%arg9 : memref<128x32xf32, #tpu.memory_space<vmem>>)
    %add3A_1562 = arith.constant 256 : i32
    %add3A_1563 = arith.addi %multiple_of3A, %add3A_1562 : i32
    %dma_start3A_1564 = arith.constant 448 : i32
    %dma_start3A_1565 = tpu.memref_slice %arg5[%add3A_1563, %dma_start3A_1564] : memref<16384x845xf32, #tpu.memory_space<hbm>> -> memref<128x32xf32, #tpu.memory_space<hbm>>
    %dma_start3A_1566 = arith.constant 448 : i32
    %dma_start3A_1567 = tpu.memref_slice %arg5[%add3A_1563, %dma_start3A_1566] : memref<16384x845xf32, #tpu.memory_space<hbm>> -> memref<128x32xf32, #tpu.memory_space<hbm>>
    tpu.enqueue_dma source(%arg9 : memref<128x32xf32, #tpu.memory_space<vmem>>) target(%dma_start3A_1567 : memref<128x32xf32, #tpu.memory_space<hbm>>) target_semaphore(%arg18 : memref<!tpu.dma_semaphore, #tpu.memory_space<semaphore_mem>>)
    %dma_wait3A_1568 = arith.constant 448 : i32
    %dma_wait3A_1569 = tpu.memref_slice %arg5[%add3A_1563, %dma_wait3A_1568] : memref<16384x845xf32, #tpu.memory_space<hbm>> -> memref<128x32xf32, #tpu.memory_space<hbm>>
    %dma_wait3A_1570 = arith.constant 448 : i32
    %dma_wait3A_1571 = tpu.memref_slice %arg5[%add3A_1563, %dma_wait3A_1570] : memref<16384x845xf32, #tpu.memory_space<hbm>> -> memref<128x32xf32, #tpu.memory_space<hbm>>
    tpu.wait_dma2 semaphore(%arg18 : memref<!tpu.dma_semaphore, #tpu.memory_space<semaphore_mem>>) src(%arg9 : memref<128x32xf32, #tpu.memory_space<vmem>>) dst(%dma_wait3A_1571 : memref<128x32xf32, #tpu.memory_space<hbm>>)
    %dma_start3A_1572 = arith.constant 7936 : i32
    %dma_start3A_1573 = tpu.memref_slice %arg6[%dma_start3A_1572] : memref<13312xi32, #tpu.memory_space<vmem>> -> memref<128xi32, #tpu.memory_space<vmem>>
    %dma_start3A_1574 = arith.constant 0 : i32
    %dma_start3A_1575 = arith.constant 0 : i32
    %dma_start3A_1576 = tpu.memref_slice %arg4[%dma_start3A_1574, %dma_start3A_1575] : memref<2600000x32xf32, #tpu.memory_space<hbm>> -> memref<2600000x32xf32, #tpu.memory_space<hbm>>
    tpu.enqueue_indirect_dma source(%dma_start3A_1576 : memref<2600000x32xf32, #tpu.memory_space<hbm>>) target(%arg9 : memref<128x32xf32, #tpu.memory_space<vmem>>) offsets(%dma_start3A_1573 : memref<128xi32, #tpu.memory_space<vmem>>) semaphore(%arg14 : memref<!tpu.dma_semaphore, #tpu.memory_space<semaphore_mem>>)
    %dma_wait3A_1577 = arith.constant 7552 : i32
    %dma_wait3A_1578 = tpu.memref_slice %arg6[%dma_wait3A_1577] : memref<13312xi32, #tpu.memory_space<vmem>> -> memref<128xi32, #tpu.memory_space<vmem>>
    %dma_wait3A_1579 = arith.constant 0 : i32
    %dma_wait3A_1580 = arith.constant 0 : i32
    %dma_wait3A_1581 = tpu.memref_slice %arg4[%dma_wait3A_1579, %dma_wait3A_1580] : memref<2600000x32xf32, #tpu.memory_space<hbm>> -> memref<2600000x32xf32, #tpu.memory_space<hbm>>
    tpu.wait_indirect_dma semaphore(%arg15 : memref<!tpu.dma_semaphore, #tpu.memory_space<semaphore_mem>>) src(%dma_wait3A_1581 : memref<2600000x32xf32, #tpu.memory_space<hbm>>) dst(%arg10 : memref<128x32xf32, #tpu.memory_space<vmem>>)
    %add3A_1582 = arith.constant 384 : i32
    %add3A_1583 = arith.addi %multiple_of3A, %add3A_1582 : i32
    %dma_start3A_1584 = arith.constant 448 : i32
    %dma_start3A_1585 = tpu.memref_slice %arg5[%add3A_1583, %dma_start3A_1584] : memref<16384x845xf32, #tpu.memory_space<hbm>> -> memref<128x32xf32, #tpu.memory_space<hbm>>
    %dma_start3A_1586 = arith.constant 448 : i32
    %dma_start3A_1587 = tpu.memref_slice %arg5[%add3A_1583, %dma_start3A_1586] : memref<16384x845xf32, #tpu.memory_space<hbm>> -> memref<128x32xf32, #tpu.memory_space<hbm>>
    tpu.enqueue_dma source(%arg10 : memref<128x32xf32, #tpu.memory_space<vmem>>) target(%dma_start3A_1587 : memref<128x32xf32, #tpu.memory_space<hbm>>) target_semaphore(%arg19 : memref<!tpu.dma_semaphore, #tpu.memory_space<semaphore_mem>>)
    %dma_wait3A_1588 = arith.constant 448 : i32
    %dma_wait3A_1589 = tpu.memref_slice %arg5[%add3A_1583, %dma_wait3A_1588] : memref<16384x845xf32, #tpu.memory_space<hbm>> -> memref<128x32xf32, #tpu.memory_space<hbm>>
    %dma_wait3A_1590 = arith.constant 448 : i32
    %dma_wait3A_1591 = tpu.memref_slice %arg5[%add3A_1583, %dma_wait3A_1590] : memref<16384x845xf32, #tpu.memory_space<hbm>> -> memref<128x32xf32, #tpu.memory_space<hbm>>
    tpu.wait_dma2 semaphore(%arg19 : memref<!tpu.dma_semaphore, #tpu.memory_space<semaphore_mem>>) src(%arg10 : memref<128x32xf32, #tpu.memory_space<vmem>>) dst(%dma_wait3A_1591 : memref<128x32xf32, #tpu.memory_space<hbm>>)
    %dma_start3A_1592 = arith.constant 8064 : i32
    %dma_start3A_1593 = tpu.memref_slice %arg6[%dma_start3A_1592] : memref<13312xi32, #tpu.memory_space<vmem>> -> memref<128xi32, #tpu.memory_space<vmem>>
    %dma_start3A_1594 = arith.constant 0 : i32
    %dma_start3A_1595 = arith.constant 0 : i32
    %dma_start3A_1596 = tpu.memref_slice %arg4[%dma_start3A_1594, %dma_start3A_1595] : memref<2600000x32xf32, #tpu.memory_space<hbm>> -> memref<2600000x32xf32, #tpu.memory_space<hbm>>
    tpu.enqueue_indirect_dma source(%dma_start3A_1596 : memref<2600000x32xf32, #tpu.memory_space<hbm>>) target(%arg10 : memref<128x32xf32, #tpu.memory_space<vmem>>) offsets(%dma_start3A_1593 : memref<128xi32, #tpu.memory_space<vmem>>) semaphore(%arg15 : memref<!tpu.dma_semaphore, #tpu.memory_space<semaphore_mem>>)
    %dma_wait3A_1597 = arith.constant 7680 : i32
    %dma_wait3A_1598 = tpu.memref_slice %arg6[%dma_wait3A_1597] : memref<13312xi32, #tpu.memory_space<vmem>> -> memref<128xi32, #tpu.memory_space<vmem>>
    %dma_wait3A_1599 = arith.constant 0 : i32
    %dma_wait3A_1600 = arith.constant 0 : i32
    %dma_wait3A_1601 = tpu.memref_slice %arg4[%dma_wait3A_1599, %dma_wait3A_1600] : memref<2600000x32xf32, #tpu.memory_space<hbm>> -> memref<2600000x32xf32, #tpu.memory_space<hbm>>
    tpu.wait_indirect_dma semaphore(%arg12 : memref<!tpu.dma_semaphore, #tpu.memory_space<semaphore_mem>>) src(%dma_wait3A_1601 : memref<2600000x32xf32, #tpu.memory_space<hbm>>) dst(%arg7 : memref<128x32xf32, #tpu.memory_space<vmem>>)
    %add3A_1602 = arith.constant 0 : i32
    %add3A_1603 = arith.addi %multiple_of3A, %add3A_1602 : i32
    %dma_start3A_1604 = arith.constant 480 : i32
    %dma_start3A_1605 = tpu.memref_slice %arg5[%add3A_1603, %dma_start3A_1604] : memref<16384x845xf32, #tpu.memory_space<hbm>> -> memref<128x32xf32, #tpu.memory_space<hbm>>
    %dma_start3A_1606 = arith.constant 480 : i32
    %dma_start3A_1607 = tpu.memref_slice %arg5[%add3A_1603, %dma_start3A_1606] : memref<16384x845xf32, #tpu.memory_space<hbm>> -> memref<128x32xf32, #tpu.memory_space<hbm>>
    tpu.enqueue_dma source(%arg7 : memref<128x32xf32, #tpu.memory_space<vmem>>) target(%dma_start3A_1607 : memref<128x32xf32, #tpu.memory_space<hbm>>) target_semaphore(%arg16 : memref<!tpu.dma_semaphore, #tpu.memory_space<semaphore_mem>>)
    %dma_wait3A_1608 = arith.constant 480 : i32
    %dma_wait3A_1609 = tpu.memref_slice %arg5[%add3A_1603, %dma_wait3A_1608] : memref<16384x845xf32, #tpu.memory_space<hbm>> -> memref<128x32xf32, #tpu.memory_space<hbm>>
    %dma_wait3A_1610 = arith.constant 480 : i32
    %dma_wait3A_1611 = tpu.memref_slice %arg5[%add3A_1603, %dma_wait3A_1610] : memref<16384x845xf32, #tpu.memory_space<hbm>> -> memref<128x32xf32, #tpu.memory_space<hbm>>
    tpu.wait_dma2 semaphore(%arg16 : memref<!tpu.dma_semaphore, #tpu.memory_space<semaphore_mem>>) src(%arg7 : memref<128x32xf32, #tpu.memory_space<vmem>>) dst(%dma_wait3A_1611 : memref<128x32xf32, #tpu.memory_space<hbm>>)
    %dma_start3A_1612 = arith.constant 8192 : i32
    %dma_start3A_1613 = tpu.memref_slice %arg6[%dma_start3A_1612] : memref<13312xi32, #tpu.memory_space<vmem>> -> memref<128xi32, #tpu.memory_space<vmem>>
    %dma_start3A_1614 = arith.constant 0 : i32
    %dma_start3A_1615 = arith.constant 0 : i32
    %dma_start3A_1616 = tpu.memref_slice %arg4[%dma_start3A_1614, %dma_start3A_1615] : memref<2600000x32xf32, #tpu.memory_space<hbm>> -> memref<2600000x32xf32, #tpu.memory_space<hbm>>
    tpu.enqueue_indirect_dma source(%dma_start3A_1616 : memref<2600000x32xf32, #tpu.memory_space<hbm>>) target(%arg7 : memref<128x32xf32, #tpu.memory_space<vmem>>) offsets(%dma_start3A_1613 : memref<128xi32, #tpu.memory_space<vmem>>) semaphore(%arg12 : memref<!tpu.dma_semaphore, #tpu.memory_space<semaphore_mem>>)
    %dma_wait3A_1617 = arith.constant 7808 : i32
    %dma_wait3A_1618 = tpu.memref_slice %arg6[%dma_wait3A_1617] : memref<13312xi32, #tpu.memory_space<vmem>> -> memref<128xi32, #tpu.memory_space<vmem>>
    %dma_wait3A_1619 = arith.constant 0 : i32
    %dma_wait3A_1620 = arith.constant 0 : i32
    %dma_wait3A_1621 = tpu.memref_slice %arg4[%dma_wait3A_1619, %dma_wait3A_1620] : memref<2600000x32xf32, #tpu.memory_space<hbm>> -> memref<2600000x32xf32, #tpu.memory_space<hbm>>
    tpu.wait_indirect_dma semaphore(%arg13 : memref<!tpu.dma_semaphore, #tpu.memory_space<semaphore_mem>>) src(%dma_wait3A_1621 : memref<2600000x32xf32, #tpu.memory_space<hbm>>) dst(%arg8 : memref<128x32xf32, #tpu.memory_space<vmem>>)
    %add3A_1622 = arith.constant 128 : i32
    %add3A_1623 = arith.addi %multiple_of3A, %add3A_1622 : i32
    %dma_start3A_1624 = arith.constant 480 : i32
    %dma_start3A_1625 = tpu.memref_slice %arg5[%add3A_1623, %dma_start3A_1624] : memref<16384x845xf32, #tpu.memory_space<hbm>> -> memref<128x32xf32, #tpu.memory_space<hbm>>
    %dma_start3A_1626 = arith.constant 480 : i32
    %dma_start3A_1627 = tpu.memref_slice %arg5[%add3A_1623, %dma_start3A_1626] : memref<16384x845xf32, #tpu.memory_space<hbm>> -> memref<128x32xf32, #tpu.memory_space<hbm>>
    tpu.enqueue_dma source(%arg8 : memref<128x32xf32, #tpu.memory_space<vmem>>) target(%dma_start3A_1627 : memref<128x32xf32, #tpu.memory_space<hbm>>) target_semaphore(%arg17 : memref<!tpu.dma_semaphore, #tpu.memory_space<semaphore_mem>>)
    %dma_wait3A_1628 = arith.constant 480 : i32
    %dma_wait3A_1629 = tpu.memref_slice %arg5[%add3A_1623, %dma_wait3A_1628] : memref<16384x845xf32, #tpu.memory_space<hbm>> -> memref<128x32xf32, #tpu.memory_space<hbm>>
    %dma_wait3A_1630 = arith.constant 480 : i32
    %dma_wait3A_1631 = tpu.memref_slice %arg5[%add3A_1623, %dma_wait3A_1630] : memref<16384x845xf32, #tpu.memory_space<hbm>> -> memref<128x32xf32, #tpu.memory_space<hbm>>
    tpu.wait_dma2 semaphore(%arg17 : memref<!tpu.dma_semaphore, #tpu.memory_space<semaphore_mem>>) src(%arg8 : memref<128x32xf32, #tpu.memory_space<vmem>>) dst(%dma_wait3A_1631 : memref<128x32xf32, #tpu.memory_space<hbm>>)
    %dma_start3A_1632 = arith.constant 8320 : i32
    %dma_start3A_1633 = tpu.memref_slice %arg6[%dma_start3A_1632] : memref<13312xi32, #tpu.memory_space<vmem>> -> memref<128xi32, #tpu.memory_space<vmem>>
    %dma_start3A_1634 = arith.constant 0 : i32
    %dma_start3A_1635 = arith.constant 0 : i32
    %dma_start3A_1636 = tpu.memref_slice %arg4[%dma_start3A_1634, %dma_start3A_1635] : memref<2600000x32xf32, #tpu.memory_space<hbm>> -> memref<2600000x32xf32, #tpu.memory_space<hbm>>
    tpu.enqueue_indirect_dma source(%dma_start3A_1636 : memref<2600000x32xf32, #tpu.memory_space<hbm>>) target(%arg8 : memref<128x32xf32, #tpu.memory_space<vmem>>) offsets(%dma_start3A_1633 : memref<128xi32, #tpu.memory_space<vmem>>) semaphore(%arg13 : memref<!tpu.dma_semaphore, #tpu.memory_space<semaphore_mem>>)
    %dma_wait3A_1637 = arith.constant 7936 : i32
    %dma_wait3A_1638 = tpu.memref_slice %arg6[%dma_wait3A_1637] : memref<13312xi32, #tpu.memory_space<vmem>> -> memref<128xi32, #tpu.memory_space<vmem>>
    %dma_wait3A_1639 = arith.constant 0 : i32
    %dma_wait3A_1640 = arith.constant 0 : i32
    %dma_wait3A_1641 = tpu.memref_slice %arg4[%dma_wait3A_1639, %dma_wait3A_1640] : memref<2600000x32xf32, #tpu.memory_space<hbm>> -> memref<2600000x32xf32, #tpu.memory_space<hbm>>
    tpu.wait_indirect_dma semaphore(%arg14 : memref<!tpu.dma_semaphore, #tpu.memory_space<semaphore_mem>>) src(%dma_wait3A_1641 : memref<2600000x32xf32, #tpu.memory_space<hbm>>) dst(%arg9 : memref<128x32xf32, #tpu.memory_space<vmem>>)
    %add3A_1642 = arith.constant 256 : i32
    %add3A_1643 = arith.addi %multiple_of3A, %add3A_1642 : i32
    %dma_start3A_1644 = arith.constant 480 : i32
    %dma_start3A_1645 = tpu.memref_slice %arg5[%add3A_1643, %dma_start3A_1644] : memref<16384x845xf32, #tpu.memory_space<hbm>> -> memref<128x32xf32, #tpu.memory_space<hbm>>
    %dma_start3A_1646 = arith.constant 480 : i32
    %dma_start3A_1647 = tpu.memref_slice %arg5[%add3A_1643, %dma_start3A_1646] : memref<16384x845xf32, #tpu.memory_space<hbm>> -> memref<128x32xf32, #tpu.memory_space<hbm>>
    tpu.enqueue_dma source(%arg9 : memref<128x32xf32, #tpu.memory_space<vmem>>) target(%dma_start3A_1647 : memref<128x32xf32, #tpu.memory_space<hbm>>) target_semaphore(%arg18 : memref<!tpu.dma_semaphore, #tpu.memory_space<semaphore_mem>>)
    %dma_wait3A_1648 = arith.constant 480 : i32
    %dma_wait3A_1649 = tpu.memref_slice %arg5[%add3A_1643, %dma_wait3A_1648] : memref<16384x845xf32, #tpu.memory_space<hbm>> -> memref<128x32xf32, #tpu.memory_space<hbm>>
    %dma_wait3A_1650 = arith.constant 480 : i32
    %dma_wait3A_1651 = tpu.memref_slice %arg5[%add3A_1643, %dma_wait3A_1650] : memref<16384x845xf32, #tpu.memory_space<hbm>> -> memref<128x32xf32, #tpu.memory_space<hbm>>
    tpu.wait_dma2 semaphore(%arg18 : memref<!tpu.dma_semaphore, #tpu.memory_space<semaphore_mem>>) src(%arg9 : memref<128x32xf32, #tpu.memory_space<vmem>>) dst(%dma_wait3A_1651 : memref<128x32xf32, #tpu.memory_space<hbm>>)
    %dma_start3A_1652 = arith.constant 8448 : i32
    %dma_start3A_1653 = tpu.memref_slice %arg6[%dma_start3A_1652] : memref<13312xi32, #tpu.memory_space<vmem>> -> memref<128xi32, #tpu.memory_space<vmem>>
    %dma_start3A_1654 = arith.constant 0 : i32
    %dma_start3A_1655 = arith.constant 0 : i32
    %dma_start3A_1656 = tpu.memref_slice %arg4[%dma_start3A_1654, %dma_start3A_1655] : memref<2600000x32xf32, #tpu.memory_space<hbm>> -> memref<2600000x32xf32, #tpu.memory_space<hbm>>
    tpu.enqueue_indirect_dma source(%dma_start3A_1656 : memref<2600000x32xf32, #tpu.memory_space<hbm>>) target(%arg9 : memref<128x32xf32, #tpu.memory_space<vmem>>) offsets(%dma_start3A_1653 : memref<128xi32, #tpu.memory_space<vmem>>) semaphore(%arg14 : memref<!tpu.dma_semaphore, #tpu.memory_space<semaphore_mem>>)
    %dma_wait3A_1657 = arith.constant 8064 : i32
    %dma_wait3A_1658 = tpu.memref_slice %arg6[%dma_wait3A_1657] : memref<13312xi32, #tpu.memory_space<vmem>> -> memref<128xi32, #tpu.memory_space<vmem>>
    %dma_wait3A_1659 = arith.constant 0 : i32
    %dma_wait3A_1660 = arith.constant 0 : i32
    %dma_wait3A_1661 = tpu.memref_slice %arg4[%dma_wait3A_1659, %dma_wait3A_1660] : memref<2600000x32xf32, #tpu.memory_space<hbm>> -> memref<2600000x32xf32, #tpu.memory_space<hbm>>
    tpu.wait_indirect_dma semaphore(%arg15 : memref<!tpu.dma_semaphore, #tpu.memory_space<semaphore_mem>>) src(%dma_wait3A_1661 : memref<2600000x32xf32, #tpu.memory_space<hbm>>) dst(%arg10 : memref<128x32xf32, #tpu.memory_space<vmem>>)
    %add3A_1662 = arith.constant 384 : i32
    %add3A_1663 = arith.addi %multiple_of3A, %add3A_1662 : i32
    %dma_start3A_1664 = arith.constant 480 : i32
    %dma_start3A_1665 = tpu.memref_slice %arg5[%add3A_1663, %dma_start3A_1664] : memref<16384x845xf32, #tpu.memory_space<hbm>> -> memref<128x32xf32, #tpu.memory_space<hbm>>
    %dma_start3A_1666 = arith.constant 480 : i32
    %dma_start3A_1667 = tpu.memref_slice %arg5[%add3A_1663, %dma_start3A_1666] : memref<16384x845xf32, #tpu.memory_space<hbm>> -> memref<128x32xf32, #tpu.memory_space<hbm>>
    tpu.enqueue_dma source(%arg10 : memref<128x32xf32, #tpu.memory_space<vmem>>) target(%dma_start3A_1667 : memref<128x32xf32, #tpu.memory_space<hbm>>) target_semaphore(%arg19 : memref<!tpu.dma_semaphore, #tpu.memory_space<semaphore_mem>>)
    %dma_wait3A_1668 = arith.constant 480 : i32
    %dma_wait3A_1669 = tpu.memref_slice %arg5[%add3A_1663, %dma_wait3A_1668] : memref<16384x845xf32, #tpu.memory_space<hbm>> -> memref<128x32xf32, #tpu.memory_space<hbm>>
    %dma_wait3A_1670 = arith.constant 480 : i32
    %dma_wait3A_1671 = tpu.memref_slice %arg5[%add3A_1663, %dma_wait3A_1670] : memref<16384x845xf32, #tpu.memory_space<hbm>> -> memref<128x32xf32, #tpu.memory_space<hbm>>
    tpu.wait_dma2 semaphore(%arg19 : memref<!tpu.dma_semaphore, #tpu.memory_space<semaphore_mem>>) src(%arg10 : memref<128x32xf32, #tpu.memory_space<vmem>>) dst(%dma_wait3A_1671 : memref<128x32xf32, #tpu.memory_space<hbm>>)
    %dma_start3A_1672 = arith.constant 8576 : i32
    %dma_start3A_1673 = tpu.memref_slice %arg6[%dma_start3A_1672] : memref<13312xi32, #tpu.memory_space<vmem>> -> memref<128xi32, #tpu.memory_space<vmem>>
    %dma_start3A_1674 = arith.constant 0 : i32
    %dma_start3A_1675 = arith.constant 0 : i32
    %dma_start3A_1676 = tpu.memref_slice %arg4[%dma_start3A_1674, %dma_start3A_1675] : memref<2600000x32xf32, #tpu.memory_space<hbm>> -> memref<2600000x32xf32, #tpu.memory_space<hbm>>
    tpu.enqueue_indirect_dma source(%dma_start3A_1676 : memref<2600000x32xf32, #tpu.memory_space<hbm>>) target(%arg10 : memref<128x32xf32, #tpu.memory_space<vmem>>) offsets(%dma_start3A_1673 : memref<128xi32, #tpu.memory_space<vmem>>) semaphore(%arg15 : memref<!tpu.dma_semaphore, #tpu.memory_space<semaphore_mem>>)
    %dma_wait3A_1677 = arith.constant 8192 : i32
    %dma_wait3A_1678 = tpu.memref_slice %arg6[%dma_wait3A_1677] : memref<13312xi32, #tpu.memory_space<vmem>> -> memref<128xi32, #tpu.memory_space<vmem>>
    %dma_wait3A_1679 = arith.constant 0 : i32
    %dma_wait3A_1680 = arith.constant 0 : i32
    %dma_wait3A_1681 = tpu.memref_slice %arg4[%dma_wait3A_1679, %dma_wait3A_1680] : memref<2600000x32xf32, #tpu.memory_space<hbm>> -> memref<2600000x32xf32, #tpu.memory_space<hbm>>
    tpu.wait_indirect_dma semaphore(%arg12 : memref<!tpu.dma_semaphore, #tpu.memory_space<semaphore_mem>>) src(%dma_wait3A_1681 : memref<2600000x32xf32, #tpu.memory_space<hbm>>) dst(%arg7 : memref<128x32xf32, #tpu.memory_space<vmem>>)
    %add3A_1682 = arith.constant 0 : i32
    %add3A_1683 = arith.addi %multiple_of3A, %add3A_1682 : i32
    %dma_start3A_1684 = arith.constant 512 : i32
    %dma_start3A_1685 = tpu.memref_slice %arg5[%add3A_1683, %dma_start3A_1684] : memref<16384x845xf32, #tpu.memory_space<hbm>> -> memref<128x32xf32, #tpu.memory_space<hbm>>
    %dma_start3A_1686 = arith.constant 512 : i32
    %dma_start3A_1687 = tpu.memref_slice %arg5[%add3A_1683, %dma_start3A_1686] : memref<16384x845xf32, #tpu.memory_space<hbm>> -> memref<128x32xf32, #tpu.memory_space<hbm>>
    tpu.enqueue_dma source(%arg7 : memref<128x32xf32, #tpu.memory_space<vmem>>) target(%dma_start3A_1687 : memref<128x32xf32, #tpu.memory_space<hbm>>) target_semaphore(%arg16 : memref<!tpu.dma_semaphore, #tpu.memory_space<semaphore_mem>>)
    %dma_wait3A_1688 = arith.constant 512 : i32
    %dma_wait3A_1689 = tpu.memref_slice %arg5[%add3A_1683, %dma_wait3A_1688] : memref<16384x845xf32, #tpu.memory_space<hbm>> -> memref<128x32xf32, #tpu.memory_space<hbm>>
    %dma_wait3A_1690 = arith.constant 512 : i32
    %dma_wait3A_1691 = tpu.memref_slice %arg5[%add3A_1683, %dma_wait3A_1690] : memref<16384x845xf32, #tpu.memory_space<hbm>> -> memref<128x32xf32, #tpu.memory_space<hbm>>
    tpu.wait_dma2 semaphore(%arg16 : memref<!tpu.dma_semaphore, #tpu.memory_space<semaphore_mem>>) src(%arg7 : memref<128x32xf32, #tpu.memory_space<vmem>>) dst(%dma_wait3A_1691 : memref<128x32xf32, #tpu.memory_space<hbm>>)
    %dma_start3A_1692 = arith.constant 8704 : i32
    %dma_start3A_1693 = tpu.memref_slice %arg6[%dma_start3A_1692] : memref<13312xi32, #tpu.memory_space<vmem>> -> memref<128xi32, #tpu.memory_space<vmem>>
    %dma_start3A_1694 = arith.constant 0 : i32
    %dma_start3A_1695 = arith.constant 0 : i32
    %dma_start3A_1696 = tpu.memref_slice %arg4[%dma_start3A_1694, %dma_start3A_1695] : memref<2600000x32xf32, #tpu.memory_space<hbm>> -> memref<2600000x32xf32, #tpu.memory_space<hbm>>
    tpu.enqueue_indirect_dma source(%dma_start3A_1696 : memref<2600000x32xf32, #tpu.memory_space<hbm>>) target(%arg7 : memref<128x32xf32, #tpu.memory_space<vmem>>) offsets(%dma_start3A_1693 : memref<128xi32, #tpu.memory_space<vmem>>) semaphore(%arg12 : memref<!tpu.dma_semaphore, #tpu.memory_space<semaphore_mem>>)
    %dma_wait3A_1697 = arith.constant 8320 : i32
    %dma_wait3A_1698 = tpu.memref_slice %arg6[%dma_wait3A_1697] : memref<13312xi32, #tpu.memory_space<vmem>> -> memref<128xi32, #tpu.memory_space<vmem>>
    %dma_wait3A_1699 = arith.constant 0 : i32
    %dma_wait3A_1700 = arith.constant 0 : i32
    %dma_wait3A_1701 = tpu.memref_slice %arg4[%dma_wait3A_1699, %dma_wait3A_1700] : memref<2600000x32xf32, #tpu.memory_space<hbm>> -> memref<2600000x32xf32, #tpu.memory_space<hbm>>
    tpu.wait_indirect_dma semaphore(%arg13 : memref<!tpu.dma_semaphore, #tpu.memory_space<semaphore_mem>>) src(%dma_wait3A_1701 : memref<2600000x32xf32, #tpu.memory_space<hbm>>) dst(%arg8 : memref<128x32xf32, #tpu.memory_space<vmem>>)
    %add3A_1702 = arith.constant 128 : i32
    %add3A_1703 = arith.addi %multiple_of3A, %add3A_1702 : i32
    %dma_start3A_1704 = arith.constant 512 : i32
    %dma_start3A_1705 = tpu.memref_slice %arg5[%add3A_1703, %dma_start3A_1704] : memref<16384x845xf32, #tpu.memory_space<hbm>> -> memref<128x32xf32, #tpu.memory_space<hbm>>
    %dma_start3A_1706 = arith.constant 512 : i32
    %dma_start3A_1707 = tpu.memref_slice %arg5[%add3A_1703, %dma_start3A_1706] : memref<16384x845xf32, #tpu.memory_space<hbm>> -> memref<128x32xf32, #tpu.memory_space<hbm>>
    tpu.enqueue_dma source(%arg8 : memref<128x32xf32, #tpu.memory_space<vmem>>) target(%dma_start3A_1707 : memref<128x32xf32, #tpu.memory_space<hbm>>) target_semaphore(%arg17 : memref<!tpu.dma_semaphore, #tpu.memory_space<semaphore_mem>>)
    %dma_wait3A_1708 = arith.constant 512 : i32
    %dma_wait3A_1709 = tpu.memref_slice %arg5[%add3A_1703, %dma_wait3A_1708] : memref<16384x845xf32, #tpu.memory_space<hbm>> -> memref<128x32xf32, #tpu.memory_space<hbm>>
    %dma_wait3A_1710 = arith.constant 512 : i32
    %dma_wait3A_1711 = tpu.memref_slice %arg5[%add3A_1703, %dma_wait3A_1710] : memref<16384x845xf32, #tpu.memory_space<hbm>> -> memref<128x32xf32, #tpu.memory_space<hbm>>
    tpu.wait_dma2 semaphore(%arg17 : memref<!tpu.dma_semaphore, #tpu.memory_space<semaphore_mem>>) src(%arg8 : memref<128x32xf32, #tpu.memory_space<vmem>>) dst(%dma_wait3A_1711 : memref<128x32xf32, #tpu.memory_space<hbm>>)
    %dma_start3A_1712 = arith.constant 8832 : i32
    %dma_start3A_1713 = tpu.memref_slice %arg6[%dma_start3A_1712] : memref<13312xi32, #tpu.memory_space<vmem>> -> memref<128xi32, #tpu.memory_space<vmem>>
    %dma_start3A_1714 = arith.constant 0 : i32
    %dma_start3A_1715 = arith.constant 0 : i32
    %dma_start3A_1716 = tpu.memref_slice %arg4[%dma_start3A_1714, %dma_start3A_1715] : memref<2600000x32xf32, #tpu.memory_space<hbm>> -> memref<2600000x32xf32, #tpu.memory_space<hbm>>
    tpu.enqueue_indirect_dma source(%dma_start3A_1716 : memref<2600000x32xf32, #tpu.memory_space<hbm>>) target(%arg8 : memref<128x32xf32, #tpu.memory_space<vmem>>) offsets(%dma_start3A_1713 : memref<128xi32, #tpu.memory_space<vmem>>) semaphore(%arg13 : memref<!tpu.dma_semaphore, #tpu.memory_space<semaphore_mem>>)
    %dma_wait3A_1717 = arith.constant 8448 : i32
    %dma_wait3A_1718 = tpu.memref_slice %arg6[%dma_wait3A_1717] : memref<13312xi32, #tpu.memory_space<vmem>> -> memref<128xi32, #tpu.memory_space<vmem>>
    %dma_wait3A_1719 = arith.constant 0 : i32
    %dma_wait3A_1720 = arith.constant 0 : i32
    %dma_wait3A_1721 = tpu.memref_slice %arg4[%dma_wait3A_1719, %dma_wait3A_1720] : memref<2600000x32xf32, #tpu.memory_space<hbm>> -> memref<2600000x32xf32, #tpu.memory_space<hbm>>
    tpu.wait_indirect_dma semaphore(%arg14 : memref<!tpu.dma_semaphore, #tpu.memory_space<semaphore_mem>>) src(%dma_wait3A_1721 : memref<2600000x32xf32, #tpu.memory_space<hbm>>) dst(%arg9 : memref<128x32xf32, #tpu.memory_space<vmem>>)
    %add3A_1722 = arith.constant 256 : i32
    %add3A_1723 = arith.addi %multiple_of3A, %add3A_1722 : i32
    %dma_start3A_1724 = arith.constant 512 : i32
    %dma_start3A_1725 = tpu.memref_slice %arg5[%add3A_1723, %dma_start3A_1724] : memref<16384x845xf32, #tpu.memory_space<hbm>> -> memref<128x32xf32, #tpu.memory_space<hbm>>
    %dma_start3A_1726 = arith.constant 512 : i32
    %dma_start3A_1727 = tpu.memref_slice %arg5[%add3A_1723, %dma_start3A_1726] : memref<16384x845xf32, #tpu.memory_space<hbm>> -> memref<128x32xf32, #tpu.memory_space<hbm>>
    tpu.enqueue_dma source(%arg9 : memref<128x32xf32, #tpu.memory_space<vmem>>) target(%dma_start3A_1727 : memref<128x32xf32, #tpu.memory_space<hbm>>) target_semaphore(%arg18 : memref<!tpu.dma_semaphore, #tpu.memory_space<semaphore_mem>>)
    %dma_wait3A_1728 = arith.constant 512 : i32
    %dma_wait3A_1729 = tpu.memref_slice %arg5[%add3A_1723, %dma_wait3A_1728] : memref<16384x845xf32, #tpu.memory_space<hbm>> -> memref<128x32xf32, #tpu.memory_space<hbm>>
    %dma_wait3A_1730 = arith.constant 512 : i32
    %dma_wait3A_1731 = tpu.memref_slice %arg5[%add3A_1723, %dma_wait3A_1730] : memref<16384x845xf32, #tpu.memory_space<hbm>> -> memref<128x32xf32, #tpu.memory_space<hbm>>
    tpu.wait_dma2 semaphore(%arg18 : memref<!tpu.dma_semaphore, #tpu.memory_space<semaphore_mem>>) src(%arg9 : memref<128x32xf32, #tpu.memory_space<vmem>>) dst(%dma_wait3A_1731 : memref<128x32xf32, #tpu.memory_space<hbm>>)
    %dma_start3A_1732 = arith.constant 8960 : i32
    %dma_start3A_1733 = tpu.memref_slice %arg6[%dma_start3A_1732] : memref<13312xi32, #tpu.memory_space<vmem>> -> memref<128xi32, #tpu.memory_space<vmem>>
    %dma_start3A_1734 = arith.constant 0 : i32
    %dma_start3A_1735 = arith.constant 0 : i32
    %dma_start3A_1736 = tpu.memref_slice %arg4[%dma_start3A_1734, %dma_start3A_1735] : memref<2600000x32xf32, #tpu.memory_space<hbm>> -> memref<2600000x32xf32, #tpu.memory_space<hbm>>
    tpu.enqueue_indirect_dma source(%dma_start3A_1736 : memref<2600000x32xf32, #tpu.memory_space<hbm>>) target(%arg9 : memref<128x32xf32, #tpu.memory_space<vmem>>) offsets(%dma_start3A_1733 : memref<128xi32, #tpu.memory_space<vmem>>) semaphore(%arg14 : memref<!tpu.dma_semaphore, #tpu.memory_space<semaphore_mem>>)
    %dma_wait3A_1737 = arith.constant 8576 : i32
    %dma_wait3A_1738 = tpu.memref_slice %arg6[%dma_wait3A_1737] : memref<13312xi32, #tpu.memory_space<vmem>> -> memref<128xi32, #tpu.memory_space<vmem>>
    %dma_wait3A_1739 = arith.constant 0 : i32
    %dma_wait3A_1740 = arith.constant 0 : i32
    %dma_wait3A_1741 = tpu.memref_slice %arg4[%dma_wait3A_1739, %dma_wait3A_1740] : memref<2600000x32xf32, #tpu.memory_space<hbm>> -> memref<2600000x32xf32, #tpu.memory_space<hbm>>
    tpu.wait_indirect_dma semaphore(%arg15 : memref<!tpu.dma_semaphore, #tpu.memory_space<semaphore_mem>>) src(%dma_wait3A_1741 : memref<2600000x32xf32, #tpu.memory_space<hbm>>) dst(%arg10 : memref<128x32xf32, #tpu.memory_space<vmem>>)
    %add3A_1742 = arith.constant 384 : i32
    %add3A_1743 = arith.addi %multiple_of3A, %add3A_1742 : i32
    %dma_start3A_1744 = arith.constant 512 : i32
    %dma_start3A_1745 = tpu.memref_slice %arg5[%add3A_1743, %dma_start3A_1744] : memref<16384x845xf32, #tpu.memory_space<hbm>> -> memref<128x32xf32, #tpu.memory_space<hbm>>
    %dma_start3A_1746 = arith.constant 512 : i32
    %dma_start3A_1747 = tpu.memref_slice %arg5[%add3A_1743, %dma_start3A_1746] : memref<16384x845xf32, #tpu.memory_space<hbm>> -> memref<128x32xf32, #tpu.memory_space<hbm>>
    tpu.enqueue_dma source(%arg10 : memref<128x32xf32, #tpu.memory_space<vmem>>) target(%dma_start3A_1747 : memref<128x32xf32, #tpu.memory_space<hbm>>) target_semaphore(%arg19 : memref<!tpu.dma_semaphore, #tpu.memory_space<semaphore_mem>>)
    %dma_wait3A_1748 = arith.constant 512 : i32
    %dma_wait3A_1749 = tpu.memref_slice %arg5[%add3A_1743, %dma_wait3A_1748] : memref<16384x845xf32, #tpu.memory_space<hbm>> -> memref<128x32xf32, #tpu.memory_space<hbm>>
    %dma_wait3A_1750 = arith.constant 512 : i32
    %dma_wait3A_1751 = tpu.memref_slice %arg5[%add3A_1743, %dma_wait3A_1750] : memref<16384x845xf32, #tpu.memory_space<hbm>> -> memref<128x32xf32, #tpu.memory_space<hbm>>
    tpu.wait_dma2 semaphore(%arg19 : memref<!tpu.dma_semaphore, #tpu.memory_space<semaphore_mem>>) src(%arg10 : memref<128x32xf32, #tpu.memory_space<vmem>>) dst(%dma_wait3A_1751 : memref<128x32xf32, #tpu.memory_space<hbm>>)
    %dma_start3A_1752 = arith.constant 9088 : i32
    %dma_start3A_1753 = tpu.memref_slice %arg6[%dma_start3A_1752] : memref<13312xi32, #tpu.memory_space<vmem>> -> memref<128xi32, #tpu.memory_space<vmem>>
    %dma_start3A_1754 = arith.constant 0 : i32
    %dma_start3A_1755 = arith.constant 0 : i32
    %dma_start3A_1756 = tpu.memref_slice %arg4[%dma_start3A_1754, %dma_start3A_1755] : memref<2600000x32xf32, #tpu.memory_space<hbm>> -> memref<2600000x32xf32, #tpu.memory_space<hbm>>
    tpu.enqueue_indirect_dma source(%dma_start3A_1756 : memref<2600000x32xf32, #tpu.memory_space<hbm>>) target(%arg10 : memref<128x32xf32, #tpu.memory_space<vmem>>) offsets(%dma_start3A_1753 : memref<128xi32, #tpu.memory_space<vmem>>) semaphore(%arg15 : memref<!tpu.dma_semaphore, #tpu.memory_space<semaphore_mem>>)
    %dma_wait3A_1757 = arith.constant 8704 : i32
    %dma_wait3A_1758 = tpu.memref_slice %arg6[%dma_wait3A_1757] : memref<13312xi32, #tpu.memory_space<vmem>> -> memref<128xi32, #tpu.memory_space<vmem>>
    %dma_wait3A_1759 = arith.constant 0 : i32
    %dma_wait3A_1760 = arith.constant 0 : i32
    %dma_wait3A_1761 = tpu.memref_slice %arg4[%dma_wait3A_1759, %dma_wait3A_1760] : memref<2600000x32xf32, #tpu.memory_space<hbm>> -> memref<2600000x32xf32, #tpu.memory_space<hbm>>
    tpu.wait_indirect_dma semaphore(%arg12 : memref<!tpu.dma_semaphore, #tpu.memory_space<semaphore_mem>>) src(%dma_wait3A_1761 : memref<2600000x32xf32, #tpu.memory_space<hbm>>) dst(%arg7 : memref<128x32xf32, #tpu.memory_space<vmem>>)
    %add3A_1762 = arith.constant 0 : i32
    %add3A_1763 = arith.addi %multiple_of3A, %add3A_1762 : i32
    %dma_start3A_1764 = arith.constant 544 : i32
    %dma_start3A_1765 = tpu.memref_slice %arg5[%add3A_1763, %dma_start3A_1764] : memref<16384x845xf32, #tpu.memory_space<hbm>> -> memref<128x32xf32, #tpu.memory_space<hbm>>
    %dma_start3A_1766 = arith.constant 544 : i32
    %dma_start3A_1767 = tpu.memref_slice %arg5[%add3A_1763, %dma_start3A_1766] : memref<16384x845xf32, #tpu.memory_space<hbm>> -> memref<128x32xf32, #tpu.memory_space<hbm>>
    tpu.enqueue_dma source(%arg7 : memref<128x32xf32, #tpu.memory_space<vmem>>) target(%dma_start3A_1767 : memref<128x32xf32, #tpu.memory_space<hbm>>) target_semaphore(%arg16 : memref<!tpu.dma_semaphore, #tpu.memory_space<semaphore_mem>>)
    %dma_wait3A_1768 = arith.constant 544 : i32
    %dma_wait3A_1769 = tpu.memref_slice %arg5[%add3A_1763, %dma_wait3A_1768] : memref<16384x845xf32, #tpu.memory_space<hbm>> -> memref<128x32xf32, #tpu.memory_space<hbm>>
    %dma_wait3A_1770 = arith.constant 544 : i32
    %dma_wait3A_1771 = tpu.memref_slice %arg5[%add3A_1763, %dma_wait3A_1770] : memref<16384x845xf32, #tpu.memory_space<hbm>> -> memref<128x32xf32, #tpu.memory_space<hbm>>
    tpu.wait_dma2 semaphore(%arg16 : memref<!tpu.dma_semaphore, #tpu.memory_space<semaphore_mem>>) src(%arg7 : memref<128x32xf32, #tpu.memory_space<vmem>>) dst(%dma_wait3A_1771 : memref<128x32xf32, #tpu.memory_space<hbm>>)
    %dma_start3A_1772 = arith.constant 9216 : i32
    %dma_start3A_1773 = tpu.memref_slice %arg6[%dma_start3A_1772] : memref<13312xi32, #tpu.memory_space<vmem>> -> memref<128xi32, #tpu.memory_space<vmem>>
    %dma_start3A_1774 = arith.constant 0 : i32
    %dma_start3A_1775 = arith.constant 0 : i32
    %dma_start3A_1776 = tpu.memref_slice %arg4[%dma_start3A_1774, %dma_start3A_1775] : memref<2600000x32xf32, #tpu.memory_space<hbm>> -> memref<2600000x32xf32, #tpu.memory_space<hbm>>
    tpu.enqueue_indirect_dma source(%dma_start3A_1776 : memref<2600000x32xf32, #tpu.memory_space<hbm>>) target(%arg7 : memref<128x32xf32, #tpu.memory_space<vmem>>) offsets(%dma_start3A_1773 : memref<128xi32, #tpu.memory_space<vmem>>) semaphore(%arg12 : memref<!tpu.dma_semaphore, #tpu.memory_space<semaphore_mem>>)
    %dma_wait3A_1777 = arith.constant 8832 : i32
    %dma_wait3A_1778 = tpu.memref_slice %arg6[%dma_wait3A_1777] : memref<13312xi32, #tpu.memory_space<vmem>> -> memref<128xi32, #tpu.memory_space<vmem>>
    %dma_wait3A_1779 = arith.constant 0 : i32
    %dma_wait3A_1780 = arith.constant 0 : i32
    %dma_wait3A_1781 = tpu.memref_slice %arg4[%dma_wait3A_1779, %dma_wait3A_1780] : memref<2600000x32xf32, #tpu.memory_space<hbm>> -> memref<2600000x32xf32, #tpu.memory_space<hbm>>
    tpu.wait_indirect_dma semaphore(%arg13 : memref<!tpu.dma_semaphore, #tpu.memory_space<semaphore_mem>>) src(%dma_wait3A_1781 : memref<2600000x32xf32, #tpu.memory_space<hbm>>) dst(%arg8 : memref<128x32xf32, #tpu.memory_space<vmem>>)
    %add3A_1782 = arith.constant 128 : i32
    %add3A_1783 = arith.addi %multiple_of3A, %add3A_1782 : i32
    %dma_start3A_1784 = arith.constant 544 : i32
    %dma_start3A_1785 = tpu.memref_slice %arg5[%add3A_1783, %dma_start3A_1784] : memref<16384x845xf32, #tpu.memory_space<hbm>> -> memref<128x32xf32, #tpu.memory_space<hbm>>
    %dma_start3A_1786 = arith.constant 544 : i32
    %dma_start3A_1787 = tpu.memref_slice %arg5[%add3A_1783, %dma_start3A_1786] : memref<16384x845xf32, #tpu.memory_space<hbm>> -> memref<128x32xf32, #tpu.memory_space<hbm>>
    tpu.enqueue_dma source(%arg8 : memref<128x32xf32, #tpu.memory_space<vmem>>) target(%dma_start3A_1787 : memref<128x32xf32, #tpu.memory_space<hbm>>) target_semaphore(%arg17 : memref<!tpu.dma_semaphore, #tpu.memory_space<semaphore_mem>>)
    %dma_wait3A_1788 = arith.constant 544 : i32
    %dma_wait3A_1789 = tpu.memref_slice %arg5[%add3A_1783, %dma_wait3A_1788] : memref<16384x845xf32, #tpu.memory_space<hbm>> -> memref<128x32xf32, #tpu.memory_space<hbm>>
    %dma_wait3A_1790 = arith.constant 544 : i32
    %dma_wait3A_1791 = tpu.memref_slice %arg5[%add3A_1783, %dma_wait3A_1790] : memref<16384x845xf32, #tpu.memory_space<hbm>> -> memref<128x32xf32, #tpu.memory_space<hbm>>
    tpu.wait_dma2 semaphore(%arg17 : memref<!tpu.dma_semaphore, #tpu.memory_space<semaphore_mem>>) src(%arg8 : memref<128x32xf32, #tpu.memory_space<vmem>>) dst(%dma_wait3A_1791 : memref<128x32xf32, #tpu.memory_space<hbm>>)
    %dma_start3A_1792 = arith.constant 9344 : i32
    %dma_start3A_1793 = tpu.memref_slice %arg6[%dma_start3A_1792] : memref<13312xi32, #tpu.memory_space<vmem>> -> memref<128xi32, #tpu.memory_space<vmem>>
    %dma_start3A_1794 = arith.constant 0 : i32
    %dma_start3A_1795 = arith.constant 0 : i32
    %dma_start3A_1796 = tpu.memref_slice %arg4[%dma_start3A_1794, %dma_start3A_1795] : memref<2600000x32xf32, #tpu.memory_space<hbm>> -> memref<2600000x32xf32, #tpu.memory_space<hbm>>
    tpu.enqueue_indirect_dma source(%dma_start3A_1796 : memref<2600000x32xf32, #tpu.memory_space<hbm>>) target(%arg8 : memref<128x32xf32, #tpu.memory_space<vmem>>) offsets(%dma_start3A_1793 : memref<128xi32, #tpu.memory_space<vmem>>) semaphore(%arg13 : memref<!tpu.dma_semaphore, #tpu.memory_space<semaphore_mem>>)
    %dma_wait3A_1797 = arith.constant 8960 : i32
    %dma_wait3A_1798 = tpu.memref_slice %arg6[%dma_wait3A_1797] : memref<13312xi32, #tpu.memory_space<vmem>> -> memref<128xi32, #tpu.memory_space<vmem>>
    %dma_wait3A_1799 = arith.constant 0 : i32
    %dma_wait3A_1800 = arith.constant 0 : i32
    %dma_wait3A_1801 = tpu.memref_slice %arg4[%dma_wait3A_1799, %dma_wait3A_1800] : memref<2600000x32xf32, #tpu.memory_space<hbm>> -> memref<2600000x32xf32, #tpu.memory_space<hbm>>
    tpu.wait_indirect_dma semaphore(%arg14 : memref<!tpu.dma_semaphore, #tpu.memory_space<semaphore_mem>>) src(%dma_wait3A_1801 : memref<2600000x32xf32, #tpu.memory_space<hbm>>) dst(%arg9 : memref<128x32xf32, #tpu.memory_space<vmem>>)
    %add3A_1802 = arith.constant 256 : i32
    %add3A_1803 = arith.addi %multiple_of3A, %add3A_1802 : i32
    %dma_start3A_1804 = arith.constant 544 : i32
    %dma_start3A_1805 = tpu.memref_slice %arg5[%add3A_1803, %dma_start3A_1804] : memref<16384x845xf32, #tpu.memory_space<hbm>> -> memref<128x32xf32, #tpu.memory_space<hbm>>
    %dma_start3A_1806 = arith.constant 544 : i32
    %dma_start3A_1807 = tpu.memref_slice %arg5[%add3A_1803, %dma_start3A_1806] : memref<16384x845xf32, #tpu.memory_space<hbm>> -> memref<128x32xf32, #tpu.memory_space<hbm>>
    tpu.enqueue_dma source(%arg9 : memref<128x32xf32, #tpu.memory_space<vmem>>) target(%dma_start3A_1807 : memref<128x32xf32, #tpu.memory_space<hbm>>) target_semaphore(%arg18 : memref<!tpu.dma_semaphore, #tpu.memory_space<semaphore_mem>>)
    %dma_wait3A_1808 = arith.constant 544 : i32
    %dma_wait3A_1809 = tpu.memref_slice %arg5[%add3A_1803, %dma_wait3A_1808] : memref<16384x845xf32, #tpu.memory_space<hbm>> -> memref<128x32xf32, #tpu.memory_space<hbm>>
    %dma_wait3A_1810 = arith.constant 544 : i32
    %dma_wait3A_1811 = tpu.memref_slice %arg5[%add3A_1803, %dma_wait3A_1810] : memref<16384x845xf32, #tpu.memory_space<hbm>> -> memref<128x32xf32, #tpu.memory_space<hbm>>
    tpu.wait_dma2 semaphore(%arg18 : memref<!tpu.dma_semaphore, #tpu.memory_space<semaphore_mem>>) src(%arg9 : memref<128x32xf32, #tpu.memory_space<vmem>>) dst(%dma_wait3A_1811 : memref<128x32xf32, #tpu.memory_space<hbm>>)
    %dma_start3A_1812 = arith.constant 9472 : i32
    %dma_start3A_1813 = tpu.memref_slice %arg6[%dma_start3A_1812] : memref<13312xi32, #tpu.memory_space<vmem>> -> memref<128xi32, #tpu.memory_space<vmem>>
    %dma_start3A_1814 = arith.constant 0 : i32
    %dma_start3A_1815 = arith.constant 0 : i32
    %dma_start3A_1816 = tpu.memref_slice %arg4[%dma_start3A_1814, %dma_start3A_1815] : memref<2600000x32xf32, #tpu.memory_space<hbm>> -> memref<2600000x32xf32, #tpu.memory_space<hbm>>
    tpu.enqueue_indirect_dma source(%dma_start3A_1816 : memref<2600000x32xf32, #tpu.memory_space<hbm>>) target(%arg9 : memref<128x32xf32, #tpu.memory_space<vmem>>) offsets(%dma_start3A_1813 : memref<128xi32, #tpu.memory_space<vmem>>) semaphore(%arg14 : memref<!tpu.dma_semaphore, #tpu.memory_space<semaphore_mem>>)
    %dma_wait3A_1817 = arith.constant 9088 : i32
    %dma_wait3A_1818 = tpu.memref_slice %arg6[%dma_wait3A_1817] : memref<13312xi32, #tpu.memory_space<vmem>> -> memref<128xi32, #tpu.memory_space<vmem>>
    %dma_wait3A_1819 = arith.constant 0 : i32
    %dma_wait3A_1820 = arith.constant 0 : i32
    %dma_wait3A_1821 = tpu.memref_slice %arg4[%dma_wait3A_1819, %dma_wait3A_1820] : memref<2600000x32xf32, #tpu.memory_space<hbm>> -> memref<2600000x32xf32, #tpu.memory_space<hbm>>
    tpu.wait_indirect_dma semaphore(%arg15 : memref<!tpu.dma_semaphore, #tpu.memory_space<semaphore_mem>>) src(%dma_wait3A_1821 : memref<2600000x32xf32, #tpu.memory_space<hbm>>) dst(%arg10 : memref<128x32xf32, #tpu.memory_space<vmem>>)
    %add3A_1822 = arith.constant 384 : i32
    %add3A_1823 = arith.addi %multiple_of3A, %add3A_1822 : i32
    %dma_start3A_1824 = arith.constant 544 : i32
    %dma_start3A_1825 = tpu.memref_slice %arg5[%add3A_1823, %dma_start3A_1824] : memref<16384x845xf32, #tpu.memory_space<hbm>> -> memref<128x32xf32, #tpu.memory_space<hbm>>
    %dma_start3A_1826 = arith.constant 544 : i32
    %dma_start3A_1827 = tpu.memref_slice %arg5[%add3A_1823, %dma_start3A_1826] : memref<16384x845xf32, #tpu.memory_space<hbm>> -> memref<128x32xf32, #tpu.memory_space<hbm>>
    tpu.enqueue_dma source(%arg10 : memref<128x32xf32, #tpu.memory_space<vmem>>) target(%dma_start3A_1827 : memref<128x32xf32, #tpu.memory_space<hbm>>) target_semaphore(%arg19 : memref<!tpu.dma_semaphore, #tpu.memory_space<semaphore_mem>>)
    %dma_wait3A_1828 = arith.constant 544 : i32
    %dma_wait3A_1829 = tpu.memref_slice %arg5[%add3A_1823, %dma_wait3A_1828] : memref<16384x845xf32, #tpu.memory_space<hbm>> -> memref<128x32xf32, #tpu.memory_space<hbm>>
    %dma_wait3A_1830 = arith.constant 544 : i32
    %dma_wait3A_1831 = tpu.memref_slice %arg5[%add3A_1823, %dma_wait3A_1830] : memref<16384x845xf32, #tpu.memory_space<hbm>> -> memref<128x32xf32, #tpu.memory_space<hbm>>
    tpu.wait_dma2 semaphore(%arg19 : memref<!tpu.dma_semaphore, #tpu.memory_space<semaphore_mem>>) src(%arg10 : memref<128x32xf32, #tpu.memory_space<vmem>>) dst(%dma_wait3A_1831 : memref<128x32xf32, #tpu.memory_space<hbm>>)
    %dma_start3A_1832 = arith.constant 9600 : i32
    %dma_start3A_1833 = tpu.memref_slice %arg6[%dma_start3A_1832] : memref<13312xi32, #tpu.memory_space<vmem>> -> memref<128xi32, #tpu.memory_space<vmem>>
    %dma_start3A_1834 = arith.constant 0 : i32
    %dma_start3A_1835 = arith.constant 0 : i32
    %dma_start3A_1836 = tpu.memref_slice %arg4[%dma_start3A_1834, %dma_start3A_1835] : memref<2600000x32xf32, #tpu.memory_space<hbm>> -> memref<2600000x32xf32, #tpu.memory_space<hbm>>
    tpu.enqueue_indirect_dma source(%dma_start3A_1836 : memref<2600000x32xf32, #tpu.memory_space<hbm>>) target(%arg10 : memref<128x32xf32, #tpu.memory_space<vmem>>) offsets(%dma_start3A_1833 : memref<128xi32, #tpu.memory_space<vmem>>) semaphore(%arg15 : memref<!tpu.dma_semaphore, #tpu.memory_space<semaphore_mem>>)
    %dma_wait3A_1837 = arith.constant 9216 : i32
    %dma_wait3A_1838 = tpu.memref_slice %arg6[%dma_wait3A_1837] : memref<13312xi32, #tpu.memory_space<vmem>> -> memref<128xi32, #tpu.memory_space<vmem>>
    %dma_wait3A_1839 = arith.constant 0 : i32
    %dma_wait3A_1840 = arith.constant 0 : i32
    %dma_wait3A_1841 = tpu.memref_slice %arg4[%dma_wait3A_1839, %dma_wait3A_1840] : memref<2600000x32xf32, #tpu.memory_space<hbm>> -> memref<2600000x32xf32, #tpu.memory_space<hbm>>
    tpu.wait_indirect_dma semaphore(%arg12 : memref<!tpu.dma_semaphore, #tpu.memory_space<semaphore_mem>>) src(%dma_wait3A_1841 : memref<2600000x32xf32, #tpu.memory_space<hbm>>) dst(%arg7 : memref<128x32xf32, #tpu.memory_space<vmem>>)
    %add3A_1842 = arith.constant 0 : i32
    %add3A_1843 = arith.addi %multiple_of3A, %add3A_1842 : i32
    %dma_start3A_1844 = arith.constant 576 : i32
    %dma_start3A_1845 = tpu.memref_slice %arg5[%add3A_1843, %dma_start3A_1844] : memref<16384x845xf32, #tpu.memory_space<hbm>> -> memref<128x32xf32, #tpu.memory_space<hbm>>
    %dma_start3A_1846 = arith.constant 576 : i32
    %dma_start3A_1847 = tpu.memref_slice %arg5[%add3A_1843, %dma_start3A_1846] : memref<16384x845xf32, #tpu.memory_space<hbm>> -> memref<128x32xf32, #tpu.memory_space<hbm>>
    tpu.enqueue_dma source(%arg7 : memref<128x32xf32, #tpu.memory_space<vmem>>) target(%dma_start3A_1847 : memref<128x32xf32, #tpu.memory_space<hbm>>) target_semaphore(%arg16 : memref<!tpu.dma_semaphore, #tpu.memory_space<semaphore_mem>>)
    %dma_wait3A_1848 = arith.constant 576 : i32
    %dma_wait3A_1849 = tpu.memref_slice %arg5[%add3A_1843, %dma_wait3A_1848] : memref<16384x845xf32, #tpu.memory_space<hbm>> -> memref<128x32xf32, #tpu.memory_space<hbm>>
    %dma_wait3A_1850 = arith.constant 576 : i32
    %dma_wait3A_1851 = tpu.memref_slice %arg5[%add3A_1843, %dma_wait3A_1850] : memref<16384x845xf32, #tpu.memory_space<hbm>> -> memref<128x32xf32, #tpu.memory_space<hbm>>
    tpu.wait_dma2 semaphore(%arg16 : memref<!tpu.dma_semaphore, #tpu.memory_space<semaphore_mem>>) src(%arg7 : memref<128x32xf32, #tpu.memory_space<vmem>>) dst(%dma_wait3A_1851 : memref<128x32xf32, #tpu.memory_space<hbm>>)
    %dma_start3A_1852 = arith.constant 9728 : i32
    %dma_start3A_1853 = tpu.memref_slice %arg6[%dma_start3A_1852] : memref<13312xi32, #tpu.memory_space<vmem>> -> memref<128xi32, #tpu.memory_space<vmem>>
    %dma_start3A_1854 = arith.constant 0 : i32
    %dma_start3A_1855 = arith.constant 0 : i32
    %dma_start3A_1856 = tpu.memref_slice %arg4[%dma_start3A_1854, %dma_start3A_1855] : memref<2600000x32xf32, #tpu.memory_space<hbm>> -> memref<2600000x32xf32, #tpu.memory_space<hbm>>
    tpu.enqueue_indirect_dma source(%dma_start3A_1856 : memref<2600000x32xf32, #tpu.memory_space<hbm>>) target(%arg7 : memref<128x32xf32, #tpu.memory_space<vmem>>) offsets(%dma_start3A_1853 : memref<128xi32, #tpu.memory_space<vmem>>) semaphore(%arg12 : memref<!tpu.dma_semaphore, #tpu.memory_space<semaphore_mem>>)
    %dma_wait3A_1857 = arith.constant 9344 : i32
    %dma_wait3A_1858 = tpu.memref_slice %arg6[%dma_wait3A_1857] : memref<13312xi32, #tpu.memory_space<vmem>> -> memref<128xi32, #tpu.memory_space<vmem>>
    %dma_wait3A_1859 = arith.constant 0 : i32
    %dma_wait3A_1860 = arith.constant 0 : i32
    %dma_wait3A_1861 = tpu.memref_slice %arg4[%dma_wait3A_1859, %dma_wait3A_1860] : memref<2600000x32xf32, #tpu.memory_space<hbm>> -> memref<2600000x32xf32, #tpu.memory_space<hbm>>
    tpu.wait_indirect_dma semaphore(%arg13 : memref<!tpu.dma_semaphore, #tpu.memory_space<semaphore_mem>>) src(%dma_wait3A_1861 : memref<2600000x32xf32, #tpu.memory_space<hbm>>) dst(%arg8 : memref<128x32xf32, #tpu.memory_space<vmem>>)
    %add3A_1862 = arith.constant 128 : i32
    %add3A_1863 = arith.addi %multiple_of3A, %add3A_1862 : i32
    %dma_start3A_1864 = arith.constant 576 : i32
    %dma_start3A_1865 = tpu.memref_slice %arg5[%add3A_1863, %dma_start3A_1864] : memref<16384x845xf32, #tpu.memory_space<hbm>> -> memref<128x32xf32, #tpu.memory_space<hbm>>
    %dma_start3A_1866 = arith.constant 576 : i32
    %dma_start3A_1867 = tpu.memref_slice %arg5[%add3A_1863, %dma_start3A_1866] : memref<16384x845xf32, #tpu.memory_space<hbm>> -> memref<128x32xf32, #tpu.memory_space<hbm>>
    tpu.enqueue_dma source(%arg8 : memref<128x32xf32, #tpu.memory_space<vmem>>) target(%dma_start3A_1867 : memref<128x32xf32, #tpu.memory_space<hbm>>) target_semaphore(%arg17 : memref<!tpu.dma_semaphore, #tpu.memory_space<semaphore_mem>>)
    %dma_wait3A_1868 = arith.constant 576 : i32
    %dma_wait3A_1869 = tpu.memref_slice %arg5[%add3A_1863, %dma_wait3A_1868] : memref<16384x845xf32, #tpu.memory_space<hbm>> -> memref<128x32xf32, #tpu.memory_space<hbm>>
    %dma_wait3A_1870 = arith.constant 576 : i32
    %dma_wait3A_1871 = tpu.memref_slice %arg5[%add3A_1863, %dma_wait3A_1870] : memref<16384x845xf32, #tpu.memory_space<hbm>> -> memref<128x32xf32, #tpu.memory_space<hbm>>
    tpu.wait_dma2 semaphore(%arg17 : memref<!tpu.dma_semaphore, #tpu.memory_space<semaphore_mem>>) src(%arg8 : memref<128x32xf32, #tpu.memory_space<vmem>>) dst(%dma_wait3A_1871 : memref<128x32xf32, #tpu.memory_space<hbm>>)
    %dma_start3A_1872 = arith.constant 9856 : i32
    %dma_start3A_1873 = tpu.memref_slice %arg6[%dma_start3A_1872] : memref<13312xi32, #tpu.memory_space<vmem>> -> memref<128xi32, #tpu.memory_space<vmem>>
    %dma_start3A_1874 = arith.constant 0 : i32
    %dma_start3A_1875 = arith.constant 0 : i32
    %dma_start3A_1876 = tpu.memref_slice %arg4[%dma_start3A_1874, %dma_start3A_1875] : memref<2600000x32xf32, #tpu.memory_space<hbm>> -> memref<2600000x32xf32, #tpu.memory_space<hbm>>
    tpu.enqueue_indirect_dma source(%dma_start3A_1876 : memref<2600000x32xf32, #tpu.memory_space<hbm>>) target(%arg8 : memref<128x32xf32, #tpu.memory_space<vmem>>) offsets(%dma_start3A_1873 : memref<128xi32, #tpu.memory_space<vmem>>) semaphore(%arg13 : memref<!tpu.dma_semaphore, #tpu.memory_space<semaphore_mem>>)
    %dma_wait3A_1877 = arith.constant 9472 : i32
    %dma_wait3A_1878 = tpu.memref_slice %arg6[%dma_wait3A_1877] : memref<13312xi32, #tpu.memory_space<vmem>> -> memref<128xi32, #tpu.memory_space<vmem>>
    %dma_wait3A_1879 = arith.constant 0 : i32
    %dma_wait3A_1880 = arith.constant 0 : i32
    %dma_wait3A_1881 = tpu.memref_slice %arg4[%dma_wait3A_1879, %dma_wait3A_1880] : memref<2600000x32xf32, #tpu.memory_space<hbm>> -> memref<2600000x32xf32, #tpu.memory_space<hbm>>
    tpu.wait_indirect_dma semaphore(%arg14 : memref<!tpu.dma_semaphore, #tpu.memory_space<semaphore_mem>>) src(%dma_wait3A_1881 : memref<2600000x32xf32, #tpu.memory_space<hbm>>) dst(%arg9 : memref<128x32xf32, #tpu.memory_space<vmem>>)
    %add3A_1882 = arith.constant 256 : i32
    %add3A_1883 = arith.addi %multiple_of3A, %add3A_1882 : i32
    %dma_start3A_1884 = arith.constant 576 : i32
    %dma_start3A_1885 = tpu.memref_slice %arg5[%add3A_1883, %dma_start3A_1884] : memref<16384x845xf32, #tpu.memory_space<hbm>> -> memref<128x32xf32, #tpu.memory_space<hbm>>
    %dma_start3A_1886 = arith.constant 576 : i32
    %dma_start3A_1887 = tpu.memref_slice %arg5[%add3A_1883, %dma_start3A_1886] : memref<16384x845xf32, #tpu.memory_space<hbm>> -> memref<128x32xf32, #tpu.memory_space<hbm>>
    tpu.enqueue_dma source(%arg9 : memref<128x32xf32, #tpu.memory_space<vmem>>) target(%dma_start3A_1887 : memref<128x32xf32, #tpu.memory_space<hbm>>) target_semaphore(%arg18 : memref<!tpu.dma_semaphore, #tpu.memory_space<semaphore_mem>>)
    %dma_wait3A_1888 = arith.constant 576 : i32
    %dma_wait3A_1889 = tpu.memref_slice %arg5[%add3A_1883, %dma_wait3A_1888] : memref<16384x845xf32, #tpu.memory_space<hbm>> -> memref<128x32xf32, #tpu.memory_space<hbm>>
    %dma_wait3A_1890 = arith.constant 576 : i32
    %dma_wait3A_1891 = tpu.memref_slice %arg5[%add3A_1883, %dma_wait3A_1890] : memref<16384x845xf32, #tpu.memory_space<hbm>> -> memref<128x32xf32, #tpu.memory_space<hbm>>
    tpu.wait_dma2 semaphore(%arg18 : memref<!tpu.dma_semaphore, #tpu.memory_space<semaphore_mem>>) src(%arg9 : memref<128x32xf32, #tpu.memory_space<vmem>>) dst(%dma_wait3A_1891 : memref<128x32xf32, #tpu.memory_space<hbm>>)
    %dma_start3A_1892 = arith.constant 9984 : i32
    %dma_start3A_1893 = tpu.memref_slice %arg6[%dma_start3A_1892] : memref<13312xi32, #tpu.memory_space<vmem>> -> memref<128xi32, #tpu.memory_space<vmem>>
    %dma_start3A_1894 = arith.constant 0 : i32
    %dma_start3A_1895 = arith.constant 0 : i32
    %dma_start3A_1896 = tpu.memref_slice %arg4[%dma_start3A_1894, %dma_start3A_1895] : memref<2600000x32xf32, #tpu.memory_space<hbm>> -> memref<2600000x32xf32, #tpu.memory_space<hbm>>
    tpu.enqueue_indirect_dma source(%dma_start3A_1896 : memref<2600000x32xf32, #tpu.memory_space<hbm>>) target(%arg9 : memref<128x32xf32, #tpu.memory_space<vmem>>) offsets(%dma_start3A_1893 : memref<128xi32, #tpu.memory_space<vmem>>) semaphore(%arg14 : memref<!tpu.dma_semaphore, #tpu.memory_space<semaphore_mem>>)
    %dma_wait3A_1897 = arith.constant 9600 : i32
    %dma_wait3A_1898 = tpu.memref_slice %arg6[%dma_wait3A_1897] : memref<13312xi32, #tpu.memory_space<vmem>> -> memref<128xi32, #tpu.memory_space<vmem>>
    %dma_wait3A_1899 = arith.constant 0 : i32
    %dma_wait3A_1900 = arith.constant 0 : i32
    %dma_wait3A_1901 = tpu.memref_slice %arg4[%dma_wait3A_1899, %dma_wait3A_1900] : memref<2600000x32xf32, #tpu.memory_space<hbm>> -> memref<2600000x32xf32, #tpu.memory_space<hbm>>
    tpu.wait_indirect_dma semaphore(%arg15 : memref<!tpu.dma_semaphore, #tpu.memory_space<semaphore_mem>>) src(%dma_wait3A_1901 : memref<2600000x32xf32, #tpu.memory_space<hbm>>) dst(%arg10 : memref<128x32xf32, #tpu.memory_space<vmem>>)
    %add3A_1902 = arith.constant 384 : i32
    %add3A_1903 = arith.addi %multiple_of3A, %add3A_1902 : i32
    %dma_start3A_1904 = arith.constant 576 : i32
    %dma_start3A_1905 = tpu.memref_slice %arg5[%add3A_1903, %dma_start3A_1904] : memref<16384x845xf32, #tpu.memory_space<hbm>> -> memref<128x32xf32, #tpu.memory_space<hbm>>
    %dma_start3A_1906 = arith.constant 576 : i32
    %dma_start3A_1907 = tpu.memref_slice %arg5[%add3A_1903, %dma_start3A_1906] : memref<16384x845xf32, #tpu.memory_space<hbm>> -> memref<128x32xf32, #tpu.memory_space<hbm>>
    tpu.enqueue_dma source(%arg10 : memref<128x32xf32, #tpu.memory_space<vmem>>) target(%dma_start3A_1907 : memref<128x32xf32, #tpu.memory_space<hbm>>) target_semaphore(%arg19 : memref<!tpu.dma_semaphore, #tpu.memory_space<semaphore_mem>>)
    %dma_wait3A_1908 = arith.constant 576 : i32
    %dma_wait3A_1909 = tpu.memref_slice %arg5[%add3A_1903, %dma_wait3A_1908] : memref<16384x845xf32, #tpu.memory_space<hbm>> -> memref<128x32xf32, #tpu.memory_space<hbm>>
    %dma_wait3A_1910 = arith.constant 576 : i32
    %dma_wait3A_1911 = tpu.memref_slice %arg5[%add3A_1903, %dma_wait3A_1910] : memref<16384x845xf32, #tpu.memory_space<hbm>> -> memref<128x32xf32, #tpu.memory_space<hbm>>
    tpu.wait_dma2 semaphore(%arg19 : memref<!tpu.dma_semaphore, #tpu.memory_space<semaphore_mem>>) src(%arg10 : memref<128x32xf32, #tpu.memory_space<vmem>>) dst(%dma_wait3A_1911 : memref<128x32xf32, #tpu.memory_space<hbm>>)
    %dma_start3A_1912 = arith.constant 10112 : i32
    %dma_start3A_1913 = tpu.memref_slice %arg6[%dma_start3A_1912] : memref<13312xi32, #tpu.memory_space<vmem>> -> memref<128xi32, #tpu.memory_space<vmem>>
    %dma_start3A_1914 = arith.constant 0 : i32
    %dma_start3A_1915 = arith.constant 0 : i32
    %dma_start3A_1916 = tpu.memref_slice %arg4[%dma_start3A_1914, %dma_start3A_1915] : memref<2600000x32xf32, #tpu.memory_space<hbm>> -> memref<2600000x32xf32, #tpu.memory_space<hbm>>
    tpu.enqueue_indirect_dma source(%dma_start3A_1916 : memref<2600000x32xf32, #tpu.memory_space<hbm>>) target(%arg10 : memref<128x32xf32, #tpu.memory_space<vmem>>) offsets(%dma_start3A_1913 : memref<128xi32, #tpu.memory_space<vmem>>) semaphore(%arg15 : memref<!tpu.dma_semaphore, #tpu.memory_space<semaphore_mem>>)
    %dma_wait3A_1917 = arith.constant 9728 : i32
    %dma_wait3A_1918 = tpu.memref_slice %arg6[%dma_wait3A_1917] : memref<13312xi32, #tpu.memory_space<vmem>> -> memref<128xi32, #tpu.memory_space<vmem>>
    %dma_wait3A_1919 = arith.constant 0 : i32
    %dma_wait3A_1920 = arith.constant 0 : i32
    %dma_wait3A_1921 = tpu.memref_slice %arg4[%dma_wait3A_1919, %dma_wait3A_1920] : memref<2600000x32xf32, #tpu.memory_space<hbm>> -> memref<2600000x32xf32, #tpu.memory_space<hbm>>
    tpu.wait_indirect_dma semaphore(%arg12 : memref<!tpu.dma_semaphore, #tpu.memory_space<semaphore_mem>>) src(%dma_wait3A_1921 : memref<2600000x32xf32, #tpu.memory_space<hbm>>) dst(%arg7 : memref<128x32xf32, #tpu.memory_space<vmem>>)
    %add3A_1922 = arith.constant 0 : i32
    %add3A_1923 = arith.addi %multiple_of3A, %add3A_1922 : i32
    %dma_start3A_1924 = arith.constant 608 : i32
    %dma_start3A_1925 = tpu.memref_slice %arg5[%add3A_1923, %dma_start3A_1924] : memref<16384x845xf32, #tpu.memory_space<hbm>> -> memref<128x32xf32, #tpu.memory_space<hbm>>
    %dma_start3A_1926 = arith.constant 608 : i32
    %dma_start3A_1927 = tpu.memref_slice %arg5[%add3A_1923, %dma_start3A_1926] : memref<16384x845xf32, #tpu.memory_space<hbm>> -> memref<128x32xf32, #tpu.memory_space<hbm>>
    tpu.enqueue_dma source(%arg7 : memref<128x32xf32, #tpu.memory_space<vmem>>) target(%dma_start3A_1927 : memref<128x32xf32, #tpu.memory_space<hbm>>) target_semaphore(%arg16 : memref<!tpu.dma_semaphore, #tpu.memory_space<semaphore_mem>>)
    %dma_wait3A_1928 = arith.constant 608 : i32
    %dma_wait3A_1929 = tpu.memref_slice %arg5[%add3A_1923, %dma_wait3A_1928] : memref<16384x845xf32, #tpu.memory_space<hbm>> -> memref<128x32xf32, #tpu.memory_space<hbm>>
    %dma_wait3A_1930 = arith.constant 608 : i32
    %dma_wait3A_1931 = tpu.memref_slice %arg5[%add3A_1923, %dma_wait3A_1930] : memref<16384x845xf32, #tpu.memory_space<hbm>> -> memref<128x32xf32, #tpu.memory_space<hbm>>
    tpu.wait_dma2 semaphore(%arg16 : memref<!tpu.dma_semaphore, #tpu.memory_space<semaphore_mem>>) src(%arg7 : memref<128x32xf32, #tpu.memory_space<vmem>>) dst(%dma_wait3A_1931 : memref<128x32xf32, #tpu.memory_space<hbm>>)
    %dma_start3A_1932 = arith.constant 10240 : i32
    %dma_start3A_1933 = tpu.memref_slice %arg6[%dma_start3A_1932] : memref<13312xi32, #tpu.memory_space<vmem>> -> memref<128xi32, #tpu.memory_space<vmem>>
    %dma_start3A_1934 = arith.constant 0 : i32
    %dma_start3A_1935 = arith.constant 0 : i32
    %dma_start3A_1936 = tpu.memref_slice %arg4[%dma_start3A_1934, %dma_start3A_1935] : memref<2600000x32xf32, #tpu.memory_space<hbm>> -> memref<2600000x32xf32, #tpu.memory_space<hbm>>
    tpu.enqueue_indirect_dma source(%dma_start3A_1936 : memref<2600000x32xf32, #tpu.memory_space<hbm>>) target(%arg7 : memref<128x32xf32, #tpu.memory_space<vmem>>) offsets(%dma_start3A_1933 : memref<128xi32, #tpu.memory_space<vmem>>) semaphore(%arg12 : memref<!tpu.dma_semaphore, #tpu.memory_space<semaphore_mem>>)
    %dma_wait3A_1937 = arith.constant 9856 : i32
    %dma_wait3A_1938 = tpu.memref_slice %arg6[%dma_wait3A_1937] : memref<13312xi32, #tpu.memory_space<vmem>> -> memref<128xi32, #tpu.memory_space<vmem>>
    %dma_wait3A_1939 = arith.constant 0 : i32
    %dma_wait3A_1940 = arith.constant 0 : i32
    %dma_wait3A_1941 = tpu.memref_slice %arg4[%dma_wait3A_1939, %dma_wait3A_1940] : memref<2600000x32xf32, #tpu.memory_space<hbm>> -> memref<2600000x32xf32, #tpu.memory_space<hbm>>
    tpu.wait_indirect_dma semaphore(%arg13 : memref<!tpu.dma_semaphore, #tpu.memory_space<semaphore_mem>>) src(%dma_wait3A_1941 : memref<2600000x32xf32, #tpu.memory_space<hbm>>) dst(%arg8 : memref<128x32xf32, #tpu.memory_space<vmem>>)
    %add3A_1942 = arith.constant 128 : i32
    %add3A_1943 = arith.addi %multiple_of3A, %add3A_1942 : i32
    %dma_start3A_1944 = arith.constant 608 : i32
    %dma_start3A_1945 = tpu.memref_slice %arg5[%add3A_1943, %dma_start3A_1944] : memref<16384x845xf32, #tpu.memory_space<hbm>> -> memref<128x32xf32, #tpu.memory_space<hbm>>
    %dma_start3A_1946 = arith.constant 608 : i32
    %dma_start3A_1947 = tpu.memref_slice %arg5[%add3A_1943, %dma_start3A_1946] : memref<16384x845xf32, #tpu.memory_space<hbm>> -> memref<128x32xf32, #tpu.memory_space<hbm>>
    tpu.enqueue_dma source(%arg8 : memref<128x32xf32, #tpu.memory_space<vmem>>) target(%dma_start3A_1947 : memref<128x32xf32, #tpu.memory_space<hbm>>) target_semaphore(%arg17 : memref<!tpu.dma_semaphore, #tpu.memory_space<semaphore_mem>>)
    %dma_wait3A_1948 = arith.constant 608 : i32
    %dma_wait3A_1949 = tpu.memref_slice %arg5[%add3A_1943, %dma_wait3A_1948] : memref<16384x845xf32, #tpu.memory_space<hbm>> -> memref<128x32xf32, #tpu.memory_space<hbm>>
    %dma_wait3A_1950 = arith.constant 608 : i32
    %dma_wait3A_1951 = tpu.memref_slice %arg5[%add3A_1943, %dma_wait3A_1950] : memref<16384x845xf32, #tpu.memory_space<hbm>> -> memref<128x32xf32, #tpu.memory_space<hbm>>
    tpu.wait_dma2 semaphore(%arg17 : memref<!tpu.dma_semaphore, #tpu.memory_space<semaphore_mem>>) src(%arg8 : memref<128x32xf32, #tpu.memory_space<vmem>>) dst(%dma_wait3A_1951 : memref<128x32xf32, #tpu.memory_space<hbm>>)
    %dma_start3A_1952 = arith.constant 10368 : i32
    %dma_start3A_1953 = tpu.memref_slice %arg6[%dma_start3A_1952] : memref<13312xi32, #tpu.memory_space<vmem>> -> memref<128xi32, #tpu.memory_space<vmem>>
    %dma_start3A_1954 = arith.constant 0 : i32
    %dma_start3A_1955 = arith.constant 0 : i32
    %dma_start3A_1956 = tpu.memref_slice %arg4[%dma_start3A_1954, %dma_start3A_1955] : memref<2600000x32xf32, #tpu.memory_space<hbm>> -> memref<2600000x32xf32, #tpu.memory_space<hbm>>
    tpu.enqueue_indirect_dma source(%dma_start3A_1956 : memref<2600000x32xf32, #tpu.memory_space<hbm>>) target(%arg8 : memref<128x32xf32, #tpu.memory_space<vmem>>) offsets(%dma_start3A_1953 : memref<128xi32, #tpu.memory_space<vmem>>) semaphore(%arg13 : memref<!tpu.dma_semaphore, #tpu.memory_space<semaphore_mem>>)
    %dma_wait3A_1957 = arith.constant 9984 : i32
    %dma_wait3A_1958 = tpu.memref_slice %arg6[%dma_wait3A_1957] : memref<13312xi32, #tpu.memory_space<vmem>> -> memref<128xi32, #tpu.memory_space<vmem>>
    %dma_wait3A_1959 = arith.constant 0 : i32
    %dma_wait3A_1960 = arith.constant 0 : i32
    %dma_wait3A_1961 = tpu.memref_slice %arg4[%dma_wait3A_1959, %dma_wait3A_1960] : memref<2600000x32xf32, #tpu.memory_space<hbm>> -> memref<2600000x32xf32, #tpu.memory_space<hbm>>
    tpu.wait_indirect_dma semaphore(%arg14 : memref<!tpu.dma_semaphore, #tpu.memory_space<semaphore_mem>>) src(%dma_wait3A_1961 : memref<2600000x32xf32, #tpu.memory_space<hbm>>) dst(%arg9 : memref<128x32xf32, #tpu.memory_space<vmem>>)
    %add3A_1962 = arith.constant 256 : i32
    %add3A_1963 = arith.addi %multiple_of3A, %add3A_1962 : i32
    %dma_start3A_1964 = arith.constant 608 : i32
    %dma_start3A_1965 = tpu.memref_slice %arg5[%add3A_1963, %dma_start3A_1964] : memref<16384x845xf32, #tpu.memory_space<hbm>> -> memref<128x32xf32, #tpu.memory_space<hbm>>
    %dma_start3A_1966 = arith.constant 608 : i32
    %dma_start3A_1967 = tpu.memref_slice %arg5[%add3A_1963, %dma_start3A_1966] : memref<16384x845xf32, #tpu.memory_space<hbm>> -> memref<128x32xf32, #tpu.memory_space<hbm>>
    tpu.enqueue_dma source(%arg9 : memref<128x32xf32, #tpu.memory_space<vmem>>) target(%dma_start3A_1967 : memref<128x32xf32, #tpu.memory_space<hbm>>) target_semaphore(%arg18 : memref<!tpu.dma_semaphore, #tpu.memory_space<semaphore_mem>>)
    %dma_wait3A_1968 = arith.constant 608 : i32
    %dma_wait3A_1969 = tpu.memref_slice %arg5[%add3A_1963, %dma_wait3A_1968] : memref<16384x845xf32, #tpu.memory_space<hbm>> -> memref<128x32xf32, #tpu.memory_space<hbm>>
    %dma_wait3A_1970 = arith.constant 608 : i32
    %dma_wait3A_1971 = tpu.memref_slice %arg5[%add3A_1963, %dma_wait3A_1970] : memref<16384x845xf32, #tpu.memory_space<hbm>> -> memref<128x32xf32, #tpu.memory_space<hbm>>
    tpu.wait_dma2 semaphore(%arg18 : memref<!tpu.dma_semaphore, #tpu.memory_space<semaphore_mem>>) src(%arg9 : memref<128x32xf32, #tpu.memory_space<vmem>>) dst(%dma_wait3A_1971 : memref<128x32xf32, #tpu.memory_space<hbm>>)
    %dma_start3A_1972 = arith.constant 10496 : i32
    %dma_start3A_1973 = tpu.memref_slice %arg6[%dma_start3A_1972] : memref<13312xi32, #tpu.memory_space<vmem>> -> memref<128xi32, #tpu.memory_space<vmem>>
    %dma_start3A_1974 = arith.constant 0 : i32
    %dma_start3A_1975 = arith.constant 0 : i32
    %dma_start3A_1976 = tpu.memref_slice %arg4[%dma_start3A_1974, %dma_start3A_1975] : memref<2600000x32xf32, #tpu.memory_space<hbm>> -> memref<2600000x32xf32, #tpu.memory_space<hbm>>
    tpu.enqueue_indirect_dma source(%dma_start3A_1976 : memref<2600000x32xf32, #tpu.memory_space<hbm>>) target(%arg9 : memref<128x32xf32, #tpu.memory_space<vmem>>) offsets(%dma_start3A_1973 : memref<128xi32, #tpu.memory_space<vmem>>) semaphore(%arg14 : memref<!tpu.dma_semaphore, #tpu.memory_space<semaphore_mem>>)
    %dma_wait3A_1977 = arith.constant 10112 : i32
    %dma_wait3A_1978 = tpu.memref_slice %arg6[%dma_wait3A_1977] : memref<13312xi32, #tpu.memory_space<vmem>> -> memref<128xi32, #tpu.memory_space<vmem>>
    %dma_wait3A_1979 = arith.constant 0 : i32
    %dma_wait3A_1980 = arith.constant 0 : i32
    %dma_wait3A_1981 = tpu.memref_slice %arg4[%dma_wait3A_1979, %dma_wait3A_1980] : memref<2600000x32xf32, #tpu.memory_space<hbm>> -> memref<2600000x32xf32, #tpu.memory_space<hbm>>
    tpu.wait_indirect_dma semaphore(%arg15 : memref<!tpu.dma_semaphore, #tpu.memory_space<semaphore_mem>>) src(%dma_wait3A_1981 : memref<2600000x32xf32, #tpu.memory_space<hbm>>) dst(%arg10 : memref<128x32xf32, #tpu.memory_space<vmem>>)
    %add3A_1982 = arith.constant 384 : i32
    %add3A_1983 = arith.addi %multiple_of3A, %add3A_1982 : i32
    %dma_start3A_1984 = arith.constant 608 : i32
    %dma_start3A_1985 = tpu.memref_slice %arg5[%add3A_1983, %dma_start3A_1984] : memref<16384x845xf32, #tpu.memory_space<hbm>> -> memref<128x32xf32, #tpu.memory_space<hbm>>
    %dma_start3A_1986 = arith.constant 608 : i32
    %dma_start3A_1987 = tpu.memref_slice %arg5[%add3A_1983, %dma_start3A_1986] : memref<16384x845xf32, #tpu.memory_space<hbm>> -> memref<128x32xf32, #tpu.memory_space<hbm>>
    tpu.enqueue_dma source(%arg10 : memref<128x32xf32, #tpu.memory_space<vmem>>) target(%dma_start3A_1987 : memref<128x32xf32, #tpu.memory_space<hbm>>) target_semaphore(%arg19 : memref<!tpu.dma_semaphore, #tpu.memory_space<semaphore_mem>>)
    %dma_wait3A_1988 = arith.constant 608 : i32
    %dma_wait3A_1989 = tpu.memref_slice %arg5[%add3A_1983, %dma_wait3A_1988] : memref<16384x845xf32, #tpu.memory_space<hbm>> -> memref<128x32xf32, #tpu.memory_space<hbm>>
    %dma_wait3A_1990 = arith.constant 608 : i32
    %dma_wait3A_1991 = tpu.memref_slice %arg5[%add3A_1983, %dma_wait3A_1990] : memref<16384x845xf32, #tpu.memory_space<hbm>> -> memref<128x32xf32, #tpu.memory_space<hbm>>
    tpu.wait_dma2 semaphore(%arg19 : memref<!tpu.dma_semaphore, #tpu.memory_space<semaphore_mem>>) src(%arg10 : memref<128x32xf32, #tpu.memory_space<vmem>>) dst(%dma_wait3A_1991 : memref<128x32xf32, #tpu.memory_space<hbm>>)
    %dma_start3A_1992 = arith.constant 10624 : i32
    %dma_start3A_1993 = tpu.memref_slice %arg6[%dma_start3A_1992] : memref<13312xi32, #tpu.memory_space<vmem>> -> memref<128xi32, #tpu.memory_space<vmem>>
    %dma_start3A_1994 = arith.constant 0 : i32
    %dma_start3A_1995 = arith.constant 0 : i32
    %dma_start3A_1996 = tpu.memref_slice %arg4[%dma_start3A_1994, %dma_start3A_1995] : memref<2600000x32xf32, #tpu.memory_space<hbm>> -> memref<2600000x32xf32, #tpu.memory_space<hbm>>
    tpu.enqueue_indirect_dma source(%dma_start3A_1996 : memref<2600000x32xf32, #tpu.memory_space<hbm>>) target(%arg10 : memref<128x32xf32, #tpu.memory_space<vmem>>) offsets(%dma_start3A_1993 : memref<128xi32, #tpu.memory_space<vmem>>) semaphore(%arg15 : memref<!tpu.dma_semaphore, #tpu.memory_space<semaphore_mem>>)
    %dma_wait3A_1997 = arith.constant 10240 : i32
    %dma_wait3A_1998 = tpu.memref_slice %arg6[%dma_wait3A_1997] : memref<13312xi32, #tpu.memory_space<vmem>> -> memref<128xi32, #tpu.memory_space<vmem>>
    %dma_wait3A_1999 = arith.constant 0 : i32
    %dma_wait3A_2000 = arith.constant 0 : i32
    %dma_wait3A_2001 = tpu.memref_slice %arg4[%dma_wait3A_1999, %dma_wait3A_2000] : memref<2600000x32xf32, #tpu.memory_space<hbm>> -> memref<2600000x32xf32, #tpu.memory_space<hbm>>
    tpu.wait_indirect_dma semaphore(%arg12 : memref<!tpu.dma_semaphore, #tpu.memory_space<semaphore_mem>>) src(%dma_wait3A_2001 : memref<2600000x32xf32, #tpu.memory_space<hbm>>) dst(%arg7 : memref<128x32xf32, #tpu.memory_space<vmem>>)
    %add3A_2002 = arith.constant 0 : i32
    %add3A_2003 = arith.addi %multiple_of3A, %add3A_2002 : i32
    %dma_start3A_2004 = arith.constant 640 : i32
    %dma_start3A_2005 = tpu.memref_slice %arg5[%add3A_2003, %dma_start3A_2004] : memref<16384x845xf32, #tpu.memory_space<hbm>> -> memref<128x32xf32, #tpu.memory_space<hbm>>
    %dma_start3A_2006 = arith.constant 640 : i32
    %dma_start3A_2007 = tpu.memref_slice %arg5[%add3A_2003, %dma_start3A_2006] : memref<16384x845xf32, #tpu.memory_space<hbm>> -> memref<128x32xf32, #tpu.memory_space<hbm>>
    tpu.enqueue_dma source(%arg7 : memref<128x32xf32, #tpu.memory_space<vmem>>) target(%dma_start3A_2007 : memref<128x32xf32, #tpu.memory_space<hbm>>) target_semaphore(%arg16 : memref<!tpu.dma_semaphore, #tpu.memory_space<semaphore_mem>>)
    %dma_wait3A_2008 = arith.constant 640 : i32
    %dma_wait3A_2009 = tpu.memref_slice %arg5[%add3A_2003, %dma_wait3A_2008] : memref<16384x845xf32, #tpu.memory_space<hbm>> -> memref<128x32xf32, #tpu.memory_space<hbm>>
    %dma_wait3A_2010 = arith.constant 640 : i32
    %dma_wait3A_2011 = tpu.memref_slice %arg5[%add3A_2003, %dma_wait3A_2010] : memref<16384x845xf32, #tpu.memory_space<hbm>> -> memref<128x32xf32, #tpu.memory_space<hbm>>
    tpu.wait_dma2 semaphore(%arg16 : memref<!tpu.dma_semaphore, #tpu.memory_space<semaphore_mem>>) src(%arg7 : memref<128x32xf32, #tpu.memory_space<vmem>>) dst(%dma_wait3A_2011 : memref<128x32xf32, #tpu.memory_space<hbm>>)
    %dma_start3A_2012 = arith.constant 10752 : i32
    %dma_start3A_2013 = tpu.memref_slice %arg6[%dma_start3A_2012] : memref<13312xi32, #tpu.memory_space<vmem>> -> memref<128xi32, #tpu.memory_space<vmem>>
    %dma_start3A_2014 = arith.constant 0 : i32
    %dma_start3A_2015 = arith.constant 0 : i32
    %dma_start3A_2016 = tpu.memref_slice %arg4[%dma_start3A_2014, %dma_start3A_2015] : memref<2600000x32xf32, #tpu.memory_space<hbm>> -> memref<2600000x32xf32, #tpu.memory_space<hbm>>
    tpu.enqueue_indirect_dma source(%dma_start3A_2016 : memref<2600000x32xf32, #tpu.memory_space<hbm>>) target(%arg7 : memref<128x32xf32, #tpu.memory_space<vmem>>) offsets(%dma_start3A_2013 : memref<128xi32, #tpu.memory_space<vmem>>) semaphore(%arg12 : memref<!tpu.dma_semaphore, #tpu.memory_space<semaphore_mem>>)
    %dma_wait3A_2017 = arith.constant 10368 : i32
    %dma_wait3A_2018 = tpu.memref_slice %arg6[%dma_wait3A_2017] : memref<13312xi32, #tpu.memory_space<vmem>> -> memref<128xi32, #tpu.memory_space<vmem>>
    %dma_wait3A_2019 = arith.constant 0 : i32
    %dma_wait3A_2020 = arith.constant 0 : i32
    %dma_wait3A_2021 = tpu.memref_slice %arg4[%dma_wait3A_2019, %dma_wait3A_2020] : memref<2600000x32xf32, #tpu.memory_space<hbm>> -> memref<2600000x32xf32, #tpu.memory_space<hbm>>
    tpu.wait_indirect_dma semaphore(%arg13 : memref<!tpu.dma_semaphore, #tpu.memory_space<semaphore_mem>>) src(%dma_wait3A_2021 : memref<2600000x32xf32, #tpu.memory_space<hbm>>) dst(%arg8 : memref<128x32xf32, #tpu.memory_space<vmem>>)
    %add3A_2022 = arith.constant 128 : i32
    %add3A_2023 = arith.addi %multiple_of3A, %add3A_2022 : i32
    %dma_start3A_2024 = arith.constant 640 : i32
    %dma_start3A_2025 = tpu.memref_slice %arg5[%add3A_2023, %dma_start3A_2024] : memref<16384x845xf32, #tpu.memory_space<hbm>> -> memref<128x32xf32, #tpu.memory_space<hbm>>
    %dma_start3A_2026 = arith.constant 640 : i32
    %dma_start3A_2027 = tpu.memref_slice %arg5[%add3A_2023, %dma_start3A_2026] : memref<16384x845xf32, #tpu.memory_space<hbm>> -> memref<128x32xf32, #tpu.memory_space<hbm>>
    tpu.enqueue_dma source(%arg8 : memref<128x32xf32, #tpu.memory_space<vmem>>) target(%dma_start3A_2027 : memref<128x32xf32, #tpu.memory_space<hbm>>) target_semaphore(%arg17 : memref<!tpu.dma_semaphore, #tpu.memory_space<semaphore_mem>>)
    %dma_wait3A_2028 = arith.constant 640 : i32
    %dma_wait3A_2029 = tpu.memref_slice %arg5[%add3A_2023, %dma_wait3A_2028] : memref<16384x845xf32, #tpu.memory_space<hbm>> -> memref<128x32xf32, #tpu.memory_space<hbm>>
    %dma_wait3A_2030 = arith.constant 640 : i32
    %dma_wait3A_2031 = tpu.memref_slice %arg5[%add3A_2023, %dma_wait3A_2030] : memref<16384x845xf32, #tpu.memory_space<hbm>> -> memref<128x32xf32, #tpu.memory_space<hbm>>
    tpu.wait_dma2 semaphore(%arg17 : memref<!tpu.dma_semaphore, #tpu.memory_space<semaphore_mem>>) src(%arg8 : memref<128x32xf32, #tpu.memory_space<vmem>>) dst(%dma_wait3A_2031 : memref<128x32xf32, #tpu.memory_space<hbm>>)
    %dma_start3A_2032 = arith.constant 10880 : i32
    %dma_start3A_2033 = tpu.memref_slice %arg6[%dma_start3A_2032] : memref<13312xi32, #tpu.memory_space<vmem>> -> memref<128xi32, #tpu.memory_space<vmem>>
    %dma_start3A_2034 = arith.constant 0 : i32
    %dma_start3A_2035 = arith.constant 0 : i32
    %dma_start3A_2036 = tpu.memref_slice %arg4[%dma_start3A_2034, %dma_start3A_2035] : memref<2600000x32xf32, #tpu.memory_space<hbm>> -> memref<2600000x32xf32, #tpu.memory_space<hbm>>
    tpu.enqueue_indirect_dma source(%dma_start3A_2036 : memref<2600000x32xf32, #tpu.memory_space<hbm>>) target(%arg8 : memref<128x32xf32, #tpu.memory_space<vmem>>) offsets(%dma_start3A_2033 : memref<128xi32, #tpu.memory_space<vmem>>) semaphore(%arg13 : memref<!tpu.dma_semaphore, #tpu.memory_space<semaphore_mem>>)
    %dma_wait3A_2037 = arith.constant 10496 : i32
    %dma_wait3A_2038 = tpu.memref_slice %arg6[%dma_wait3A_2037] : memref<13312xi32, #tpu.memory_space<vmem>> -> memref<128xi32, #tpu.memory_space<vmem>>
    %dma_wait3A_2039 = arith.constant 0 : i32
    %dma_wait3A_2040 = arith.constant 0 : i32
    %dma_wait3A_2041 = tpu.memref_slice %arg4[%dma_wait3A_2039, %dma_wait3A_2040] : memref<2600000x32xf32, #tpu.memory_space<hbm>> -> memref<2600000x32xf32, #tpu.memory_space<hbm>>
    tpu.wait_indirect_dma semaphore(%arg14 : memref<!tpu.dma_semaphore, #tpu.memory_space<semaphore_mem>>) src(%dma_wait3A_2041 : memref<2600000x32xf32, #tpu.memory_space<hbm>>) dst(%arg9 : memref<128x32xf32, #tpu.memory_space<vmem>>)
    %add3A_2042 = arith.constant 256 : i32
    %add3A_2043 = arith.addi %multiple_of3A, %add3A_2042 : i32
    %dma_start3A_2044 = arith.constant 640 : i32
    %dma_start3A_2045 = tpu.memref_slice %arg5[%add3A_2043, %dma_start3A_2044] : memref<16384x845xf32, #tpu.memory_space<hbm>> -> memref<128x32xf32, #tpu.memory_space<hbm>>
    %dma_start3A_2046 = arith.constant 640 : i32
    %dma_start3A_2047 = tpu.memref_slice %arg5[%add3A_2043, %dma_start3A_2046] : memref<16384x845xf32, #tpu.memory_space<hbm>> -> memref<128x32xf32, #tpu.memory_space<hbm>>
    tpu.enqueue_dma source(%arg9 : memref<128x32xf32, #tpu.memory_space<vmem>>) target(%dma_start3A_2047 : memref<128x32xf32, #tpu.memory_space<hbm>>) target_semaphore(%arg18 : memref<!tpu.dma_semaphore, #tpu.memory_space<semaphore_mem>>)
    %dma_wait3A_2048 = arith.constant 640 : i32
    %dma_wait3A_2049 = tpu.memref_slice %arg5[%add3A_2043, %dma_wait3A_2048] : memref<16384x845xf32, #tpu.memory_space<hbm>> -> memref<128x32xf32, #tpu.memory_space<hbm>>
    %dma_wait3A_2050 = arith.constant 640 : i32
    %dma_wait3A_2051 = tpu.memref_slice %arg5[%add3A_2043, %dma_wait3A_2050] : memref<16384x845xf32, #tpu.memory_space<hbm>> -> memref<128x32xf32, #tpu.memory_space<hbm>>
    tpu.wait_dma2 semaphore(%arg18 : memref<!tpu.dma_semaphore, #tpu.memory_space<semaphore_mem>>) src(%arg9 : memref<128x32xf32, #tpu.memory_space<vmem>>) dst(%dma_wait3A_2051 : memref<128x32xf32, #tpu.memory_space<hbm>>)
    %dma_start3A_2052 = arith.constant 11008 : i32
    %dma_start3A_2053 = tpu.memref_slice %arg6[%dma_start3A_2052] : memref<13312xi32, #tpu.memory_space<vmem>> -> memref<128xi32, #tpu.memory_space<vmem>>
    %dma_start3A_2054 = arith.constant 0 : i32
    %dma_start3A_2055 = arith.constant 0 : i32
    %dma_start3A_2056 = tpu.memref_slice %arg4[%dma_start3A_2054, %dma_start3A_2055] : memref<2600000x32xf32, #tpu.memory_space<hbm>> -> memref<2600000x32xf32, #tpu.memory_space<hbm>>
    tpu.enqueue_indirect_dma source(%dma_start3A_2056 : memref<2600000x32xf32, #tpu.memory_space<hbm>>) target(%arg9 : memref<128x32xf32, #tpu.memory_space<vmem>>) offsets(%dma_start3A_2053 : memref<128xi32, #tpu.memory_space<vmem>>) semaphore(%arg14 : memref<!tpu.dma_semaphore, #tpu.memory_space<semaphore_mem>>)
    %dma_wait3A_2057 = arith.constant 10624 : i32
    %dma_wait3A_2058 = tpu.memref_slice %arg6[%dma_wait3A_2057] : memref<13312xi32, #tpu.memory_space<vmem>> -> memref<128xi32, #tpu.memory_space<vmem>>
    %dma_wait3A_2059 = arith.constant 0 : i32
    %dma_wait3A_2060 = arith.constant 0 : i32
    %dma_wait3A_2061 = tpu.memref_slice %arg4[%dma_wait3A_2059, %dma_wait3A_2060] : memref<2600000x32xf32, #tpu.memory_space<hbm>> -> memref<2600000x32xf32, #tpu.memory_space<hbm>>
    tpu.wait_indirect_dma semaphore(%arg15 : memref<!tpu.dma_semaphore, #tpu.memory_space<semaphore_mem>>) src(%dma_wait3A_2061 : memref<2600000x32xf32, #tpu.memory_space<hbm>>) dst(%arg10 : memref<128x32xf32, #tpu.memory_space<vmem>>)
    %add3A_2062 = arith.constant 384 : i32
    %add3A_2063 = arith.addi %multiple_of3A, %add3A_2062 : i32
    %dma_start3A_2064 = arith.constant 640 : i32
    %dma_start3A_2065 = tpu.memref_slice %arg5[%add3A_2063, %dma_start3A_2064] : memref<16384x845xf32, #tpu.memory_space<hbm>> -> memref<128x32xf32, #tpu.memory_space<hbm>>
    %dma_start3A_2066 = arith.constant 640 : i32
    %dma_start3A_2067 = tpu.memref_slice %arg5[%add3A_2063, %dma_start3A_2066] : memref<16384x845xf32, #tpu.memory_space<hbm>> -> memref<128x32xf32, #tpu.memory_space<hbm>>
    tpu.enqueue_dma source(%arg10 : memref<128x32xf32, #tpu.memory_space<vmem>>) target(%dma_start3A_2067 : memref<128x32xf32, #tpu.memory_space<hbm>>) target_semaphore(%arg19 : memref<!tpu.dma_semaphore, #tpu.memory_space<semaphore_mem>>)
    %dma_wait3A_2068 = arith.constant 640 : i32
    %dma_wait3A_2069 = tpu.memref_slice %arg5[%add3A_2063, %dma_wait3A_2068] : memref<16384x845xf32, #tpu.memory_space<hbm>> -> memref<128x32xf32, #tpu.memory_space<hbm>>
    %dma_wait3A_2070 = arith.constant 640 : i32
    %dma_wait3A_2071 = tpu.memref_slice %arg5[%add3A_2063, %dma_wait3A_2070] : memref<16384x845xf32, #tpu.memory_space<hbm>> -> memref<128x32xf32, #tpu.memory_space<hbm>>
    tpu.wait_dma2 semaphore(%arg19 : memref<!tpu.dma_semaphore, #tpu.memory_space<semaphore_mem>>) src(%arg10 : memref<128x32xf32, #tpu.memory_space<vmem>>) dst(%dma_wait3A_2071 : memref<128x32xf32, #tpu.memory_space<hbm>>)
    %dma_start3A_2072 = arith.constant 11136 : i32
    %dma_start3A_2073 = tpu.memref_slice %arg6[%dma_start3A_2072] : memref<13312xi32, #tpu.memory_space<vmem>> -> memref<128xi32, #tpu.memory_space<vmem>>
    %dma_start3A_2074 = arith.constant 0 : i32
    %dma_start3A_2075 = arith.constant 0 : i32
    %dma_start3A_2076 = tpu.memref_slice %arg4[%dma_start3A_2074, %dma_start3A_2075] : memref<2600000x32xf32, #tpu.memory_space<hbm>> -> memref<2600000x32xf32, #tpu.memory_space<hbm>>
    tpu.enqueue_indirect_dma source(%dma_start3A_2076 : memref<2600000x32xf32, #tpu.memory_space<hbm>>) target(%arg10 : memref<128x32xf32, #tpu.memory_space<vmem>>) offsets(%dma_start3A_2073 : memref<128xi32, #tpu.memory_space<vmem>>) semaphore(%arg15 : memref<!tpu.dma_semaphore, #tpu.memory_space<semaphore_mem>>)
    %dma_wait3A_2077 = arith.constant 10752 : i32
    %dma_wait3A_2078 = tpu.memref_slice %arg6[%dma_wait3A_2077] : memref<13312xi32, #tpu.memory_space<vmem>> -> memref<128xi32, #tpu.memory_space<vmem>>
    %dma_wait3A_2079 = arith.constant 0 : i32
    %dma_wait3A_2080 = arith.constant 0 : i32
    %dma_wait3A_2081 = tpu.memref_slice %arg4[%dma_wait3A_2079, %dma_wait3A_2080] : memref<2600000x32xf32, #tpu.memory_space<hbm>> -> memref<2600000x32xf32, #tpu.memory_space<hbm>>
    tpu.wait_indirect_dma semaphore(%arg12 : memref<!tpu.dma_semaphore, #tpu.memory_space<semaphore_mem>>) src(%dma_wait3A_2081 : memref<2600000x32xf32, #tpu.memory_space<hbm>>) dst(%arg7 : memref<128x32xf32, #tpu.memory_space<vmem>>)
    %add3A_2082 = arith.constant 0 : i32
    %add3A_2083 = arith.addi %multiple_of3A, %add3A_2082 : i32
    %dma_start3A_2084 = arith.constant 672 : i32
    %dma_start3A_2085 = tpu.memref_slice %arg5[%add3A_2083, %dma_start3A_2084] : memref<16384x845xf32, #tpu.memory_space<hbm>> -> memref<128x32xf32, #tpu.memory_space<hbm>>
    %dma_start3A_2086 = arith.constant 672 : i32
    %dma_start3A_2087 = tpu.memref_slice %arg5[%add3A_2083, %dma_start3A_2086] : memref<16384x845xf32, #tpu.memory_space<hbm>> -> memref<128x32xf32, #tpu.memory_space<hbm>>
    tpu.enqueue_dma source(%arg7 : memref<128x32xf32, #tpu.memory_space<vmem>>) target(%dma_start3A_2087 : memref<128x32xf32, #tpu.memory_space<hbm>>) target_semaphore(%arg16 : memref<!tpu.dma_semaphore, #tpu.memory_space<semaphore_mem>>)
    %dma_wait3A_2088 = arith.constant 672 : i32
    %dma_wait3A_2089 = tpu.memref_slice %arg5[%add3A_2083, %dma_wait3A_2088] : memref<16384x845xf32, #tpu.memory_space<hbm>> -> memref<128x32xf32, #tpu.memory_space<hbm>>
    %dma_wait3A_2090 = arith.constant 672 : i32
    %dma_wait3A_2091 = tpu.memref_slice %arg5[%add3A_2083, %dma_wait3A_2090] : memref<16384x845xf32, #tpu.memory_space<hbm>> -> memref<128x32xf32, #tpu.memory_space<hbm>>
    tpu.wait_dma2 semaphore(%arg16 : memref<!tpu.dma_semaphore, #tpu.memory_space<semaphore_mem>>) src(%arg7 : memref<128x32xf32, #tpu.memory_space<vmem>>) dst(%dma_wait3A_2091 : memref<128x32xf32, #tpu.memory_space<hbm>>)
    %dma_start3A_2092 = arith.constant 11264 : i32
    %dma_start3A_2093 = tpu.memref_slice %arg6[%dma_start3A_2092] : memref<13312xi32, #tpu.memory_space<vmem>> -> memref<128xi32, #tpu.memory_space<vmem>>
    %dma_start3A_2094 = arith.constant 0 : i32
    %dma_start3A_2095 = arith.constant 0 : i32
    %dma_start3A_2096 = tpu.memref_slice %arg4[%dma_start3A_2094, %dma_start3A_2095] : memref<2600000x32xf32, #tpu.memory_space<hbm>> -> memref<2600000x32xf32, #tpu.memory_space<hbm>>
    tpu.enqueue_indirect_dma source(%dma_start3A_2096 : memref<2600000x32xf32, #tpu.memory_space<hbm>>) target(%arg7 : memref<128x32xf32, #tpu.memory_space<vmem>>) offsets(%dma_start3A_2093 : memref<128xi32, #tpu.memory_space<vmem>>) semaphore(%arg12 : memref<!tpu.dma_semaphore, #tpu.memory_space<semaphore_mem>>)
    %dma_wait3A_2097 = arith.constant 10880 : i32
    %dma_wait3A_2098 = tpu.memref_slice %arg6[%dma_wait3A_2097] : memref<13312xi32, #tpu.memory_space<vmem>> -> memref<128xi32, #tpu.memory_space<vmem>>
    %dma_wait3A_2099 = arith.constant 0 : i32
    %dma_wait3A_2100 = arith.constant 0 : i32
    %dma_wait3A_2101 = tpu.memref_slice %arg4[%dma_wait3A_2099, %dma_wait3A_2100] : memref<2600000x32xf32, #tpu.memory_space<hbm>> -> memref<2600000x32xf32, #tpu.memory_space<hbm>>
    tpu.wait_indirect_dma semaphore(%arg13 : memref<!tpu.dma_semaphore, #tpu.memory_space<semaphore_mem>>) src(%dma_wait3A_2101 : memref<2600000x32xf32, #tpu.memory_space<hbm>>) dst(%arg8 : memref<128x32xf32, #tpu.memory_space<vmem>>)
    %add3A_2102 = arith.constant 128 : i32
    %add3A_2103 = arith.addi %multiple_of3A, %add3A_2102 : i32
    %dma_start3A_2104 = arith.constant 672 : i32
    %dma_start3A_2105 = tpu.memref_slice %arg5[%add3A_2103, %dma_start3A_2104] : memref<16384x845xf32, #tpu.memory_space<hbm>> -> memref<128x32xf32, #tpu.memory_space<hbm>>
    %dma_start3A_2106 = arith.constant 672 : i32
    %dma_start3A_2107 = tpu.memref_slice %arg5[%add3A_2103, %dma_start3A_2106] : memref<16384x845xf32, #tpu.memory_space<hbm>> -> memref<128x32xf32, #tpu.memory_space<hbm>>
    tpu.enqueue_dma source(%arg8 : memref<128x32xf32, #tpu.memory_space<vmem>>) target(%dma_start3A_2107 : memref<128x32xf32, #tpu.memory_space<hbm>>) target_semaphore(%arg17 : memref<!tpu.dma_semaphore, #tpu.memory_space<semaphore_mem>>)
    %dma_wait3A_2108 = arith.constant 672 : i32
    %dma_wait3A_2109 = tpu.memref_slice %arg5[%add3A_2103, %dma_wait3A_2108] : memref<16384x845xf32, #tpu.memory_space<hbm>> -> memref<128x32xf32, #tpu.memory_space<hbm>>
    %dma_wait3A_2110 = arith.constant 672 : i32
    %dma_wait3A_2111 = tpu.memref_slice %arg5[%add3A_2103, %dma_wait3A_2110] : memref<16384x845xf32, #tpu.memory_space<hbm>> -> memref<128x32xf32, #tpu.memory_space<hbm>>
    tpu.wait_dma2 semaphore(%arg17 : memref<!tpu.dma_semaphore, #tpu.memory_space<semaphore_mem>>) src(%arg8 : memref<128x32xf32, #tpu.memory_space<vmem>>) dst(%dma_wait3A_2111 : memref<128x32xf32, #tpu.memory_space<hbm>>)
    %dma_start3A_2112 = arith.constant 11392 : i32
    %dma_start3A_2113 = tpu.memref_slice %arg6[%dma_start3A_2112] : memref<13312xi32, #tpu.memory_space<vmem>> -> memref<128xi32, #tpu.memory_space<vmem>>
    %dma_start3A_2114 = arith.constant 0 : i32
    %dma_start3A_2115 = arith.constant 0 : i32
    %dma_start3A_2116 = tpu.memref_slice %arg4[%dma_start3A_2114, %dma_start3A_2115] : memref<2600000x32xf32, #tpu.memory_space<hbm>> -> memref<2600000x32xf32, #tpu.memory_space<hbm>>
    tpu.enqueue_indirect_dma source(%dma_start3A_2116 : memref<2600000x32xf32, #tpu.memory_space<hbm>>) target(%arg8 : memref<128x32xf32, #tpu.memory_space<vmem>>) offsets(%dma_start3A_2113 : memref<128xi32, #tpu.memory_space<vmem>>) semaphore(%arg13 : memref<!tpu.dma_semaphore, #tpu.memory_space<semaphore_mem>>)
    %dma_wait3A_2117 = arith.constant 11008 : i32
    %dma_wait3A_2118 = tpu.memref_slice %arg6[%dma_wait3A_2117] : memref<13312xi32, #tpu.memory_space<vmem>> -> memref<128xi32, #tpu.memory_space<vmem>>
    %dma_wait3A_2119 = arith.constant 0 : i32
    %dma_wait3A_2120 = arith.constant 0 : i32
    %dma_wait3A_2121 = tpu.memref_slice %arg4[%dma_wait3A_2119, %dma_wait3A_2120] : memref<2600000x32xf32, #tpu.memory_space<hbm>> -> memref<2600000x32xf32, #tpu.memory_space<hbm>>
    tpu.wait_indirect_dma semaphore(%arg14 : memref<!tpu.dma_semaphore, #tpu.memory_space<semaphore_mem>>) src(%dma_wait3A_2121 : memref<2600000x32xf32, #tpu.memory_space<hbm>>) dst(%arg9 : memref<128x32xf32, #tpu.memory_space<vmem>>)
    %add3A_2122 = arith.constant 256 : i32
    %add3A_2123 = arith.addi %multiple_of3A, %add3A_2122 : i32
    %dma_start3A_2124 = arith.constant 672 : i32
    %dma_start3A_2125 = tpu.memref_slice %arg5[%add3A_2123, %dma_start3A_2124] : memref<16384x845xf32, #tpu.memory_space<hbm>> -> memref<128x32xf32, #tpu.memory_space<hbm>>
    %dma_start3A_2126 = arith.constant 672 : i32
    %dma_start3A_2127 = tpu.memref_slice %arg5[%add3A_2123, %dma_start3A_2126] : memref<16384x845xf32, #tpu.memory_space<hbm>> -> memref<128x32xf32, #tpu.memory_space<hbm>>
    tpu.enqueue_dma source(%arg9 : memref<128x32xf32, #tpu.memory_space<vmem>>) target(%dma_start3A_2127 : memref<128x32xf32, #tpu.memory_space<hbm>>) target_semaphore(%arg18 : memref<!tpu.dma_semaphore, #tpu.memory_space<semaphore_mem>>)
    %dma_wait3A_2128 = arith.constant 672 : i32
    %dma_wait3A_2129 = tpu.memref_slice %arg5[%add3A_2123, %dma_wait3A_2128] : memref<16384x845xf32, #tpu.memory_space<hbm>> -> memref<128x32xf32, #tpu.memory_space<hbm>>
    %dma_wait3A_2130 = arith.constant 672 : i32
    %dma_wait3A_2131 = tpu.memref_slice %arg5[%add3A_2123, %dma_wait3A_2130] : memref<16384x845xf32, #tpu.memory_space<hbm>> -> memref<128x32xf32, #tpu.memory_space<hbm>>
    tpu.wait_dma2 semaphore(%arg18 : memref<!tpu.dma_semaphore, #tpu.memory_space<semaphore_mem>>) src(%arg9 : memref<128x32xf32, #tpu.memory_space<vmem>>) dst(%dma_wait3A_2131 : memref<128x32xf32, #tpu.memory_space<hbm>>)
    %dma_start3A_2132 = arith.constant 11520 : i32
    %dma_start3A_2133 = tpu.memref_slice %arg6[%dma_start3A_2132] : memref<13312xi32, #tpu.memory_space<vmem>> -> memref<128xi32, #tpu.memory_space<vmem>>
    %dma_start3A_2134 = arith.constant 0 : i32
    %dma_start3A_2135 = arith.constant 0 : i32
    %dma_start3A_2136 = tpu.memref_slice %arg4[%dma_start3A_2134, %dma_start3A_2135] : memref<2600000x32xf32, #tpu.memory_space<hbm>> -> memref<2600000x32xf32, #tpu.memory_space<hbm>>
    tpu.enqueue_indirect_dma source(%dma_start3A_2136 : memref<2600000x32xf32, #tpu.memory_space<hbm>>) target(%arg9 : memref<128x32xf32, #tpu.memory_space<vmem>>) offsets(%dma_start3A_2133 : memref<128xi32, #tpu.memory_space<vmem>>) semaphore(%arg14 : memref<!tpu.dma_semaphore, #tpu.memory_space<semaphore_mem>>)
    %dma_wait3A_2137 = arith.constant 11136 : i32
    %dma_wait3A_2138 = tpu.memref_slice %arg6[%dma_wait3A_2137] : memref<13312xi32, #tpu.memory_space<vmem>> -> memref<128xi32, #tpu.memory_space<vmem>>
    %dma_wait3A_2139 = arith.constant 0 : i32
    %dma_wait3A_2140 = arith.constant 0 : i32
    %dma_wait3A_2141 = tpu.memref_slice %arg4[%dma_wait3A_2139, %dma_wait3A_2140] : memref<2600000x32xf32, #tpu.memory_space<hbm>> -> memref<2600000x32xf32, #tpu.memory_space<hbm>>
    tpu.wait_indirect_dma semaphore(%arg15 : memref<!tpu.dma_semaphore, #tpu.memory_space<semaphore_mem>>) src(%dma_wait3A_2141 : memref<2600000x32xf32, #tpu.memory_space<hbm>>) dst(%arg10 : memref<128x32xf32, #tpu.memory_space<vmem>>)
    %add3A_2142 = arith.constant 384 : i32
    %add3A_2143 = arith.addi %multiple_of3A, %add3A_2142 : i32
    %dma_start3A_2144 = arith.constant 672 : i32
    %dma_start3A_2145 = tpu.memref_slice %arg5[%add3A_2143, %dma_start3A_2144] : memref<16384x845xf32, #tpu.memory_space<hbm>> -> memref<128x32xf32, #tpu.memory_space<hbm>>
    %dma_start3A_2146 = arith.constant 672 : i32
    %dma_start3A_2147 = tpu.memref_slice %arg5[%add3A_2143, %dma_start3A_2146] : memref<16384x845xf32, #tpu.memory_space<hbm>> -> memref<128x32xf32, #tpu.memory_space<hbm>>
    tpu.enqueue_dma source(%arg10 : memref<128x32xf32, #tpu.memory_space<vmem>>) target(%dma_start3A_2147 : memref<128x32xf32, #tpu.memory_space<hbm>>) target_semaphore(%arg19 : memref<!tpu.dma_semaphore, #tpu.memory_space<semaphore_mem>>)
    %dma_wait3A_2148 = arith.constant 672 : i32
    %dma_wait3A_2149 = tpu.memref_slice %arg5[%add3A_2143, %dma_wait3A_2148] : memref<16384x845xf32, #tpu.memory_space<hbm>> -> memref<128x32xf32, #tpu.memory_space<hbm>>
    %dma_wait3A_2150 = arith.constant 672 : i32
    %dma_wait3A_2151 = tpu.memref_slice %arg5[%add3A_2143, %dma_wait3A_2150] : memref<16384x845xf32, #tpu.memory_space<hbm>> -> memref<128x32xf32, #tpu.memory_space<hbm>>
    tpu.wait_dma2 semaphore(%arg19 : memref<!tpu.dma_semaphore, #tpu.memory_space<semaphore_mem>>) src(%arg10 : memref<128x32xf32, #tpu.memory_space<vmem>>) dst(%dma_wait3A_2151 : memref<128x32xf32, #tpu.memory_space<hbm>>)
    %dma_start3A_2152 = arith.constant 11648 : i32
    %dma_start3A_2153 = tpu.memref_slice %arg6[%dma_start3A_2152] : memref<13312xi32, #tpu.memory_space<vmem>> -> memref<128xi32, #tpu.memory_space<vmem>>
    %dma_start3A_2154 = arith.constant 0 : i32
    %dma_start3A_2155 = arith.constant 0 : i32
    %dma_start3A_2156 = tpu.memref_slice %arg4[%dma_start3A_2154, %dma_start3A_2155] : memref<2600000x32xf32, #tpu.memory_space<hbm>> -> memref<2600000x32xf32, #tpu.memory_space<hbm>>
    tpu.enqueue_indirect_dma source(%dma_start3A_2156 : memref<2600000x32xf32, #tpu.memory_space<hbm>>) target(%arg10 : memref<128x32xf32, #tpu.memory_space<vmem>>) offsets(%dma_start3A_2153 : memref<128xi32, #tpu.memory_space<vmem>>) semaphore(%arg15 : memref<!tpu.dma_semaphore, #tpu.memory_space<semaphore_mem>>)
    %dma_wait3A_2157 = arith.constant 11264 : i32
    %dma_wait3A_2158 = tpu.memref_slice %arg6[%dma_wait3A_2157] : memref<13312xi32, #tpu.memory_space<vmem>> -> memref<128xi32, #tpu.memory_space<vmem>>
    %dma_wait3A_2159 = arith.constant 0 : i32
    %dma_wait3A_2160 = arith.constant 0 : i32
    %dma_wait3A_2161 = tpu.memref_slice %arg4[%dma_wait3A_2159, %dma_wait3A_2160] : memref<2600000x32xf32, #tpu.memory_space<hbm>> -> memref<2600000x32xf32, #tpu.memory_space<hbm>>
    tpu.wait_indirect_dma semaphore(%arg12 : memref<!tpu.dma_semaphore, #tpu.memory_space<semaphore_mem>>) src(%dma_wait3A_2161 : memref<2600000x32xf32, #tpu.memory_space<hbm>>) dst(%arg7 : memref<128x32xf32, #tpu.memory_space<vmem>>)
    %add3A_2162 = arith.constant 0 : i32
    %add3A_2163 = arith.addi %multiple_of3A, %add3A_2162 : i32
    %dma_start3A_2164 = arith.constant 704 : i32
    %dma_start3A_2165 = tpu.memref_slice %arg5[%add3A_2163, %dma_start3A_2164] : memref<16384x845xf32, #tpu.memory_space<hbm>> -> memref<128x32xf32, #tpu.memory_space<hbm>>
    %dma_start3A_2166 = arith.constant 704 : i32
    %dma_start3A_2167 = tpu.memref_slice %arg5[%add3A_2163, %dma_start3A_2166] : memref<16384x845xf32, #tpu.memory_space<hbm>> -> memref<128x32xf32, #tpu.memory_space<hbm>>
    tpu.enqueue_dma source(%arg7 : memref<128x32xf32, #tpu.memory_space<vmem>>) target(%dma_start3A_2167 : memref<128x32xf32, #tpu.memory_space<hbm>>) target_semaphore(%arg16 : memref<!tpu.dma_semaphore, #tpu.memory_space<semaphore_mem>>)
    %dma_wait3A_2168 = arith.constant 704 : i32
    %dma_wait3A_2169 = tpu.memref_slice %arg5[%add3A_2163, %dma_wait3A_2168] : memref<16384x845xf32, #tpu.memory_space<hbm>> -> memref<128x32xf32, #tpu.memory_space<hbm>>
    %dma_wait3A_2170 = arith.constant 704 : i32
    %dma_wait3A_2171 = tpu.memref_slice %arg5[%add3A_2163, %dma_wait3A_2170] : memref<16384x845xf32, #tpu.memory_space<hbm>> -> memref<128x32xf32, #tpu.memory_space<hbm>>
    tpu.wait_dma2 semaphore(%arg16 : memref<!tpu.dma_semaphore, #tpu.memory_space<semaphore_mem>>) src(%arg7 : memref<128x32xf32, #tpu.memory_space<vmem>>) dst(%dma_wait3A_2171 : memref<128x32xf32, #tpu.memory_space<hbm>>)
    %dma_start3A_2172 = arith.constant 11776 : i32
    %dma_start3A_2173 = tpu.memref_slice %arg6[%dma_start3A_2172] : memref<13312xi32, #tpu.memory_space<vmem>> -> memref<128xi32, #tpu.memory_space<vmem>>
    %dma_start3A_2174 = arith.constant 0 : i32
    %dma_start3A_2175 = arith.constant 0 : i32
    %dma_start3A_2176 = tpu.memref_slice %arg4[%dma_start3A_2174, %dma_start3A_2175] : memref<2600000x32xf32, #tpu.memory_space<hbm>> -> memref<2600000x32xf32, #tpu.memory_space<hbm>>
    tpu.enqueue_indirect_dma source(%dma_start3A_2176 : memref<2600000x32xf32, #tpu.memory_space<hbm>>) target(%arg7 : memref<128x32xf32, #tpu.memory_space<vmem>>) offsets(%dma_start3A_2173 : memref<128xi32, #tpu.memory_space<vmem>>) semaphore(%arg12 : memref<!tpu.dma_semaphore, #tpu.memory_space<semaphore_mem>>)
    %dma_wait3A_2177 = arith.constant 11392 : i32
    %dma_wait3A_2178 = tpu.memref_slice %arg6[%dma_wait3A_2177] : memref<13312xi32, #tpu.memory_space<vmem>> -> memref<128xi32, #tpu.memory_space<vmem>>
    %dma_wait3A_2179 = arith.constant 0 : i32
    %dma_wait3A_2180 = arith.constant 0 : i32
    %dma_wait3A_2181 = tpu.memref_slice %arg4[%dma_wait3A_2179, %dma_wait3A_2180] : memref<2600000x32xf32, #tpu.memory_space<hbm>> -> memref<2600000x32xf32, #tpu.memory_space<hbm>>
    tpu.wait_indirect_dma semaphore(%arg13 : memref<!tpu.dma_semaphore, #tpu.memory_space<semaphore_mem>>) src(%dma_wait3A_2181 : memref<2600000x32xf32, #tpu.memory_space<hbm>>) dst(%arg8 : memref<128x32xf32, #tpu.memory_space<vmem>>)
    %add3A_2182 = arith.constant 128 : i32
    %add3A_2183 = arith.addi %multiple_of3A, %add3A_2182 : i32
    %dma_start3A_2184 = arith.constant 704 : i32
    %dma_start3A_2185 = tpu.memref_slice %arg5[%add3A_2183, %dma_start3A_2184] : memref<16384x845xf32, #tpu.memory_space<hbm>> -> memref<128x32xf32, #tpu.memory_space<hbm>>
    %dma_start3A_2186 = arith.constant 704 : i32
    %dma_start3A_2187 = tpu.memref_slice %arg5[%add3A_2183, %dma_start3A_2186] : memref<16384x845xf32, #tpu.memory_space<hbm>> -> memref<128x32xf32, #tpu.memory_space<hbm>>
    tpu.enqueue_dma source(%arg8 : memref<128x32xf32, #tpu.memory_space<vmem>>) target(%dma_start3A_2187 : memref<128x32xf32, #tpu.memory_space<hbm>>) target_semaphore(%arg17 : memref<!tpu.dma_semaphore, #tpu.memory_space<semaphore_mem>>)
    %dma_wait3A_2188 = arith.constant 704 : i32
    %dma_wait3A_2189 = tpu.memref_slice %arg5[%add3A_2183, %dma_wait3A_2188] : memref<16384x845xf32, #tpu.memory_space<hbm>> -> memref<128x32xf32, #tpu.memory_space<hbm>>
    %dma_wait3A_2190 = arith.constant 704 : i32
    %dma_wait3A_2191 = tpu.memref_slice %arg5[%add3A_2183, %dma_wait3A_2190] : memref<16384x845xf32, #tpu.memory_space<hbm>> -> memref<128x32xf32, #tpu.memory_space<hbm>>
    tpu.wait_dma2 semaphore(%arg17 : memref<!tpu.dma_semaphore, #tpu.memory_space<semaphore_mem>>) src(%arg8 : memref<128x32xf32, #tpu.memory_space<vmem>>) dst(%dma_wait3A_2191 : memref<128x32xf32, #tpu.memory_space<hbm>>)
    %dma_start3A_2192 = arith.constant 11904 : i32
    %dma_start3A_2193 = tpu.memref_slice %arg6[%dma_start3A_2192] : memref<13312xi32, #tpu.memory_space<vmem>> -> memref<128xi32, #tpu.memory_space<vmem>>
    %dma_start3A_2194 = arith.constant 0 : i32
    %dma_start3A_2195 = arith.constant 0 : i32
    %dma_start3A_2196 = tpu.memref_slice %arg4[%dma_start3A_2194, %dma_start3A_2195] : memref<2600000x32xf32, #tpu.memory_space<hbm>> -> memref<2600000x32xf32, #tpu.memory_space<hbm>>
    tpu.enqueue_indirect_dma source(%dma_start3A_2196 : memref<2600000x32xf32, #tpu.memory_space<hbm>>) target(%arg8 : memref<128x32xf32, #tpu.memory_space<vmem>>) offsets(%dma_start3A_2193 : memref<128xi32, #tpu.memory_space<vmem>>) semaphore(%arg13 : memref<!tpu.dma_semaphore, #tpu.memory_space<semaphore_mem>>)
    %dma_wait3A_2197 = arith.constant 11520 : i32
    %dma_wait3A_2198 = tpu.memref_slice %arg6[%dma_wait3A_2197] : memref<13312xi32, #tpu.memory_space<vmem>> -> memref<128xi32, #tpu.memory_space<vmem>>
    %dma_wait3A_2199 = arith.constant 0 : i32
    %dma_wait3A_2200 = arith.constant 0 : i32
    %dma_wait3A_2201 = tpu.memref_slice %arg4[%dma_wait3A_2199, %dma_wait3A_2200] : memref<2600000x32xf32, #tpu.memory_space<hbm>> -> memref<2600000x32xf32, #tpu.memory_space<hbm>>
    tpu.wait_indirect_dma semaphore(%arg14 : memref<!tpu.dma_semaphore, #tpu.memory_space<semaphore_mem>>) src(%dma_wait3A_2201 : memref<2600000x32xf32, #tpu.memory_space<hbm>>) dst(%arg9 : memref<128x32xf32, #tpu.memory_space<vmem>>)
    %add3A_2202 = arith.constant 256 : i32
    %add3A_2203 = arith.addi %multiple_of3A, %add3A_2202 : i32
    %dma_start3A_2204 = arith.constant 704 : i32
    %dma_start3A_2205 = tpu.memref_slice %arg5[%add3A_2203, %dma_start3A_2204] : memref<16384x845xf32, #tpu.memory_space<hbm>> -> memref<128x32xf32, #tpu.memory_space<hbm>>
    %dma_start3A_2206 = arith.constant 704 : i32
    %dma_start3A_2207 = tpu.memref_slice %arg5[%add3A_2203, %dma_start3A_2206] : memref<16384x845xf32, #tpu.memory_space<hbm>> -> memref<128x32xf32, #tpu.memory_space<hbm>>
    tpu.enqueue_dma source(%arg9 : memref<128x32xf32, #tpu.memory_space<vmem>>) target(%dma_start3A_2207 : memref<128x32xf32, #tpu.memory_space<hbm>>) target_semaphore(%arg18 : memref<!tpu.dma_semaphore, #tpu.memory_space<semaphore_mem>>)
    %dma_wait3A_2208 = arith.constant 704 : i32
    %dma_wait3A_2209 = tpu.memref_slice %arg5[%add3A_2203, %dma_wait3A_2208] : memref<16384x845xf32, #tpu.memory_space<hbm>> -> memref<128x32xf32, #tpu.memory_space<hbm>>
    %dma_wait3A_2210 = arith.constant 704 : i32
    %dma_wait3A_2211 = tpu.memref_slice %arg5[%add3A_2203, %dma_wait3A_2210] : memref<16384x845xf32, #tpu.memory_space<hbm>> -> memref<128x32xf32, #tpu.memory_space<hbm>>
    tpu.wait_dma2 semaphore(%arg18 : memref<!tpu.dma_semaphore, #tpu.memory_space<semaphore_mem>>) src(%arg9 : memref<128x32xf32, #tpu.memory_space<vmem>>) dst(%dma_wait3A_2211 : memref<128x32xf32, #tpu.memory_space<hbm>>)
    %dma_start3A_2212 = arith.constant 12032 : i32
    %dma_start3A_2213 = tpu.memref_slice %arg6[%dma_start3A_2212] : memref<13312xi32, #tpu.memory_space<vmem>> -> memref<128xi32, #tpu.memory_space<vmem>>
    %dma_start3A_2214 = arith.constant 0 : i32
    %dma_start3A_2215 = arith.constant 0 : i32
    %dma_start3A_2216 = tpu.memref_slice %arg4[%dma_start3A_2214, %dma_start3A_2215] : memref<2600000x32xf32, #tpu.memory_space<hbm>> -> memref<2600000x32xf32, #tpu.memory_space<hbm>>
    tpu.enqueue_indirect_dma source(%dma_start3A_2216 : memref<2600000x32xf32, #tpu.memory_space<hbm>>) target(%arg9 : memref<128x32xf32, #tpu.memory_space<vmem>>) offsets(%dma_start3A_2213 : memref<128xi32, #tpu.memory_space<vmem>>) semaphore(%arg14 : memref<!tpu.dma_semaphore, #tpu.memory_space<semaphore_mem>>)
    %dma_wait3A_2217 = arith.constant 11648 : i32
    %dma_wait3A_2218 = tpu.memref_slice %arg6[%dma_wait3A_2217] : memref<13312xi32, #tpu.memory_space<vmem>> -> memref<128xi32, #tpu.memory_space<vmem>>
    %dma_wait3A_2219 = arith.constant 0 : i32
    %dma_wait3A_2220 = arith.constant 0 : i32
    %dma_wait3A_2221 = tpu.memref_slice %arg4[%dma_wait3A_2219, %dma_wait3A_2220] : memref<2600000x32xf32, #tpu.memory_space<hbm>> -> memref<2600000x32xf32, #tpu.memory_space<hbm>>
    tpu.wait_indirect_dma semaphore(%arg15 : memref<!tpu.dma_semaphore, #tpu.memory_space<semaphore_mem>>) src(%dma_wait3A_2221 : memref<2600000x32xf32, #tpu.memory_space<hbm>>) dst(%arg10 : memref<128x32xf32, #tpu.memory_space<vmem>>)
    %add3A_2222 = arith.constant 384 : i32
    %add3A_2223 = arith.addi %multiple_of3A, %add3A_2222 : i32
    %dma_start3A_2224 = arith.constant 704 : i32
    %dma_start3A_2225 = tpu.memref_slice %arg5[%add3A_2223, %dma_start3A_2224] : memref<16384x845xf32, #tpu.memory_space<hbm>> -> memref<128x32xf32, #tpu.memory_space<hbm>>
    %dma_start3A_2226 = arith.constant 704 : i32
    %dma_start3A_2227 = tpu.memref_slice %arg5[%add3A_2223, %dma_start3A_2226] : memref<16384x845xf32, #tpu.memory_space<hbm>> -> memref<128x32xf32, #tpu.memory_space<hbm>>
    tpu.enqueue_dma source(%arg10 : memref<128x32xf32, #tpu.memory_space<vmem>>) target(%dma_start3A_2227 : memref<128x32xf32, #tpu.memory_space<hbm>>) target_semaphore(%arg19 : memref<!tpu.dma_semaphore, #tpu.memory_space<semaphore_mem>>)
    %dma_wait3A_2228 = arith.constant 704 : i32
    %dma_wait3A_2229 = tpu.memref_slice %arg5[%add3A_2223, %dma_wait3A_2228] : memref<16384x845xf32, #tpu.memory_space<hbm>> -> memref<128x32xf32, #tpu.memory_space<hbm>>
    %dma_wait3A_2230 = arith.constant 704 : i32
    %dma_wait3A_2231 = tpu.memref_slice %arg5[%add3A_2223, %dma_wait3A_2230] : memref<16384x845xf32, #tpu.memory_space<hbm>> -> memref<128x32xf32, #tpu.memory_space<hbm>>
    tpu.wait_dma2 semaphore(%arg19 : memref<!tpu.dma_semaphore, #tpu.memory_space<semaphore_mem>>) src(%arg10 : memref<128x32xf32, #tpu.memory_space<vmem>>) dst(%dma_wait3A_2231 : memref<128x32xf32, #tpu.memory_space<hbm>>)
    %dma_start3A_2232 = arith.constant 12160 : i32
    %dma_start3A_2233 = tpu.memref_slice %arg6[%dma_start3A_2232] : memref<13312xi32, #tpu.memory_space<vmem>> -> memref<128xi32, #tpu.memory_space<vmem>>
    %dma_start3A_2234 = arith.constant 0 : i32
    %dma_start3A_2235 = arith.constant 0 : i32
    %dma_start3A_2236 = tpu.memref_slice %arg4[%dma_start3A_2234, %dma_start3A_2235] : memref<2600000x32xf32, #tpu.memory_space<hbm>> -> memref<2600000x32xf32, #tpu.memory_space<hbm>>
    tpu.enqueue_indirect_dma source(%dma_start3A_2236 : memref<2600000x32xf32, #tpu.memory_space<hbm>>) target(%arg10 : memref<128x32xf32, #tpu.memory_space<vmem>>) offsets(%dma_start3A_2233 : memref<128xi32, #tpu.memory_space<vmem>>) semaphore(%arg15 : memref<!tpu.dma_semaphore, #tpu.memory_space<semaphore_mem>>)
    %dma_wait3A_2237 = arith.constant 11776 : i32
    %dma_wait3A_2238 = tpu.memref_slice %arg6[%dma_wait3A_2237] : memref<13312xi32, #tpu.memory_space<vmem>> -> memref<128xi32, #tpu.memory_space<vmem>>
    %dma_wait3A_2239 = arith.constant 0 : i32
    %dma_wait3A_2240 = arith.constant 0 : i32
    %dma_wait3A_2241 = tpu.memref_slice %arg4[%dma_wait3A_2239, %dma_wait3A_2240] : memref<2600000x32xf32, #tpu.memory_space<hbm>> -> memref<2600000x32xf32, #tpu.memory_space<hbm>>
    tpu.wait_indirect_dma semaphore(%arg12 : memref<!tpu.dma_semaphore, #tpu.memory_space<semaphore_mem>>) src(%dma_wait3A_2241 : memref<2600000x32xf32, #tpu.memory_space<hbm>>) dst(%arg7 : memref<128x32xf32, #tpu.memory_space<vmem>>)
    %add3A_2242 = arith.constant 0 : i32
    %add3A_2243 = arith.addi %multiple_of3A, %add3A_2242 : i32
    %dma_start3A_2244 = arith.constant 736 : i32
    %dma_start3A_2245 = tpu.memref_slice %arg5[%add3A_2243, %dma_start3A_2244] : memref<16384x845xf32, #tpu.memory_space<hbm>> -> memref<128x32xf32, #tpu.memory_space<hbm>>
    %dma_start3A_2246 = arith.constant 736 : i32
    %dma_start3A_2247 = tpu.memref_slice %arg5[%add3A_2243, %dma_start3A_2246] : memref<16384x845xf32, #tpu.memory_space<hbm>> -> memref<128x32xf32, #tpu.memory_space<hbm>>
    tpu.enqueue_dma source(%arg7 : memref<128x32xf32, #tpu.memory_space<vmem>>) target(%dma_start3A_2247 : memref<128x32xf32, #tpu.memory_space<hbm>>) target_semaphore(%arg16 : memref<!tpu.dma_semaphore, #tpu.memory_space<semaphore_mem>>)
    %dma_wait3A_2248 = arith.constant 736 : i32
    %dma_wait3A_2249 = tpu.memref_slice %arg5[%add3A_2243, %dma_wait3A_2248] : memref<16384x845xf32, #tpu.memory_space<hbm>> -> memref<128x32xf32, #tpu.memory_space<hbm>>
    %dma_wait3A_2250 = arith.constant 736 : i32
    %dma_wait3A_2251 = tpu.memref_slice %arg5[%add3A_2243, %dma_wait3A_2250] : memref<16384x845xf32, #tpu.memory_space<hbm>> -> memref<128x32xf32, #tpu.memory_space<hbm>>
    tpu.wait_dma2 semaphore(%arg16 : memref<!tpu.dma_semaphore, #tpu.memory_space<semaphore_mem>>) src(%arg7 : memref<128x32xf32, #tpu.memory_space<vmem>>) dst(%dma_wait3A_2251 : memref<128x32xf32, #tpu.memory_space<hbm>>)
    %dma_start3A_2252 = arith.constant 12288 : i32
    %dma_start3A_2253 = tpu.memref_slice %arg6[%dma_start3A_2252] : memref<13312xi32, #tpu.memory_space<vmem>> -> memref<128xi32, #tpu.memory_space<vmem>>
    %dma_start3A_2254 = arith.constant 0 : i32
    %dma_start3A_2255 = arith.constant 0 : i32
    %dma_start3A_2256 = tpu.memref_slice %arg4[%dma_start3A_2254, %dma_start3A_2255] : memref<2600000x32xf32, #tpu.memory_space<hbm>> -> memref<2600000x32xf32, #tpu.memory_space<hbm>>
    tpu.enqueue_indirect_dma source(%dma_start3A_2256 : memref<2600000x32xf32, #tpu.memory_space<hbm>>) target(%arg7 : memref<128x32xf32, #tpu.memory_space<vmem>>) offsets(%dma_start3A_2253 : memref<128xi32, #tpu.memory_space<vmem>>) semaphore(%arg12 : memref<!tpu.dma_semaphore, #tpu.memory_space<semaphore_mem>>)
    %dma_wait3A_2257 = arith.constant 11904 : i32
    %dma_wait3A_2258 = tpu.memref_slice %arg6[%dma_wait3A_2257] : memref<13312xi32, #tpu.memory_space<vmem>> -> memref<128xi32, #tpu.memory_space<vmem>>
    %dma_wait3A_2259 = arith.constant 0 : i32
    %dma_wait3A_2260 = arith.constant 0 : i32
    %dma_wait3A_2261 = tpu.memref_slice %arg4[%dma_wait3A_2259, %dma_wait3A_2260] : memref<2600000x32xf32, #tpu.memory_space<hbm>> -> memref<2600000x32xf32, #tpu.memory_space<hbm>>
    tpu.wait_indirect_dma semaphore(%arg13 : memref<!tpu.dma_semaphore, #tpu.memory_space<semaphore_mem>>) src(%dma_wait3A_2261 : memref<2600000x32xf32, #tpu.memory_space<hbm>>) dst(%arg8 : memref<128x32xf32, #tpu.memory_space<vmem>>)
    %add3A_2262 = arith.constant 128 : i32
    %add3A_2263 = arith.addi %multiple_of3A, %add3A_2262 : i32
    %dma_start3A_2264 = arith.constant 736 : i32
    %dma_start3A_2265 = tpu.memref_slice %arg5[%add3A_2263, %dma_start3A_2264] : memref<16384x845xf32, #tpu.memory_space<hbm>> -> memref<128x32xf32, #tpu.memory_space<hbm>>
    %dma_start3A_2266 = arith.constant 736 : i32
    %dma_start3A_2267 = tpu.memref_slice %arg5[%add3A_2263, %dma_start3A_2266] : memref<16384x845xf32, #tpu.memory_space<hbm>> -> memref<128x32xf32, #tpu.memory_space<hbm>>
    tpu.enqueue_dma source(%arg8 : memref<128x32xf32, #tpu.memory_space<vmem>>) target(%dma_start3A_2267 : memref<128x32xf32, #tpu.memory_space<hbm>>) target_semaphore(%arg17 : memref<!tpu.dma_semaphore, #tpu.memory_space<semaphore_mem>>)
    %dma_wait3A_2268 = arith.constant 736 : i32
    %dma_wait3A_2269 = tpu.memref_slice %arg5[%add3A_2263, %dma_wait3A_2268] : memref<16384x845xf32, #tpu.memory_space<hbm>> -> memref<128x32xf32, #tpu.memory_space<hbm>>
    %dma_wait3A_2270 = arith.constant 736 : i32
    %dma_wait3A_2271 = tpu.memref_slice %arg5[%add3A_2263, %dma_wait3A_2270] : memref<16384x845xf32, #tpu.memory_space<hbm>> -> memref<128x32xf32, #tpu.memory_space<hbm>>
    tpu.wait_dma2 semaphore(%arg17 : memref<!tpu.dma_semaphore, #tpu.memory_space<semaphore_mem>>) src(%arg8 : memref<128x32xf32, #tpu.memory_space<vmem>>) dst(%dma_wait3A_2271 : memref<128x32xf32, #tpu.memory_space<hbm>>)
    %dma_start3A_2272 = arith.constant 12416 : i32
    %dma_start3A_2273 = tpu.memref_slice %arg6[%dma_start3A_2272] : memref<13312xi32, #tpu.memory_space<vmem>> -> memref<128xi32, #tpu.memory_space<vmem>>
    %dma_start3A_2274 = arith.constant 0 : i32
    %dma_start3A_2275 = arith.constant 0 : i32
    %dma_start3A_2276 = tpu.memref_slice %arg4[%dma_start3A_2274, %dma_start3A_2275] : memref<2600000x32xf32, #tpu.memory_space<hbm>> -> memref<2600000x32xf32, #tpu.memory_space<hbm>>
    tpu.enqueue_indirect_dma source(%dma_start3A_2276 : memref<2600000x32xf32, #tpu.memory_space<hbm>>) target(%arg8 : memref<128x32xf32, #tpu.memory_space<vmem>>) offsets(%dma_start3A_2273 : memref<128xi32, #tpu.memory_space<vmem>>) semaphore(%arg13 : memref<!tpu.dma_semaphore, #tpu.memory_space<semaphore_mem>>)
    %dma_wait3A_2277 = arith.constant 12032 : i32
    %dma_wait3A_2278 = tpu.memref_slice %arg6[%dma_wait3A_2277] : memref<13312xi32, #tpu.memory_space<vmem>> -> memref<128xi32, #tpu.memory_space<vmem>>
    %dma_wait3A_2279 = arith.constant 0 : i32
    %dma_wait3A_2280 = arith.constant 0 : i32
    %dma_wait3A_2281 = tpu.memref_slice %arg4[%dma_wait3A_2279, %dma_wait3A_2280] : memref<2600000x32xf32, #tpu.memory_space<hbm>> -> memref<2600000x32xf32, #tpu.memory_space<hbm>>
    tpu.wait_indirect_dma semaphore(%arg14 : memref<!tpu.dma_semaphore, #tpu.memory_space<semaphore_mem>>) src(%dma_wait3A_2281 : memref<2600000x32xf32, #tpu.memory_space<hbm>>) dst(%arg9 : memref<128x32xf32, #tpu.memory_space<vmem>>)
    %add3A_2282 = arith.constant 256 : i32
    %add3A_2283 = arith.addi %multiple_of3A, %add3A_2282 : i32
    %dma_start3A_2284 = arith.constant 736 : i32
    %dma_start3A_2285 = tpu.memref_slice %arg5[%add3A_2283, %dma_start3A_2284] : memref<16384x845xf32, #tpu.memory_space<hbm>> -> memref<128x32xf32, #tpu.memory_space<hbm>>
    %dma_start3A_2286 = arith.constant 736 : i32
    %dma_start3A_2287 = tpu.memref_slice %arg5[%add3A_2283, %dma_start3A_2286] : memref<16384x845xf32, #tpu.memory_space<hbm>> -> memref<128x32xf32, #tpu.memory_space<hbm>>
    tpu.enqueue_dma source(%arg9 : memref<128x32xf32, #tpu.memory_space<vmem>>) target(%dma_start3A_2287 : memref<128x32xf32, #tpu.memory_space<hbm>>) target_semaphore(%arg18 : memref<!tpu.dma_semaphore, #tpu.memory_space<semaphore_mem>>)
    %dma_wait3A_2288 = arith.constant 736 : i32
    %dma_wait3A_2289 = tpu.memref_slice %arg5[%add3A_2283, %dma_wait3A_2288] : memref<16384x845xf32, #tpu.memory_space<hbm>> -> memref<128x32xf32, #tpu.memory_space<hbm>>
    %dma_wait3A_2290 = arith.constant 736 : i32
    %dma_wait3A_2291 = tpu.memref_slice %arg5[%add3A_2283, %dma_wait3A_2290] : memref<16384x845xf32, #tpu.memory_space<hbm>> -> memref<128x32xf32, #tpu.memory_space<hbm>>
    tpu.wait_dma2 semaphore(%arg18 : memref<!tpu.dma_semaphore, #tpu.memory_space<semaphore_mem>>) src(%arg9 : memref<128x32xf32, #tpu.memory_space<vmem>>) dst(%dma_wait3A_2291 : memref<128x32xf32, #tpu.memory_space<hbm>>)
    %dma_start3A_2292 = arith.constant 12544 : i32
    %dma_start3A_2293 = tpu.memref_slice %arg6[%dma_start3A_2292] : memref<13312xi32, #tpu.memory_space<vmem>> -> memref<128xi32, #tpu.memory_space<vmem>>
    %dma_start3A_2294 = arith.constant 0 : i32
    %dma_start3A_2295 = arith.constant 0 : i32
    %dma_start3A_2296 = tpu.memref_slice %arg4[%dma_start3A_2294, %dma_start3A_2295] : memref<2600000x32xf32, #tpu.memory_space<hbm>> -> memref<2600000x32xf32, #tpu.memory_space<hbm>>
    tpu.enqueue_indirect_dma source(%dma_start3A_2296 : memref<2600000x32xf32, #tpu.memory_space<hbm>>) target(%arg9 : memref<128x32xf32, #tpu.memory_space<vmem>>) offsets(%dma_start3A_2293 : memref<128xi32, #tpu.memory_space<vmem>>) semaphore(%arg14 : memref<!tpu.dma_semaphore, #tpu.memory_space<semaphore_mem>>)
    %dma_wait3A_2297 = arith.constant 12160 : i32
    %dma_wait3A_2298 = tpu.memref_slice %arg6[%dma_wait3A_2297] : memref<13312xi32, #tpu.memory_space<vmem>> -> memref<128xi32, #tpu.memory_space<vmem>>
    %dma_wait3A_2299 = arith.constant 0 : i32
    %dma_wait3A_2300 = arith.constant 0 : i32
    %dma_wait3A_2301 = tpu.memref_slice %arg4[%dma_wait3A_2299, %dma_wait3A_2300] : memref<2600000x32xf32, #tpu.memory_space<hbm>> -> memref<2600000x32xf32, #tpu.memory_space<hbm>>
    tpu.wait_indirect_dma semaphore(%arg15 : memref<!tpu.dma_semaphore, #tpu.memory_space<semaphore_mem>>) src(%dma_wait3A_2301 : memref<2600000x32xf32, #tpu.memory_space<hbm>>) dst(%arg10 : memref<128x32xf32, #tpu.memory_space<vmem>>)
    %add3A_2302 = arith.constant 384 : i32
    %add3A_2303 = arith.addi %multiple_of3A, %add3A_2302 : i32
    %dma_start3A_2304 = arith.constant 736 : i32
    %dma_start3A_2305 = tpu.memref_slice %arg5[%add3A_2303, %dma_start3A_2304] : memref<16384x845xf32, #tpu.memory_space<hbm>> -> memref<128x32xf32, #tpu.memory_space<hbm>>
    %dma_start3A_2306 = arith.constant 736 : i32
    %dma_start3A_2307 = tpu.memref_slice %arg5[%add3A_2303, %dma_start3A_2306] : memref<16384x845xf32, #tpu.memory_space<hbm>> -> memref<128x32xf32, #tpu.memory_space<hbm>>
    tpu.enqueue_dma source(%arg10 : memref<128x32xf32, #tpu.memory_space<vmem>>) target(%dma_start3A_2307 : memref<128x32xf32, #tpu.memory_space<hbm>>) target_semaphore(%arg19 : memref<!tpu.dma_semaphore, #tpu.memory_space<semaphore_mem>>)
    %dma_wait3A_2308 = arith.constant 736 : i32
    %dma_wait3A_2309 = tpu.memref_slice %arg5[%add3A_2303, %dma_wait3A_2308] : memref<16384x845xf32, #tpu.memory_space<hbm>> -> memref<128x32xf32, #tpu.memory_space<hbm>>
    %dma_wait3A_2310 = arith.constant 736 : i32
    %dma_wait3A_2311 = tpu.memref_slice %arg5[%add3A_2303, %dma_wait3A_2310] : memref<16384x845xf32, #tpu.memory_space<hbm>> -> memref<128x32xf32, #tpu.memory_space<hbm>>
    tpu.wait_dma2 semaphore(%arg19 : memref<!tpu.dma_semaphore, #tpu.memory_space<semaphore_mem>>) src(%arg10 : memref<128x32xf32, #tpu.memory_space<vmem>>) dst(%dma_wait3A_2311 : memref<128x32xf32, #tpu.memory_space<hbm>>)
    %dma_start3A_2312 = arith.constant 12672 : i32
    %dma_start3A_2313 = tpu.memref_slice %arg6[%dma_start3A_2312] : memref<13312xi32, #tpu.memory_space<vmem>> -> memref<128xi32, #tpu.memory_space<vmem>>
    %dma_start3A_2314 = arith.constant 0 : i32
    %dma_start3A_2315 = arith.constant 0 : i32
    %dma_start3A_2316 = tpu.memref_slice %arg4[%dma_start3A_2314, %dma_start3A_2315] : memref<2600000x32xf32, #tpu.memory_space<hbm>> -> memref<2600000x32xf32, #tpu.memory_space<hbm>>
    tpu.enqueue_indirect_dma source(%dma_start3A_2316 : memref<2600000x32xf32, #tpu.memory_space<hbm>>) target(%arg10 : memref<128x32xf32, #tpu.memory_space<vmem>>) offsets(%dma_start3A_2313 : memref<128xi32, #tpu.memory_space<vmem>>) semaphore(%arg15 : memref<!tpu.dma_semaphore, #tpu.memory_space<semaphore_mem>>)
    %dma_wait3A_2317 = arith.constant 12288 : i32
    %dma_wait3A_2318 = tpu.memref_slice %arg6[%dma_wait3A_2317] : memref<13312xi32, #tpu.memory_space<vmem>> -> memref<128xi32, #tpu.memory_space<vmem>>
    %dma_wait3A_2319 = arith.constant 0 : i32
    %dma_wait3A_2320 = arith.constant 0 : i32
    %dma_wait3A_2321 = tpu.memref_slice %arg4[%dma_wait3A_2319, %dma_wait3A_2320] : memref<2600000x32xf32, #tpu.memory_space<hbm>> -> memref<2600000x32xf32, #tpu.memory_space<hbm>>
    tpu.wait_indirect_dma semaphore(%arg12 : memref<!tpu.dma_semaphore, #tpu.memory_space<semaphore_mem>>) src(%dma_wait3A_2321 : memref<2600000x32xf32, #tpu.memory_space<hbm>>) dst(%arg7 : memref<128x32xf32, #tpu.memory_space<vmem>>)
    %add3A_2322 = arith.constant 0 : i32
    %add3A_2323 = arith.addi %multiple_of3A, %add3A_2322 : i32
    %dma_start3A_2324 = arith.constant 768 : i32
    %dma_start3A_2325 = tpu.memref_slice %arg5[%add3A_2323, %dma_start3A_2324] : memref<16384x845xf32, #tpu.memory_space<hbm>> -> memref<128x32xf32, #tpu.memory_space<hbm>>
    %dma_start3A_2326 = arith.constant 768 : i32
    %dma_start3A_2327 = tpu.memref_slice %arg5[%add3A_2323, %dma_start3A_2326] : memref<16384x845xf32, #tpu.memory_space<hbm>> -> memref<128x32xf32, #tpu.memory_space<hbm>>
    tpu.enqueue_dma source(%arg7 : memref<128x32xf32, #tpu.memory_space<vmem>>) target(%dma_start3A_2327 : memref<128x32xf32, #tpu.memory_space<hbm>>) target_semaphore(%arg16 : memref<!tpu.dma_semaphore, #tpu.memory_space<semaphore_mem>>)
    %dma_wait3A_2328 = arith.constant 768 : i32
    %dma_wait3A_2329 = tpu.memref_slice %arg5[%add3A_2323, %dma_wait3A_2328] : memref<16384x845xf32, #tpu.memory_space<hbm>> -> memref<128x32xf32, #tpu.memory_space<hbm>>
    %dma_wait3A_2330 = arith.constant 768 : i32
    %dma_wait3A_2331 = tpu.memref_slice %arg5[%add3A_2323, %dma_wait3A_2330] : memref<16384x845xf32, #tpu.memory_space<hbm>> -> memref<128x32xf32, #tpu.memory_space<hbm>>
    tpu.wait_dma2 semaphore(%arg16 : memref<!tpu.dma_semaphore, #tpu.memory_space<semaphore_mem>>) src(%arg7 : memref<128x32xf32, #tpu.memory_space<vmem>>) dst(%dma_wait3A_2331 : memref<128x32xf32, #tpu.memory_space<hbm>>)
    %dma_start3A_2332 = arith.constant 12800 : i32
    %dma_start3A_2333 = tpu.memref_slice %arg6[%dma_start3A_2332] : memref<13312xi32, #tpu.memory_space<vmem>> -> memref<128xi32, #tpu.memory_space<vmem>>
    %dma_start3A_2334 = arith.constant 0 : i32
    %dma_start3A_2335 = arith.constant 0 : i32
    %dma_start3A_2336 = tpu.memref_slice %arg4[%dma_start3A_2334, %dma_start3A_2335] : memref<2600000x32xf32, #tpu.memory_space<hbm>> -> memref<2600000x32xf32, #tpu.memory_space<hbm>>
    tpu.enqueue_indirect_dma source(%dma_start3A_2336 : memref<2600000x32xf32, #tpu.memory_space<hbm>>) target(%arg7 : memref<128x32xf32, #tpu.memory_space<vmem>>) offsets(%dma_start3A_2333 : memref<128xi32, #tpu.memory_space<vmem>>) semaphore(%arg12 : memref<!tpu.dma_semaphore, #tpu.memory_space<semaphore_mem>>)
    %dma_wait3A_2337 = arith.constant 12416 : i32
    %dma_wait3A_2338 = tpu.memref_slice %arg6[%dma_wait3A_2337] : memref<13312xi32, #tpu.memory_space<vmem>> -> memref<128xi32, #tpu.memory_space<vmem>>
    %dma_wait3A_2339 = arith.constant 0 : i32
    %dma_wait3A_2340 = arith.constant 0 : i32
    %dma_wait3A_2341 = tpu.memref_slice %arg4[%dma_wait3A_2339, %dma_wait3A_2340] : memref<2600000x32xf32, #tpu.memory_space<hbm>> -> memref<2600000x32xf32, #tpu.memory_space<hbm>>
    tpu.wait_indirect_dma semaphore(%arg13 : memref<!tpu.dma_semaphore, #tpu.memory_space<semaphore_mem>>) src(%dma_wait3A_2341 : memref<2600000x32xf32, #tpu.memory_space<hbm>>) dst(%arg8 : memref<128x32xf32, #tpu.memory_space<vmem>>)
    %add3A_2342 = arith.constant 128 : i32
    %add3A_2343 = arith.addi %multiple_of3A, %add3A_2342 : i32
    %dma_start3A_2344 = arith.constant 768 : i32
    %dma_start3A_2345 = tpu.memref_slice %arg5[%add3A_2343, %dma_start3A_2344] : memref<16384x845xf32, #tpu.memory_space<hbm>> -> memref<128x32xf32, #tpu.memory_space<hbm>>
    %dma_start3A_2346 = arith.constant 768 : i32
    %dma_start3A_2347 = tpu.memref_slice %arg5[%add3A_2343, %dma_start3A_2346] : memref<16384x845xf32, #tpu.memory_space<hbm>> -> memref<128x32xf32, #tpu.memory_space<hbm>>
    tpu.enqueue_dma source(%arg8 : memref<128x32xf32, #tpu.memory_space<vmem>>) target(%dma_start3A_2347 : memref<128x32xf32, #tpu.memory_space<hbm>>) target_semaphore(%arg17 : memref<!tpu.dma_semaphore, #tpu.memory_space<semaphore_mem>>)
    %dma_wait3A_2348 = arith.constant 768 : i32
    %dma_wait3A_2349 = tpu.memref_slice %arg5[%add3A_2343, %dma_wait3A_2348] : memref<16384x845xf32, #tpu.memory_space<hbm>> -> memref<128x32xf32, #tpu.memory_space<hbm>>
    %dma_wait3A_2350 = arith.constant 768 : i32
    %dma_wait3A_2351 = tpu.memref_slice %arg5[%add3A_2343, %dma_wait3A_2350] : memref<16384x845xf32, #tpu.memory_space<hbm>> -> memref<128x32xf32, #tpu.memory_space<hbm>>
    tpu.wait_dma2 semaphore(%arg17 : memref<!tpu.dma_semaphore, #tpu.memory_space<semaphore_mem>>) src(%arg8 : memref<128x32xf32, #tpu.memory_space<vmem>>) dst(%dma_wait3A_2351 : memref<128x32xf32, #tpu.memory_space<hbm>>)
    %dma_start3A_2352 = arith.constant 12928 : i32
    %dma_start3A_2353 = tpu.memref_slice %arg6[%dma_start3A_2352] : memref<13312xi32, #tpu.memory_space<vmem>> -> memref<128xi32, #tpu.memory_space<vmem>>
    %dma_start3A_2354 = arith.constant 0 : i32
    %dma_start3A_2355 = arith.constant 0 : i32
    %dma_start3A_2356 = tpu.memref_slice %arg4[%dma_start3A_2354, %dma_start3A_2355] : memref<2600000x32xf32, #tpu.memory_space<hbm>> -> memref<2600000x32xf32, #tpu.memory_space<hbm>>
    tpu.enqueue_indirect_dma source(%dma_start3A_2356 : memref<2600000x32xf32, #tpu.memory_space<hbm>>) target(%arg8 : memref<128x32xf32, #tpu.memory_space<vmem>>) offsets(%dma_start3A_2353 : memref<128xi32, #tpu.memory_space<vmem>>) semaphore(%arg13 : memref<!tpu.dma_semaphore, #tpu.memory_space<semaphore_mem>>)
    %dma_wait3A_2357 = arith.constant 12544 : i32
    %dma_wait3A_2358 = tpu.memref_slice %arg6[%dma_wait3A_2357] : memref<13312xi32, #tpu.memory_space<vmem>> -> memref<128xi32, #tpu.memory_space<vmem>>
    %dma_wait3A_2359 = arith.constant 0 : i32
    %dma_wait3A_2360 = arith.constant 0 : i32
    %dma_wait3A_2361 = tpu.memref_slice %arg4[%dma_wait3A_2359, %dma_wait3A_2360] : memref<2600000x32xf32, #tpu.memory_space<hbm>> -> memref<2600000x32xf32, #tpu.memory_space<hbm>>
    tpu.wait_indirect_dma semaphore(%arg14 : memref<!tpu.dma_semaphore, #tpu.memory_space<semaphore_mem>>) src(%dma_wait3A_2361 : memref<2600000x32xf32, #tpu.memory_space<hbm>>) dst(%arg9 : memref<128x32xf32, #tpu.memory_space<vmem>>)
    %add3A_2362 = arith.constant 256 : i32
    %add3A_2363 = arith.addi %multiple_of3A, %add3A_2362 : i32
    %dma_start3A_2364 = arith.constant 768 : i32
    %dma_start3A_2365 = tpu.memref_slice %arg5[%add3A_2363, %dma_start3A_2364] : memref<16384x845xf32, #tpu.memory_space<hbm>> -> memref<128x32xf32, #tpu.memory_space<hbm>>
    %dma_start3A_2366 = arith.constant 768 : i32
    %dma_start3A_2367 = tpu.memref_slice %arg5[%add3A_2363, %dma_start3A_2366] : memref<16384x845xf32, #tpu.memory_space<hbm>> -> memref<128x32xf32, #tpu.memory_space<hbm>>
    tpu.enqueue_dma source(%arg9 : memref<128x32xf32, #tpu.memory_space<vmem>>) target(%dma_start3A_2367 : memref<128x32xf32, #tpu.memory_space<hbm>>) target_semaphore(%arg18 : memref<!tpu.dma_semaphore, #tpu.memory_space<semaphore_mem>>)
    %dma_wait3A_2368 = arith.constant 768 : i32
    %dma_wait3A_2369 = tpu.memref_slice %arg5[%add3A_2363, %dma_wait3A_2368] : memref<16384x845xf32, #tpu.memory_space<hbm>> -> memref<128x32xf32, #tpu.memory_space<hbm>>
    %dma_wait3A_2370 = arith.constant 768 : i32
    %dma_wait3A_2371 = tpu.memref_slice %arg5[%add3A_2363, %dma_wait3A_2370] : memref<16384x845xf32, #tpu.memory_space<hbm>> -> memref<128x32xf32, #tpu.memory_space<hbm>>
    tpu.wait_dma2 semaphore(%arg18 : memref<!tpu.dma_semaphore, #tpu.memory_space<semaphore_mem>>) src(%arg9 : memref<128x32xf32, #tpu.memory_space<vmem>>) dst(%dma_wait3A_2371 : memref<128x32xf32, #tpu.memory_space<hbm>>)
    %dma_start3A_2372 = arith.constant 13056 : i32
    %dma_start3A_2373 = tpu.memref_slice %arg6[%dma_start3A_2372] : memref<13312xi32, #tpu.memory_space<vmem>> -> memref<128xi32, #tpu.memory_space<vmem>>
    %dma_start3A_2374 = arith.constant 0 : i32
    %dma_start3A_2375 = arith.constant 0 : i32
    %dma_start3A_2376 = tpu.memref_slice %arg4[%dma_start3A_2374, %dma_start3A_2375] : memref<2600000x32xf32, #tpu.memory_space<hbm>> -> memref<2600000x32xf32, #tpu.memory_space<hbm>>
    tpu.enqueue_indirect_dma source(%dma_start3A_2376 : memref<2600000x32xf32, #tpu.memory_space<hbm>>) target(%arg9 : memref<128x32xf32, #tpu.memory_space<vmem>>) offsets(%dma_start3A_2373 : memref<128xi32, #tpu.memory_space<vmem>>) semaphore(%arg14 : memref<!tpu.dma_semaphore, #tpu.memory_space<semaphore_mem>>)
    %dma_wait3A_2377 = arith.constant 12672 : i32
    %dma_wait3A_2378 = tpu.memref_slice %arg6[%dma_wait3A_2377] : memref<13312xi32, #tpu.memory_space<vmem>> -> memref<128xi32, #tpu.memory_space<vmem>>
    %dma_wait3A_2379 = arith.constant 0 : i32
    %dma_wait3A_2380 = arith.constant 0 : i32
    %dma_wait3A_2381 = tpu.memref_slice %arg4[%dma_wait3A_2379, %dma_wait3A_2380] : memref<2600000x32xf32, #tpu.memory_space<hbm>> -> memref<2600000x32xf32, #tpu.memory_space<hbm>>
    tpu.wait_indirect_dma semaphore(%arg15 : memref<!tpu.dma_semaphore, #tpu.memory_space<semaphore_mem>>) src(%dma_wait3A_2381 : memref<2600000x32xf32, #tpu.memory_space<hbm>>) dst(%arg10 : memref<128x32xf32, #tpu.memory_space<vmem>>)
    %add3A_2382 = arith.constant 384 : i32
    %add3A_2383 = arith.addi %multiple_of3A, %add3A_2382 : i32
    %dma_start3A_2384 = arith.constant 768 : i32
    %dma_start3A_2385 = tpu.memref_slice %arg5[%add3A_2383, %dma_start3A_2384] : memref<16384x845xf32, #tpu.memory_space<hbm>> -> memref<128x32xf32, #tpu.memory_space<hbm>>
    %dma_start3A_2386 = arith.constant 768 : i32
    %dma_start3A_2387 = tpu.memref_slice %arg5[%add3A_2383, %dma_start3A_2386] : memref<16384x845xf32, #tpu.memory_space<hbm>> -> memref<128x32xf32, #tpu.memory_space<hbm>>
    tpu.enqueue_dma source(%arg10 : memref<128x32xf32, #tpu.memory_space<vmem>>) target(%dma_start3A_2387 : memref<128x32xf32, #tpu.memory_space<hbm>>) target_semaphore(%arg19 : memref<!tpu.dma_semaphore, #tpu.memory_space<semaphore_mem>>)
    %dma_wait3A_2388 = arith.constant 768 : i32
    %dma_wait3A_2389 = tpu.memref_slice %arg5[%add3A_2383, %dma_wait3A_2388] : memref<16384x845xf32, #tpu.memory_space<hbm>> -> memref<128x32xf32, #tpu.memory_space<hbm>>
    %dma_wait3A_2390 = arith.constant 768 : i32
    %dma_wait3A_2391 = tpu.memref_slice %arg5[%add3A_2383, %dma_wait3A_2390] : memref<16384x845xf32, #tpu.memory_space<hbm>> -> memref<128x32xf32, #tpu.memory_space<hbm>>
    tpu.wait_dma2 semaphore(%arg19 : memref<!tpu.dma_semaphore, #tpu.memory_space<semaphore_mem>>) src(%arg10 : memref<128x32xf32, #tpu.memory_space<vmem>>) dst(%dma_wait3A_2391 : memref<128x32xf32, #tpu.memory_space<hbm>>)
    %dma_start3A_2392 = arith.constant 13184 : i32
    %dma_start3A_2393 = tpu.memref_slice %arg6[%dma_start3A_2392] : memref<13312xi32, #tpu.memory_space<vmem>> -> memref<128xi32, #tpu.memory_space<vmem>>
    %dma_start3A_2394 = arith.constant 0 : i32
    %dma_start3A_2395 = arith.constant 0 : i32
    %dma_start3A_2396 = tpu.memref_slice %arg4[%dma_start3A_2394, %dma_start3A_2395] : memref<2600000x32xf32, #tpu.memory_space<hbm>> -> memref<2600000x32xf32, #tpu.memory_space<hbm>>
    tpu.enqueue_indirect_dma source(%dma_start3A_2396 : memref<2600000x32xf32, #tpu.memory_space<hbm>>) target(%arg10 : memref<128x32xf32, #tpu.memory_space<vmem>>) offsets(%dma_start3A_2393 : memref<128xi32, #tpu.memory_space<vmem>>) semaphore(%arg15 : memref<!tpu.dma_semaphore, #tpu.memory_space<semaphore_mem>>)
    %dma_wait3A_2397 = arith.constant 12800 : i32
    %dma_wait3A_2398 = tpu.memref_slice %arg6[%dma_wait3A_2397] : memref<13312xi32, #tpu.memory_space<vmem>> -> memref<128xi32, #tpu.memory_space<vmem>>
    %dma_wait3A_2399 = arith.constant 0 : i32
    %dma_wait3A_2400 = arith.constant 0 : i32
    %dma_wait3A_2401 = tpu.memref_slice %arg4[%dma_wait3A_2399, %dma_wait3A_2400] : memref<2600000x32xf32, #tpu.memory_space<hbm>> -> memref<2600000x32xf32, #tpu.memory_space<hbm>>
    tpu.wait_indirect_dma semaphore(%arg12 : memref<!tpu.dma_semaphore, #tpu.memory_space<semaphore_mem>>) src(%dma_wait3A_2401 : memref<2600000x32xf32, #tpu.memory_space<hbm>>) dst(%arg7 : memref<128x32xf32, #tpu.memory_space<vmem>>)
    %add3A_2402 = arith.constant 0 : i32
    %add3A_2403 = arith.addi %multiple_of3A, %add3A_2402 : i32
    %dma_start3A_2404 = arith.constant 800 : i32
    %dma_start3A_2405 = tpu.memref_slice %arg5[%add3A_2403, %dma_start3A_2404] : memref<16384x845xf32, #tpu.memory_space<hbm>> -> memref<128x32xf32, #tpu.memory_space<hbm>>
    %dma_start3A_2406 = arith.constant 800 : i32
    %dma_start3A_2407 = tpu.memref_slice %arg5[%add3A_2403, %dma_start3A_2406] : memref<16384x845xf32, #tpu.memory_space<hbm>> -> memref<128x32xf32, #tpu.memory_space<hbm>>
    tpu.enqueue_dma source(%arg7 : memref<128x32xf32, #tpu.memory_space<vmem>>) target(%dma_start3A_2407 : memref<128x32xf32, #tpu.memory_space<hbm>>) target_semaphore(%arg16 : memref<!tpu.dma_semaphore, #tpu.memory_space<semaphore_mem>>)
    %dma_wait3A_2408 = arith.constant 12928 : i32
    %dma_wait3A_2409 = tpu.memref_slice %arg6[%dma_wait3A_2408] : memref<13312xi32, #tpu.memory_space<vmem>> -> memref<128xi32, #tpu.memory_space<vmem>>
    %dma_wait3A_2410 = arith.constant 0 : i32
    %dma_wait3A_2411 = arith.constant 0 : i32
    %dma_wait3A_2412 = tpu.memref_slice %arg4[%dma_wait3A_2410, %dma_wait3A_2411] : memref<2600000x32xf32, #tpu.memory_space<hbm>> -> memref<2600000x32xf32, #tpu.memory_space<hbm>>
    tpu.wait_indirect_dma semaphore(%arg13 : memref<!tpu.dma_semaphore, #tpu.memory_space<semaphore_mem>>) src(%dma_wait3A_2412 : memref<2600000x32xf32, #tpu.memory_space<hbm>>) dst(%arg8 : memref<128x32xf32, #tpu.memory_space<vmem>>)
    %add3A_2413 = arith.constant 128 : i32
    %add3A_2414 = arith.addi %multiple_of3A, %add3A_2413 : i32
    %dma_start3A_2415 = arith.constant 800 : i32
    %dma_start3A_2416 = tpu.memref_slice %arg5[%add3A_2414, %dma_start3A_2415] : memref<16384x845xf32, #tpu.memory_space<hbm>> -> memref<128x32xf32, #tpu.memory_space<hbm>>
    %dma_start3A_2417 = arith.constant 800 : i32
    %dma_start3A_2418 = tpu.memref_slice %arg5[%add3A_2414, %dma_start3A_2417] : memref<16384x845xf32, #tpu.memory_space<hbm>> -> memref<128x32xf32, #tpu.memory_space<hbm>>
    tpu.enqueue_dma source(%arg8 : memref<128x32xf32, #tpu.memory_space<vmem>>) target(%dma_start3A_2418 : memref<128x32xf32, #tpu.memory_space<hbm>>) target_semaphore(%arg17 : memref<!tpu.dma_semaphore, #tpu.memory_space<semaphore_mem>>)
    %dma_wait3A_2419 = arith.constant 13056 : i32
    %dma_wait3A_2420 = tpu.memref_slice %arg6[%dma_wait3A_2419] : memref<13312xi32, #tpu.memory_space<vmem>> -> memref<128xi32, #tpu.memory_space<vmem>>
    %dma_wait3A_2421 = arith.constant 0 : i32
    %dma_wait3A_2422 = arith.constant 0 : i32
    %dma_wait3A_2423 = tpu.memref_slice %arg4[%dma_wait3A_2421, %dma_wait3A_2422] : memref<2600000x32xf32, #tpu.memory_space<hbm>> -> memref<2600000x32xf32, #tpu.memory_space<hbm>>
    tpu.wait_indirect_dma semaphore(%arg14 : memref<!tpu.dma_semaphore, #tpu.memory_space<semaphore_mem>>) src(%dma_wait3A_2423 : memref<2600000x32xf32, #tpu.memory_space<hbm>>) dst(%arg9 : memref<128x32xf32, #tpu.memory_space<vmem>>)
    %add3A_2424 = arith.constant 256 : i32
    %add3A_2425 = arith.addi %multiple_of3A, %add3A_2424 : i32
    %dma_start3A_2426 = arith.constant 800 : i32
    %dma_start3A_2427 = tpu.memref_slice %arg5[%add3A_2425, %dma_start3A_2426] : memref<16384x845xf32, #tpu.memory_space<hbm>> -> memref<128x32xf32, #tpu.memory_space<hbm>>
    %dma_start3A_2428 = arith.constant 800 : i32
    %dma_start3A_2429 = tpu.memref_slice %arg5[%add3A_2425, %dma_start3A_2428] : memref<16384x845xf32, #tpu.memory_space<hbm>> -> memref<128x32xf32, #tpu.memory_space<hbm>>
    tpu.enqueue_dma source(%arg9 : memref<128x32xf32, #tpu.memory_space<vmem>>) target(%dma_start3A_2429 : memref<128x32xf32, #tpu.memory_space<hbm>>) target_semaphore(%arg18 : memref<!tpu.dma_semaphore, #tpu.memory_space<semaphore_mem>>)
    %dma_wait3A_2430 = arith.constant 13184 : i32
    %dma_wait3A_2431 = tpu.memref_slice %arg6[%dma_wait3A_2430] : memref<13312xi32, #tpu.memory_space<vmem>> -> memref<128xi32, #tpu.memory_space<vmem>>
    %dma_wait3A_2432 = arith.constant 0 : i32
    %dma_wait3A_2433 = arith.constant 0 : i32
    %dma_wait3A_2434 = tpu.memref_slice %arg4[%dma_wait3A_2432, %dma_wait3A_2433] : memref<2600000x32xf32, #tpu.memory_space<hbm>> -> memref<2600000x32xf32, #tpu.memory_space<hbm>>
    tpu.wait_indirect_dma semaphore(%arg15 : memref<!tpu.dma_semaphore, #tpu.memory_space<semaphore_mem>>) src(%dma_wait3A_2434 : memref<2600000x32xf32, #tpu.memory_space<hbm>>) dst(%arg10 : memref<128x32xf32, #tpu.memory_space<vmem>>)
    %add3A_2435 = arith.constant 384 : i32
    %add3A_2436 = arith.addi %multiple_of3A, %add3A_2435 : i32
    %dma_start3A_2437 = arith.constant 800 : i32
    %dma_start3A_2438 = tpu.memref_slice %arg5[%add3A_2436, %dma_start3A_2437] : memref<16384x845xf32, #tpu.memory_space<hbm>> -> memref<128x32xf32, #tpu.memory_space<hbm>>
    %dma_start3A_2439 = arith.constant 800 : i32
    %dma_start3A_2440 = tpu.memref_slice %arg5[%add3A_2436, %dma_start3A_2439] : memref<16384x845xf32, #tpu.memory_space<hbm>> -> memref<128x32xf32, #tpu.memory_space<hbm>>
    tpu.enqueue_dma source(%arg10 : memref<128x32xf32, #tpu.memory_space<vmem>>) target(%dma_start3A_2440 : memref<128x32xf32, #tpu.memory_space<hbm>>) target_semaphore(%arg19 : memref<!tpu.dma_semaphore, #tpu.memory_space<semaphore_mem>>)
    %dma_wait3A_2441 = arith.constant 800 : i32
    %dma_wait3A_2442 = tpu.memref_slice %arg5[%add3A_2403, %dma_wait3A_2441] : memref<16384x845xf32, #tpu.memory_space<hbm>> -> memref<128x32xf32, #tpu.memory_space<hbm>>
    %dma_wait3A_2443 = arith.constant 800 : i32
    %dma_wait3A_2444 = tpu.memref_slice %arg5[%add3A_2403, %dma_wait3A_2443] : memref<16384x845xf32, #tpu.memory_space<hbm>> -> memref<128x32xf32, #tpu.memory_space<hbm>>
    tpu.wait_dma2 semaphore(%arg16 : memref<!tpu.dma_semaphore, #tpu.memory_space<semaphore_mem>>) src(%arg7 : memref<128x32xf32, #tpu.memory_space<vmem>>) dst(%dma_wait3A_2444 : memref<128x32xf32, #tpu.memory_space<hbm>>)
    %dma_wait3A_2445 = arith.constant 800 : i32
    %dma_wait3A_2446 = tpu.memref_slice %arg5[%add3A_2414, %dma_wait3A_2445] : memref<16384x845xf32, #tpu.memory_space<hbm>> -> memref<128x32xf32, #tpu.memory_space<hbm>>
    %dma_wait3A_2447 = arith.constant 800 : i32
    %dma_wait3A_2448 = tpu.memref_slice %arg5[%add3A_2414, %dma_wait3A_2447] : memref<16384x845xf32, #tpu.memory_space<hbm>> -> memref<128x32xf32, #tpu.memory_space<hbm>>
    tpu.wait_dma2 semaphore(%arg17 : memref<!tpu.dma_semaphore, #tpu.memory_space<semaphore_mem>>) src(%arg8 : memref<128x32xf32, #tpu.memory_space<vmem>>) dst(%dma_wait3A_2448 : memref<128x32xf32, #tpu.memory_space<hbm>>)
    %dma_wait3A_2449 = arith.constant 800 : i32
    %dma_wait3A_2450 = tpu.memref_slice %arg5[%add3A_2425, %dma_wait3A_2449] : memref<16384x845xf32, #tpu.memory_space<hbm>> -> memref<128x32xf32, #tpu.memory_space<hbm>>
    %dma_wait3A_2451 = arith.constant 800 : i32
    %dma_wait3A_2452 = tpu.memref_slice %arg5[%add3A_2425, %dma_wait3A_2451] : memref<16384x845xf32, #tpu.memory_space<hbm>> -> memref<128x32xf32, #tpu.memory_space<hbm>>
    tpu.wait_dma2 semaphore(%arg18 : memref<!tpu.dma_semaphore, #tpu.memory_space<semaphore_mem>>) src(%arg9 : memref<128x32xf32, #tpu.memory_space<vmem>>) dst(%dma_wait3A_2452 : memref<128x32xf32, #tpu.memory_space<hbm>>)
    %dma_wait3A_2453 = arith.constant 800 : i32
    %dma_wait3A_2454 = tpu.memref_slice %arg5[%add3A_2436, %dma_wait3A_2453] : memref<16384x845xf32, #tpu.memory_space<hbm>> -> memref<128x32xf32, #tpu.memory_space<hbm>>
    %dma_wait3A_2455 = arith.constant 800 : i32
    %dma_wait3A_2456 = tpu.memref_slice %arg5[%add3A_2436, %dma_wait3A_2455] : memref<16384x845xf32, #tpu.memory_space<hbm>> -> memref<128x32xf32, #tpu.memory_space<hbm>>
    tpu.wait_dma2 semaphore(%arg19 : memref<!tpu.dma_semaphore, #tpu.memory_space<semaphore_mem>>) src(%arg10 : memref<128x32xf32, #tpu.memory_space<vmem>>) dst(%dma_wait3A_2456 : memref<128x32xf32, #tpu.memory_space<hbm>>)
    %dma_wait3A_2457 = arith.constant 832 : i32
    %dma_wait3A_2458 = tpu.memref_slice %arg5[%multiple_of3A, %dma_wait3A_2457] : memref<16384x845xf32, #tpu.memory_space<hbm>> -> memref<512x13xf32, #tpu.memory_space<hbm>>
    %dma_wait3A_2459 = arith.constant 832 : i32
    %dma_wait3A_2460 = tpu.memref_slice %arg5[%multiple_of3A, %dma_wait3A_2459] : memref<16384x845xf32, #tpu.memory_space<hbm>> -> memref<512x13xf32, #tpu.memory_space<hbm>>
    tpu.wait_dma2 semaphore(%arg21 : memref<!tpu.dma_semaphore, #tpu.memory_space<semaphore_mem>>) src(%arg11 : memref<512x13xf32, #tpu.memory_space<vmem>>) dst(%dma_wait3A_2460 : memref<512x13xf32, #tpu.memory_space<hbm>>)
    return
  }
}

</mosaic_0001>

<sc_bundles>
// kernel: kernel.3.cloned.1.call-start
scs
__scs_entry_jumppad:
0x0: {  	(pc) =	sbr.rel $0x88, $3  }
0x1: {  	(tag) =	ssettag $0x0;
	lr =	simm.s32 $0x1  }
0x2: {  	[smem:$0x3F9E] =	sst lr;
	_ =	strace $0xD0000000  }
0x3: {  	_ = 	snop  }
0x4: {  	_ = 	snop  }
0x5: {  	_ = 	snop  }
0x6: {  	_ = 	snop  }
0x7: {  	_ = 	snop  }
__scs_overlays_trampoline_lowered:
0x8: {  	[smem:$0x3FAD] =	sst s0  }
0x9: {  	[smem:$0x3FAE] =	sst s1  }
0xa: {  	[smem:$0x3FAF] =	sst s2  }
0xb: {  	[smem:$0x3FB0] =	sst s3  }
0xc: {  	[smem:$0x3FB1] =	sst s4  }
0xd: {  	[smem:$0x3FB2] =	sst s5  }
0xe: {  	[smem:$0x3FB3] =	sst s6  }
0xf: {  	[smem:$0x3FB4] =	sst s7  }
0x10: {  	[smem:$0x3FB5] =	sst s8  }
0x11: {  	[smem:$0x3FB6] =	sst s9;
	s0 =	simm.s32 @!p0 $0x0  }
0x12: {  	s1 =	sld [smem:$0x3F9C];
	s0 =	simm.s32 @p0 $0x1  }
0x13: {  	[smem:$0x3FB7] =	sst s0;
	s0 =	simm.s32 @!p1 $0x0  }
0x14: {  	s2 =	sld [smem:$0x3F9B];
	s0 =	simm.s32 @p1 $0x1  }
0x15: {  	[smem:$0x3FB8] =	sst s0;
	s0 =	simm.s32 @!p2 $0x0  }
0x16: {  	s3 =	sld [smem:$0x3FDB];
	s0 =	simm.s32 @p2 $0x1  }
0x17: {  	s4 =	simm.s32 $0x1BF5;
	[smem:$0x3FBA] =	sst s0  }
0x18: {  	s0 =	sld [smem:$0x3F9D];
	_ =	swait.ge [sflag:s4], $0x0  }
0x19: {  	s7 =	sld [smem:$0x3F9E]  }
0x1a: {  	s8 =	sadd.s32 $0xFFFFE003, lr  }
0x1b: {  	s9 =	sadd.s32 $0xFFFFFEF7, lr;
	s5 =	simm.s32 $0xFFFFFFFF;
	p2 =	slt.u32 s8, $0xFFFFF086  }
0x1c: {  	p1 =	slt.u32 s9, $0xF7A;
	s5 =	simm.s32 @!p2 $0x0  }
0x1d: {  	s5 =	simm.s32 @p1 $0x1;
	p0 =	seq.s32 s7, s2  }
0x1e: {  	s7 =	smul.u32 @!p0 $0xF7A, s2;
	p2 =	seq.s32 @!p0 s5, $0x0  }
0x1f: {  	s9 =	smul.u32 $0xF7A, s1;
	s8 =	simm.s32 @!p0 $0x1BF5;
	p2 =	por !p2, p0  }
0x20: {  	[sflag:s8] =	ssyncset.s32 @!p0 $0xFFFFF086;
	s6 =	sadd.s32 @!p0 s3, s7;
	s7 =	simm.s32 @!p0 $0x108  }
0x21: {  	s3 =	sadd.s32 s3, s9;
	s6 =	sadd.s32 @!p0 $0x88, s6;
	s7 =	simm.s32 @p2 $0x1082  }
0x22: {  	[simem:s7], [sflag:s8] =	dma.local @!p0 [hbm:s6], $0xF7A  }
0x23: {  	s9 =	sor.u32 $0xD0000000, s2;
	s6 =	simm.s32 $0x108;
	_ =	swait.ge @!p0 [sflag:s8], $0x0  }
0x24: {  	s3 =	sadd.s32 $0x88, s3;
	s6 =	simm.s32 @!p1 $0x1082;
	[sflag:s4] =	ssyncset.s32 $0xFFFFF086  }
0x25: {  	[simem:s6], [sflag:s4] =	dma.local [hbm:s3], $0xF7A  }
0x26: {  	[smem:$0x3F9E] =	sst s1;
	(tag) =	ssettag s2;
	_ =	strace s9  }
0x27: {  	s1 =	sld [smem:$0x3FAE]  }
0x28: {  	s2 =	sld [smem:$0x3FAF]  }
0x29: {  	s4 =	sld [smem:$0x3FB1]  }
0x2a: {  	p0 =	seq.s32 s5, $0x0;
	s5 =	sld [smem:$0x3FB2]  }
0x2b: {  	s6 =	sld [smem:$0x3FB3]  }
0x2c: {  	s7 =	sld [smem:$0x3FB4]  }
0x2d: {  	s3 =	simm.s32 $0x108;
	s8 =	sld [smem:$0x3FB5]  }
0x2e: {  	s3 =	simm.s32 @!p0 $0x1082;
	s9 =	sld [smem:$0x3FB6]  }
0x2f: {  	lr =	sadd.s32 s0, s3;
	s0 =	sld [smem:$0x3FAD]  }
0x30: {  	s3 =	sld [smem:$0x3FB0]  }
0x31: {  	[smem:$0x3FB9] =	sst s10  }
0x32: {  	s10 =	sld [smem:$0x3FB7];
	_ =	sdelay $0x3  }
0x33: {  	p0 =	seq.s32 s10, $0x1;
	s10 =	sld [smem:$0x3FB9];
	_ =	sdelay $0x3  }
0x34: {  	[smem:$0x3FB9] =	sst s10  }
0x35: {  	s10 =	sld [smem:$0x3FB8];
	_ =	sdelay $0x3  }
0x36: {  	p1 =	seq.s32 s10, $0x1;
	s10 =	sld [smem:$0x3FB9];
	_ =	sdelay $0x3  }
0x37: {  	[smem:$0x3FB9] =	sst s10  }
0x38: {  	s10 =	sld [smem:$0x3FBA]  }
0x39: {  	_ = 	snop;
	(pc) =	sbr.ind lr, $3  }
0x3a: {  	_ = 	snop  }
0x3b: {  	_ = 	snop  }
0x3c: {  	p2 =	seq.s32 s10, $0x1;
	s10 =	sld [smem:$0x3FB9]  }
0x3d: {  	_ =	shalt  }
0x3e: {  	_ =	shalt  }
0x3f: {  	_ =	shalt  }
0x40: {  	_ =	shalt  }
0x41: {  	_ =	shalt  }
0x42: {  	_ =	shalt  }
0x43: {  	_ =	shalt  }
0x44: {  	_ =	shalt  }
0x45: {  	_ =	shalt  }
0x46: {  	_ =	shalt  }
0x47: {  	_ =	shalt  }
0x48: {  	_ =	shalt  }
0x49: {  	_ =	shalt  }
0x4a: {  	_ =	shalt  }
0x4b: {  	_ =	shalt  }
0x4c: {  	_ =	shalt  }
0x4d: {  	_ =	shalt  }
0x4e: {  	_ =	shalt  }
0x4f: {  	_ =	shalt  }
0x50: {  	_ =	shalt  }
0x51: {  	_ =	shalt  }
0x52: {  	_ =	shalt  }
0x53: {  	_ =	shalt  }
0x54: {  	_ =	shalt  }
0x55: {  	_ =	shalt  }
0x56: {  	_ =	shalt  }
0x57: {  	_ =	shalt  }
0x58: {  	_ =	shalt  }
0x59: {  	_ =	shalt  }
0x5a: {  	_ =	shalt  }
0x5b: {  	_ =	shalt  }
0x5c: {  	_ =	shalt  }
0x5d: {  	_ =	shalt  }
0x5e: {  	_ =	shalt  }
0x5f: {  	_ =	shalt  }
0x60: {  	_ =	shalt  }
0x61: {  	_ =	shalt  }
0x62: {  	_ =	shalt  }
0x63: {  	_ =	shalt  }
0x64: {  	_ =	shalt  }
0x65: {  	_ =	shalt  }
0x66: {  	_ =	shalt  }
0x67: {  	_ =	shalt  }
0x68: {  	_ =	shalt  }
0x69: {  	_ =	shalt  }
0x6a: {  	_ =	shalt  }
0x6b: {  	_ =	shalt  }
0x6c: {  	_ =	shalt  }
0x6d: {  	_ =	shalt  }
0x6e: {  	_ =	shalt  }
0x6f: {  	_ =	shalt  }
0x70: {  	_ =	shalt  }
0x71: {  	_ =	shalt  }
0x72: {  	_ =	shalt  }
0x73: {  	_ =	shalt  }
0x74: {  	_ =	shalt  }
0x75: {  	_ =	shalt  }
0x76: {  	_ =	shalt  }
0x77: {  	_ =	shalt  }
0x78: {  	_ =	shalt  }
0x79: {  	_ =	shalt  }
0x7a: {  	_ =	shalt  }
0x7b: {  	_ =	shalt  }
0x7c: {  	_ =	shalt  }
0x7d: {  	_ =	shalt  }
0x7e: {  	_ =	shalt  }
0x7f: {  	_ =	shalt  }
0x80: {  	_ =	shalt  }
0x81: {  	_ =	shalt  }
0x82: {  	_ =	shalt  }
0x83: {  	_ =	shalt  }
0x84: {  	_ =	shalt  }
0x85: {  	_ =	shalt  }
0x86: {  	_ =	shalt  }
0x87: {  	_ =	shalt  }
.Lfunc_end0:
.L_simem_size_0:
called_computation.1_lowered:
.L_overlay_start_0:
0x88: {  	s2 =	sld [smem:$0x3FD9]  }
0x89: {  	s3 =	sld [smem:$0x3FFE];
	_ =	sdelay $0x1  }
0x8a: {  	s1 =	srdreg.scid  }
0x8b: {  	s0 =	sand.u32 $0x1, s1  }
0x8c: {  	s17 =	sshll.u32 s0, $0xA;
	s2 =	sadd.s32 s3, s2  }
0x8d: {  	s2 =	sadd.s32 s2, s17  }
0x8e: {  	[smem:$0x3FC5] =	sst s2  }
0x8f: {  	_ = 	snop  }
0x90: {  	s2 =	sld [smem:$0x3FD0];
	(tm) =	ssettm $0x1  }
0x91: {  	s18 =	sld [smem:$0x3FFB];
	_ =	sdelay $0x3  }
0x92: {  	_ =	strace s18  }
0x93: {  	s3 =	sld [smem:$0x3FFC];
	_ =	sdelay $0x3  }
0x94: {  	_ =	strace s3  }
0x95: {  	s3 =	sld [smem:$0x3FFD];
	_ =	sdelay $0x3  }
0x96: {  	_ =	strace s3  }
0x97: {  	_ =	strace $0x8FFFFFFF  }
0x98: {  	s19 =	sld [smem:$0x3FDB];
	_ =	sdelay $0x1  }
0x99: {  	s4 =	simm.s32 $_scs_section_size  }
0x9a: {  	s5 =	simm.s32 $_size__tile_overlayer_lowered;
	s6 =	simm.s32 $_tile_overlayer_lowered  }
0x9b: {  	s22 =	simm.s32 $0x1BFF;
	s21 =	sshll.u32 s6, $0x1;
	s3 =	sadd.s32 s4, s19  }
0x9c: {  	s7 =	simm.s32 $0x0;
	s20 =	sshll.u32 s5, $0x1;
	s5 =	sadd.s32 s21, s3  }
0x9d: {  	[timem:s7], [sflag:s22] =	dma.local [hbm:s5], s20  }
0x9e: {  	_ =	swait.ge [sflag:s22], s20  }
0x9f: {  	s4 =	ssub.s32 $0x0, s20;
	[sflag:s22] =	ssyncset.done $0x0  }
0xa0: {  	[sflag:s22] =	ssyncadd.s32 s4;
	_ =	sdelay $0x1  }
0xa1: {  	s23 =	simm.s32 $0x1B8B  }
0xa2: {  	_ =	swait.ge [sflag:s23], $0x1  }
0xa3: {  	[sflag:s23] =	ssyncset.done $0x0  }
0xa4: {  	s25 =	simm.s32 $0x1B8E;
	s24 =	sld [smem:$0x3FFE];
	[sflag:s23] =	ssyncadd.s32 $0xFFFFFFFF  }
0xa5: {  	s26 =	simm.s32 $execute0_lowered;
	[smem:$0x3FD2] =	sst s25  }
0xa6: {  	s5 =	sshll.u32 s26, $0x1;
	_ =	strace $0x80000046;
	[dreg:$0x1] =	wrdreg $0xFFFFFFFF  }
0xa7: {  	s28 =	simm.s32 $_size_execute0_lowered;
	s3 =	sadd.s32 s3, s5;
	[dreg:$0x0] =	wrdreg $0x0  }
0xa8: {  	s5 =	sshll.u32 s28, $0x1;
	[dreg:$0x2] =	wrdreg s3  }
0xa9: {  	[dreg:$0x3] =	wrdreg s5  }
0xaa: {  	[dreg:$0x4] =	wrdreg $0xC0  }
0xab: {  	_ =	task [dreg:s7], $0x5FFFF  }
0xac: {  	[dreg:$0x1] =	wrdreg $0xFFFFFFFF  }
0xad: {  	[dreg:$0x0] =	wrdreg $0x60  }
0xae: {  	[dreg:$0x2] =	wrdreg s24  }
0xaf: {  	[dreg:$0x3] =	wrdreg s2  }
0xb0: {  	[dreg:$0x4] =	wrdreg $0x9  }
0xb1: {  	_ =	task.clear_ibuf [dreg:s7], $0x5FFFF;
	_ =	strace $0x90000046  }
0xb2: {  	s29 =	simm.s32 $0x9;
	_ =	strace $0x80000048  }
0xb3: {  	_ =	swait.ge [sflag:s29], $0x1  }
0xb4: {  	[sflag:s29] =	ssyncadd.s32 $0xFFFFFFFF  }
0xb5: {  	_ =	strace $0x90000048  }
0xb6: {  	_ =	sfence  }
0xb7: {  	s30 =	sld [smem:$0x0];
	_ =	sdelay $0x2  }
0xb8: {  	s31 =	sshll.u32 s1, $0xD;
	s1 =	sshrl.u32 s1, $0x2  }
0xb9: {  	s3 =	sand.u32 $0x4000, s31;
	s1 =	sadd.s32 s1, s30  }
0xba: {  	s0 =	sor.u32 s3, s0;
	s1 =	sshll.u32 s1, $0x11  }
0xbb: {  	s0 =	sor.u32 s1, s0  }
0xbc: {  	s0 =	sadd.s32 $0x8F2B, s0  }
0xbd: {  	[sflag:s0] =	ssyncadd.remote.s32 $0x1  }
0xbe: {  	_ =	sfence.sel $0xFFFF  }
0xbf: {  	[dreg:$0x0] =	wrdreg $0xFFFFFFFF;
	(pc) =	sbr.abs _section_cstart, $3  }
0xc0: {  	[dreg:$0x1] =	wrdreg $0xFFFFFFFF  }
0xc1: {  	_ =	task.clear_ibuf [dreg:s7], $0x2FFFF;
	_ =	strace $0x9FFFFFFF  }
0xc2: {  	(tm) =	ssettm $0x7FFFFFFF  }
0xc3: {  	_ =	shalt  }
tec
execute0_lowered:
.L_overlay_start_1:
0x0: {  	(tag) =	ssettag $0x1  }
0x1: {  	s0 =	srdreg.scid  }
0x2: {  	s2 =	stileid.u32;
	s0 =	sand.u32 $0x1, s0  }
0x3: {  	s2 =	sshll.u32 s2, $0xA;
	s4 =	sshll.u32 s0, $0x9  }
0x4: {  	s4 =	sor.u32 s4, s2  }
0x5: {  	s1 =	rddreg [dreg:$0x0];
	s5 =	sshrl.u32 s4, $0x3  }
0x6: {  	s3 =	rddreg [dreg:$0x1];
	s2 =	simm.s32 $0x0;
	s5 =	sadd.s32 s5, s1  }
0x7: {  	[smem:$0x7FF] =	sst s2;
	s6 =	sadd.s32 $0x8E00, s5  }
0x8: {  	_ =	strace $0x80000047;
	s19 =	sadd.s32 $0x9600, s5;
	[dreg:$0x3] =	wrdreg s6  }
0x9: {  	s20 =	sadd.s32 $0x9E00, s5;
	[dreg:$0x4] =	wrdreg s19  }
0xa: {  	s21 =	sadd.s32 $0xA600, s5;
	[dreg:$0x5] =	wrdreg s20  }
0xb: {  	s22 =	sadd.s32 $0xAE00, s5;
	[dreg:$0x6] =	wrdreg s21  }
0xc: {  	s23 =	sadd.s32 $0xB600, s5;
	[dreg:$0x7] =	wrdreg s22  }
0xd: {  	s24 =	sadd.s32 $0xBE00, s5;
	[dreg:$0x8] =	wrdreg s23  }
0xe: {  	s25 =	sadd.s32 $0xC600, s5;
	[dreg:$0x9] =	wrdreg s24  }
0xf: {  	s26 =	sadd.s32 $0xCE00, s5;
	[dreg:$0xa] =	wrdreg s25  }
0x10: {  	s7 =	sadd.s32 $0xD600, s5;
	[dreg:$0xb] =	wrdreg s26  }
0x11: {  	s8 =	sadd.s32 $0xDE00, s5;
	[dreg:$0xc] =	wrdreg s7  }
0x12: {  	s9 =	sadd.s32 $0xE600, s5;
	[dreg:$0xd] =	wrdreg s8  }
0x13: {  	s10 =	sadd.s32 $0xEE00, s5;
	[dreg:$0xe] =	wrdreg s9  }
0x14: {  	s11 =	sadd.s32 $0xF600, s5;
	[dreg:$0xf] =	wrdreg s10  }
0x15: {  	s12 =	sadd.s32 $0xFE00, s5;
	[dreg:$0x10] =	wrdreg s11  }
0x16: {  	s13 =	sadd.s32 $0x10600, s5;
	[dreg:$0x11] =	wrdreg s12  }
0x17: {  	s14 =	sadd.s32 $0x10E00, s5;
	[dreg:$0x12] =	wrdreg s13  }
0x18: {  	s15 =	sadd.s32 $0x11600, s5;
	[dreg:$0x13] =	wrdreg s14  }
0x19: {  	s16 =	sadd.s32 $0x11E00, s5;
	[dreg:$0x14] =	wrdreg s15  }
0x1a: {  	s17 =	sadd.s32 $0x12600, s5;
	[dreg:$0x15] =	wrdreg s16  }
0x1b: {  	s18 =	sadd.s32 $0x12E00, s5;
	[dreg:$0x16] =	wrdreg s17  }
0x1c: {  	[dreg:$0x17] =	wrdreg s18;
	s19 =	sadd.s32 $0x13600, s5  }
0x1d: {  	s20 =	sadd.s32 $0x13E00, s5;
	[dreg:$0x18] =	wrdreg s19  }
0x1e: {  	s7 =	sshll.u32 s4, $0x1;
	s21 =	sadd.s32 $0x14600, s5;
	[dreg:$0x19] =	wrdreg s20  }
0x1f: {  	s4 =	smul.u32 $0x350, s4;
	s22 =	sadd.s32 $0x14E00, s5;
	[dreg:$0x1a] =	wrdreg s21  }
0x20: {  	s5 =	sadd.s32 $0x15600, s5;
	s7 =	sadd.s32 s7, s1;
	[dreg:$0x1b] =	wrdreg s22  }
0x21: {  	[dreg:$0x1c] =	wrdreg s5;
	s4 =	sshrl.u32 s4, $0x3;
	s23 =	sadd.s32 $0xE00, s7  }
0x22: {  	s3 =	sadd.s32 s3, s4;
	[dreg:$0x1d] =	wrdreg s23  }
0x23: {  	s4 =	sadd.s32 $0x68, s3;
	[smem:$0x7AE] =	sst s3  }
0x24: {  	s24 =	sadd.s32 $0x3500, s3;
	[dreg:$0x1e] =	wrdreg s4  }
0x25: {  	s25 =	sadd.s32 $0x6A00, s3;
	[dreg:$0x1f] =	wrdreg s24  }
0x26: {  	s26 =	sadd.s32 $0x9F00, s3;
	[smem:$0x749] =	sst s25  }
0x27: {  	s5 =	sadd.s32 $0x4, s3;
	[smem:$0x74A] =	sst s26  }
0x28: {  	s6 =	sadd.s32 $0x3504, s3;
	[smem:$0x74B] =	sst s5  }
0x29: {  	s7 =	sadd.s32 $0x6A04, s3;
	[smem:$0x74C] =	sst s6  }
0x2a: {  	s8 =	sadd.s32 $0x9F04, s3;
	[smem:$0x74D] =	sst s7  }
0x2b: {  	s9 =	sadd.s32 $0x8, s3;
	[smem:$0x74E] =	sst s8  }
0x2c: {  	s10 =	sadd.s32 $0x3508, s3;
	[smem:$0x74F] =	sst s9  }
0x2d: {  	s11 =	sadd.s32 $0x6A08, s3;
	[smem:$0x750] =	sst s10  }
0x2e: {  	s12 =	sadd.s32 $0x9F08, s3;
	[smem:$0x751] =	sst s11  }
0x2f: {  	s13 =	sadd.s32 $0xC, s3;
	[smem:$0x752] =	sst s12  }
0x30: {  	s14 =	sadd.s32 $0x350C, s3;
	[smem:$0x753] =	sst s13  }
0x31: {  	s15 =	sadd.s32 $0x6A0C, s3;
	[smem:$0x754] =	sst s14  }
0x32: {  	s16 =	sadd.s32 $0x9F0C, s3;
	[smem:$0x755] =	sst s15  }
0x33: {  	s17 =	sadd.s32 $0x10, s3;
	[smem:$0x756] =	sst s16  }
0x34: {  	s18 =	sadd.s32 $0x3510, s3;
	[smem:$0x757] =	sst s17  }
0x35: {  	s19 =	sadd.s32 $0x6A10, s3;
	[smem:$0x758] =	sst s18  }
0x36: {  	s20 =	sadd.s32 $0x9F10, s3;
	[smem:$0x759] =	sst s19  }
0x37: {  	s21 =	sadd.s32 $0x14, s3;
	[smem:$0x75A] =	sst s20  }
0x38: {  	s22 =	sadd.s32 $0x3514, s3;
	[smem:$0x75B] =	sst s21  }
0x39: {  	s23 =	sadd.s32 $0x6A14, s3;
	[smem:$0x75C] =	sst s22  }
0x3a: {  	[smem:$0x75D] =	sst s23;
	s24 =	sadd.s32 $0x9F14, s3  }
0x3b: {  	s25 =	sadd.s32 $0x18, s3;
	[smem:$0x75E] =	sst s24  }
0x3c: {  	s26 =	sadd.s32 $0x3518, s3;
	[smem:$0x75F] =	sst s25  }
0x3d: {  	s5 =	sadd.s32 $0x6A18, s3;
	[smem:$0x760] =	sst s26  }
0x3e: {  	s6 =	sadd.s32 $0x9F18, s3;
	[smem:$0x761] =	sst s5  }
0x3f: {  	s7 =	sadd.s32 $0x1C, s3;
	[smem:$0x762] =	sst s6  }
0x40: {  	s8 =	sadd.s32 $0x351C, s3;
	[smem:$0x763] =	sst s7  }
0x41: {  	s9 =	sadd.s32 $0x6A1C, s3;
	[smem:$0x764] =	sst s8  }
0x42: {  	s10 =	sadd.s32 $0x9F1C, s3;
	[smem:$0x765] =	sst s9  }
0x43: {  	s11 =	sadd.s32 $0x20, s3;
	[smem:$0x766] =	sst s10  }
0x44: {  	s12 =	sadd.s32 $0x3520, s3;
	[smem:$0x767] =	sst s11  }
0x45: {  	s13 =	sadd.s32 $0x6A20, s3;
	[smem:$0x768] =	sst s12  }
0x46: {  	s14 =	sadd.s32 $0x9F20, s3;
	[smem:$0x769] =	sst s13  }
0x47: {  	s15 =	sadd.s32 $0x24, s3;
	[smem:$0x76A] =	sst s14  }
0x48: {  	s16 =	sadd.s32 $0x3524, s3;
	[smem:$0x76B] =	sst s15  }
0x49: {  	s17 =	sadd.s32 $0x6A24, s3;
	[smem:$0x76C] =	sst s16  }
0x4a: {  	s18 =	sadd.s32 $0x9F24, s3;
	[smem:$0x76D] =	sst s17  }
0x4b: {  	s19 =	sadd.s32 $0x28, s3;
	[smem:$0x76E] =	sst s18  }
0x4c: {  	s20 =	sadd.s32 $0x3528, s3;
	[smem:$0x76F] =	sst s19  }
0x4d: {  	s21 =	sadd.s32 $0x6A28, s3;
	[smem:$0x770] =	sst s20  }
0x4e: {  	s22 =	sadd.s32 $0x9F28, s3;
	[smem:$0x771] =	sst s21  }
0x4f: {  	s23 =	sadd.s32 $0x2C, s3;
	[smem:$0x772] =	sst s22  }
0x50: {  	[smem:$0x773] =	sst s23;
	s24 =	sadd.s32 $0x352C, s3  }
0x51: {  	s25 =	sadd.s32 $0x6A2C, s3;
	[smem:$0x774] =	sst s24  }
0x52: {  	s26 =	sadd.s32 $0x9F2C, s3;
	[smem:$0x775] =	sst s25  }
0x53: {  	s5 =	sadd.s32 $0x30, s3;
	[smem:$0x776] =	sst s26  }
0x54: {  	s6 =	sadd.s32 $0x3530, s3;
	[smem:$0x777] =	sst s5  }
0x55: {  	s7 =	sadd.s32 $0x6A30, s3;
	[smem:$0x778] =	sst s6  }
0x56: {  	s8 =	sadd.s32 $0x9F30, s3;
	[smem:$0x779] =	sst s7  }
0x57: {  	s9 =	sadd.s32 $0x34, s3;
	[smem:$0x77A] =	sst s8  }
0x58: {  	s10 =	sadd.s32 $0x3534, s3;
	[smem:$0x77B] =	sst s9  }
0x59: {  	s11 =	sadd.s32 $0x6A34, s3;
	[smem:$0x77C] =	sst s10  }
0x5a: {  	s12 =	sadd.s32 $0x9F34, s3;
	[smem:$0x77D] =	sst s11  }
0x5b: {  	s13 =	sadd.s32 $0x38, s3;
	[smem:$0x77E] =	sst s12  }
0x5c: {  	s14 =	sadd.s32 $0x3538, s3;
	[smem:$0x77F] =	sst s13  }
0x5d: {  	s15 =	sadd.s32 $0x6A38, s3;
	[smem:$0x780] =	sst s14  }
0x5e: {  	s16 =	sadd.s32 $0x9F38, s3;
	[smem:$0x781] =	sst s15  }
0x5f: {  	s17 =	sadd.s32 $0x3C, s3;
	[smem:$0x782] =	sst s16  }
0x60: {  	s18 =	sadd.s32 $0x353C, s3;
	[smem:$0x783] =	sst s17  }
0x61: {  	s19 =	sadd.s32 $0x6A3C, s3;
	[smem:$0x784] =	sst s18  }
0x62: {  	s20 =	sadd.s32 $0x9F3C, s3;
	[smem:$0x785] =	sst s19  }
0x63: {  	s21 =	sadd.s32 $0x40, s3;
	[smem:$0x786] =	sst s20  }
0x64: {  	s22 =	sadd.s32 $0x3540, s3;
	[smem:$0x787] =	sst s21  }
0x65: {  	s23 =	sadd.s32 $0x6A40, s3;
	[smem:$0x788] =	sst s22  }
0x66: {  	[smem:$0x789] =	sst s23;
	s24 =	sadd.s32 $0x9F40, s3  }
0x67: {  	s25 =	sadd.s32 $0x44, s3;
	[smem:$0x78A] =	sst s24  }
0x68: {  	s26 =	sadd.s32 $0x3544, s3;
	[smem:$0x78B] =	sst s25  }
0x69: {  	s5 =	sadd.s32 $0x6A44, s3;
	[smem:$0x78C] =	sst s26  }
0x6a: {  	s6 =	sadd.s32 $0x9F44, s3;
	[smem:$0x78D] =	sst s5  }
0x6b: {  	s7 =	sadd.s32 $0x48, s3;
	[smem:$0x78E] =	sst s6  }
0x6c: {  	s8 =	sadd.s32 $0x3548, s3;
	[smem:$0x78F] =	sst s7  }
0x6d: {  	s9 =	sadd.s32 $0x6A48, s3;
	[smem:$0x790] =	sst s8  }
0x6e: {  	s10 =	sadd.s32 $0x9F48, s3;
	[smem:$0x791] =	sst s9  }
0x6f: {  	s11 =	sadd.s32 $0x4C, s3;
	[smem:$0x792] =	sst s10  }
0x70: {  	s12 =	sadd.s32 $0x354C, s3;
	[smem:$0x793] =	sst s11  }
0x71: {  	s13 =	sadd.s32 $0x6A4C, s3;
	[smem:$0x794] =	sst s12  }
0x72: {  	s14 =	sadd.s32 $0x9F4C, s3;
	[smem:$0x795] =	sst s13  }
0x73: {  	s15 =	sadd.s32 $0x50, s3;
	[smem:$0x796] =	sst s14  }
0x74: {  	s16 =	sadd.s32 $0x3550, s3;
	[smem:$0x797] =	sst s15  }
0x75: {  	s17 =	sadd.s32 $0x6A50, s3;
	[smem:$0x798] =	sst s16  }
0x76: {  	s18 =	sadd.s32 $0x9F50, s3;
	[smem:$0x799] =	sst s17  }
0x77: {  	s19 =	sadd.s32 $0x54, s3;
	[smem:$0x79A] =	sst s18  }
0x78: {  	s20 =	sadd.s32 $0x3554, s3;
	[smem:$0x79B] =	sst s19  }
0x79: {  	s21 =	sadd.s32 $0x6A54, s3;
	[smem:$0x79C] =	sst s20  }
0x7a: {  	s22 =	sadd.s32 $0x9F54, s3;
	[smem:$0x79D] =	sst s21  }
0x7b: {  	s23 =	sadd.s32 $0x58, s3;
	[smem:$0x79E] =	sst s22  }
0x7c: {  	[smem:$0x79F] =	sst s23;
	s24 =	sadd.s32 $0x3558, s3  }
0x7d: {  	s25 =	sadd.s32 $0x6A58, s3;
	[smem:$0x7A0] =	sst s24  }
0x7e: {  	s26 =	sadd.s32 $0x9F58, s3;
	[smem:$0x7A1] =	sst s25  }
0x7f: {  	s5 =	sadd.s32 $0x5C, s3;
	[smem:$0x7A2] =	sst s26  }
0x80: {  	s6 =	sadd.s32 $0x355C, s3;
	[smem:$0x7A3] =	sst s5  }
0x81: {  	s7 =	sadd.s32 $0x6A5C, s3;
	[smem:$0x7A4] =	sst s6  }
0x82: {  	s8 =	sadd.s32 $0x9F5C, s3;
	[smem:$0x7A5] =	sst s7  }
0x83: {  	s9 =	sadd.s32 $0x60, s3;
	[smem:$0x7A6] =	sst s8  }
0x84: {  	s10 =	sadd.s32 $0x3560, s3;
	[smem:$0x7A7] =	sst s9  }
0x85: {  	s11 =	sadd.s32 $0x6A60, s3;
	[smem:$0x7A8] =	sst s10  }
0x86: {  	s12 =	sadd.s32 $0x9F60, s3;
	[smem:$0x7A9] =	sst s11  }
0x87: {  	s13 =	sadd.s32 $0x64, s3;
	[smem:$0x7AA] =	sst s12  }
0x88: {  	s14 =	sadd.s32 $0x3564, s3;
	[smem:$0x7AB] =	sst s13  }
0x89: {  	s15 =	sadd.s32 $0x6A64, s3;
	[smem:$0x7AC] =	sst s14  }
0x8a: {  	s16 =	sadd.s32 $0x9F64, s3;
	[smem:$0x7AD] =	sst s15  }
0x8b: {  	s17 =	simm.s32 $0x100;
	[smem:$0x7AF] =	sst s16  }
0x8c: {  	s18 =	simm.s32 $0x10;
	[smem:$0x7B0] =	sst s17  }
0x8d: {  	s19 =	simm.s32 $0x180;
	[smem:$0x7B1] =	sst s18  }
0x8e: {  	s20 =	simm.s32 $0x280;
	[smem:$0x7B2] =	sst s19  }
0x8f: {  	s21 =	simm.s32 $0x300;
	[smem:$0x7B3] =	sst s20  }
0x90: {  	s22 =	simm.s32 $0x380;
	[smem:$0x7B4] =	sst s21  }
0x91: {  	s23 =	simm.s32 $0x480;
	[smem:$0x7B5] =	sst s22  }
0x92: {  	s3 =	simm.s32 $0x700;
	[smem:$0x7B6] =	sst s23  }
0x93: {  	s24 =	simm.s32 $0x500;
	[smem:$0x7BA] =	sst s3  }
0x94: {  	s25 =	simm.s32 $0x580;
	[smem:$0x7B7] =	sst s24  }
0x95: {  	s26 =	simm.s32 $0x680;
	[smem:$0x7B8] =	sst s25  }
0x96: {  	s5 =	simm.s32 $0x780;
	[smem:$0x7B9] =	sst s26  }
0x97: {  	s6 =	simm.s32 $0x880;
	[smem:$0x7BB] =	sst s5  }
0x98: {  	s7 =	simm.s32 $0x900;
	[smem:$0x7BC] =	sst s6  }
0x99: {  	s8 =	simm.s32 $0x980;
	[smem:$0x7BD] =	sst s7  }
0x9a: {  	s9 =	simm.s32 $0xA80;
	[smem:$0x7BE] =	sst s8  }
0x9b: {  	s10 =	simm.s32 $0xB00;
	[smem:$0x7BF] =	sst s9  }
0x9c: {  	s11 =	simm.s32 $0xB80;
	[smem:$0x7C0] =	sst s10  }
0x9d: {  	s12 =	simm.s32 $0xC80;
	[smem:$0x7C1] =	sst s11  }
0x9e: {  	s13 =	simm.s32 $0xD00;
	[smem:$0x7C2] =	sst s12  }
0x9f: {  	s14 =	simm.s32 $0xD80;
	[smem:$0x7C3] =	sst s13  }
0xa0: {  	s15 =	simm.s32 $0xE80;
	[smem:$0x7C4] =	sst s14  }
0xa1: {  	s16 =	simm.s32 $0xF00;
	[smem:$0x7C5] =	sst s15  }
0xa2: {  	s17 =	simm.s32 $0xF80;
	[smem:$0x7C6] =	sst s16  }
0xa3: {  	s18 =	simm.s32 $0x1080;
	[smem:$0x7C7] =	sst s17  }
0xa4: {  	s19 =	simm.s32 $0x1100;
	[smem:$0x7C8] =	sst s18  }
0xa5: {  	s20 =	simm.s32 $0x1180;
	[smem:$0x7C9] =	sst s19  }
0xa6: {  	s21 =	simm.s32 $0x1280;
	[smem:$0x7CA] =	sst s20  }
0xa7: {  	s22 =	simm.s32 $0x1300;
	[smem:$0x7CB] =	sst s21  }
0xa8: {  	s23 =	simm.s32 $0x1380;
	[smem:$0x7CC] =	sst s22  }
0xa9: {  	s3 =	simm.s32 $0x1680;
	[smem:$0x7CD] =	sst s23  }
0xaa: {  	s24 =	simm.s32 $0x1480;
	[smem:$0x7D1] =	sst s3  }
0xab: {  	s25 =	simm.s32 $0x1500;
	[smem:$0x7CE] =	sst s24  }
0xac: {  	s26 =	simm.s32 $0x1580;
	[smem:$0x7CF] =	sst s25  }
0xad: {  	s5 =	simm.s32 $0x1700;
	[smem:$0x7D0] =	sst s26  }
0xae: {  	s6 =	simm.s32 $0x1780;
	[smem:$0x7D2] =	sst s5  }
0xaf: {  	s7 =	simm.s32 $0x1880;
	[smem:$0x7D3] =	sst s6  }
0xb0: {  	s8 =	simm.s32 $0x1900;
	[smem:$0x7D4] =	sst s7  }
0xb1: {  	s9 =	simm.s32 $0x1980;
	[smem:$0x7D5] =	sst s8  }
0xb2: {  	s10 =	simm.s32 $0x1A80;
	[smem:$0x7D6] =	sst s9  }
0xb3: {  	s11 =	simm.s32 $0x1B00;
	[smem:$0x7D7] =	sst s10  }
0xb4: {  	s12 =	simm.s32 $0x1B80;
	[smem:$0x7D8] =	sst s11  }
0xb5: {  	s13 =	simm.s32 $0x1C80;
	[smem:$0x7D9] =	sst s12  }
0xb6: {  	s14 =	simm.s32 $0x1D00;
	[smem:$0x7DA] =	sst s13  }
0xb7: {  	s15 =	simm.s32 $0x1D80;
	[smem:$0x7DB] =	sst s14  }
0xb8: {  	s16 =	simm.s32 $0x1E80;
	[smem:$0x7DC] =	sst s15  }
0xb9: {  	s17 =	simm.s32 $0x1F00;
	[smem:$0x7DD] =	sst s16  }
0xba: {  	s18 =	simm.s32 $0x1F80;
	[smem:$0x7DE] =	sst s17  }
0xbb: {  	s19 =	simm.s32 $0x2080;
	[smem:$0x7DF] =	sst s18  }
0xbc: {  	s20 =	simm.s32 $0x2100;
	[smem:$0x7E0] =	sst s19  }
0xbd: {  	s21 =	simm.s32 $0x2180;
	[smem:$0x7E1] =	sst s20  }
0xbe: {  	s22 =	simm.s32 $0x2280;
	[smem:$0x7E2] =	sst s21  }
0xbf: {  	s23 =	simm.s32 $0x2300;
	[smem:$0x7E3] =	sst s22  }
0xc0: {  	s3 =	simm.s32 $0x2580;
	[smem:$0x7E4] =	sst s23  }
0xc1: {  	s24 =	simm.s32 $0x2380;
	[smem:$0x7E8] =	sst s3  }
0xc2: {  	s25 =	simm.s32 $0x2480;
	[smem:$0x7E5] =	sst s24  }
0xc3: {  	s26 =	simm.s32 $0x2500;
	[smem:$0x7E6] =	sst s25  }
0xc4: {  	s5 =	simm.s32 $0x2680;
	[smem:$0x7E7] =	sst s26  }
0xc5: {  	s7 =	simm.s32 $0x2700;
	[smem:$0x7E9] =	sst s5  }
0xc6: {  	s8 =	simm.s32 $0x2780;
	[smem:$0x7EA] =	sst s7  }
0xc7: {  	s9 =	simm.s32 $0x2880;
	[smem:$0x7EB] =	sst s8  }
0xc8: {  	s10 =	simm.s32 $0x2900;
	[smem:$0x7EC] =	sst s9  }
0xc9: {  	s11 =	simm.s32 $0x2980;
	[smem:$0x7ED] =	sst s10  }
0xca: {  	s12 =	simm.s32 $0x2A80;
	[smem:$0x7EE] =	sst s11  }
0xcb: {  	s13 =	simm.s32 $0x2B00;
	[smem:$0x7EF] =	sst s12  }
0xcc: {  	s14 =	simm.s32 $0x2B80;
	[smem:$0x7F0] =	sst s13  }
0xcd: {  	s28 =	simm.s32 $0x600;
	s15 =	simm.s32 $0x2C80;
	[smem:$0x7F1] =	sst s14  }
0xce: {  	s29 =	simm.s32 $0x800;
	s16 =	simm.s32 $0x2D00;
	[smem:$0x7F2] =	sst s15  }
0xcf: {  	s30 =	simm.s32 $0xA00;
	s17 =	simm.s32 $0x2D80;
	[smem:$0x7F3] =	sst s16  }
0xd0: {  	s31 =	simm.s32 $0xC00;
	s18 =	simm.s32 $0x2E80;
	[smem:$0x7F4] =	sst s17  }
0xd1: {  	s0 =	ssub.s32 $0x2, s0;
	s19 =	simm.s32 $0x2F00;
	[smem:$0x7F5] =	sst s18  }
0xd2: {  	s4 =	sadd.s32 $0x27AD200, s1;
	s20 =	simm.s32 $0x2F80;
	[smem:$0x7F6] =	sst s19  }
0xd3: {  	s6 =	sshrl.u32 s0, $0x1;
	s21 =	simm.s32 $0x3080;
	[smem:$0x7F7] =	sst s20  }
0xd4: {  	s22 =	simm.s32 $0x3100;
	s23 =	simm.s32 $0x3180;
	[smem:$0x7F8] =	sst s21  }
0xd5: {  	s3 =	simm.s32 $0xE00;
	s0 =	ssub.s32 s0, s6;
	[smem:$0x7F9] =	sst s22  }
0xd6: {  	[smem:$0x7FA] =	sst s23;
	s24 =	simm.s32 $0x3280;
	s25 =	simm.s32 $0x3300  }
0xd7: {  	s26 =	simm.s32 $0x3380;
	s6 =	simm.s32 $0x80;
	s7 =	simm.s32 $0x3400  }
0xd8: {  	s8 =	simm.s32 $0x4400;
	s9 =	simm.s32 $0x5400;
	s11 =	simm.s32 $0x350  }
0xd9: {  	s12 =	simm.s32 $0x6400;
	s13 =	simm.s32 $0x1;
	s14 =	simm.s32 $0x20  }
0xda: {  	s15 =	simm.s32 $0x5;
	s16 =	simm.s32 $0x2;
	s17 =	simm.s32 $0x6  }
0xdb: {  	s18 =	simm.s32 $0x3;
	s19 =	simm.s32 $0x7;
	[smem:$0x7FB] =	sst s24  }
0xdc: {  	s20 =	simm.s32 $0x4;
	s21 =	simm.s32 $0x8;
	[smem:$0x7FC] =	sst s25  }
0xdd: {  	s10 =	simm.s32 $0x1000;
	s5 =	smax.u32 s0, $0x1;
	[smem:$0x7FD] =	sst s26  }
0xde: {  	s0 =	simm.s32 $0x9;
	s25 =	simm.s32 $0x200;
	s26 =	simm.s32 $0x400  }
.LBB2_1:
0xdf: {  	s22 =	rddreg [dreg:$0x3]  }
0xe0: {  	[tilespmem:s2], [sflag:$0x9] =	stream.linear.gather [hbm4b:s22+s2], $0x200, $0x38;
	[tilespmem:$0x9400] =	vst v63  }
0xe1: {  	s23 =	rddreg [dreg:$0x4]  }
0xe2: {  	[tilespmem:s25], [sflag:$0x9] =	stream.linear.gather [hbm4b:s23+s2], $0x200, $0x38;
	[tilespmem:$0x9400] =	vst v63  }
0xe3: {  	s1 =	rddreg [dreg:$0x5]  }
0xe4: {  	[tilespmem:s26], [sflag:$0x9] =	stream.linear.gather [hbm4b:s1+s2], $0x200, $0x38;
	[tilespmem:$0x9400] =	vst v63  }
0xe5: {  	s24 =	rddreg [dreg:$0x6]  }
0xe6: {  	[tilespmem:s28], [sflag:$0x9] =	stream.linear.gather [hbm4b:s24+s2], $0x200, $0x38;
	[tilespmem:$0x9400] =	vst v63  }
0xe7: {  	s1 =	rddreg [dreg:$0x7]  }
0xe8: {  	[tilespmem:s29], [sflag:$0x9] =	stream.linear.gather [hbm4b:s1+s2], $0x200, $0x38;
	[tilespmem:$0x9400] =	vst v63  }
0xe9: {  	s24 =	rddreg [dreg:$0x8]  }
0xea: {  	[tilespmem:s30], [sflag:$0x9] =	stream.linear.gather [hbm4b:s24+s2], $0x200, $0x38;
	[tilespmem:$0x9400] =	vst v63  }
0xeb: {  	s1 =	rddreg [dreg:$0x9]  }
0xec: {  	[tilespmem:s31], [sflag:$0x9] =	stream.linear.gather [hbm4b:s1+s2], $0x200, $0x38;
	[tilespmem:$0x9400] =	vst v63  }
0xed: {  	s24 =	rddreg [dreg:$0xa]  }
0xee: {  	[tilespmem:s3], [sflag:$0x9] =	stream.linear.gather [hbm4b:s24+s2], $0x200, $0x38;
	[tilespmem:$0x9400] =	vst v63  }
0xef: {  	s1 =	rddreg [dreg:$0xb]  }
0xf0: {  	[tilespmem:s10], [sflag:$0x9] =	stream.linear.gather [hbm4b:s1+s2], $0x200, $0x38;
	[tilespmem:$0x9400] =	vst v63  }
0xf1: {  	s24 =	rddreg [dreg:$0xc];
	s1 =	simm.s32 $0x1200  }
0xf2: {  	[tilespmem:s1], [sflag:$0x9] =	stream.linear.gather [hbm4b:s24+s2], $0x200, $0x38;
	[tilespmem:$0x9400] =	vst v63  }
0xf3: {  	s22 =	rddreg [dreg:$0xd];
	s24 =	simm.s32 $0x1400  }
0xf4: {  	[tilespmem:s24], [sflag:$0x9] =	stream.linear.gather [hbm4b:s22+s2], $0x200, $0x38;
	[tilespmem:$0x9400] =	vst v63  }
0xf5: {  	s23 =	rddreg [dreg:$0xe];
	s24 =	simm.s32 $0x1600  }
0xf6: {  	[tilespmem:s24], [sflag:$0x9] =	stream.linear.gather [hbm4b:s23+s2], $0x200, $0x38;
	[tilespmem:$0x9400] =	vst v63  }
0xf7: {  	s22 =	rddreg [dreg:$0xf];
	s24 =	simm.s32 $0x1800  }
0xf8: {  	[tilespmem:s24], [sflag:$0x9] =	stream.linear.gather [hbm4b:s22+s2], $0x200, $0x38;
	[tilespmem:$0x9400] =	vst v63  }
0xf9: {  	s23 =	rddreg [dreg:$0x10];
	s24 =	simm.s32 $0x1A00  }
0xfa: {  	[tilespmem:s24], [sflag:$0x9] =	stream.linear.gather [hbm4b:s23+s2], $0x200, $0x38;
	[tilespmem:$0x9400] =	vst v63  }
0xfb: {  	s22 =	rddreg [dreg:$0x11];
	s24 =	simm.s32 $0x1C00  }
0xfc: {  	[tilespmem:s24], [sflag:$0x9] =	stream.linear.gather [hbm4b:s22+s2], $0x200, $0x38;
	[tilespmem:$0x9400] =	vst v63  }
0xfd: {  	s23 =	rddreg [dreg:$0x12];
	s24 =	simm.s32 $0x1E00  }
0xfe: {  	[tilespmem:s24], [sflag:$0x9] =	stream.linear.gather [hbm4b:s23+s2], $0x200, $0x38;
	[tilespmem:$0x9400] =	vst v63  }
0xff: {  	s22 =	rddreg [dreg:$0x13];
	s24 =	simm.s32 $0x2000  }
0x100: {  	[tilespmem:s24], [sflag:$0x9] =	stream.linear.gather [hbm4b:s22+s2], $0x200, $0x38;
	[tilespmem:$0x9400] =	vst v63  }
0x101: {  	s23 =	rddreg [dreg:$0x14];
	s24 =	simm.s32 $0x2200  }
0x102: {  	[tilespmem:s24], [sflag:$0x9] =	stream.linear.gather [hbm4b:s23+s2], $0x200, $0x38;
	[tilespmem:$0x9400] =	vst v63  }
0x103: {  	s22 =	rddreg [dreg:$0x15];
	s24 =	simm.s32 $0x2400  }
0x104: {  	[tilespmem:s24], [sflag:$0x9] =	stream.linear.gather [hbm4b:s22+s2], $0x200, $0x38;
	[tilespmem:$0x9400] =	vst v63  }
0x105: {  	s23 =	rddreg [dreg:$0x16];
	s24 =	simm.s32 $0x2600  }
0x106: {  	[tilespmem:s24], [sflag:$0x9] =	stream.linear.gather [hbm4b:s23+s2], $0x200, $0x38;
	[tilespmem:$0x9400] =	vst v63  }
0x107: {  	s22 =	rddreg [dreg:$0x17];
	s24 =	simm.s32 $0x2800  }
0x108: {  	[tilespmem:s24], [sflag:$0x9] =	stream.linear.gather [hbm4b:s22+s2], $0x200, $0x38;
	[tilespmem:$0x9400] =	vst v63  }
0x109: {  	s23 =	rddreg [dreg:$0x18];
	s24 =	simm.s32 $0x2A00  }
0x10a: {  	[tilespmem:s24], [sflag:$0x9] =	stream.linear.gather [hbm4b:s23+s2], $0x200, $0x38;
	[tilespmem:$0x9400] =	vst v63  }
0x10b: {  	s22 =	rddreg [dreg:$0x19];
	s24 =	simm.s32 $0x2C00  }
0x10c: {  	[tilespmem:s24], [sflag:$0x9] =	stream.linear.gather [hbm4b:s22+s2], $0x200, $0x38;
	[tilespmem:$0x9400] =	vst v63  }
0x10d: {  	s23 =	rddreg [dreg:$0x1a];
	s24 =	simm.s32 $0x2E00  }
0x10e: {  	[tilespmem:s24], [sflag:$0x9] =	stream.linear.gather [hbm4b:s23+s2], $0x200, $0x38;
	[tilespmem:$0x9400] =	vst v63  }
0x10f: {  	s22 =	rddreg [dreg:$0x1b];
	s24 =	simm.s32 $0x3000  }
0x110: {  	[tilespmem:s24], [sflag:$0x9] =	stream.linear.gather [hbm4b:s22+s2], $0x200, $0x38;
	[tilespmem:$0x9400] =	vst v63  }
0x111: {  	s23 =	rddreg [dreg:$0x1c];
	s24 =	simm.s32 $0x3200  }
0x112: {  	[tilespmem:s24], [sflag:$0x9] =	stream.linear.gather [hbm4b:s23+s2], $0x200, $0x38;
	[tilespmem:$0x9400] =	vst v63  }
0x113: {  	s1 =	simm.s32 $0x7400;
	s22 =	rddreg [dreg:$0x1d]  }
0x114: {  	[tilespmem:s1], [sflag:$0xA] =	stream.linear.gather [hbm4b:s22+s2], $0x2000, $0x38;
	[tilespmem:$0x9400] =	vst v63  }
0x115: {  	_ =	swait.ge [sflag:s0], $0x200  }
0x116: {  	[sflag:s0] =	ssyncset.done $0x0  }
0x117: {  	[sflag:s0] =	ssyncadd.s32 $0xFFFFFE00  }
0x118: {  	_ =	swait.ge [sflag:s0], $0x200  }
0x119: {  	[sflag:s0] =	ssyncset.done $0x0  }
0x11a: {  	[sflag:s0] =	ssyncadd.s32 $0xFFFFFE00  }
0x11b: {  	_ =	swait.ge [sflag:s0], $0x200  }
0x11c: {  	[sflag:s0] =	ssyncset.done $0x0  }
0x11d: {  	[sflag:s0] =	ssyncadd.s32 $0xFFFFFE00  }
0x11e: {  	_ =	swait.ge [sflag:s0], $0x200  }
0x11f: {  	[sflag:s0] =	ssyncset.done $0x0  }
0x120: {  	[sflag:s0] =	ssyncadd.s32 $0xFFFFFE00  }
0x121: {  	_ =	swait.ge [sflag:s0], $0x200  }
0x122: {  	[sflag:s0] =	ssyncset.done $0x0  }
0x123: {  	[sflag:s0] =	ssyncadd.s32 $0xFFFFFE00  }
0x124: {  	_ =	swait.ge [sflag:s0], $0x200  }
0x125: {  	[sflag:s0] =	ssyncset.done $0x0  }
0x126: {  	[sflag:s0] =	ssyncadd.s32 $0xFFFFFE00  }
0x127: {  	_ =	swait.ge [sflag:s0], $0x200  }
0x128: {  	[sflag:s0] =	ssyncset.done $0x0  }
0x129: {  	[sflag:s0] =	ssyncadd.s32 $0xFFFFFE00  }
0x12a: {  	_ =	swait.ge [sflag:s0], $0x200  }
0x12b: {  	[sflag:s0] =	ssyncset.done $0x0  }
0x12c: {  	[sflag:s0] =	ssyncadd.s32 $0xFFFFFE00  }
0x12d: {  	_ =	swait.ge [sflag:s0], $0x200  }
0x12e: {  	[sflag:s0] =	ssyncset.done $0x0  }
0x12f: {  	[sflag:s0] =	ssyncadd.s32 $0xFFFFFE00  }
0x130: {  	_ =	swait.ge [sflag:s0], $0x200  }
0x131: {  	[sflag:s0] =	ssyncset.done $0x0  }
0x132: {  	[sflag:s0] =	ssyncadd.s32 $0xFFFFFE00  }
0x133: {  	_ =	swait.ge [sflag:s0], $0x200  }
0x134: {  	[sflag:s0] =	ssyncset.done $0x0  }
0x135: {  	[sflag:s0] =	ssyncadd.s32 $0xFFFFFE00  }
0x136: {  	_ =	swait.ge [sflag:s0], $0x200  }
0x137: {  	[sflag:s0] =	ssyncset.done $0x0  }
0x138: {  	[sflag:s0] =	ssyncadd.s32 $0xFFFFFE00  }
0x139: {  	_ =	swait.ge [sflag:s0], $0x200  }
0x13a: {  	[sflag:s0] =	ssyncset.done $0x0  }
0x13b: {  	[sflag:s0] =	ssyncadd.s32 $0xFFFFFE00  }
0x13c: {  	_ =	swait.ge [sflag:s0], $0x200  }
0x13d: {  	[sflag:s0] =	ssyncset.done $0x0  }
0x13e: {  	[sflag:s0] =	ssyncadd.s32 $0xFFFFFE00  }
0x13f: {  	_ =	swait.ge [sflag:s0], $0x200  }
0x140: {  	[sflag:s0] =	ssyncset.done $0x0  }
0x141: {  	[sflag:s0] =	ssyncadd.s32 $0xFFFFFE00  }
0x142: {  	_ =	swait.ge [sflag:s0], $0x200  }
0x143: {  	[sflag:s0] =	ssyncset.done $0x0  }
0x144: {  	[sflag:s0] =	ssyncadd.s32 $0xFFFFFE00  }
0x145: {  	_ =	swait.ge [sflag:s0], $0x200  }
0x146: {  	[sflag:s0] =	ssyncset.done $0x0  }
0x147: {  	[sflag:s0] =	ssyncadd.s32 $0xFFFFFE00  }
0x148: {  	_ =	swait.ge [sflag:s0], $0x200  }
0x149: {  	[sflag:s0] =	ssyncset.done $0x0  }
0x14a: {  	[sflag:s0] =	ssyncadd.s32 $0xFFFFFE00  }
0x14b: {  	_ =	swait.ge [sflag:s0], $0x200  }
0x14c: {  	[sflag:s0] =	ssyncset.done $0x0  }
0x14d: {  	[sflag:s0] =	ssyncadd.s32 $0xFFFFFE00  }
0x14e: {  	_ =	swait.ge [sflag:s0], $0x200  }
0x14f: {  	[sflag:s0] =	ssyncset.done $0x0  }
0x150: {  	[sflag:s0] =	ssyncadd.s32 $0xFFFFFE00  }
0x151: {  	_ =	swait.ge [sflag:s0], $0x200  }
0x152: {  	[sflag:s0] =	ssyncset.done $0x0  }
0x153: {  	[sflag:s0] =	ssyncadd.s32 $0xFFFFFE00  }
0x154: {  	_ =	swait.ge [sflag:s0], $0x200  }
0x155: {  	[sflag:s0] =	ssyncset.done $0x0  }
0x156: {  	[sflag:s0] =	ssyncadd.s32 $0xFFFFFE00  }
0x157: {  	_ =	swait.ge [sflag:s0], $0x200  }
0x158: {  	[sflag:s0] =	ssyncset.done $0x0  }
0x159: {  	[sflag:s0] =	ssyncadd.s32 $0xFFFFFE00  }
0x15a: {  	_ =	swait.ge [sflag:s0], $0x200  }
0x15b: {  	[sflag:s0] =	ssyncset.done $0x0  }
0x15c: {  	[sflag:s0] =	ssyncadd.s32 $0xFFFFFE00  }
0x15d: {  	_ =	swait.ge [sflag:s0], $0x200  }
0x15e: {  	[sflag:s0] =	ssyncset.done $0x0  }
0x15f: {  	[sflag:s0] =	ssyncadd.s32 $0xFFFFFE00  }
0x160: {  	_ =	swait.ge [sflag:s0], $0x200  }
0x161: {  	[sflag:s0] =	ssyncset.done $0x0  }
0x162: {  	[sflag:s0] =	ssyncadd.s32 $0xFFFFFE00  }
0x163: {  	[tilespmem:s7], [sflag:$0x1] =	stream.indirect.gather [hbm4b:s4+s6], $0x20, s2, s6, $0xb8;
	[tilespmem:$0x9400] =	vst v63  }
0x164: {  	s23 =	sld [smem:$0x7B0]  }
0x165: {  	[tilespmem:s8], [sflag:$0x2] =	stream.indirect.gather [hbm4b:s4+s6], $0x20, s6, s6, $0xb8;
	[tilespmem:$0x9400] =	vst v63  }
0x166: {  	s24 =	simm.s32 $0xA  }
0x167: {  	[tilespmem:s9], [sflag:$0x3] =	stream.indirect.gather [hbm4b:s4+s6], $0x20, s23, s6, $0xb8;
	[tilespmem:$0x9400] =	vst v63  }
0x168: {  	_ =	swait.ge [sflag:s24], $0x2000  }
0x169: {  	s23 =	sld [smem:$0x7B1]  }
0x16a: {  	s22 =	rddreg [dreg:$0x1e];
	[sflag:s24] =	ssyncset.done $0x0  }
0x16b: {  	[sflag:s24] =	ssyncadd.s32 $0xFFFFE000;
	s24 =	sld [smem:$0x7B2]  }
0x16c: {  	[hbm4b:s22+s23] =	stream.strided.scatter [tilespmem:s1], [sflag:$0xA], $0x2000, s11, s23, $0x38;
	[tilespmem:$0x9400] =	vst v63  }
0x16d: {  	_ = 	snop  }
0x16e: {  	[tilespmem:s12], [sflag:$0x4] =	stream.indirect.gather [hbm4b:s4+s6], $0x20, s24, s6, $0xb8;
	[tilespmem:$0x9400] =	vst v63  }
0x16f: {  	_ =	swait.ge [sflag:s13], $0x1000  }
0x170: {  	s24 =	sld [smem:$0x7AE]  }
0x171: {  	[sflag:s13] =	ssyncset.done $0x0  }
0x172: {  	[sflag:s13] =	ssyncadd.s32 $0xFFFFF000  }
0x173: {  	[hbm4b:s24+s14] =	stream.strided.scatter [tilespmem:s7], [sflag:$0x5], $0x1000, s11, s14, $0x38;
	[tilespmem:$0x9400] =	vst v63  }
0x174: {  	_ =	swait.ge [sflag:s15], $0x1000  }
0x175: {  	[sflag:s15] =	ssyncset.done $0x0  }
0x176: {  	[sflag:s15] =	ssyncadd.s32 $0xFFFFF000  }
0x177: {  	[tilespmem:s7], [sflag:$0x1] =	stream.indirect.gather [hbm4b:s4+s6], $0x20, s25, s6, $0xb8;
	[tilespmem:$0x9400] =	vst v63  }
0x178: {  	_ =	swait.ge [sflag:s16], $0x1000  }
0x179: {  	[sflag:s16] =	ssyncset.done $0x0  }
0x17a: {  	s1 =	rddreg [dreg:$0x1f];
	[sflag:s16] =	ssyncadd.s32 $0xFFFFF000  }
0x17b: {  	[hbm4b:s1+s14] =	stream.strided.scatter [tilespmem:s8], [sflag:$0x6], $0x1000, s11, s14, $0x38;
	[tilespmem:$0x9400] =	vst v63  }
0x17c: {  	_ =	swait.ge [sflag:s17], $0x1000  }
0x17d: {  	s23 =	sld [smem:$0x7B3]  }
0x17e: {  	[sflag:s17] =	ssyncset.done $0x0  }
0x17f: {  	[sflag:s17] =	ssyncadd.s32 $0xFFFFF000  }
0x180: {  	[tilespmem:s8], [sflag:$0x2] =	stream.indirect.gather [hbm4b:s4+s6], $0x20, s23, s6, $0xb8;
	[tilespmem:$0x9400] =	vst v63  }
0x181: {  	_ =	swait.ge [sflag:s18], $0x1000  }
0x182: {  	s24 =	sld [smem:$0x749]  }
0x183: {  	[sflag:s18] =	ssyncset.done $0x0  }
0x184: {  	[sflag:s18] =	ssyncadd.s32 $0xFFFFF000  }
0x185: {  	[hbm4b:s24+s14] =	stream.strided.scatter [tilespmem:s9], [sflag:$0x7], $0x1000, s11, s14, $0x38;
	[tilespmem:$0x9400] =	vst v63  }
0x186: {  	_ =	swait.ge [sflag:s19], $0x1000  }
0x187: {  	s1 =	sld [smem:$0x7B4]  }
0x188: {  	[sflag:s19] =	ssyncset.done $0x0  }
0x189: {  	[sflag:s19] =	ssyncadd.s32 $0xFFFFF000  }
0x18a: {  	[tilespmem:s9], [sflag:$0x3] =	stream.indirect.gather [hbm4b:s4+s6], $0x20, s1, s6, $0xb8;
	[tilespmem:$0x9400] =	vst v63  }
0x18b: {  	_ =	swait.ge [sflag:s20], $0x1000  }
0x18c: {  	s23 =	sld [smem:$0x74A]  }
0x18d: {  	[sflag:s20] =	ssyncset.done $0x0  }
0x18e: {  	[sflag:s20] =	ssyncadd.s32 $0xFFFFF000  }
0x18f: {  	[hbm4b:s23+s14] =	stream.strided.scatter [tilespmem:s12], [sflag:$0x8], $0x1000, s11, s14, $0x38;
	[tilespmem:$0x9400] =	vst v63  }
0x190: {  	_ =	swait.ge [sflag:s21], $0x1000  }
0x191: {  	s24 =	sld [smem:$0x7B5]  }
0x192: {  	[sflag:s21] =	ssyncset.done $0x0  }
0x193: {  	[sflag:s21] =	ssyncadd.s32 $0xFFFFF000  }
0x194: {  	[tilespmem:s12], [sflag:$0x4] =	stream.indirect.gather [hbm4b:s4+s6], $0x20, s24, s6, $0xb8;
	[tilespmem:$0x9400] =	vst v63  }
0x195: {  	_ =	swait.ge [sflag:s13], $0x1000  }
0x196: {  	s1 =	sld [smem:$0x74B]  }
0x197: {  	[sflag:s13] =	ssyncset.done $0x0  }
0x198: {  	[sflag:s13] =	ssyncadd.s32 $0xFFFFF000  }
0x199: {  	[hbm4b:s1+s14] =	stream.strided.scatter [tilespmem:s7], [sflag:$0x5], $0x1000, s11, s14, $0x38;
	[tilespmem:$0x9400] =	vst v63  }
0x19a: {  	_ =	swait.ge [sflag:s15], $0x1000  }
0x19b: {  	[sflag:s15] =	ssyncset.done $0x0  }
0x19c: {  	[sflag:s15] =	ssyncadd.s32 $0xFFFFF000  }
0x19d: {  	[tilespmem:s7], [sflag:$0x1] =	stream.indirect.gather [hbm4b:s4+s6], $0x20, s26, s6, $0xb8;
	[tilespmem:$0x9400] =	vst v63  }
0x19e: {  	_ =	swait.ge [sflag:s16], $0x1000  }
0x19f: {  	s23 =	sld [smem:$0x74C]  }
0x1a0: {  	[sflag:s16] =	ssyncset.done $0x0  }
0x1a1: {  	[sflag:s16] =	ssyncadd.s32 $0xFFFFF000  }
0x1a2: {  	[hbm4b:s23+s14] =	stream.strided.scatter [tilespmem:s8], [sflag:$0x6], $0x1000, s11, s14, $0x38;
	[tilespmem:$0x9400] =	vst v63  }
0x1a3: {  	_ =	swait.ge [sflag:s17], $0x1000  }
0x1a4: {  	s24 =	sld [smem:$0x7B6]  }
0x1a5: {  	[sflag:s17] =	ssyncset.done $0x0  }
0x1a6: {  	[sflag:s17] =	ssyncadd.s32 $0xFFFFF000  }
0x1a7: {  	[tilespmem:s8], [sflag:$0x2] =	stream.indirect.gather [hbm4b:s4+s6], $0x20, s24, s6, $0xb8;
	[tilespmem:$0x9400] =	vst v63  }
0x1a8: {  	_ =	swait.ge [sflag:s18], $0x1000  }
0x1a9: {  	s1 =	sld [smem:$0x74D]  }
0x1aa: {  	[sflag:s18] =	ssyncset.done $0x0  }
0x1ab: {  	[sflag:s18] =	ssyncadd.s32 $0xFFFFF000  }
0x1ac: {  	[hbm4b:s1+s14] =	stream.strided.scatter [tilespmem:s9], [sflag:$0x7], $0x1000, s11, s14, $0x38;
	[tilespmem:$0x9400] =	vst v63  }
0x1ad: {  	_ =	swait.ge [sflag:s19], $0x1000  }
0x1ae: {  	s23 =	sld [smem:$0x7B7]  }
0x1af: {  	[sflag:s19] =	ssyncset.done $0x0  }
0x1b0: {  	[sflag:s19] =	ssyncadd.s32 $0xFFFFF000  }
0x1b1: {  	[tilespmem:s9], [sflag:$0x3] =	stream.indirect.gather [hbm4b:s4+s6], $0x20, s23, s6, $0xb8;
	[tilespmem:$0x9400] =	vst v63  }
0x1b2: {  	_ =	swait.ge [sflag:s20], $0x1000  }
0x1b3: {  	s24 =	sld [smem:$0x74E]  }
0x1b4: {  	[sflag:s20] =	ssyncset.done $0x0  }
0x1b5: {  	[sflag:s20] =	ssyncadd.s32 $0xFFFFF000  }
0x1b6: {  	[hbm4b:s24+s14] =	stream.strided.scatter [tilespmem:s12], [sflag:$0x8], $0x1000, s11, s14, $0x38;
	[tilespmem:$0x9400] =	vst v63  }
0x1b7: {  	_ =	swait.ge [sflag:s21], $0x1000  }
0x1b8: {  	s1 =	sld [smem:$0x7B8]  }
0x1b9: {  	[sflag:s21] =	ssyncset.done $0x0  }
0x1ba: {  	[sflag:s21] =	ssyncadd.s32 $0xFFFFF000  }
0x1bb: {  	[tilespmem:s12], [sflag:$0x4] =	stream.indirect.gather [hbm4b:s4+s6], $0x20, s1, s6, $0xb8;
	[tilespmem:$0x9400] =	vst v63  }
0x1bc: {  	_ =	swait.ge [sflag:s13], $0x1000  }
0x1bd: {  	s23 =	sld [smem:$0x74F]  }
0x1be: {  	[sflag:s13] =	ssyncset.done $0x0  }
0x1bf: {  	[sflag:s13] =	ssyncadd.s32 $0xFFFFF000  }
0x1c0: {  	[hbm4b:s23+s14] =	stream.strided.scatter [tilespmem:s7], [sflag:$0x5], $0x1000, s11, s14, $0x38;
	[tilespmem:$0x9400] =	vst v63  }
0x1c1: {  	_ =	swait.ge [sflag:s15], $0x1000  }
0x1c2: {  	[sflag:s15] =	ssyncset.done $0x0  }
0x1c3: {  	[sflag:s15] =	ssyncadd.s32 $0xFFFFF000  }
0x1c4: {  	[tilespmem:s7], [sflag:$0x1] =	stream.indirect.gather [hbm4b:s4+s6], $0x20, s28, s6, $0xb8;
	[tilespmem:$0x9400] =	vst v63  }
0x1c5: {  	_ =	swait.ge [sflag:s16], $0x1000  }
0x1c6: {  	s24 =	sld [smem:$0x750]  }
0x1c7: {  	[sflag:s16] =	ssyncset.done $0x0  }
0x1c8: {  	[sflag:s16] =	ssyncadd.s32 $0xFFFFF000  }
0x1c9: {  	[hbm4b:s24+s14] =	stream.strided.scatter [tilespmem:s8], [sflag:$0x6], $0x1000, s11, s14, $0x38;
	[tilespmem:$0x9400] =	vst v63  }
0x1ca: {  	_ =	swait.ge [sflag:s17], $0x1000  }
0x1cb: {  	s1 =	sld [smem:$0x7B9]  }
0x1cc: {  	[sflag:s17] =	ssyncset.done $0x0  }
0x1cd: {  	[sflag:s17] =	ssyncadd.s32 $0xFFFFF000  }
0x1ce: {  	[tilespmem:s8], [sflag:$0x2] =	stream.indirect.gather [hbm4b:s4+s6], $0x20, s1, s6, $0xb8;
	[tilespmem:$0x9400] =	vst v63  }
0x1cf: {  	_ =	swait.ge [sflag:s18], $0x1000  }
0x1d0: {  	s23 =	sld [smem:$0x751]  }
0x1d1: {  	[sflag:s18] =	ssyncset.done $0x0  }
0x1d2: {  	[sflag:s18] =	ssyncadd.s32 $0xFFFFF000  }
0x1d3: {  	[hbm4b:s23+s14] =	stream.strided.scatter [tilespmem:s9], [sflag:$0x7], $0x1000, s11, s14, $0x38;
	[tilespmem:$0x9400] =	vst v63  }
0x1d4: {  	_ =	swait.ge [sflag:s19], $0x1000  }
0x1d5: {  	s24 =	sld [smem:$0x7BA]  }
0x1d6: {  	[sflag:s19] =	ssyncset.done $0x0  }
0x1d7: {  	[sflag:s19] =	ssyncadd.s32 $0xFFFFF000  }
0x1d8: {  	[tilespmem:s9], [sflag:$0x3] =	stream.indirect.gather [hbm4b:s4+s6], $0x20, s24, s6, $0xb8;
	[tilespmem:$0x9400] =	vst v63  }
0x1d9: {  	_ =	swait.ge [sflag:s20], $0x1000  }
0x1da: {  	s1 =	sld [smem:$0x752]  }
0x1db: {  	[sflag:s20] =	ssyncset.done $0x0  }
0x1dc: {  	[sflag:s20] =	ssyncadd.s32 $0xFFFFF000  }
0x1dd: {  	[hbm4b:s1+s14] =	stream.strided.scatter [tilespmem:s12], [sflag:$0x8], $0x1000, s11, s14, $0x38;
	[tilespmem:$0x9400] =	vst v63  }
0x1de: {  	_ =	swait.ge [sflag:s21], $0x1000  }
0x1df: {  	s23 =	sld [smem:$0x7BB]  }
0x1e0: {  	[sflag:s21] =	ssyncset.done $0x0  }
0x1e1: {  	[sflag:s21] =	ssyncadd.s32 $0xFFFFF000  }
0x1e2: {  	[tilespmem:s12], [sflag:$0x4] =	stream.indirect.gather [hbm4b:s4+s6], $0x20, s23, s6, $0xb8;
	[tilespmem:$0x9400] =	vst v63  }
0x1e3: {  	_ =	swait.ge [sflag:s13], $0x1000  }
0x1e4: {  	s24 =	sld [smem:$0x753]  }
0x1e5: {  	[sflag:s13] =	ssyncset.done $0x0  }
0x1e6: {  	[sflag:s13] =	ssyncadd.s32 $0xFFFFF000  }
0x1e7: {  	[hbm4b:s24+s14] =	stream.strided.scatter [tilespmem:s7], [sflag:$0x5], $0x1000, s11, s14, $0x38;
	[tilespmem:$0x9400] =	vst v63  }
0x1e8: {  	_ =	swait.ge [sflag:s15], $0x1000  }
0x1e9: {  	[sflag:s15] =	ssyncset.done $0x0  }
0x1ea: {  	[sflag:s15] =	ssyncadd.s32 $0xFFFFF000  }
0x1eb: {  	[tilespmem:s7], [sflag:$0x1] =	stream.indirect.gather [hbm4b:s4+s6], $0x20, s29, s6, $0xb8;
	[tilespmem:$0x9400] =	vst v63  }
0x1ec: {  	_ =	swait.ge [sflag:s16], $0x1000  }
0x1ed: {  	s1 =	sld [smem:$0x754]  }
0x1ee: {  	[sflag:s16] =	ssyncset.done $0x0  }
0x1ef: {  	[sflag:s16] =	ssyncadd.s32 $0xFFFFF000  }
0x1f0: {  	[hbm4b:s1+s14] =	stream.strided.scatter [tilespmem:s8], [sflag:$0x6], $0x1000, s11, s14, $0x38;
	[tilespmem:$0x9400] =	vst v63  }
0x1f1: {  	_ =	swait.ge [sflag:s17], $0x1000  }
0x1f2: {  	s23 =	sld [smem:$0x7BC]  }
0x1f3: {  	[sflag:s17] =	ssyncset.done $0x0  }
0x1f4: {  	[sflag:s17] =	ssyncadd.s32 $0xFFFFF000  }
0x1f5: {  	[tilespmem:s8], [sflag:$0x2] =	stream.indirect.gather [hbm4b:s4+s6], $0x20, s23, s6, $0xb8;
	[tilespmem:$0x9400] =	vst v63  }
0x1f6: {  	_ =	swait.ge [sflag:s18], $0x1000  }
0x1f7: {  	s24 =	sld [smem:$0x755]  }
0x1f8: {  	[sflag:s18] =	ssyncset.done $0x0  }
0x1f9: {  	[sflag:s18] =	ssyncadd.s32 $0xFFFFF000  }
0x1fa: {  	[hbm4b:s24+s14] =	stream.strided.scatter [tilespmem:s9], [sflag:$0x7], $0x1000, s11, s14, $0x38;
	[tilespmem:$0x9400] =	vst v63  }
0x1fb: {  	_ =	swait.ge [sflag:s19], $0x1000  }
0x1fc: {  	s1 =	sld [smem:$0x7BD]  }
0x1fd: {  	[sflag:s19] =	ssyncset.done $0x0  }
0x1fe: {  	[sflag:s19] =	ssyncadd.s32 $0xFFFFF000  }
0x1ff: {  	[tilespmem:s9], [sflag:$0x3] =	stream.indirect.gather [hbm4b:s4+s6], $0x20, s1, s6, $0xb8;
	[tilespmem:$0x9400] =	vst v63  }
0x200: {  	_ =	swait.ge [sflag:s20], $0x1000  }
0x201: {  	s23 =	sld [smem:$0x756]  }
0x202: {  	[sflag:s20] =	ssyncset.done $0x0  }
0x203: {  	[sflag:s20] =	ssyncadd.s32 $0xFFFFF000  }
0x204: {  	[hbm4b:s23+s14] =	stream.strided.scatter [tilespmem:s12], [sflag:$0x8], $0x1000, s11, s14, $0x38;
	[tilespmem:$0x9400] =	vst v63  }
0x205: {  	_ =	swait.ge [sflag:s21], $0x1000  }
0x206: {  	s24 =	sld [smem:$0x7BE]  }
0x207: {  	[sflag:s21] =	ssyncset.done $0x0  }
0x208: {  	[sflag:s21] =	ssyncadd.s32 $0xFFFFF000  }
0x209: {  	[tilespmem:s12], [sflag:$0x4] =	stream.indirect.gather [hbm4b:s4+s6], $0x20, s24, s6, $0xb8;
	[tilespmem:$0x9400] =	vst v63  }
0x20a: {  	_ =	swait.ge [sflag:s13], $0x1000  }
0x20b: {  	s1 =	sld [smem:$0x757]  }
0x20c: {  	[sflag:s13] =	ssyncset.done $0x0  }
0x20d: {  	[sflag:s13] =	ssyncadd.s32 $0xFFFFF000  }
0x20e: {  	[hbm4b:s1+s14] =	stream.strided.scatter [tilespmem:s7], [sflag:$0x5], $0x1000, s11, s14, $0x38;
	[tilespmem:$0x9400] =	vst v63  }
0x20f: {  	_ =	swait.ge [sflag:s15], $0x1000  }
0x210: {  	[sflag:s15] =	ssyncset.done $0x0  }
0x211: {  	[sflag:s15] =	ssyncadd.s32 $0xFFFFF000  }
0x212: {  	[tilespmem:s7], [sflag:$0x1] =	stream.indirect.gather [hbm4b:s4+s6], $0x20, s30, s6, $0xb8;
	[tilespmem:$0x9400] =	vst v63  }
0x213: {  	_ =	swait.ge [sflag:s16], $0x1000  }
0x214: {  	s23 =	sld [smem:$0x758]  }
0x215: {  	[sflag:s16] =	ssyncset.done $0x0  }
0x216: {  	[sflag:s16] =	ssyncadd.s32 $0xFFFFF000  }
0x217: {  	[hbm4b:s23+s14] =	stream.strided.scatter [tilespmem:s8], [sflag:$0x6], $0x1000, s11, s14, $0x38;
	[tilespmem:$0x9400] =	vst v63  }
0x218: {  	_ =	swait.ge [sflag:s17], $0x1000  }
0x219: {  	s24 =	sld [smem:$0x7BF]  }
0x21a: {  	[sflag:s17] =	ssyncset.done $0x0  }
0x21b: {  	[sflag:s17] =	ssyncadd.s32 $0xFFFFF000  }
0x21c: {  	[tilespmem:s8], [sflag:$0x2] =	stream.indirect.gather [hbm4b:s4+s6], $0x20, s24, s6, $0xb8;
	[tilespmem:$0x9400] =	vst v63  }
0x21d: {  	_ =	swait.ge [sflag:s18], $0x1000  }
0x21e: {  	s1 =	sld [smem:$0x759]  }
0x21f: {  	[sflag:s18] =	ssyncset.done $0x0  }
0x220: {  	[sflag:s18] =	ssyncadd.s32 $0xFFFFF000  }
0x221: {  	[hbm4b:s1+s14] =	stream.strided.scatter [tilespmem:s9], [sflag:$0x7], $0x1000, s11, s14, $0x38;
	[tilespmem:$0x9400] =	vst v63  }
0x222: {  	_ =	swait.ge [sflag:s19], $0x1000  }
0x223: {  	s23 =	sld [smem:$0x7C0]  }
0x224: {  	[sflag:s19] =	ssyncset.done $0x0  }
0x225: {  	[sflag:s19] =	ssyncadd.s32 $0xFFFFF000  }
0x226: {  	[tilespmem:s9], [sflag:$0x3] =	stream.indirect.gather [hbm4b:s4+s6], $0x20, s23, s6, $0xb8;
	[tilespmem:$0x9400] =	vst v63  }
0x227: {  	_ =	swait.ge [sflag:s20], $0x1000  }
0x228: {  	s24 =	sld [smem:$0x75A]  }
0x229: {  	[sflag:s20] =	ssyncset.done $0x0  }
0x22a: {  	[sflag:s20] =	ssyncadd.s32 $0xFFFFF000  }
0x22b: {  	[hbm4b:s24+s14] =	stream.strided.scatter [tilespmem:s12], [sflag:$0x8], $0x1000, s11, s14, $0x38;
	[tilespmem:$0x9400] =	vst v63  }
0x22c: {  	_ =	swait.ge [sflag:s21], $0x1000  }
0x22d: {  	s1 =	sld [smem:$0x7C1]  }
0x22e: {  	[sflag:s21] =	ssyncset.done $0x0  }
0x22f: {  	[sflag:s21] =	ssyncadd.s32 $0xFFFFF000  }
0x230: {  	[tilespmem:s12], [sflag:$0x4] =	stream.indirect.gather [hbm4b:s4+s6], $0x20, s1, s6, $0xb8;
	[tilespmem:$0x9400] =	vst v63  }
0x231: {  	_ =	swait.ge [sflag:s13], $0x1000  }
0x232: {  	s23 =	sld [smem:$0x75B]  }
0x233: {  	[sflag:s13] =	ssyncset.done $0x0  }
0x234: {  	[sflag:s13] =	ssyncadd.s32 $0xFFFFF000  }
0x235: {  	[hbm4b:s23+s14] =	stream.strided.scatter [tilespmem:s7], [sflag:$0x5], $0x1000, s11, s14, $0x38;
	[tilespmem:$0x9400] =	vst v63  }
0x236: {  	_ =	swait.ge [sflag:s15], $0x1000  }
0x237: {  	[sflag:s15] =	ssyncset.done $0x0  }
0x238: {  	[sflag:s15] =	ssyncadd.s32 $0xFFFFF000  }
0x239: {  	[tilespmem:s7], [sflag:$0x1] =	stream.indirect.gather [hbm4b:s4+s6], $0x20, s31, s6, $0xb8;
	[tilespmem:$0x9400] =	vst v63  }
0x23a: {  	_ =	swait.ge [sflag:s16], $0x1000  }
0x23b: {  	s24 =	sld [smem:$0x75C]  }
0x23c: {  	[sflag:s16] =	ssyncset.done $0x0  }
0x23d: {  	[sflag:s16] =	ssyncadd.s32 $0xFFFFF000  }
0x23e: {  	[hbm4b:s24+s14] =	stream.strided.scatter [tilespmem:s8], [sflag:$0x6], $0x1000, s11, s14, $0x38;
	[tilespmem:$0x9400] =	vst v63  }
0x23f: {  	_ =	swait.ge [sflag:s17], $0x1000  }
0x240: {  	s1 =	sld [smem:$0x7C2]  }
0x241: {  	[sflag:s17] =	ssyncset.done $0x0  }
0x242: {  	[sflag:s17] =	ssyncadd.s32 $0xFFFFF000  }
0x243: {  	[tilespmem:s8], [sflag:$0x2] =	stream.indirect.gather [hbm4b:s4+s6], $0x20, s1, s6, $0xb8;
	[tilespmem:$0x9400] =	vst v63  }
0x244: {  	_ =	swait.ge [sflag:s18], $0x1000  }
0x245: {  	s23 =	sld [smem:$0x75D]  }
0x246: {  	[sflag:s18] =	ssyncset.done $0x0  }
0x247: {  	[sflag:s18] =	ssyncadd.s32 $0xFFFFF000  }
0x248: {  	[hbm4b:s23+s14] =	stream.strided.scatter [tilespmem:s9], [sflag:$0x7], $0x1000, s11, s14, $0x38;
	[tilespmem:$0x9400] =	vst v63  }
0x249: {  	_ =	swait.ge [sflag:s19], $0x1000  }
0x24a: {  	s24 =	sld [smem:$0x7C3]  }
0x24b: {  	[sflag:s19] =	ssyncset.done $0x0  }
0x24c: {  	[sflag:s19] =	ssyncadd.s32 $0xFFFFF000  }
0x24d: {  	[tilespmem:s9], [sflag:$0x3] =	stream.indirect.gather [hbm4b:s4+s6], $0x20, s24, s6, $0xb8;
	[tilespmem:$0x9400] =	vst v63  }
0x24e: {  	_ =	swait.ge [sflag:s20], $0x1000  }
0x24f: {  	s1 =	sld [smem:$0x75E]  }
0x250: {  	[sflag:s20] =	ssyncset.done $0x0  }
0x251: {  	[sflag:s20] =	ssyncadd.s32 $0xFFFFF000  }
0x252: {  	[hbm4b:s1+s14] =	stream.strided.scatter [tilespmem:s12], [sflag:$0x8], $0x1000, s11, s14, $0x38;
	[tilespmem:$0x9400] =	vst v63  }
0x253: {  	_ =	swait.ge [sflag:s21], $0x1000  }
0x254: {  	s23 =	sld [smem:$0x7C4]  }
0x255: {  	[sflag:s21] =	ssyncset.done $0x0  }
0x256: {  	[sflag:s21] =	ssyncadd.s32 $0xFFFFF000  }
0x257: {  	[tilespmem:s12], [sflag:$0x4] =	stream.indirect.gather [hbm4b:s4+s6], $0x20, s23, s6, $0xb8;
	[tilespmem:$0x9400] =	vst v63  }
0x258: {  	_ =	swait.ge [sflag:s13], $0x1000  }
0x259: {  	s24 =	sld [smem:$0x75F]  }
0x25a: {  	[sflag:s13] =	ssyncset.done $0x0  }
0x25b: {  	[sflag:s13] =	ssyncadd.s32 $0xFFFFF000  }
0x25c: {  	[hbm4b:s24+s14] =	stream.strided.scatter [tilespmem:s7], [sflag:$0x5], $0x1000, s11, s14, $0x38;
	[tilespmem:$0x9400] =	vst v63  }
0x25d: {  	_ =	swait.ge [sflag:s15], $0x1000  }
0x25e: {  	[sflag:s15] =	ssyncset.done $0x0  }
0x25f: {  	[sflag:s15] =	ssyncadd.s32 $0xFFFFF000  }
0x260: {  	[tilespmem:s7], [sflag:$0x1] =	stream.indirect.gather [hbm4b:s4+s6], $0x20, s3, s6, $0xb8;
	[tilespmem:$0x9400] =	vst v63  }
0x261: {  	_ =	swait.ge [sflag:s16], $0x1000  }
0x262: {  	s1 =	sld [smem:$0x760]  }
0x263: {  	[sflag:s16] =	ssyncset.done $0x0  }
0x264: {  	[sflag:s16] =	ssyncadd.s32 $0xFFFFF000  }
0x265: {  	[hbm4b:s1+s14] =	stream.strided.scatter [tilespmem:s8], [sflag:$0x6], $0x1000, s11, s14, $0x38;
	[tilespmem:$0x9400] =	vst v63  }
0x266: {  	_ =	swait.ge [sflag:s17], $0x1000  }
0x267: {  	s23 =	sld [smem:$0x7C5]  }
0x268: {  	[sflag:s17] =	ssyncset.done $0x0  }
0x269: {  	[sflag:s17] =	ssyncadd.s32 $0xFFFFF000  }
0x26a: {  	[tilespmem:s8], [sflag:$0x2] =	stream.indirect.gather [hbm4b:s4+s6], $0x20, s23, s6, $0xb8;
	[tilespmem:$0x9400] =	vst v63  }
0x26b: {  	_ =	swait.ge [sflag:s18], $0x1000  }
0x26c: {  	s24 =	sld [smem:$0x761]  }
0x26d: {  	[sflag:s18] =	ssyncset.done $0x0  }
0x26e: {  	[sflag:s18] =	ssyncadd.s32 $0xFFFFF000  }
0x26f: {  	[hbm4b:s24+s14] =	stream.strided.scatter [tilespmem:s9], [sflag:$0x7], $0x1000, s11, s14, $0x38;
	[tilespmem:$0x9400] =	vst v63  }
0x270: {  	_ =	swait.ge [sflag:s19], $0x1000  }
0x271: {  	s1 =	sld [smem:$0x7C6]  }
0x272: {  	[sflag:s19] =	ssyncset.done $0x0  }
0x273: {  	[sflag:s19] =	ssyncadd.s32 $0xFFFFF000  }
0x274: {  	[tilespmem:s9], [sflag:$0x3] =	stream.indirect.gather [hbm4b:s4+s6], $0x20, s1, s6, $0xb8;
	[tilespmem:$0x9400] =	vst v63  }
0x275: {  	_ =	swait.ge [sflag:s20], $0x1000  }
0x276: {  	s23 =	sld [smem:$0x762]  }
0x277: {  	[sflag:s20] =	ssyncset.done $0x0  }
0x278: {  	[sflag:s20] =	ssyncadd.s32 $0xFFFFF000  }
0x279: {  	[hbm4b:s23+s14] =	stream.strided.scatter [tilespmem:s12], [sflag:$0x8], $0x1000, s11, s14, $0x38;
	[tilespmem:$0x9400] =	vst v63  }
0x27a: {  	_ =	swait.ge [sflag:s21], $0x1000  }
0x27b: {  	s24 =	sld [smem:$0x7C7]  }
0x27c: {  	[sflag:s21] =	ssyncset.done $0x0  }
0x27d: {  	[sflag:s21] =	ssyncadd.s32 $0xFFFFF000  }
0x27e: {  	[tilespmem:s12], [sflag:$0x4] =	stream.indirect.gather [hbm4b:s4+s6], $0x20, s24, s6, $0xb8;
	[tilespmem:$0x9400] =	vst v63  }
0x27f: {  	_ =	swait.ge [sflag:s13], $0x1000  }
0x280: {  	s1 =	sld [smem:$0x763]  }
0x281: {  	[sflag:s13] =	ssyncset.done $0x0  }
0x282: {  	[sflag:s13] =	ssyncadd.s32 $0xFFFFF000  }
0x283: {  	[hbm4b:s1+s14] =	stream.strided.scatter [tilespmem:s7], [sflag:$0x5], $0x1000, s11, s14, $0x38;
	[tilespmem:$0x9400] =	vst v63  }
0x284: {  	_ =	swait.ge [sflag:s15], $0x1000  }
0x285: {  	[sflag:s15] =	ssyncset.done $0x0  }
0x286: {  	[sflag:s15] =	ssyncadd.s32 $0xFFFFF000  }
0x287: {  	[tilespmem:s7], [sflag:$0x1] =	stream.indirect.gather [hbm4b:s4+s6], $0x20, s10, s6, $0xb8;
	[tilespmem:$0x9400] =	vst v63  }
0x288: {  	_ =	swait.ge [sflag:s16], $0x1000  }
0x289: {  	s23 =	sld [smem:$0x764]  }
0x28a: {  	[sflag:s16] =	ssyncset.done $0x0  }
0x28b: {  	[sflag:s16] =	ssyncadd.s32 $0xFFFFF000  }
0x28c: {  	[hbm4b:s23+s14] =	stream.strided.scatter [tilespmem:s8], [sflag:$0x6], $0x1000, s11, s14, $0x38;
	[tilespmem:$0x9400] =	vst v63  }
0x28d: {  	_ =	swait.ge [sflag:s17], $0x1000  }
0x28e: {  	s24 =	sld [smem:$0x7C8]  }
0x28f: {  	[sflag:s17] =	ssyncset.done $0x0  }
0x290: {  	[sflag:s17] =	ssyncadd.s32 $0xFFFFF000  }
0x291: {  	[tilespmem:s8], [sflag:$0x2] =	stream.indirect.gather [hbm4b:s4+s6], $0x20, s24, s6, $0xb8;
	[tilespmem:$0x9400] =	vst v63  }
0x292: {  	_ =	swait.ge [sflag:s18], $0x1000  }
0x293: {  	s1 =	sld [smem:$0x765]  }
0x294: {  	[sflag:s18] =	ssyncset.done $0x0  }
0x295: {  	[sflag:s18] =	ssyncadd.s32 $0xFFFFF000  }
0x296: {  	[hbm4b:s1+s14] =	stream.strided.scatter [tilespmem:s9], [sflag:$0x7], $0x1000, s11, s14, $0x38;
	[tilespmem:$0x9400] =	vst v63  }
0x297: {  	_ =	swait.ge [sflag:s19], $0x1000  }
0x298: {  	s23 =	sld [smem:$0x7C9]  }
0x299: {  	[sflag:s19] =	ssyncset.done $0x0  }
0x29a: {  	[sflag:s19] =	ssyncadd.s32 $0xFFFFF000  }
0x29b: {  	[tilespmem:s9], [sflag:$0x3] =	stream.indirect.gather [hbm4b:s4+s6], $0x20, s23, s6, $0xb8;
	[tilespmem:$0x9400] =	vst v63  }
0x29c: {  	_ =	swait.ge [sflag:s20], $0x1000  }
0x29d: {  	s24 =	sld [smem:$0x766]  }
0x29e: {  	[sflag:s20] =	ssyncset.done $0x0  }
0x29f: {  	[sflag:s20] =	ssyncadd.s32 $0xFFFFF000  }
0x2a0: {  	[hbm4b:s24+s14] =	stream.strided.scatter [tilespmem:s12], [sflag:$0x8], $0x1000, s11, s14, $0x38;
	[tilespmem:$0x9400] =	vst v63  }
0x2a1: {  	_ =	swait.ge [sflag:s21], $0x1000  }
0x2a2: {  	s1 =	sld [smem:$0x7CA]  }
0x2a3: {  	[sflag:s21] =	ssyncset.done $0x0  }
0x2a4: {  	[sflag:s21] =	ssyncadd.s32 $0xFFFFF000  }
0x2a5: {  	[tilespmem:s12], [sflag:$0x4] =	stream.indirect.gather [hbm4b:s4+s6], $0x20, s1, s6, $0xb8;
	[tilespmem:$0x9400] =	vst v63  }
0x2a6: {  	_ =	swait.ge [sflag:s13], $0x1000  }
0x2a7: {  	s23 =	sld [smem:$0x767]  }
0x2a8: {  	[sflag:s13] =	ssyncset.done $0x0  }
0x2a9: {  	[sflag:s13] =	ssyncadd.s32 $0xFFFFF000  }
0x2aa: {  	[hbm4b:s23+s14] =	stream.strided.scatter [tilespmem:s7], [sflag:$0x5], $0x1000, s11, s14, $0x38;
	[tilespmem:$0x9400] =	vst v63  }
0x2ab: {  	_ =	swait.ge [sflag:s15], $0x1000  }
0x2ac: {  	[sflag:s15] =	ssyncset.done $0x0  }
0x2ad: {  	s24 =	simm.s32 $0x1200;
	[sflag:s15] =	ssyncadd.s32 $0xFFFFF000  }
0x2ae: {  	[tilespmem:s7], [sflag:$0x1] =	stream.indirect.gather [hbm4b:s4+s6], $0x20, s24, s6, $0xb8;
	[tilespmem:$0x9400] =	vst v63  }
0x2af: {  	_ =	swait.ge [sflag:s16], $0x1000  }
0x2b0: {  	s1 =	sld [smem:$0x768]  }
0x2b1: {  	[sflag:s16] =	ssyncset.done $0x0  }
0x2b2: {  	[sflag:s16] =	ssyncadd.s32 $0xFFFFF000  }
0x2b3: {  	[hbm4b:s1+s14] =	stream.strided.scatter [tilespmem:s8], [sflag:$0x6], $0x1000, s11, s14, $0x38;
	[tilespmem:$0x9400] =	vst v63  }
0x2b4: {  	_ =	swait.ge [sflag:s17], $0x1000  }
0x2b5: {  	s23 =	sld [smem:$0x7CB]  }
0x2b6: {  	[sflag:s17] =	ssyncset.done $0x0  }
0x2b7: {  	[sflag:s17] =	ssyncadd.s32 $0xFFFFF000  }
0x2b8: {  	[tilespmem:s8], [sflag:$0x2] =	stream.indirect.gather [hbm4b:s4+s6], $0x20, s23, s6, $0xb8;
	[tilespmem:$0x9400] =	vst v63  }
0x2b9: {  	_ =	swait.ge [sflag:s18], $0x1000  }
0x2ba: {  	s24 =	sld [smem:$0x769]  }
0x2bb: {  	[sflag:s18] =	ssyncset.done $0x0  }
0x2bc: {  	[sflag:s18] =	ssyncadd.s32 $0xFFFFF000  }
0x2bd: {  	[hbm4b:s24+s14] =	stream.strided.scatter [tilespmem:s9], [sflag:$0x7], $0x1000, s11, s14, $0x38;
	[tilespmem:$0x9400] =	vst v63  }
0x2be: {  	_ =	swait.ge [sflag:s19], $0x1000  }
0x2bf: {  	s1 =	sld [smem:$0x7CC]  }
0x2c0: {  	[sflag:s19] =	ssyncset.done $0x0  }
0x2c1: {  	[sflag:s19] =	ssyncadd.s32 $0xFFFFF000  }
0x2c2: {  	[tilespmem:s9], [sflag:$0x3] =	stream.indirect.gather [hbm4b:s4+s6], $0x20, s1, s6, $0xb8;
	[tilespmem:$0x9400] =	vst v63  }
0x2c3: {  	_ =	swait.ge [sflag:s20], $0x1000  }
0x2c4: {  	s23 =	sld [smem:$0x76A]  }
0x2c5: {  	[sflag:s20] =	ssyncset.done $0x0  }
0x2c6: {  	[sflag:s20] =	ssyncadd.s32 $0xFFFFF000  }
0x2c7: {  	[hbm4b:s23+s14] =	stream.strided.scatter [tilespmem:s12], [sflag:$0x8], $0x1000, s11, s14, $0x38;
	[tilespmem:$0x9400] =	vst v63  }
0x2c8: {  	_ =	swait.ge [sflag:s21], $0x1000  }
0x2c9: {  	s24 =	sld [smem:$0x7CD]  }
0x2ca: {  	[sflag:s21] =	ssyncset.done $0x0  }
0x2cb: {  	[sflag:s21] =	ssyncadd.s32 $0xFFFFF000  }
0x2cc: {  	[tilespmem:s12], [sflag:$0x4] =	stream.indirect.gather [hbm4b:s4+s6], $0x20, s24, s6, $0xb8;
	[tilespmem:$0x9400] =	vst v63  }
0x2cd: {  	_ =	swait.ge [sflag:s13], $0x1000  }
0x2ce: {  	s1 =	sld [smem:$0x76B]  }
0x2cf: {  	[sflag:s13] =	ssyncset.done $0x0  }
0x2d0: {  	[sflag:s13] =	ssyncadd.s32 $0xFFFFF000  }
0x2d1: {  	[hbm4b:s1+s14] =	stream.strided.scatter [tilespmem:s7], [sflag:$0x5], $0x1000, s11, s14, $0x38;
	[tilespmem:$0x9400] =	vst v63  }
0x2d2: {  	_ =	swait.ge [sflag:s15], $0x1000  }
0x2d3: {  	[sflag:s15] =	ssyncset.done $0x0  }
0x2d4: {  	s22 =	simm.s32 $0x1400;
	[sflag:s15] =	ssyncadd.s32 $0xFFFFF000  }
0x2d5: {  	[tilespmem:s7], [sflag:$0x1] =	stream.indirect.gather [hbm4b:s4+s6], $0x20, s22, s6, $0xb8;
	[tilespmem:$0x9400] =	vst v63  }
0x2d6: {  	_ =	swait.ge [sflag:s16], $0x1000  }
0x2d7: {  	s23 =	sld [smem:$0x76C]  }
0x2d8: {  	[sflag:s16] =	ssyncset.done $0x0  }
0x2d9: {  	[sflag:s16] =	ssyncadd.s32 $0xFFFFF000  }
0x2da: {  	[hbm4b:s23+s14] =	stream.strided.scatter [tilespmem:s8], [sflag:$0x6], $0x1000, s11, s14, $0x38;
	[tilespmem:$0x9400] =	vst v63  }
0x2db: {  	_ =	swait.ge [sflag:s17], $0x1000  }
0x2dc: {  	s24 =	sld [smem:$0x7CE]  }
0x2dd: {  	[sflag:s17] =	ssyncset.done $0x0  }
0x2de: {  	[sflag:s17] =	ssyncadd.s32 $0xFFFFF000  }
0x2df: {  	[tilespmem:s8], [sflag:$0x2] =	stream.indirect.gather [hbm4b:s4+s6], $0x20, s24, s6, $0xb8;
	[tilespmem:$0x9400] =	vst v63  }
0x2e0: {  	_ =	swait.ge [sflag:s18], $0x1000  }
0x2e1: {  	s1 =	sld [smem:$0x76D]  }
0x2e2: {  	[sflag:s18] =	ssyncset.done $0x0  }
0x2e3: {  	[sflag:s18] =	ssyncadd.s32 $0xFFFFF000  }
0x2e4: {  	[hbm4b:s1+s14] =	stream.strided.scatter [tilespmem:s9], [sflag:$0x7], $0x1000, s11, s14, $0x38;
	[tilespmem:$0x9400] =	vst v63  }
0x2e5: {  	_ =	swait.ge [sflag:s19], $0x1000  }
0x2e6: {  	s23 =	sld [smem:$0x7CF]  }
0x2e7: {  	[sflag:s19] =	ssyncset.done $0x0  }
0x2e8: {  	[sflag:s19] =	ssyncadd.s32 $0xFFFFF000  }
0x2e9: {  	[tilespmem:s9], [sflag:$0x3] =	stream.indirect.gather [hbm4b:s4+s6], $0x20, s23, s6, $0xb8;
	[tilespmem:$0x9400] =	vst v63  }
0x2ea: {  	_ =	swait.ge [sflag:s20], $0x1000  }
0x2eb: {  	s24 =	sld [smem:$0x76E]  }
0x2ec: {  	[sflag:s20] =	ssyncset.done $0x0  }
0x2ed: {  	[sflag:s20] =	ssyncadd.s32 $0xFFFFF000  }
0x2ee: {  	[hbm4b:s24+s14] =	stream.strided.scatter [tilespmem:s12], [sflag:$0x8], $0x1000, s11, s14, $0x38;
	[tilespmem:$0x9400] =	vst v63  }
0x2ef: {  	_ =	swait.ge [sflag:s21], $0x1000  }
0x2f0: {  	s1 =	sld [smem:$0x7D0]  }
0x2f1: {  	[sflag:s21] =	ssyncset.done $0x0  }
0x2f2: {  	[sflag:s21] =	ssyncadd.s32 $0xFFFFF000  }
0x2f3: {  	[tilespmem:s12], [sflag:$0x4] =	stream.indirect.gather [hbm4b:s4+s6], $0x20, s1, s6, $0xb8;
	[tilespmem:$0x9400] =	vst v63  }
0x2f4: {  	_ =	swait.ge [sflag:s13], $0x1000  }
0x2f5: {  	s23 =	sld [smem:$0x76F]  }
0x2f6: {  	[sflag:s13] =	ssyncset.done $0x0  }
0x2f7: {  	[sflag:s13] =	ssyncadd.s32 $0xFFFFF000  }
0x2f8: {  	[hbm4b:s23+s14] =	stream.strided.scatter [tilespmem:s7], [sflag:$0x5], $0x1000, s11, s14, $0x38;
	[tilespmem:$0x9400] =	vst v63  }
0x2f9: {  	_ =	swait.ge [sflag:s15], $0x1000  }
0x2fa: {  	[sflag:s15] =	ssyncset.done $0x0  }
0x2fb: {  	s24 =	simm.s32 $0x1600;
	[sflag:s15] =	ssyncadd.s32 $0xFFFFF000  }
0x2fc: {  	[tilespmem:s7], [sflag:$0x1] =	stream.indirect.gather [hbm4b:s4+s6], $0x20, s24, s6, $0xb8;
	[tilespmem:$0x9400] =	vst v63  }
0x2fd: {  	_ =	swait.ge [sflag:s16], $0x1000  }
0x2fe: {  	s1 =	sld [smem:$0x770]  }
0x2ff: {  	[sflag:s16] =	ssyncset.done $0x0  }
0x300: {  	[sflag:s16] =	ssyncadd.s32 $0xFFFFF000  }
0x301: {  	[hbm4b:s1+s14] =	stream.strided.scatter [tilespmem:s8], [sflag:$0x6], $0x1000, s11, s14, $0x38;
	[tilespmem:$0x9400] =	vst v63  }
0x302: {  	_ =	swait.ge [sflag:s17], $0x1000  }
0x303: {  	s23 =	sld [smem:$0x7D1]  }
0x304: {  	[sflag:s17] =	ssyncset.done $0x0  }
0x305: {  	[sflag:s17] =	ssyncadd.s32 $0xFFFFF000  }
0x306: {  	[tilespmem:s8], [sflag:$0x2] =	stream.indirect.gather [hbm4b:s4+s6], $0x20, s23, s6, $0xb8;
	[tilespmem:$0x9400] =	vst v63  }
0x307: {  	_ =	swait.ge [sflag:s18], $0x1000  }
0x308: {  	s24 =	sld [smem:$0x771]  }
0x309: {  	[sflag:s18] =	ssyncset.done $0x0  }
0x30a: {  	[sflag:s18] =	ssyncadd.s32 $0xFFFFF000  }
0x30b: {  	[hbm4b:s24+s14] =	stream.strided.scatter [tilespmem:s9], [sflag:$0x7], $0x1000, s11, s14, $0x38;
	[tilespmem:$0x9400] =	vst v63  }
0x30c: {  	_ =	swait.ge [sflag:s19], $0x1000  }
0x30d: {  	s1 =	sld [smem:$0x7D2]  }
0x30e: {  	[sflag:s19] =	ssyncset.done $0x0  }
0x30f: {  	[sflag:s19] =	ssyncadd.s32 $0xFFFFF000  }
0x310: {  	[tilespmem:s9], [sflag:$0x3] =	stream.indirect.gather [hbm4b:s4+s6], $0x20, s1, s6, $0xb8;
	[tilespmem:$0x9400] =	vst v63  }
0x311: {  	_ =	swait.ge [sflag:s20], $0x1000  }
0x312: {  	s23 =	sld [smem:$0x772]  }
0x313: {  	[sflag:s20] =	ssyncset.done $0x0  }
0x314: {  	[sflag:s20] =	ssyncadd.s32 $0xFFFFF000  }
0x315: {  	[hbm4b:s23+s14] =	stream.strided.scatter [tilespmem:s12], [sflag:$0x8], $0x1000, s11, s14, $0x38;
	[tilespmem:$0x9400] =	vst v63  }
0x316: {  	_ =	swait.ge [sflag:s21], $0x1000  }
0x317: {  	s24 =	sld [smem:$0x7D3]  }
0x318: {  	[sflag:s21] =	ssyncset.done $0x0  }
0x319: {  	[sflag:s21] =	ssyncadd.s32 $0xFFFFF000  }
0x31a: {  	[tilespmem:s12], [sflag:$0x4] =	stream.indirect.gather [hbm4b:s4+s6], $0x20, s24, s6, $0xb8;
	[tilespmem:$0x9400] =	vst v63  }
0x31b: {  	_ =	swait.ge [sflag:s13], $0x1000  }
0x31c: {  	s1 =	sld [smem:$0x773]  }
0x31d: {  	[sflag:s13] =	ssyncset.done $0x0  }
0x31e: {  	[sflag:s13] =	ssyncadd.s32 $0xFFFFF000  }
0x31f: {  	[hbm4b:s1+s14] =	stream.strided.scatter [tilespmem:s7], [sflag:$0x5], $0x1000, s11, s14, $0x38;
	[tilespmem:$0x9400] =	vst v63  }
0x320: {  	_ =	swait.ge [sflag:s15], $0x1000  }
0x321: {  	[sflag:s15] =	ssyncset.done $0x0  }
0x322: {  	s22 =	simm.s32 $0x1800;
	[sflag:s15] =	ssyncadd.s32 $0xFFFFF000  }
0x323: {  	[tilespmem:s7], [sflag:$0x1] =	stream.indirect.gather [hbm4b:s4+s6], $0x20, s22, s6, $0xb8;
	[tilespmem:$0x9400] =	vst v63  }
0x324: {  	_ =	swait.ge [sflag:s16], $0x1000  }
0x325: {  	s23 =	sld [smem:$0x774]  }
0x326: {  	[sflag:s16] =	ssyncset.done $0x0  }
0x327: {  	[sflag:s16] =	ssyncadd.s32 $0xFFFFF000  }
0x328: {  	[hbm4b:s23+s14] =	stream.strided.scatter [tilespmem:s8], [sflag:$0x6], $0x1000, s11, s14, $0x38;
	[tilespmem:$0x9400] =	vst v63  }
0x329: {  	_ =	swait.ge [sflag:s17], $0x1000  }
0x32a: {  	s24 =	sld [smem:$0x7D4]  }
0x32b: {  	[sflag:s17] =	ssyncset.done $0x0  }
0x32c: {  	[sflag:s17] =	ssyncadd.s32 $0xFFFFF000  }
0x32d: {  	[tilespmem:s8], [sflag:$0x2] =	stream.indirect.gather [hbm4b:s4+s6], $0x20, s24, s6, $0xb8;
	[tilespmem:$0x9400] =	vst v63  }
0x32e: {  	_ =	swait.ge [sflag:s18], $0x1000  }
0x32f: {  	s1 =	sld [smem:$0x775]  }
0x330: {  	[sflag:s18] =	ssyncset.done $0x0  }
0x331: {  	[sflag:s18] =	ssyncadd.s32 $0xFFFFF000  }
0x332: {  	[hbm4b:s1+s14] =	stream.strided.scatter [tilespmem:s9], [sflag:$0x7], $0x1000, s11, s14, $0x38;
	[tilespmem:$0x9400] =	vst v63  }
0x333: {  	_ =	swait.ge [sflag:s19], $0x1000  }
0x334: {  	s23 =	sld [smem:$0x7D5]  }
0x335: {  	[sflag:s19] =	ssyncset.done $0x0  }
0x336: {  	[sflag:s19] =	ssyncadd.s32 $0xFFFFF000  }
0x337: {  	[tilespmem:s9], [sflag:$0x3] =	stream.indirect.gather [hbm4b:s4+s6], $0x20, s23, s6, $0xb8;
	[tilespmem:$0x9400] =	vst v63  }
0x338: {  	_ =	swait.ge [sflag:s20], $0x1000  }
0x339: {  	s24 =	sld [smem:$0x776]  }
0x33a: {  	[sflag:s20] =	ssyncset.done $0x0  }
0x33b: {  	[sflag:s20] =	ssyncadd.s32 $0xFFFFF000  }
0x33c: {  	[hbm4b:s24+s14] =	stream.strided.scatter [tilespmem:s12], [sflag:$0x8], $0x1000, s11, s14, $0x38;
	[tilespmem:$0x9400] =	vst v63  }
0x33d: {  	_ =	swait.ge [sflag:s21], $0x1000  }
0x33e: {  	s1 =	sld [smem:$0x7D6]  }
0x33f: {  	[sflag:s21] =	ssyncset.done $0x0  }
0x340: {  	[sflag:s21] =	ssyncadd.s32 $0xFFFFF000  }
0x341: {  	[tilespmem:s12], [sflag:$0x4] =	stream.indirect.gather [hbm4b:s4+s6], $0x20, s1, s6, $0xb8;
	[tilespmem:$0x9400] =	vst v63  }
0x342: {  	_ =	swait.ge [sflag:s13], $0x1000  }
0x343: {  	s23 =	sld [smem:$0x777]  }
0x344: {  	[sflag:s13] =	ssyncset.done $0x0  }
0x345: {  	[sflag:s13] =	ssyncadd.s32 $0xFFFFF000  }
0x346: {  	[hbm4b:s23+s14] =	stream.strided.scatter [tilespmem:s7], [sflag:$0x5], $0x1000, s11, s14, $0x38;
	[tilespmem:$0x9400] =	vst v63  }
0x347: {  	_ =	swait.ge [sflag:s15], $0x1000  }
0x348: {  	[sflag:s15] =	ssyncset.done $0x0  }
0x349: {  	s24 =	simm.s32 $0x1A00;
	[sflag:s15] =	ssyncadd.s32 $0xFFFFF000  }
0x34a: {  	[tilespmem:s7], [sflag:$0x1] =	stream.indirect.gather [hbm4b:s4+s6], $0x20, s24, s6, $0xb8;
	[tilespmem:$0x9400] =	vst v63  }
0x34b: {  	_ =	swait.ge [sflag:s16], $0x1000  }
0x34c: {  	s1 =	sld [smem:$0x778]  }
0x34d: {  	[sflag:s16] =	ssyncset.done $0x0  }
0x34e: {  	[sflag:s16] =	ssyncadd.s32 $0xFFFFF000  }
0x34f: {  	[hbm4b:s1+s14] =	stream.strided.scatter [tilespmem:s8], [sflag:$0x6], $0x1000, s11, s14, $0x38;
	[tilespmem:$0x9400] =	vst v63  }
0x350: {  	_ =	swait.ge [sflag:s17], $0x1000  }
0x351: {  	s23 =	sld [smem:$0x7D7]  }
0x352: {  	[sflag:s17] =	ssyncset.done $0x0  }
0x353: {  	[sflag:s17] =	ssyncadd.s32 $0xFFFFF000  }
0x354: {  	[tilespmem:s8], [sflag:$0x2] =	stream.indirect.gather [hbm4b:s4+s6], $0x20, s23, s6, $0xb8;
	[tilespmem:$0x9400] =	vst v63  }
0x355: {  	_ =	swait.ge [sflag:s18], $0x1000  }
0x356: {  	s24 =	sld [smem:$0x779]  }
0x357: {  	[sflag:s18] =	ssyncset.done $0x0  }
0x358: {  	[sflag:s18] =	ssyncadd.s32 $0xFFFFF000  }
0x359: {  	[hbm4b:s24+s14] =	stream.strided.scatter [tilespmem:s9], [sflag:$0x7], $0x1000, s11, s14, $0x38;
	[tilespmem:$0x9400] =	vst v63  }
0x35a: {  	_ =	swait.ge [sflag:s19], $0x1000  }
0x35b: {  	s1 =	sld [smem:$0x7D8]  }
0x35c: {  	[sflag:s19] =	ssyncset.done $0x0  }
0x35d: {  	[sflag:s19] =	ssyncadd.s32 $0xFFFFF000  }
0x35e: {  	[tilespmem:s9], [sflag:$0x3] =	stream.indirect.gather [hbm4b:s4+s6], $0x20, s1, s6, $0xb8;
	[tilespmem:$0x9400] =	vst v63  }
0x35f: {  	_ =	swait.ge [sflag:s20], $0x1000  }
0x360: {  	s23 =	sld [smem:$0x77A]  }
0x361: {  	[sflag:s20] =	ssyncset.done $0x0  }
0x362: {  	[sflag:s20] =	ssyncadd.s32 $0xFFFFF000  }
0x363: {  	[hbm4b:s23+s14] =	stream.strided.scatter [tilespmem:s12], [sflag:$0x8], $0x1000, s11, s14, $0x38;
	[tilespmem:$0x9400] =	vst v63  }
0x364: {  	_ =	swait.ge [sflag:s21], $0x1000  }
0x365: {  	s24 =	sld [smem:$0x7D9]  }
0x366: {  	[sflag:s21] =	ssyncset.done $0x0  }
0x367: {  	[sflag:s21] =	ssyncadd.s32 $0xFFFFF000  }
0x368: {  	[tilespmem:s12], [sflag:$0x4] =	stream.indirect.gather [hbm4b:s4+s6], $0x20, s24, s6, $0xb8;
	[tilespmem:$0x9400] =	vst v63  }
0x369: {  	_ =	swait.ge [sflag:s13], $0x1000  }
0x36a: {  	s1 =	sld [smem:$0x77B]  }
0x36b: {  	[sflag:s13] =	ssyncset.done $0x0  }
0x36c: {  	[sflag:s13] =	ssyncadd.s32 $0xFFFFF000  }
0x36d: {  	[hbm4b:s1+s14] =	stream.strided.scatter [tilespmem:s7], [sflag:$0x5], $0x1000, s11, s14, $0x38;
	[tilespmem:$0x9400] =	vst v63  }
0x36e: {  	_ =	swait.ge [sflag:s15], $0x1000  }
0x36f: {  	[sflag:s15] =	ssyncset.done $0x0  }
0x370: {  	s22 =	simm.s32 $0x1C00;
	[sflag:s15] =	ssyncadd.s32 $0xFFFFF000  }
0x371: {  	[tilespmem:s7], [sflag:$0x1] =	stream.indirect.gather [hbm4b:s4+s6], $0x20, s22, s6, $0xb8;
	[tilespmem:$0x9400] =	vst v63  }
0x372: {  	_ =	swait.ge [sflag:s16], $0x1000  }
0x373: {  	s23 =	sld [smem:$0x77C]  }
0x374: {  	[sflag:s16] =	ssyncset.done $0x0  }
0x375: {  	[sflag:s16] =	ssyncadd.s32 $0xFFFFF000  }
0x376: {  	[hbm4b:s23+s14] =	stream.strided.scatter [tilespmem:s8], [sflag:$0x6], $0x1000, s11, s14, $0x38;
	[tilespmem:$0x9400] =	vst v63  }
0x377: {  	_ =	swait.ge [sflag:s17], $0x1000  }
0x378: {  	s24 =	sld [smem:$0x7DA]  }
0x379: {  	[sflag:s17] =	ssyncset.done $0x0  }
0x37a: {  	[sflag:s17] =	ssyncadd.s32 $0xFFFFF000  }
0x37b: {  	[tilespmem:s8], [sflag:$0x2] =	stream.indirect.gather [hbm4b:s4+s6], $0x20, s24, s6, $0xb8;
	[tilespmem:$0x9400] =	vst v63  }
0x37c: {  	_ =	swait.ge [sflag:s18], $0x1000  }
0x37d: {  	s1 =	sld [smem:$0x77D]  }
0x37e: {  	[sflag:s18] =	ssyncset.done $0x0  }
0x37f: {  	[sflag:s18] =	ssyncadd.s32 $0xFFFFF000  }
0x380: {  	[hbm4b:s1+s14] =	stream.strided.scatter [tilespmem:s9], [sflag:$0x7], $0x1000, s11, s14, $0x38;
	[tilespmem:$0x9400] =	vst v63  }
0x381: {  	_ =	swait.ge [sflag:s19], $0x1000  }
0x382: {  	s23 =	sld [smem:$0x7DB]  }
0x383: {  	[sflag:s19] =	ssyncset.done $0x0  }
0x384: {  	[sflag:s19] =	ssyncadd.s32 $0xFFFFF000  }
0x385: {  	[tilespmem:s9], [sflag:$0x3] =	stream.indirect.gather [hbm4b:s4+s6], $0x20, s23, s6, $0xb8;
	[tilespmem:$0x9400] =	vst v63  }
0x386: {  	_ =	swait.ge [sflag:s20], $0x1000  }
0x387: {  	s24 =	sld [smem:$0x77E]  }
0x388: {  	[sflag:s20] =	ssyncset.done $0x0  }
0x389: {  	[sflag:s20] =	ssyncadd.s32 $0xFFFFF000  }
0x38a: {  	[hbm4b:s24+s14] =	stream.strided.scatter [tilespmem:s12], [sflag:$0x8], $0x1000, s11, s14, $0x38;
	[tilespmem:$0x9400] =	vst v63  }
0x38b: {  	_ =	swait.ge [sflag:s21], $0x1000  }
0x38c: {  	s1 =	sld [smem:$0x7DC]  }
0x38d: {  	[sflag:s21] =	ssyncset.done $0x0  }
0x38e: {  	[sflag:s21] =	ssyncadd.s32 $0xFFFFF000  }
0x38f: {  	[tilespmem:s12], [sflag:$0x4] =	stream.indirect.gather [hbm4b:s4+s6], $0x20, s1, s6, $0xb8;
	[tilespmem:$0x9400] =	vst v63  }
0x390: {  	_ =	swait.ge [sflag:s13], $0x1000  }
0x391: {  	s23 =	sld [smem:$0x77F]  }
0x392: {  	[sflag:s13] =	ssyncset.done $0x0  }
0x393: {  	[sflag:s13] =	ssyncadd.s32 $0xFFFFF000  }
0x394: {  	[hbm4b:s23+s14] =	stream.strided.scatter [tilespmem:s7], [sflag:$0x5], $0x1000, s11, s14, $0x38;
	[tilespmem:$0x9400] =	vst v63  }
0x395: {  	_ =	swait.ge [sflag:s15], $0x1000  }
0x396: {  	[sflag:s15] =	ssyncset.done $0x0  }
0x397: {  	s24 =	simm.s32 $0x1E00;
	[sflag:s15] =	ssyncadd.s32 $0xFFFFF000  }
0x398: {  	[tilespmem:s7], [sflag:$0x1] =	stream.indirect.gather [hbm4b:s4+s6], $0x20, s24, s6, $0xb8;
	[tilespmem:$0x9400] =	vst v63  }
0x399: {  	_ =	swait.ge [sflag:s16], $0x1000  }
0x39a: {  	s1 =	sld [smem:$0x780]  }
0x39b: {  	[sflag:s16] =	ssyncset.done $0x0  }
0x39c: {  	[sflag:s16] =	ssyncadd.s32 $0xFFFFF000  }
0x39d: {  	[hbm4b:s1+s14] =	stream.strided.scatter [tilespmem:s8], [sflag:$0x6], $0x1000, s11, s14, $0x38;
	[tilespmem:$0x9400] =	vst v63  }
0x39e: {  	_ =	swait.ge [sflag:s17], $0x1000  }
0x39f: {  	s23 =	sld [smem:$0x7DD]  }
0x3a0: {  	[sflag:s17] =	ssyncset.done $0x0  }
0x3a1: {  	[sflag:s17] =	ssyncadd.s32 $0xFFFFF000  }
0x3a2: {  	[tilespmem:s8], [sflag:$0x2] =	stream.indirect.gather [hbm4b:s4+s6], $0x20, s23, s6, $0xb8;
	[tilespmem:$0x9400] =	vst v63  }
0x3a3: {  	_ =	swait.ge [sflag:s18], $0x1000  }
0x3a4: {  	s24 =	sld [smem:$0x781]  }
0x3a5: {  	[sflag:s18] =	ssyncset.done $0x0  }
0x3a6: {  	[sflag:s18] =	ssyncadd.s32 $0xFFFFF000  }
0x3a7: {  	[hbm4b:s24+s14] =	stream.strided.scatter [tilespmem:s9], [sflag:$0x7], $0x1000, s11, s14, $0x38;
	[tilespmem:$0x9400] =	vst v63  }
0x3a8: {  	_ =	swait.ge [sflag:s19], $0x1000  }
0x3a9: {  	s1 =	sld [smem:$0x7DE]  }
0x3aa: {  	[sflag:s19] =	ssyncset.done $0x0  }
0x3ab: {  	[sflag:s19] =	ssyncadd.s32 $0xFFFFF000  }
0x3ac: {  	[tilespmem:s9], [sflag:$0x3] =	stream.indirect.gather [hbm4b:s4+s6], $0x20, s1, s6, $0xb8;
	[tilespmem:$0x9400] =	vst v63  }
0x3ad: {  	_ =	swait.ge [sflag:s20], $0x1000  }
0x3ae: {  	s23 =	sld [smem:$0x782]  }
0x3af: {  	[sflag:s20] =	ssyncset.done $0x0  }
0x3b0: {  	[sflag:s20] =	ssyncadd.s32 $0xFFFFF000  }
0x3b1: {  	[hbm4b:s23+s14] =	stream.strided.scatter [tilespmem:s12], [sflag:$0x8], $0x1000, s11, s14, $0x38;
	[tilespmem:$0x9400] =	vst v63  }
0x3b2: {  	_ =	swait.ge [sflag:s21], $0x1000  }
0x3b3: {  	s24 =	sld [smem:$0x7DF]  }
0x3b4: {  	[sflag:s21] =	ssyncset.done $0x0  }
0x3b5: {  	[sflag:s21] =	ssyncadd.s32 $0xFFFFF000  }
0x3b6: {  	[tilespmem:s12], [sflag:$0x4] =	stream.indirect.gather [hbm4b:s4+s6], $0x20, s24, s6, $0xb8;
	[tilespmem:$0x9400] =	vst v63  }
0x3b7: {  	_ =	swait.ge [sflag:s13], $0x1000  }
0x3b8: {  	s1 =	sld [smem:$0x783]  }
0x3b9: {  	[sflag:s13] =	ssyncset.done $0x0  }
0x3ba: {  	[sflag:s13] =	ssyncadd.s32 $0xFFFFF000  }
0x3bb: {  	[hbm4b:s1+s14] =	stream.strided.scatter [tilespmem:s7], [sflag:$0x5], $0x1000, s11, s14, $0x38;
	[tilespmem:$0x9400] =	vst v63  }
0x3bc: {  	_ =	swait.ge [sflag:s15], $0x1000  }
0x3bd: {  	[sflag:s15] =	ssyncset.done $0x0  }
0x3be: {  	s22 =	simm.s32 $0x2000;
	[sflag:s15] =	ssyncadd.s32 $0xFFFFF000  }
0x3bf: {  	[tilespmem:s7], [sflag:$0x1] =	stream.indirect.gather [hbm4b:s4+s6], $0x20, s22, s6, $0xb8;
	[tilespmem:$0x9400] =	vst v63  }
0x3c0: {  	_ =	swait.ge [sflag:s16], $0x1000  }
0x3c1: {  	s23 =	sld [smem:$0x784]  }
0x3c2: {  	[sflag:s16] =	ssyncset.done $0x0  }
0x3c3: {  	[sflag:s16] =	ssyncadd.s32 $0xFFFFF000  }
0x3c4: {  	[hbm4b:s23+s14] =	stream.strided.scatter [tilespmem:s8], [sflag:$0x6], $0x1000, s11, s14, $0x38;
	[tilespmem:$0x9400] =	vst v63  }
0x3c5: {  	_ =	swait.ge [sflag:s17], $0x1000  }
0x3c6: {  	s24 =	sld [smem:$0x7E0]  }
0x3c7: {  	[sflag:s17] =	ssyncset.done $0x0  }
0x3c8: {  	[sflag:s17] =	ssyncadd.s32 $0xFFFFF000  }
0x3c9: {  	[tilespmem:s8], [sflag:$0x2] =	stream.indirect.gather [hbm4b:s4+s6], $0x20, s24, s6, $0xb8;
	[tilespmem:$0x9400] =	vst v63  }
0x3ca: {  	_ =	swait.ge [sflag:s18], $0x1000  }
0x3cb: {  	s1 =	sld [smem:$0x785]  }
0x3cc: {  	[sflag:s18] =	ssyncset.done $0x0  }
0x3cd: {  	[sflag:s18] =	ssyncadd.s32 $0xFFFFF000  }
0x3ce: {  	[hbm4b:s1+s14] =	stream.strided.scatter [tilespmem:s9], [sflag:$0x7], $0x1000, s11, s14, $0x38;
	[tilespmem:$0x9400] =	vst v63  }
0x3cf: {  	_ =	swait.ge [sflag:s19], $0x1000  }
0x3d0: {  	s23 =	sld [smem:$0x7E1]  }
0x3d1: {  	[sflag:s19] =	ssyncset.done $0x0  }
0x3d2: {  	[sflag:s19] =	ssyncadd.s32 $0xFFFFF000  }
0x3d3: {  	[tilespmem:s9], [sflag:$0x3] =	stream.indirect.gather [hbm4b:s4+s6], $0x20, s23, s6, $0xb8;
	[tilespmem:$0x9400] =	vst v63  }
0x3d4: {  	_ =	swait.ge [sflag:s20], $0x1000  }
0x3d5: {  	s24 =	sld [smem:$0x786]  }
0x3d6: {  	[sflag:s20] =	ssyncset.done $0x0  }
0x3d7: {  	[sflag:s20] =	ssyncadd.s32 $0xFFFFF000  }
0x3d8: {  	[hbm4b:s24+s14] =	stream.strided.scatter [tilespmem:s12], [sflag:$0x8], $0x1000, s11, s14, $0x38;
	[tilespmem:$0x9400] =	vst v63  }
0x3d9: {  	_ =	swait.ge [sflag:s21], $0x1000  }
0x3da: {  	s1 =	sld [smem:$0x7E2]  }
0x3db: {  	[sflag:s21] =	ssyncset.done $0x0  }
0x3dc: {  	[sflag:s21] =	ssyncadd.s32 $0xFFFFF000  }
0x3dd: {  	[tilespmem:s12], [sflag:$0x4] =	stream.indirect.gather [hbm4b:s4+s6], $0x20, s1, s6, $0xb8;
	[tilespmem:$0x9400] =	vst v63  }
0x3de: {  	_ =	swait.ge [sflag:s13], $0x1000  }
0x3df: {  	s23 =	sld [smem:$0x787]  }
0x3e0: {  	[sflag:s13] =	ssyncset.done $0x0  }
0x3e1: {  	[sflag:s13] =	ssyncadd.s32 $0xFFFFF000  }
0x3e2: {  	[hbm4b:s23+s14] =	stream.strided.scatter [tilespmem:s7], [sflag:$0x5], $0x1000, s11, s14, $0x38;
	[tilespmem:$0x9400] =	vst v63  }
0x3e3: {  	_ =	swait.ge [sflag:s15], $0x1000  }
0x3e4: {  	[sflag:s15] =	ssyncset.done $0x0  }
0x3e5: {  	s24 =	simm.s32 $0x2200;
	[sflag:s15] =	ssyncadd.s32 $0xFFFFF000  }
0x3e6: {  	[tilespmem:s7], [sflag:$0x1] =	stream.indirect.gather [hbm4b:s4+s6], $0x20, s24, s6, $0xb8;
	[tilespmem:$0x9400] =	vst v63  }
0x3e7: {  	_ =	swait.ge [sflag:s16], $0x1000  }
0x3e8: {  	s1 =	sld [smem:$0x788]  }
0x3e9: {  	[sflag:s16] =	ssyncset.done $0x0  }
0x3ea: {  	[sflag:s16] =	ssyncadd.s32 $0xFFFFF000  }
0x3eb: {  	[hbm4b:s1+s14] =	stream.strided.scatter [tilespmem:s8], [sflag:$0x6], $0x1000, s11, s14, $0x38;
	[tilespmem:$0x9400] =	vst v63  }
0x3ec: {  	_ =	swait.ge [sflag:s17], $0x1000  }
0x3ed: {  	s23 =	sld [smem:$0x7E3]  }
0x3ee: {  	[sflag:s17] =	ssyncset.done $0x0  }
0x3ef: {  	[sflag:s17] =	ssyncadd.s32 $0xFFFFF000  }
0x3f0: {  	[tilespmem:s8], [sflag:$0x2] =	stream.indirect.gather [hbm4b:s4+s6], $0x20, s23, s6, $0xb8;
	[tilespmem:$0x9400] =	vst v63  }
0x3f1: {  	_ =	swait.ge [sflag:s18], $0x1000  }
0x3f2: {  	s24 =	sld [smem:$0x789]  }
0x3f3: {  	[sflag:s18] =	ssyncset.done $0x0  }
0x3f4: {  	[sflag:s18] =	ssyncadd.s32 $0xFFFFF000  }
0x3f5: {  	[hbm4b:s24+s14] =	stream.strided.scatter [tilespmem:s9], [sflag:$0x7], $0x1000, s11, s14, $0x38;
	[tilespmem:$0x9400] =	vst v63  }
0x3f6: {  	_ =	swait.ge [sflag:s19], $0x1000  }
0x3f7: {  	s1 =	sld [smem:$0x7E4]  }
0x3f8: {  	[sflag:s19] =	ssyncset.done $0x0  }
0x3f9: {  	[sflag:s19] =	ssyncadd.s32 $0xFFFFF000  }
0x3fa: {  	[tilespmem:s9], [sflag:$0x3] =	stream.indirect.gather [hbm4b:s4+s6], $0x20, s1, s6, $0xb8;
	[tilespmem:$0x9400] =	vst v63  }
0x3fb: {  	_ =	swait.ge [sflag:s20], $0x1000  }
0x3fc: {  	s23 =	sld [smem:$0x78A]  }
0x3fd: {  	[sflag:s20] =	ssyncset.done $0x0  }
0x3fe: {  	[sflag:s20] =	ssyncadd.s32 $0xFFFFF000  }
0x3ff: {  	[hbm4b:s23+s14] =	stream.strided.scatter [tilespmem:s12], [sflag:$0x8], $0x1000, s11, s14, $0x38;
	[tilespmem:$0x9400] =	vst v63  }
0x400: {  	_ =	swait.ge [sflag:s21], $0x1000  }
0x401: {  	s24 =	sld [smem:$0x7E5]  }
0x402: {  	[sflag:s21] =	ssyncset.done $0x0  }
0x403: {  	[sflag:s21] =	ssyncadd.s32 $0xFFFFF000  }
0x404: {  	[tilespmem:s12], [sflag:$0x4] =	stream.indirect.gather [hbm4b:s4+s6], $0x20, s24, s6, $0xb8;
	[tilespmem:$0x9400] =	vst v63  }
0x405: {  	_ =	swait.ge [sflag:s13], $0x1000  }
0x406: {  	s1 =	sld [smem:$0x78B]  }
0x407: {  	[sflag:s13] =	ssyncset.done $0x0  }
0x408: {  	[sflag:s13] =	ssyncadd.s32 $0xFFFFF000  }
0x409: {  	[hbm4b:s1+s14] =	stream.strided.scatter [tilespmem:s7], [sflag:$0x5], $0x1000, s11, s14, $0x38;
	[tilespmem:$0x9400] =	vst v63  }
0x40a: {  	_ =	swait.ge [sflag:s15], $0x1000  }
0x40b: {  	[sflag:s15] =	ssyncset.done $0x0  }
0x40c: {  	s22 =	simm.s32 $0x2400;
	[sflag:s15] =	ssyncadd.s32 $0xFFFFF000  }
0x40d: {  	[tilespmem:s7], [sflag:$0x1] =	stream.indirect.gather [hbm4b:s4+s6], $0x20, s22, s6, $0xb8;
	[tilespmem:$0x9400] =	vst v63  }
0x40e: {  	_ =	swait.ge [sflag:s16], $0x1000  }
0x40f: {  	s23 =	sld [smem:$0x78C]  }
0x410: {  	[sflag:s16] =	ssyncset.done $0x0  }
0x411: {  	[sflag:s16] =	ssyncadd.s32 $0xFFFFF000  }
0x412: {  	[hbm4b:s23+s14] =	stream.strided.scatter [tilespmem:s8], [sflag:$0x6], $0x1000, s11, s14, $0x38;
	[tilespmem:$0x9400] =	vst v63  }
0x413: {  	_ =	swait.ge [sflag:s17], $0x1000  }
0x414: {  	s24 =	sld [smem:$0x7E6]  }
0x415: {  	[sflag:s17] =	ssyncset.done $0x0  }
0x416: {  	[sflag:s17] =	ssyncadd.s32 $0xFFFFF000  }
0x417: {  	[tilespmem:s8], [sflag:$0x2] =	stream.indirect.gather [hbm4b:s4+s6], $0x20, s24, s6, $0xb8;
	[tilespmem:$0x9400] =	vst v63  }
0x418: {  	_ =	swait.ge [sflag:s18], $0x1000  }
0x419: {  	s1 =	sld [smem:$0x78D]  }
0x41a: {  	[sflag:s18] =	ssyncset.done $0x0  }
0x41b: {  	[sflag:s18] =	ssyncadd.s32 $0xFFFFF000  }
0x41c: {  	[hbm4b:s1+s14] =	stream.strided.scatter [tilespmem:s9], [sflag:$0x7], $0x1000, s11, s14, $0x38;
	[tilespmem:$0x9400] =	vst v63  }
0x41d: {  	_ =	swait.ge [sflag:s19], $0x1000  }
0x41e: {  	s23 =	sld [smem:$0x7E7]  }
0x41f: {  	[sflag:s19] =	ssyncset.done $0x0  }
0x420: {  	[sflag:s19] =	ssyncadd.s32 $0xFFFFF000  }
0x421: {  	[tilespmem:s9], [sflag:$0x3] =	stream.indirect.gather [hbm4b:s4+s6], $0x20, s23, s6, $0xb8;
	[tilespmem:$0x9400] =	vst v63  }
0x422: {  	_ =	swait.ge [sflag:s20], $0x1000  }
0x423: {  	s24 =	sld [smem:$0x78E]  }
0x424: {  	[sflag:s20] =	ssyncset.done $0x0  }
0x425: {  	[sflag:s20] =	ssyncadd.s32 $0xFFFFF000  }
0x426: {  	[hbm4b:s24+s14] =	stream.strided.scatter [tilespmem:s12], [sflag:$0x8], $0x1000, s11, s14, $0x38;
	[tilespmem:$0x9400] =	vst v63  }
0x427: {  	_ =	swait.ge [sflag:s21], $0x1000  }
0x428: {  	s1 =	sld [smem:$0x7E8]  }
0x429: {  	[sflag:s21] =	ssyncset.done $0x0  }
0x42a: {  	[sflag:s21] =	ssyncadd.s32 $0xFFFFF000  }
0x42b: {  	[tilespmem:s12], [sflag:$0x4] =	stream.indirect.gather [hbm4b:s4+s6], $0x20, s1, s6, $0xb8;
	[tilespmem:$0x9400] =	vst v63  }
0x42c: {  	_ =	swait.ge [sflag:s13], $0x1000  }
0x42d: {  	s23 =	sld [smem:$0x78F]  }
0x42e: {  	[sflag:s13] =	ssyncset.done $0x0  }
0x42f: {  	[sflag:s13] =	ssyncadd.s32 $0xFFFFF000  }
0x430: {  	[hbm4b:s23+s14] =	stream.strided.scatter [tilespmem:s7], [sflag:$0x5], $0x1000, s11, s14, $0x38;
	[tilespmem:$0x9400] =	vst v63  }
0x431: {  	_ =	swait.ge [sflag:s15], $0x1000  }
0x432: {  	[sflag:s15] =	ssyncset.done $0x0  }
0x433: {  	s24 =	simm.s32 $0x2600;
	[sflag:s15] =	ssyncadd.s32 $0xFFFFF000  }
0x434: {  	[tilespmem:s7], [sflag:$0x1] =	stream.indirect.gather [hbm4b:s4+s6], $0x20, s24, s6, $0xb8;
	[tilespmem:$0x9400] =	vst v63  }
0x435: {  	_ =	swait.ge [sflag:s16], $0x1000  }
0x436: {  	s1 =	sld [smem:$0x790]  }
0x437: {  	[sflag:s16] =	ssyncset.done $0x0  }
0x438: {  	[sflag:s16] =	ssyncadd.s32 $0xFFFFF000  }
0x439: {  	[hbm4b:s1+s14] =	stream.strided.scatter [tilespmem:s8], [sflag:$0x6], $0x1000, s11, s14, $0x38;
	[tilespmem:$0x9400] =	vst v63  }
0x43a: {  	_ =	swait.ge [sflag:s17], $0x1000  }
0x43b: {  	s23 =	sld [smem:$0x7E9]  }
0x43c: {  	[sflag:s17] =	ssyncset.done $0x0  }
0x43d: {  	[sflag:s17] =	ssyncadd.s32 $0xFFFFF000  }
0x43e: {  	[tilespmem:s8], [sflag:$0x2] =	stream.indirect.gather [hbm4b:s4+s6], $0x20, s23, s6, $0xb8;
	[tilespmem:$0x9400] =	vst v63  }
0x43f: {  	_ =	swait.ge [sflag:s18], $0x1000  }
0x440: {  	s24 =	sld [smem:$0x791]  }
0x441: {  	[sflag:s18] =	ssyncset.done $0x0  }
0x442: {  	[sflag:s18] =	ssyncadd.s32 $0xFFFFF000  }
0x443: {  	[hbm4b:s24+s14] =	stream.strided.scatter [tilespmem:s9], [sflag:$0x7], $0x1000, s11, s14, $0x38;
	[tilespmem:$0x9400] =	vst v63  }
0x444: {  	_ =	swait.ge [sflag:s19], $0x1000  }
0x445: {  	s1 =	sld [smem:$0x7EA]  }
0x446: {  	[sflag:s19] =	ssyncset.done $0x0  }
0x447: {  	[sflag:s19] =	ssyncadd.s32 $0xFFFFF000  }
0x448: {  	[tilespmem:s9], [sflag:$0x3] =	stream.indirect.gather [hbm4b:s4+s6], $0x20, s1, s6, $0xb8;
	[tilespmem:$0x9400] =	vst v63  }
0x449: {  	_ =	swait.ge [sflag:s20], $0x1000  }
0x44a: {  	s23 =	sld [smem:$0x792]  }
0x44b: {  	[sflag:s20] =	ssyncset.done $0x0  }
0x44c: {  	[sflag:s20] =	ssyncadd.s32 $0xFFFFF000  }
0x44d: {  	[hbm4b:s23+s14] =	stream.strided.scatter [tilespmem:s12], [sflag:$0x8], $0x1000, s11, s14, $0x38;
	[tilespmem:$0x9400] =	vst v63  }
0x44e: {  	_ =	swait.ge [sflag:s21], $0x1000  }
0x44f: {  	s24 =	sld [smem:$0x7EB]  }
0x450: {  	[sflag:s21] =	ssyncset.done $0x0  }
0x451: {  	[sflag:s21] =	ssyncadd.s32 $0xFFFFF000  }
0x452: {  	[tilespmem:s12], [sflag:$0x4] =	stream.indirect.gather [hbm4b:s4+s6], $0x20, s24, s6, $0xb8;
	[tilespmem:$0x9400] =	vst v63  }
0x453: {  	_ =	swait.ge [sflag:s13], $0x1000  }
0x454: {  	s1 =	sld [smem:$0x793]  }
0x455: {  	[sflag:s13] =	ssyncset.done $0x0  }
0x456: {  	[sflag:s13] =	ssyncadd.s32 $0xFFFFF000  }
0x457: {  	[hbm4b:s1+s14] =	stream.strided.scatter [tilespmem:s7], [sflag:$0x5], $0x1000, s11, s14, $0x38;
	[tilespmem:$0x9400] =	vst v63  }
0x458: {  	_ =	swait.ge [sflag:s15], $0x1000  }
0x459: {  	[sflag:s15] =	ssyncset.done $0x0  }
0x45a: {  	s22 =	simm.s32 $0x2800;
	[sflag:s15] =	ssyncadd.s32 $0xFFFFF000  }
0x45b: {  	[tilespmem:s7], [sflag:$0x1] =	stream.indirect.gather [hbm4b:s4+s6], $0x20, s22, s6, $0xb8;
	[tilespmem:$0x9400] =	vst v63  }
0x45c: {  	_ =	swait.ge [sflag:s16], $0x1000  }
0x45d: {  	s23 =	sld [smem:$0x794]  }
0x45e: {  	[sflag:s16] =	ssyncset.done $0x0  }
0x45f: {  	[sflag:s16] =	ssyncadd.s32 $0xFFFFF000  }
0x460: {  	[hbm4b:s23+s14] =	stream.strided.scatter [tilespmem:s8], [sflag:$0x6], $0x1000, s11, s14, $0x38;
	[tilespmem:$0x9400] =	vst v63  }
0x461: {  	_ =	swait.ge [sflag:s17], $0x1000  }
0x462: {  	s24 =	sld [smem:$0x7EC]  }
0x463: {  	[sflag:s17] =	ssyncset.done $0x0  }
0x464: {  	[sflag:s17] =	ssyncadd.s32 $0xFFFFF000  }
0x465: {  	[tilespmem:s8], [sflag:$0x2] =	stream.indirect.gather [hbm4b:s4+s6], $0x20, s24, s6, $0xb8;
	[tilespmem:$0x9400] =	vst v63  }
0x466: {  	_ =	swait.ge [sflag:s18], $0x1000  }
0x467: {  	s1 =	sld [smem:$0x795]  }
0x468: {  	[sflag:s18] =	ssyncset.done $0x0  }
0x469: {  	[sflag:s18] =	ssyncadd.s32 $0xFFFFF000  }
0x46a: {  	[hbm4b:s1+s14] =	stream.strided.scatter [tilespmem:s9], [sflag:$0x7], $0x1000, s11, s14, $0x38;
	[tilespmem:$0x9400] =	vst v63  }
0x46b: {  	_ =	swait.ge [sflag:s19], $0x1000  }
0x46c: {  	s23 =	sld [smem:$0x7ED]  }
0x46d: {  	[sflag:s19] =	ssyncset.done $0x0  }
0x46e: {  	[sflag:s19] =	ssyncadd.s32 $0xFFFFF000  }
0x46f: {  	[tilespmem:s9], [sflag:$0x3] =	stream.indirect.gather [hbm4b:s4+s6], $0x20, s23, s6, $0xb8;
	[tilespmem:$0x9400] =	vst v63  }
0x470: {  	_ =	swait.ge [sflag:s20], $0x1000  }
0x471: {  	s24 =	sld [smem:$0x796]  }
0x472: {  	[sflag:s20] =	ssyncset.done $0x0  }
0x473: {  	[sflag:s20] =	ssyncadd.s32 $0xFFFFF000  }
0x474: {  	[hbm4b:s24+s14] =	stream.strided.scatter [tilespmem:s12], [sflag:$0x8], $0x1000, s11, s14, $0x38;
	[tilespmem:$0x9400] =	vst v63  }
0x475: {  	_ =	swait.ge [sflag:s21], $0x1000  }
0x476: {  	s1 =	sld [smem:$0x7EE]  }
0x477: {  	[sflag:s21] =	ssyncset.done $0x0  }
0x478: {  	[sflag:s21] =	ssyncadd.s32 $0xFFFFF000  }
0x479: {  	[tilespmem:s12], [sflag:$0x4] =	stream.indirect.gather [hbm4b:s4+s6], $0x20, s1, s6, $0xb8;
	[tilespmem:$0x9400] =	vst v63  }
0x47a: {  	_ =	swait.ge [sflag:s13], $0x1000  }
0x47b: {  	s23 =	sld [smem:$0x797]  }
0x47c: {  	[sflag:s13] =	ssyncset.done $0x0  }
0x47d: {  	[sflag:s13] =	ssyncadd.s32 $0xFFFFF000  }
0x47e: {  	[hbm4b:s23+s14] =	stream.strided.scatter [tilespmem:s7], [sflag:$0x5], $0x1000, s11, s14, $0x38;
	[tilespmem:$0x9400] =	vst v63  }
0x47f: {  	_ =	swait.ge [sflag:s15], $0x1000  }
0x480: {  	[sflag:s15] =	ssyncset.done $0x0  }
0x481: {  	s24 =	simm.s32 $0x2A00;
	[sflag:s15] =	ssyncadd.s32 $0xFFFFF000  }
0x482: {  	[tilespmem:s7], [sflag:$0x1] =	stream.indirect.gather [hbm4b:s4+s6], $0x20, s24, s6, $0xb8;
	[tilespmem:$0x9400] =	vst v63  }
0x483: {  	_ =	swait.ge [sflag:s16], $0x1000  }
0x484: {  	s1 =	sld [smem:$0x798]  }
0x485: {  	[sflag:s16] =	ssyncset.done $0x0  }
0x486: {  	[sflag:s16] =	ssyncadd.s32 $0xFFFFF000  }
0x487: {  	[hbm4b:s1+s14] =	stream.strided.scatter [tilespmem:s8], [sflag:$0x6], $0x1000, s11, s14, $0x38;
	[tilespmem:$0x9400] =	vst v63  }
0x488: {  	_ =	swait.ge [sflag:s17], $0x1000  }
0x489: {  	s23 =	sld [smem:$0x7EF]  }
0x48a: {  	[sflag:s17] =	ssyncset.done $0x0  }
0x48b: {  	[sflag:s17] =	ssyncadd.s32 $0xFFFFF000  }
0x48c: {  	[tilespmem:s8], [sflag:$0x2] =	stream.indirect.gather [hbm4b:s4+s6], $0x20, s23, s6, $0xb8;
	[tilespmem:$0x9400] =	vst v63  }
0x48d: {  	_ =	swait.ge [sflag:s18], $0x1000  }
0x48e: {  	s24 =	sld [smem:$0x799]  }
0x48f: {  	[sflag:s18] =	ssyncset.done $0x0  }
0x490: {  	[sflag:s18] =	ssyncadd.s32 $0xFFFFF000  }
0x491: {  	[hbm4b:s24+s14] =	stream.strided.scatter [tilespmem:s9], [sflag:$0x7], $0x1000, s11, s14, $0x38;
	[tilespmem:$0x9400] =	vst v63  }
0x492: {  	_ =	swait.ge [sflag:s19], $0x1000  }
0x493: {  	s1 =	sld [smem:$0x7F0]  }
0x494: {  	[sflag:s19] =	ssyncset.done $0x0  }
0x495: {  	[sflag:s19] =	ssyncadd.s32 $0xFFFFF000  }
0x496: {  	[tilespmem:s9], [sflag:$0x3] =	stream.indirect.gather [hbm4b:s4+s6], $0x20, s1, s6, $0xb8;
	[tilespmem:$0x9400] =	vst v63  }
0x497: {  	_ =	swait.ge [sflag:s20], $0x1000  }
0x498: {  	s23 =	sld [smem:$0x79A]  }
0x499: {  	[sflag:s20] =	ssyncset.done $0x0  }
0x49a: {  	[sflag:s20] =	ssyncadd.s32 $0xFFFFF000  }
0x49b: {  	[hbm4b:s23+s14] =	stream.strided.scatter [tilespmem:s12], [sflag:$0x8], $0x1000, s11, s14, $0x38;
	[tilespmem:$0x9400] =	vst v63  }
0x49c: {  	_ =	swait.ge [sflag:s21], $0x1000  }
0x49d: {  	s24 =	sld [smem:$0x7F1]  }
0x49e: {  	[sflag:s21] =	ssyncset.done $0x0  }
0x49f: {  	[sflag:s21] =	ssyncadd.s32 $0xFFFFF000  }
0x4a0: {  	[tilespmem:s12], [sflag:$0x4] =	stream.indirect.gather [hbm4b:s4+s6], $0x20, s24, s6, $0xb8;
	[tilespmem:$0x9400] =	vst v63  }
0x4a1: {  	_ =	swait.ge [sflag:s13], $0x1000  }
0x4a2: {  	s1 =	sld [smem:$0x79B]  }
0x4a3: {  	[sflag:s13] =	ssyncset.done $0x0  }
0x4a4: {  	[sflag:s13] =	ssyncadd.s32 $0xFFFFF000  }
0x4a5: {  	[hbm4b:s1+s14] =	stream.strided.scatter [tilespmem:s7], [sflag:$0x5], $0x1000, s11, s14, $0x38;
	[tilespmem:$0x9400] =	vst v63  }
0x4a6: {  	_ =	swait.ge [sflag:s15], $0x1000  }
0x4a7: {  	[sflag:s15] =	ssyncset.done $0x0  }
0x4a8: {  	s22 =	simm.s32 $0x2C00;
	[sflag:s15] =	ssyncadd.s32 $0xFFFFF000  }
0x4a9: {  	[tilespmem:s7], [sflag:$0x1] =	stream.indirect.gather [hbm4b:s4+s6], $0x20, s22, s6, $0xb8;
	[tilespmem:$0x9400] =	vst v63  }
0x4aa: {  	_ =	swait.ge [sflag:s16], $0x1000  }
0x4ab: {  	s23 =	sld [smem:$0x79C]  }
0x4ac: {  	[sflag:s16] =	ssyncset.done $0x0  }
0x4ad: {  	[sflag:s16] =	ssyncadd.s32 $0xFFFFF000  }
0x4ae: {  	[hbm4b:s23+s14] =	stream.strided.scatter [tilespmem:s8], [sflag:$0x6], $0x1000, s11, s14, $0x38;
	[tilespmem:$0x9400] =	vst v63  }
0x4af: {  	_ =	swait.ge [sflag:s17], $0x1000  }
0x4b0: {  	s24 =	sld [smem:$0x7F2]  }
0x4b1: {  	[sflag:s17] =	ssyncset.done $0x0  }
0x4b2: {  	[sflag:s17] =	ssyncadd.s32 $0xFFFFF000  }
0x4b3: {  	[tilespmem:s8], [sflag:$0x2] =	stream.indirect.gather [hbm4b:s4+s6], $0x20, s24, s6, $0xb8;
	[tilespmem:$0x9400] =	vst v63  }
0x4b4: {  	_ =	swait.ge [sflag:s18], $0x1000  }
0x4b5: {  	s1 =	sld [smem:$0x79D]  }
0x4b6: {  	[sflag:s18] =	ssyncset.done $0x0  }
0x4b7: {  	[sflag:s18] =	ssyncadd.s32 $0xFFFFF000  }
0x4b8: {  	[hbm4b:s1+s14] =	stream.strided.scatter [tilespmem:s9], [sflag:$0x7], $0x1000, s11, s14, $0x38;
	[tilespmem:$0x9400] =	vst v63  }
0x4b9: {  	_ =	swait.ge [sflag:s19], $0x1000  }
0x4ba: {  	s23 =	sld [smem:$0x7F3]  }
0x4bb: {  	[sflag:s19] =	ssyncset.done $0x0  }
0x4bc: {  	[sflag:s19] =	ssyncadd.s32 $0xFFFFF000  }
0x4bd: {  	[tilespmem:s9], [sflag:$0x3] =	stream.indirect.gather [hbm4b:s4+s6], $0x20, s23, s6, $0xb8;
	[tilespmem:$0x9400] =	vst v63  }
0x4be: {  	_ =	swait.ge [sflag:s20], $0x1000  }
0x4bf: {  	s24 =	sld [smem:$0x79E]  }
0x4c0: {  	[sflag:s20] =	ssyncset.done $0x0  }
0x4c1: {  	[sflag:s20] =	ssyncadd.s32 $0xFFFFF000  }
0x4c2: {  	[hbm4b:s24+s14] =	stream.strided.scatter [tilespmem:s12], [sflag:$0x8], $0x1000, s11, s14, $0x38;
	[tilespmem:$0x9400] =	vst v63  }
0x4c3: {  	_ =	swait.ge [sflag:s21], $0x1000  }
0x4c4: {  	s1 =	sld [smem:$0x7F4]  }
0x4c5: {  	[sflag:s21] =	ssyncset.done $0x0  }
0x4c6: {  	[sflag:s21] =	ssyncadd.s32 $0xFFFFF000  }
0x4c7: {  	[tilespmem:s12], [sflag:$0x4] =	stream.indirect.gather [hbm4b:s4+s6], $0x20, s1, s6, $0xb8;
	[tilespmem:$0x9400] =	vst v63  }
0x4c8: {  	_ =	swait.ge [sflag:s13], $0x1000  }
0x4c9: {  	s23 =	sld [smem:$0x79F]  }
0x4ca: {  	[sflag:s13] =	ssyncset.done $0x0  }
0x4cb: {  	[sflag:s13] =	ssyncadd.s32 $0xFFFFF000  }
0x4cc: {  	[hbm4b:s23+s14] =	stream.strided.scatter [tilespmem:s7], [sflag:$0x5], $0x1000, s11, s14, $0x38;
	[tilespmem:$0x9400] =	vst v63  }
0x4cd: {  	_ =	swait.ge [sflag:s15], $0x1000  }
0x4ce: {  	[sflag:s15] =	ssyncset.done $0x0  }
0x4cf: {  	s24 =	simm.s32 $0x2E00;
	[sflag:s15] =	ssyncadd.s32 $0xFFFFF000  }
0x4d0: {  	[tilespmem:s7], [sflag:$0x1] =	stream.indirect.gather [hbm4b:s4+s6], $0x20, s24, s6, $0xb8;
	[tilespmem:$0x9400] =	vst v63  }
0x4d1: {  	_ =	swait.ge [sflag:s16], $0x1000  }
0x4d2: {  	s1 =	sld [smem:$0x7A0]  }
0x4d3: {  	[sflag:s16] =	ssyncset.done $0x0  }
0x4d4: {  	[sflag:s16] =	ssyncadd.s32 $0xFFFFF000  }
0x4d5: {  	[hbm4b:s1+s14] =	stream.strided.scatter [tilespmem:s8], [sflag:$0x6], $0x1000, s11, s14, $0x38;
	[tilespmem:$0x9400] =	vst v63  }
0x4d6: {  	_ =	swait.ge [sflag:s17], $0x1000  }
0x4d7: {  	s23 =	sld [smem:$0x7F5]  }
0x4d8: {  	[sflag:s17] =	ssyncset.done $0x0  }
0x4d9: {  	[sflag:s17] =	ssyncadd.s32 $0xFFFFF000  }
0x4da: {  	[tilespmem:s8], [sflag:$0x2] =	stream.indirect.gather [hbm4b:s4+s6], $0x20, s23, s6, $0xb8;
	[tilespmem:$0x9400] =	vst v63  }
0x4db: {  	_ =	swait.ge [sflag:s18], $0x1000  }
0x4dc: {  	s24 =	sld [smem:$0x7A1]  }
0x4dd: {  	[sflag:s18] =	ssyncset.done $0x0  }
0x4de: {  	[sflag:s18] =	ssyncadd.s32 $0xFFFFF000  }
0x4df: {  	[hbm4b:s24+s14] =	stream.strided.scatter [tilespmem:s9], [sflag:$0x7], $0x1000, s11, s14, $0x38;
	[tilespmem:$0x9400] =	vst v63  }
0x4e0: {  	_ =	swait.ge [sflag:s19], $0x1000  }
0x4e1: {  	s1 =	sld [smem:$0x7F6]  }
0x4e2: {  	[sflag:s19] =	ssyncset.done $0x0  }
0x4e3: {  	[sflag:s19] =	ssyncadd.s32 $0xFFFFF000  }
0x4e4: {  	[tilespmem:s9], [sflag:$0x3] =	stream.indirect.gather [hbm4b:s4+s6], $0x20, s1, s6, $0xb8;
	[tilespmem:$0x9400] =	vst v63  }
0x4e5: {  	_ =	swait.ge [sflag:s20], $0x1000  }
0x4e6: {  	s23 =	sld [smem:$0x7A2]  }
0x4e7: {  	[sflag:s20] =	ssyncset.done $0x0  }
0x4e8: {  	[sflag:s20] =	ssyncadd.s32 $0xFFFFF000  }
0x4e9: {  	[hbm4b:s23+s14] =	stream.strided.scatter [tilespmem:s12], [sflag:$0x8], $0x1000, s11, s14, $0x38;
	[tilespmem:$0x9400] =	vst v63  }
0x4ea: {  	_ =	swait.ge [sflag:s21], $0x1000  }
0x4eb: {  	s24 =	sld [smem:$0x7F7]  }
0x4ec: {  	[sflag:s21] =	ssyncset.done $0x0  }
0x4ed: {  	[sflag:s21] =	ssyncadd.s32 $0xFFFFF000  }
0x4ee: {  	[tilespmem:s12], [sflag:$0x4] =	stream.indirect.gather [hbm4b:s4+s6], $0x20, s24, s6, $0xb8;
	[tilespmem:$0x9400] =	vst v63  }
0x4ef: {  	_ =	swait.ge [sflag:s13], $0x1000  }
0x4f0: {  	s1 =	sld [smem:$0x7A3]  }
0x4f1: {  	[sflag:s13] =	ssyncset.done $0x0  }
0x4f2: {  	[sflag:s13] =	ssyncadd.s32 $0xFFFFF000  }
0x4f3: {  	[hbm4b:s1+s14] =	stream.strided.scatter [tilespmem:s7], [sflag:$0x5], $0x1000, s11, s14, $0x38;
	[tilespmem:$0x9400] =	vst v63  }
0x4f4: {  	_ =	swait.ge [sflag:s15], $0x1000  }
0x4f5: {  	[sflag:s15] =	ssyncset.done $0x0  }
0x4f6: {  	s22 =	simm.s32 $0x3000;
	[sflag:s15] =	ssyncadd.s32 $0xFFFFF000  }
0x4f7: {  	[tilespmem:s7], [sflag:$0x1] =	stream.indirect.gather [hbm4b:s4+s6], $0x20, s22, s6, $0xb8;
	[tilespmem:$0x9400] =	vst v63  }
0x4f8: {  	_ =	swait.ge [sflag:s16], $0x1000  }
0x4f9: {  	s23 =	sld [smem:$0x7A4]  }
0x4fa: {  	[sflag:s16] =	ssyncset.done $0x0  }
0x4fb: {  	[sflag:s16] =	ssyncadd.s32 $0xFFFFF000  }
0x4fc: {  	[hbm4b:s23+s14] =	stream.strided.scatter [tilespmem:s8], [sflag:$0x6], $0x1000, s11, s14, $0x38;
	[tilespmem:$0x9400] =	vst v63  }
0x4fd: {  	_ =	swait.ge [sflag:s17], $0x1000  }
0x4fe: {  	s24 =	sld [smem:$0x7F8]  }
0x4ff: {  	[sflag:s17] =	ssyncset.done $0x0  }
0x500: {  	[sflag:s17] =	ssyncadd.s32 $0xFFFFF000  }
0x501: {  	[tilespmem:s8], [sflag:$0x2] =	stream.indirect.gather [hbm4b:s4+s6], $0x20, s24, s6, $0xb8;
	[tilespmem:$0x9400] =	vst v63  }
0x502: {  	_ =	swait.ge [sflag:s18], $0x1000  }
0x503: {  	s1 =	sld [smem:$0x7A5]  }
0x504: {  	[sflag:s18] =	ssyncset.done $0x0  }
0x505: {  	[sflag:s18] =	ssyncadd.s32 $0xFFFFF000  }
0x506: {  	[hbm4b:s1+s14] =	stream.strided.scatter [tilespmem:s9], [sflag:$0x7], $0x1000, s11, s14, $0x38;
	[tilespmem:$0x9400] =	vst v63  }
0x507: {  	_ =	swait.ge [sflag:s19], $0x1000  }
0x508: {  	s23 =	sld [smem:$0x7F9]  }
0x509: {  	[sflag:s19] =	ssyncset.done $0x0  }
0x50a: {  	[sflag:s19] =	ssyncadd.s32 $0xFFFFF000  }
0x50b: {  	[tilespmem:s9], [sflag:$0x3] =	stream.indirect.gather [hbm4b:s4+s6], $0x20, s23, s6, $0xb8;
	[tilespmem:$0x9400] =	vst v63  }
0x50c: {  	_ =	swait.ge [sflag:s20], $0x1000  }
0x50d: {  	s24 =	sld [smem:$0x7A6]  }
0x50e: {  	[sflag:s20] =	ssyncset.done $0x0  }
0x50f: {  	[sflag:s20] =	ssyncadd.s32 $0xFFFFF000  }
0x510: {  	[hbm4b:s24+s14] =	stream.strided.scatter [tilespmem:s12], [sflag:$0x8], $0x1000, s11, s14, $0x38;
	[tilespmem:$0x9400] =	vst v63  }
0x511: {  	_ =	swait.ge [sflag:s21], $0x1000  }
0x512: {  	s1 =	sld [smem:$0x7FA]  }
0x513: {  	[sflag:s21] =	ssyncset.done $0x0  }
0x514: {  	[sflag:s21] =	ssyncadd.s32 $0xFFFFF000  }
0x515: {  	[tilespmem:s12], [sflag:$0x4] =	stream.indirect.gather [hbm4b:s4+s6], $0x20, s1, s6, $0xb8;
	[tilespmem:$0x9400] =	vst v63  }
0x516: {  	_ =	swait.ge [sflag:s13], $0x1000  }
0x517: {  	s23 =	sld [smem:$0x7A7]  }
0x518: {  	[sflag:s13] =	ssyncset.done $0x0  }
0x519: {  	[sflag:s13] =	ssyncadd.s32 $0xFFFFF000  }
0x51a: {  	[hbm4b:s23+s14] =	stream.strided.scatter [tilespmem:s7], [sflag:$0x5], $0x1000, s11, s14, $0x38;
	[tilespmem:$0x9400] =	vst v63  }
0x51b: {  	_ =	swait.ge [sflag:s15], $0x1000  }
0x51c: {  	[sflag:s15] =	ssyncset.done $0x0  }
0x51d: {  	s24 =	simm.s32 $0x3200;
	[sflag:s15] =	ssyncadd.s32 $0xFFFFF000  }
0x51e: {  	[tilespmem:s7], [sflag:$0x1] =	stream.indirect.gather [hbm4b:s4+s6], $0x20, s24, s6, $0xb8;
	[tilespmem:$0x9400] =	vst v63  }
0x51f: {  	_ =	swait.ge [sflag:s16], $0x1000  }
0x520: {  	s1 =	sld [smem:$0x7A8]  }
0x521: {  	[sflag:s16] =	ssyncset.done $0x0  }
0x522: {  	[sflag:s16] =	ssyncadd.s32 $0xFFFFF000  }
0x523: {  	[hbm4b:s1+s14] =	stream.strided.scatter [tilespmem:s8], [sflag:$0x6], $0x1000, s11, s14, $0x38;
	[tilespmem:$0x9400] =	vst v63  }
0x524: {  	_ =	swait.ge [sflag:s17], $0x1000  }
0x525: {  	s23 =	sld [smem:$0x7FB]  }
0x526: {  	[sflag:s17] =	ssyncset.done $0x0  }
0x527: {  	[sflag:s17] =	ssyncadd.s32 $0xFFFFF000  }
0x528: {  	[tilespmem:s8], [sflag:$0x2] =	stream.indirect.gather [hbm4b:s4+s6], $0x20, s23, s6, $0xb8;
	[tilespmem:$0x9400] =	vst v63  }
0x529: {  	_ =	swait.ge [sflag:s18], $0x1000  }
0x52a: {  	s24 =	sld [smem:$0x7A9]  }
0x52b: {  	[sflag:s18] =	ssyncset.done $0x0  }
0x52c: {  	[sflag:s18] =	ssyncadd.s32 $0xFFFFF000  }
0x52d: {  	[hbm4b:s24+s14] =	stream.strided.scatter [tilespmem:s9], [sflag:$0x7], $0x1000, s11, s14, $0x38;
	[tilespmem:$0x9400] =	vst v63  }
0x52e: {  	_ =	swait.ge [sflag:s19], $0x1000  }
0x52f: {  	s1 =	sld [smem:$0x7FC]  }
0x530: {  	[sflag:s19] =	ssyncset.done $0x0  }
0x531: {  	[sflag:s19] =	ssyncadd.s32 $0xFFFFF000  }
0x532: {  	[tilespmem:s9], [sflag:$0x3] =	stream.indirect.gather [hbm4b:s4+s6], $0x20, s1, s6, $0xb8;
	[tilespmem:$0x9400] =	vst v63  }
0x533: {  	_ =	swait.ge [sflag:s20], $0x1000  }
0x534: {  	s23 =	sld [smem:$0x7AA]  }
0x535: {  	[sflag:s20] =	ssyncset.done $0x0  }
0x536: {  	[sflag:s20] =	ssyncadd.s32 $0xFFFFF000  }
0x537: {  	[hbm4b:s23+s14] =	stream.strided.scatter [tilespmem:s12], [sflag:$0x8], $0x1000, s11, s14, $0x38;
	[tilespmem:$0x9400] =	vst v63  }
0x538: {  	_ =	swait.ge [sflag:s21], $0x1000  }
0x539: {  	s24 =	sld [smem:$0x7FD]  }
0x53a: {  	[sflag:s21] =	ssyncset.done $0x0  }
0x53b: {  	[sflag:s21] =	ssyncadd.s32 $0xFFFFF000  }
0x53c: {  	[tilespmem:s12], [sflag:$0x4] =	stream.indirect.gather [hbm4b:s4+s6], $0x20, s24, s6, $0xb8;
	[tilespmem:$0x9400] =	vst v63  }
0x53d: {  	_ =	swait.ge [sflag:s13], $0x1000  }
0x53e: {  	s1 =	sld [smem:$0x7AB]  }
0x53f: {  	[sflag:s13] =	ssyncset.done $0x0  }
0x540: {  	[sflag:s13] =	ssyncadd.s32 $0xFFFFF000  }
0x541: {  	[hbm4b:s1+s14] =	stream.strided.scatter [tilespmem:s7], [sflag:$0x5], $0x1000, s11, s14, $0x38;
	[tilespmem:$0x9400] =	vst v63  }
0x542: {  	_ =	swait.ge [sflag:s16], $0x1000  }
0x543: {  	s23 =	sld [smem:$0x7AC]  }
0x544: {  	[sflag:s16] =	ssyncset.done $0x0  }
0x545: {  	[sflag:s16] =	ssyncadd.s32 $0xFFFFF000  }
0x546: {  	[hbm4b:s23+s14] =	stream.strided.scatter [tilespmem:s8], [sflag:$0x6], $0x1000, s11, s14, $0x38;
	[tilespmem:$0x9400] =	vst v63  }
0x547: {  	_ =	swait.ge [sflag:s18], $0x1000  }
0x548: {  	s24 =	sld [smem:$0x7AD]  }
0x549: {  	[sflag:s18] =	ssyncset.done $0x0  }
0x54a: {  	[sflag:s18] =	ssyncadd.s32 $0xFFFFF000  }
0x54b: {  	[hbm4b:s24+s14] =	stream.strided.scatter [tilespmem:s9], [sflag:$0x7], $0x1000, s11, s14, $0x38;
	[tilespmem:$0x9400] =	vst v63  }
0x54c: {  	_ =	swait.ge [sflag:s20], $0x1000  }
0x54d: {  	s1 =	sld [smem:$0x7AF]  }
0x54e: {  	[sflag:s20] =	ssyncset.done $0x0  }
0x54f: {  	[sflag:s20] =	ssyncadd.s32 $0xFFFFF000  }
0x550: {  	[hbm4b:s1+s14] =	stream.strided.scatter [tilespmem:s12], [sflag:$0x8], $0x1000, s11, s14, $0x38;
	[tilespmem:$0x9400] =	vst v63  }
0x551: {  	_ =	swait.ge [sflag:s15], $0x1000  }
0x552: {  	[sflag:s15] =	ssyncset.done $0x0  }
0x553: {  	[sflag:s15] =	ssyncadd.s32 $0xFFFFF000  }
0x554: {  	_ =	swait.ge [sflag:s17], $0x1000  }
0x555: {  	[sflag:s17] =	ssyncset.done $0x0  }
0x556: {  	[sflag:s17] =	ssyncadd.s32 $0xFFFFF000  }
0x557: {  	_ =	swait.ge [sflag:s19], $0x1000  }
0x558: {  	[sflag:s19] =	ssyncset.done $0x0  }
0x559: {  	[sflag:s19] =	ssyncadd.s32 $0xFFFFF000  }
0x55a: {  	p0 =	sne.s32 s5, $0x1;
	_ =	swait.ge [sflag:s21], $0x1000  }
.Ltmp0:
0x55b: {  	[sflag:s21] =	ssyncset.done $0x0;
	(pc) =	sbr.rel @p0 .LBB2_1-.Ltmp0, $4  }
0x55c: {  	s23 =	simm.s32 $0xA;
	[sflag:s21] =	ssyncadd.s32 $0xFFFFF000  }
0x55d: {  	_ =	swait.ge [sflag:s23], $0x2000  }
0x55e: {  	s24 =	simm.s32 $0xA;
	[sflag:s23] =	ssyncset.done $0x0  }
0x55f: {  	s5 =	sadd.s32 $0xFFFFFFFF, s5;
	[sflag:s24] =	ssyncadd.s32 $0xFFFFE000  }
0x560: {  	_ =	sfence.sel $0x180000  }
0x561: {  	[bflag:$0x0] =	sbarrier.arrive $0xFFFF  }
0x562: {  	_ =	strace $0x90000047  }
0x563: {  	s0 =	stileid.u32;
	[bflag:$0x2] =	sbarrier.arrive $0xFFFF  }
0x564: {  	p0 =	sne.s32 s0, $0x0;
	s0 =	rddreg [dreg:$0x2]  }
0x565: {  	s0 =	sadd.s32 @!p0 $0x100000, s0  }
0x566: {  	[sflag:s0] =	ssyncadd.tile.s32 @!p0 $0x1;
	_ =	shalt  }
.Lfunc_end2:
_tile_overlayer_lowered:
.L_overlay_start_2:
0x567: {  	(tag) =	ssettag $0x2  }
0x568: {  	s0 =	rddreg [dreg:$0x0];
	s2 =	stileid.u32  }
0x569: {  	s1 =	rddreg [dreg:$0x1];
	p0 =	sne.s32 s2, $0x0  }
0x56a: {  	s3 =	rddreg [dreg:$0x2];
	[bflag:$0x3] =	sbarrier.arrive $0xFFFF;
	s2 =	simm.s32 @!p0 $0x1C0B  }
0x56b: {  	[timem:s3], [sflag:s2] =	dma.local @!p0 [hbm:s0], s1  }
0x56c: {  	s0 =	simm.s32 @!p0 $0xB  }
0x56d: {  	_ =	swait.ge @!p0 [sflag:s0], s1  }
0x56e: {  	s1 =	ssub.s32 @!p0 $0x0, s1;
	[sflag:s0] =	ssyncset.done @!p0 $0x0  }
0x56f: {  	[sflag:s0] =	ssyncadd.s32 @!p0 s1  }
0x570: {  	[bflag:$0x3] =	sbarrier.arrive $0xFFFF  }
0x571: {  	_ =	shalt  }

// kernel: sparse-core-data-format-call.cloned.1.call-start
scs
called_computation_lowered:
.L_overlay_start_0:
0x0: {  	s2 =	sld [smem:$0x3FD9]  }
0x1: {  	s3 =	sld [smem:$0x3FFE];
	_ =	sdelay $0x1  }
0x2: {  	s1 =	srdreg.scid  }
0x3: {  	s0 =	sand.u32 $0x1, s1  }
0x4: {  	s18 =	sshll.u32 s0, $0xA;
	s2 =	sadd.s32 s3, s2  }
0x5: {  	s2 =	sadd.s32 s2, s18  }
0x6: {  	[smem:$0x3FC5] =	sst s2  }
0x7: {  	_ = 	snop  }
0x8: {  	s2 =	sld [smem:$0x3FD0];
	(tm) =	ssettm $0x1  }
0x9: {  	s19 =	sld [smem:$0x3FFB];
	_ =	sdelay $0x3  }
0xa: {  	_ =	strace s19  }
0xb: {  	s3 =	sld [smem:$0x3FFC];
	_ =	sdelay $0x3  }
0xc: {  	_ =	strace s3  }
0xd: {  	s3 =	sld [smem:$0x3FFD];
	_ =	sdelay $0x3  }
0xe: {  	_ =	strace s3  }
0xf: {  	_ =	strace $0x8FFFFFFF  }
0x10: {  	s20 =	sld [smem:$0x3FDB];
	_ =	sdelay $0x1  }
0x11: {  	s4 =	simm.s32 $_scs_section_size  }
0x12: {  	s5 =	simm.s32 $_size__tile_overlayer_lowered;
	s6 =	simm.s32 $_tile_overlayer_lowered  }
0x13: {  	s23 =	simm.s32 $0x1BFF;
	s22 =	sshll.u32 s6, $0x1;
	s3 =	sadd.s32 s4, s20  }
0x14: {  	s7 =	simm.s32 $0x0;
	s21 =	sshll.u32 s5, $0x1;
	s5 =	sadd.s32 s22, s3  }
0x15: {  	[timem:s7], [sflag:s23] =	dma.local [hbm:s5], s21  }
0x16: {  	_ =	swait.ge [sflag:s23], s21  }
0x17: {  	s4 =	ssub.s32 $0x0, s21;
	[sflag:s23] =	ssyncset.done $0x0  }
0x18: {  	[sflag:s23] =	ssyncadd.s32 s4;
	_ =	sdelay $0x1  }
0x19: {  	s24 =	simm.s32 $0x1B8B  }
0x1a: {  	_ =	swait.ge [sflag:s24], $0x1  }
0x1b: {  	[sflag:s24] =	ssyncset.done $0x0  }
0x1c: {  	s26 =	simm.s32 $0x1B8E;
	s25 =	sld [smem:$0x3FFE];
	[sflag:s24] =	ssyncadd.s32 $0xFFFFFFFF  }
0x1d: {  	s27 =	simm.s32 $execute0_lowered;
	[smem:$0x3FD2] =	sst s26  }
0x1e: {  	s5 =	sshll.u32 s27, $0x1;
	_ =	strace $0x80000049;
	[dreg:$0x1] =	wrdreg $0xFFFFFFFF  }
0x1f: {  	s28 =	simm.s32 $_size_execute0_lowered;
	s3 =	sadd.s32 s3, s5;
	[dreg:$0x0] =	wrdreg $0x0  }
0x20: {  	s5 =	sshll.u32 s28, $0x1;
	[dreg:$0x2] =	wrdreg s3  }
0x21: {  	[dreg:$0x3] =	wrdreg s5  }
0x22: {  	[dreg:$0x4] =	wrdreg $0xC0  }
0x23: {  	_ =	task [dreg:s7], $0x5FFFF  }
0x24: {  	[dreg:$0x1] =	wrdreg $0xFFFFFFFF  }
0x25: {  	[dreg:$0x0] =	wrdreg $0x60  }
0x26: {  	[dreg:$0x2] =	wrdreg s25  }
0x27: {  	[dreg:$0x3] =	wrdreg s2  }
0x28: {  	[dreg:$0x4] =	wrdreg $0x9  }
0x29: {  	_ =	task.clear_ibuf [dreg:s7], $0x5FFFF;
	_ =	strace $0x90000049  }
0x2a: {  	s29 =	simm.s32 $0x9;
	_ =	strace $0x8000004B  }
0x2b: {  	_ =	swait.ge [sflag:s29], $0x1  }
0x2c: {  	[sflag:s29] =	ssyncadd.s32 $0xFFFFFFFF  }
0x2d: {  	_ =	strace $0x9000004B  }
0x2e: {  	_ =	sfence  }
0x2f: {  	s30 =	sld [smem:$0x0];
	_ =	sdelay $0x2  }
0x30: {  	s31 =	sshll.u32 s1, $0xD;
	s1 =	sshrl.u32 s1, $0x2  }
0x31: {  	s3 =	sand.u32 $0x4000, s31;
	s1 =	sadd.s32 s1, s30  }
0x32: {  	s0 =	sor.u32 s3, s0;
	s1 =	sshll.u32 s1, $0x11  }
0x33: {  	s0 =	sor.u32 s1, s0  }
0x34: {  	s0 =	sadd.s32 $0x8F2B, s0  }
0x35: {  	[sflag:s0] =	ssyncadd.remote.s32 $0x1  }
0x36: {  	_ =	sfence.sel $0xFFFF  }
0x37: {  	[dreg:$0x0] =	wrdreg $0xFFFFFFFF;
	(pc) =	sbr.abs _section_cstart, $3  }
0x38: {  	[dreg:$0x1] =	wrdreg $0xFFFFFFFF  }
0x39: {  	_ =	task.clear_ibuf [dreg:s7], $0x2FFFF;
	_ =	strace $0x9FFFFFFF  }
0x3a: {  	(tm) =	ssettm $0x7FFFFFFF  }
0x3b: {  	_ =	shalt  }
tec
execute0_lowered:
.L_overlay_start_1:
0x0: {  	(tag) =	ssettag $0x1  }
0x1: {  	s0 =	srdreg.scid  }
0x2: {  	s1 =	sshll.u32 s0, $0x4  }
0x3: {  	s6 =	rddreg [dreg:$0x0];
	s0 =	stileid.u32;
	s1 =	sand.u32 $0x10, s1  }
0x4: {  	s3 =	rddreg [dreg:$0x1];
	s1 =	sor.u32 s0, s1  }
0x5: {  	s5 =	simm.s32 $0x1;
	s31 =	simm.s32 $0x2;
	s2 =	sshll.u32 s1, $0x7  }
0x6: {  	s15 =	simm.s32 $0x0;
	s8 =	simm.s32 $0x20000;
	s4 =	ssub.s32 $0x4000, s2  }
0x7: {  	s14 =	simm.s32 $0x0;
	s9 =	simm.s32 $0x0;
	s30 =	sand.u32 $0xF80, s4  }
0x8: {  	s10 =	simm.s32 $0x0;
	s11 =	simm.s32 $0x0;
	p0 =	sne.s32 s30, $0x0  }
.Ltmp0:
0x9: {  	s7 =	sshrl.u32 s4, $0xC;
	s5 =	simm.s32 @!p0 $0x0;
	(pc) =	sbr.rel .LBB1_1-.Ltmp0, $4  }
0xa: {  	s13 =	simm.s32 $0x0;
	s1 =	rddreg [dreg:$0x2];
	s5 =	sadd.s32 s5, s7  }
0xb: {  	_ =	strace $0x8000004A;
	s4 =	simm.s32 $0x1;
	s5 =	smul.u32 $0x7, s5  }
0xc: {  	s6 =	sadd.s32 $0xE00, s6;
	s12 =	smov.u32 s2;
	[sflag:s4] =	ssyncpa.u1 $0x0  }
0xd: {  	[sflag:s31] =	ssyncpa.u1 $0x0;
	p0 =	por $0x0, $0x0;
	s7 =	sadd.s32 $0x1, s5  }
.LBB1_4:
0xe: {  	s20 =	sshra.s32 s20, $0x2  }
0xf: {  	s28 =	sand.u32 $0x78, s10;
	s21 =	sshll.u32 s9, $0xE;
	s22 =	sshll.u32 s10, $0x3  }
0x10: {  	s24 =	sshll.u32 s9, $0x7;
	p1 =	sgt.s32 s9, $0x2D0;
	s30 =	sshra.s32 s9, $0x1F  }
0x11: {  	s26 =	sshra.s32 s10, $0x1F;
	s19 =	sadd.s32 s20, s19;
	s21 =	sand.u32 $0xFFFE0000, s21  }
0x12: {  	v5 =	vld [tilespmem:s17+$0xFFFFFFD0];
	[tilespmem:s18+$0x2040 ss:$0x81] =	vst.msk $0xffff, v4;
	s23 =	sand.u32 $0xFFFFFC00, s22;
	s29 =	sand.u32 $0x380, s24;
	s22 =	sand.u32 $0x3C00, s22  }
0x13: {  	v58 =	vld [tilespmem:s17+$0xFFFFFFE0];
	[tilespmem:s18+$0x2850 ss:$0x81] =	vst.msk $0xffff, v3;
	s21 =	sadd.s32 s23, s21;
	s20 =	sor.u32 s28, s22;
	s22 =	smov.u32 s9  }
0x14: {  	v59 =	vld [tilespmem:s17+$0xFFFFFFF0];
	[tilespmem:s18+$0x3060 ss:$0x81] =	vst.msk $0xffff, v2;
	s24 =	sand.u32 s30, s9;
	s21 =	sshrl.u32 s21, $0xE;
	s22 =	simm.s32 @!p1 $0x2D0  }
0x15: {  	v60 =	vld [tilespmem:s17+$0x0];
	[tilespmem:s18+$0x0 ss:$0x81] =	vst.msk $0xffff, v1;
	p1 =	sgt.s32 s10, $0x3F80;
	s31 =	ssub.s32 s22, s24;
	s22 =	smov.u32 s10  }
0x16: {  	v61 =	vld [tilespmem:s17+$0x10];
	[tilespmem:s19+$0x3870 ss:$0x81] =	vst.msk $0xffff, v0;
	s25 =	smulhi.u32 $0x4D4874, s21;
	s24 =	sand.u32 s26, s10;
	s22 =	simm.s32 @!p1 $0x3F80  }
0x17: {  	v62 =	vld [tilespmem:s17+$0x20];
	s20 =	sor.u32 s29, s20;
	[tilespmem:s19+$0x810 ss:$0x81] =	vst.msk $0xffff, v5;
	s27 =	sadd.s32 $0xFFFFFD30, s31;
	s22 =	ssub.s32 s22, s24  }
0x18: {  	v63 =	vld [tilespmem:s17+$0xFFFFFFC0];
	[tilespmem:s19+$0x1020 ss:$0x81] =	vst.msk $0xffff, v58;
	s18 =	ssub.s32 $0x350, s31;
	s28 =	smul.u32 $0x350, s25;
	s29 =	sadd.s32 $0xFFFFC080, s22  }
0x19: {  	[tilespmem:s19+$0x1830 ss:$0x81] =	vst.msk $0xffff, v59;
	p1 =	sgt.s32 s27, $0x7F;
	s22 =	ssub.s32 $0x4000, s22;
	p2 =	sgt.s32 s29, $0x7F  }
0x1a: {  	s30 =	sand.u32 $0x7, s10;
	[tilespmem:s19+$0x2040 ss:$0x81] =	vst.msk $0xffff, v60;
	s18 =	simm.s32 @p1 $0x0;
	s22 =	simm.s32 @p2 $0x0  }
0x1b: {  	s20 =	sshrl.u32 s20, $0x3;
	[tilespmem:s19+$0x2850 ss:$0x81] =	vst.msk $0xffff, v61;
	s17 =	ssub.s32 s21, s28;
	s18 =	smul.u32 s22, s18  }
0x1c: {  	[tilespmem:s19+$0x3060 ss:$0x81] =	vst.msk $0xffff, v62;
	s20 =	sadd.s32 s3, s20;
	s21 =	sshll.u32 s30, $0x12;
	s17 =	sshll.u32 s17, $0xB  }
0x1d: {  	[tilespmem:s19+$0x0 ss:$0x81] =	vst.msk $0xffff, v63;
	s31 =	sor.u32 $0x400, s21;
	s17 =	sadd.s32 s17, s20;
	s18 =	sand.u32 $0x3FFFFFFF, s18  }
0x1e: {  	[hbm4b:s17+s31] =	stream.strided.scatter [tilespmem:s16], [sflag:$0x2], s18, s8, s31, $0x20;
	[tilespmem:$0x10100] =	vst v63  }
.LBB1_5:
0x1f: {  	p1 =	slt.u32 s13, $0x2  }
0x20: {  	s17 =	smov.u32 s15;
	p2 =	sgt.s32 @!p1 s15, $0x2D0;
	s16 =	sshra.s32 @!p1 s15, $0x1F  }
0x21: {  	p3 =	sgt.s32 @!p1 s14, $0x3F80;
	s18 =	sshra.s32 @!p1 s14, $0x1F;
	p2 =	por !p2, p1  }
0x22: {  	s15 =	sand.u32 @!p1 s16, s15;
	p3 =	por !p3, p1;
	s16 =	smov.u32 s14  }
0x23: {  	s14 =	sand.u32 @!p1 s18, s14;
	s17 =	simm.s32 @p2 $0x2D0;
	s16 =	simm.s32 @p3 $0x3F80  }
0x24: {  	s15 =	ssub.s32 @!p1 s17, s15;
	s14 =	ssub.s32 @!p1 s16, s14  }
0x25: {  	s18 =	smov.u32 s12;
	s16 =	sadd.s32 @!p1 $0xFFFFFD30, s15;
	s17 =	sadd.s32 @!p1 $0xFFFFC080, s14  }
0x26: {  	s15 =	ssub.s32 @!p1 $0x350, s15;
	p2 =	sgt.s32 @!p1 s16, $0x7F;
	p3 =	sgt.s32 @!p1 s17, $0x7F  }
0x27: {  	s14 =	ssub.s32 @!p1 $0x4000, s14;
	p2 =	por !p2, p1;
	p3 =	por !p3, p1  }
0x28: {  	s16 =	sadd.s32 $0x80, s11;
	s15 =	simm.s32 @!p2 $0x0;
	s14 =	simm.s32 @!p3 $0x0  }
0x29: {  	p2 =	sgt.s32 s16, $0x34C;
	s14 =	smul.u32 @!p1 s14, s15;
	s15 =	sadd.s32 $0x1000, s12  }
0x2a: {  	s18 =	smov.u32 @p2 s15  }
0x2b: {  	s16 =	simm.s32 @p2 $0x0;
	p2 =	sgt.s32 s18, $0x3FFF  }
0x2c: {  	s18 =	smov.u32 @p2 s2;
	p2 =	sne.s32 s13, s7  }
.Ltmp1:
0x2d: {  	p0 =	por !p0, !p0;
	s17 =	simm.s32 @!p1 $0x2;
	(pc) =	sbr.rel @!p2 .LBB1_6-.Ltmp1, $4  }
0x2e: {  	s15 =	smov.u32 s9;
	s9 =	smov.u32 s11;
	s14 =	sand.u32 @!p1 $0x3FFFFFFF, s14  }
0x2f: {  	s11 =	smov.u32 s16;
	_ =	swait.ge @!p1 [sflag:s17], s14;
	s19 =	ssub.s32 @!p1 $0x0, s14  }
0x30: {  	s14 =	smov.u32 s10;
	s13 =	sadd.s32 $0x1, s13;
	[sflag:s17] =	ssyncset.done @!p1 $0x0  }
0x31: {  	s10 =	smov.u32 s12;
	s12 =	smov.u32 s18;
	[sflag:s17] =	ssyncadd.s32 @!p1 s19  }
.LBB1_1:
0x32: {  	p1 =	sge.u32 s13, s5  }
0x33: {  	s16 =	sshrl.u32 @!p1 s12, $0x3  }
0x34: {  	s17 =	sshll.u32 @!p1 s11, $0x3;
	s16 =	smul.u32 @!p1 $0x1C00, s16  }
0x35: {  	s18 =	sshll.u32 @!p1 s12, $0x7;
	s17 =	sand.u32 @!p1 $0xFFFFFC00, s17  }
0x36: {  	s16 =	sadd.s32 @!p1 s16, s17;
	s17 =	sand.u32 @!p1 $0x380, s18  }
0x37: {  	s16 =	sor.u32 @!p1 s17, s16  }
0x38: {  	s17 =	sshrl.u32 @!p1 s16, $0x7  }
0x39: {  	s17 =	smulhi.u32 @!p1 $0x24924925, s17;
	_ =	sdelay $0x1  }
0x3a: {  	s18 =	sand.u32 @!p1 $0x7F, s11;
	s19 =	smul.u32 @!p1 $0x380, s17  }
0x3b: {  	s31 =	sadd.s32 $0xFFFFFFFF, s13;
	s16 =	sor.u32 @!p1 s18, s16;
	s18 =	sxor.u32 @!p1 $0xFFFFFFFF, s13  }
0x3c: {  	s18 =	sshll.u32 @!p1 s18, $0xE;
	s17 =	sand.u32 @!p1 $0x3FFF, s17;
	s16 =	ssub.s32 @!p1 s16, s19  }
0x3d: {  	s17 =	smul.u32 @!p1 $0x70, s17;
	s19 =	sshrl.u32 @!p1 s16, $0x3;
	s16 =	sand.u32 @!p1 $0x7, s16  }
0x3e: {  	s18 =	sand.u32 @!p1 $0x4000, s18;
	s19 =	sadd.s32 @!p1 s6, s19;
	s16 =	sshll.u32 @!p1 s16, $0x12  }
0x3f: {  	s17 =	sadd.s32 @!p1 s17, s19;
	s16 =	sor.u32 @!p1 $0x400, s16;
	s19 =	simm.s32 @!p1 $0x1C00  }
0x40: {  	[tilespmem:s18], [sflag:$0x1] =	stream.strided.gather @!p1 [hbm4b:s17+s16], $0x4000, s19, s16, $0x38;
	[tilespmem:$0x10100] =	vst v63  }
0x41: {  	p1 =	sge.u32 s31, s5  }
.Ltmp2:
0x42: {  	_ = 	snop;
	(pc) =	sbr.rel @p1 .LBB1_5-.Ltmp2, $1  }
0x43: {  	_ =	sdelay $0x3  }
0x44: {  	s16 =	simm.s32 $0x1  }
0x45: {  	_ =	swait.ge [sflag:s4], $0x4000;
	s16 =	simm.s32 @!p0 $0x0  }
0x46: {  	[sflag:s4] =	ssyncset.done $0x0;
	s17 =	sshll.u32 s16, $0xE  }
0x47: {  	[sflag:s4] =	ssyncadd.s32 $0xFFFFC000;
	s17 =	sor.u32 $0x40, s17  }
0x48: {  	s16 =	smul.u32 $0x10200, s16;
	v0 =	vld [tilespmem:s17+$0x30]  }
0x49: {  	v1 =	vld [tilespmem:s17+$0xFFFFFFD0]  }
0x4a: {  	s16 =	sshrl.u32 s16, $0x2;
	v5 =	vld [tilespmem:s17+$0xFFFFFFE0]  }
0x4b: {  	v6 =	vld [tilespmem:s17+$0xFFFFFFF0];
	s19 =	sor.u32 $0x8000, s16  }
0x4c: {  	s31 =	sand.u32 $0x1, s13;
	v4 =	vld [tilespmem:s17+$0x0];
	s18 =	sadd.s32 $0x0, s19  }
0x4d: {  	v3 =	vld [tilespmem:s17+$0x10];
	s16 =	smul.u32 $0x10200, s31;
	[tilespmem:s18+$0x3870 ss:$0x81] =	vst.msk $0xffff, v0  }
0x4e: {  	v2 =	vld [tilespmem:s17+$0x20];
	[tilespmem:s18+$0x810 ss:$0x81] =	vst.msk $0xffff, v1  }
0x4f: {  	s16 =	sshrl.u32 s16, $0x2;
	v1 =	vld [tilespmem:s17+$0xFFFFFFC0];
	[tilespmem:s18+$0x1020 ss:$0x81] =	vst.msk $0xffff, v5;
	s17 =	sadd.s32 $0x80, s17  }
0x50: {  	s20 =	simm.s32 $0x4;
	s21 =	simm.s32 $0x8;
	s16 =	sor.u32 $0x8000, s16;
	[tilespmem:s18+$0x1830 ss:$0x81] =	vst.msk $0xffff, v6;
	v0 =	vld [tilespmem:s17+$0x30]  }
.LBB1_3:
0x51: {  	p1 =	sne.s32 s21, $0x1FC;
	v5 =	vld [tilespmem:s17+$0xFFFFFFD0];
	[tilespmem:s18+$0x2040 ss:$0x81] =	vst.msk $0xffff, v4  }
0x52: {  	v6 =	vld [tilespmem:s17+$0xFFFFFFE0];
	[tilespmem:s18+$0x2850 ss:$0x81] =	vst.msk $0xffff, v3  }
0x53: {  	s22 =	sshra.s32 s20, $0x2;
	s20 =	smov.u32 s21;
	v7 =	vld [tilespmem:s17+$0xFFFFFFF0];
	[tilespmem:s18+$0x3060 ss:$0x81] =	vst.msk $0xffff, v2  }
.Ltmp3:
0x54: {  	v4 =	vld [tilespmem:s17+$0x0];
	[tilespmem:s18+$0x0 ss:$0x81] =	vst.msk $0xffff, v1;
	s18 =	sadd.s32 s22, s19;
	(pc) =	sbr.rel @p1 .LBB1_3-.Ltmp3, $4  }
0x55: {  	v3 =	vld [tilespmem:s17+$0x10];
	[tilespmem:s18+$0x3870 ss:$0x81] =	vst.msk $0xffff, v0  }
0x56: {  	[tilespmem:s18+$0x810 ss:$0x81] =	vst.msk $0xffff, v5;
	v2 =	vld [tilespmem:s17+$0x20]  }
0x57: {  	v1 =	vld [tilespmem:s17+$0xFFFFFFC0];
	[tilespmem:s18+$0x1020 ss:$0x81] =	vst.msk $0xffff, v6;
	s17 =	sadd.s32 $0x80, s17  }
0x58: {  	s21 =	sadd.s32 $0x4, s21;
	v0 =	vld [tilespmem:s17+$0x30];
	[tilespmem:s18+$0x1830 ss:$0x81] =	vst.msk $0xffff, v7  }
.Ltmp4:
0x59: {  	_ = 	snop;
	(pc) =	sbr.rel .LBB1_4-.Ltmp4, $1  }
0x5a: {  	_ =	sdelay $0x3  }
.LBB1_6:
0x5b: {  	_ =	sfence.sel $0x180000  }
0x5c: {  	s2 =	simm.s32 $0x1;
	[bflag:$0x0] =	sbarrier.arrive $0xFFFF  }
0x5d: {  	s31 =	simm.s32 $0x2;
	[sflag:s2] =	ssyncpa.u1 $0x1  }
0x5e: {  	[sflag:s31] =	ssyncpa.u1 $0x1  }
0x5f: {  	p0 =	sne.s32 s0, $0x0;
	_ =	strace $0x9000004A  }
0x60: {  	s0 =	sadd.s32 @!p0 $0x100000, s1;
	[bflag:$0x2] =	sbarrier.arrive $0xFFFF  }
0x61: {  	[sflag:s0] =	ssyncadd.tile.s32 @!p0 $0x1;
	_ =	shalt  }
.Lfunc_end1:
_tile_overlayer_lowered:
.L_overlay_start_2:
0x62: {  	(tag) =	ssettag $0x2  }
0x63: {  	s0 =	rddreg [dreg:$0x0];
	s2 =	stileid.u32  }
0x64: {  	s1 =	rddreg [dreg:$0x1];
	p0 =	sne.s32 s2, $0x0  }
0x65: {  	s3 =	rddreg [dreg:$0x2];
	[bflag:$0x3] =	sbarrier.arrive $0xFFFF;
	s2 =	simm.s32 @!p0 $0x1C01  }
0x66: {  	[timem:s3], [sflag:s2] =	dma.local @!p0 [hbm:s0], s1  }
0x67: {  	s0 =	simm.s32 @!p0 $0x1  }
0x68: {  	_ =	swait.ge @!p0 [sflag:s0], s1  }
0x69: {  	s1 =	ssub.s32 @!p0 $0x0, s1;
	[sflag:s0] =	ssyncset.done @!p0 $0x0  }
0x6a: {  	[sflag:s0] =	ssyncadd.s32 @!p0 s1  }
0x6b: {  	[bflag:$0x3] =	sbarrier.arrive $0xFFFF  }
0x6c: {  	_ =	shalt  }

</sc_bundles>
